<compile_context>
chip_gen: v7x
topology: tpu7x:2x2x1
jax: 0.10.2.dev20260603
libtpu: 0.0.44.dev20260713+nightly
codegen_flags: <defaults>
</compile_context>

<pallas_src>
import jax
import jax.numpy as jnp
from jax import lax
from jax.experimental import pallas as pl
from jax.experimental.pallas import tpu as pltpu
from jax.experimental.pallas import tpu_sc as plsc

F = 128
NC = 2
NS = 16



K = 64
NB = 160


def _make_sc_agg(n, npad, e_pad, n_chunks, with_counts):
    rpt = npad // NS
    ept = e_pad // NS
    nb = ept // K
    nb2 = nb // NC
    assert ept == NB * K and npad % (8 * NS) == 0
    assert n_chunks % NC == 0 and nb % NC == 0

    mesh = plsc.VectorSubcoreMesh(core_axis_name="c", subcore_axis_name="s")

    out_type = [jax.ShapeDtypeStruct((n_chunks * npad, F), jnp.float32)]
    if with_counts:
        out_type.append(jax.ShapeDtypeStruct((NC * npad, F), jnp.float32))

    scratch = [
        pltpu.VMEM_SHARED((npad, F), jnp.float32),
        pltpu.VMEM((nb, K), jnp.int32),
        pltpu.VMEM((4, K), jnp.int32),
        pltpu.VMEM((4, K), jnp.int32),
        pltpu.VMEM((K, F), jnp.float32),
        pltpu.VMEM((K, F), jnp.float32),
    ]
    scratch += [pltpu.SemaphoreType.DMA for _ in range(6)]

    def body(*refs):
        i = 0
        tab = refs[0]
        src4 = refs[1]
        dst3 = refs[2]
        zeros = refs[3]; i = 4
        if with_counts:
            ones_h = refs[i]
            i += 1
        out = refs[i]; i += 1
        if with_counts:
            out_cnt = refs[i]; i += 1
        acc = refs[i]; didxv = refs[i + 1]
        isl = refs[i + 2:i + 4]
        rows = refs[i + 4:i + 6]
        i += 6
        isem = refs[i:i + 2]; gsem = refs[i + 2:i + 4]; ssem = refs[i + 4:i + 6]

        cid = lax.axis_index("c")
        sid = lax.axis_index("s")

        pltpu.sync_copy(dst3.at[sid], didxv)

        H2 = (0, 0, 1, 1, 1, 1, 0, 0)
        E2 = (2, 3, 0, 1, 2, 3, 0, 1)

        for j in range(n_chunks // NC):
            chunk = j * NC + cid
            pltpu.sync_copy(zeros, acc.at[pl.ds(sid * rpt, rpt)])
            pltpu.sync_copy(src4.at[chunk, sid, pl.ds(0, 4)], isl[0])
            pltpu.async_copy(src4.at[chunk, sid, pl.ds(4, 4)], isl[1],
                             isem[1])
            plsc.subcore_barrier()
            pltpu.async_copy(tab.at[isl[0].at[0]], rows[0], gsem[0])
            pltpu.async_copy(tab.at[isl[0].at[1]], rows[1], gsem[1])

            def oct(g, carry):
                b8 = 8 * g
                for jj in range(8):
                    b = b8 + jj
                    r = jj % 2
                    pltpu.make_async_copy(tab.at[isl[0].at[0]], rows[r],
                                          gsem[r]).wait()
                    pltpu.async_copy(rows[r], acc.at[didxv.at[b]], ssem[r],
                                     add=True)
                    if jj == 3:
                        pltpu.async_copy(
                            src4.at[chunk, sid,
                                    pl.ds(jnp.minimum(b8 + 8, nb - 4), 4)],
                            isl[0], isem[0])
                    if jj == 7:
                        pltpu.async_copy(
                            src4.at[chunk, sid,
                                    pl.ds(jnp.minimum(b8 + 12, nb - 4), 4)],
                            isl[1], isem[1])
                    if jj == 2:
                        pltpu.make_async_copy(src4.at[chunk, sid,
                                                      pl.ds(0, 4)],
                                              isl[1], isem[1]).wait()
                    if jj == 6:
                        pltpu.make_async_copy(src4.at[chunk, sid,
                                                      pl.ds(0, 4)],
                                              isl[0], isem[0]).wait()
                    pltpu.make_async_copy(rows[r], acc.at[didxv.at[b]],
                                          ssem[r]).wait()
                    pltpu.async_copy(tab.at[isl[H2[jj]].at[E2[jj]]], rows[r],
                                     gsem[r])
                return carry

            lax.fori_loop(0, nb // 8, oct, 0)
            pltpu.make_async_copy(tab.at[isl[0].at[0]], rows[0],
                                  gsem[0]).wait()
            pltpu.make_async_copy(tab.at[isl[0].at[1]], rows[1],
                                  gsem[1]).wait()
            pltpu.make_async_copy(src4.at[chunk, sid, pl.ds(0, 4)],
                                  isl[1], isem[1]).wait()
            plsc.subcore_barrier()
            pltpu.sync_copy(acc.at[pl.ds(sid * rpt, rpt)],
                            out.at[pl.ds(chunk * npad + sid * rpt, rpt)])
            plsc.subcore_barrier()

        if with_counts:
            pltpu.sync_copy(zeros, acc.at[pl.ds(sid * rpt, rpt)])
            pltpu.sync_copy(ones_h, rows[0])
            plsc.subcore_barrier()
            crow0 = cid * nb2
            pltpu.async_copy(rows[0], acc.at[didxv.at[crow0]], ssem[0],
                             add=True)
            pltpu.async_copy(rows[0], acc.at[didxv.at[crow0 + 1]], ssem[1],
                             add=True)

            def cpair(g, carry):
                b0 = crow0 + 2 * g
                pltpu.make_async_copy(rows[0], acc.at[didxv.at[b0]],
                                      ssem[0]).wait()
                pltpu.async_copy(rows[0], acc.at[didxv.at[b0 + 2]], ssem[0],
                                 add=True)
                pltpu.make_async_copy(rows[0], acc.at[didxv.at[b0]],
                                      ssem[1]).wait()
                pltpu.async_copy(rows[0], acc.at[didxv.at[b0 + 3]], ssem[1],
                                 add=True)
                return carry

            lax.fori_loop(0, (nb2 - 2) // 2, cpair, 0)
            pltpu.make_async_copy(rows[0], acc.at[didxv.at[crow0]],
                                  ssem[0]).wait()
            pltpu.make_async_copy(rows[0], acc.at[didxv.at[crow0]],
                                  ssem[1]).wait()
            plsc.subcore_barrier()
            pltpu.sync_copy(acc.at[pl.ds(sid * rpt, rpt)],
                            out_cnt.at[pl.ds(cid * npad + sid * rpt, rpt)])

    return pl.kernel(body, out_type=out_type, mesh=mesh, scratch_types=scratch)



def _tc_layer(aggr, cnt, h_r, Wl, Wr, bl, relu, blk):
    c_in, _, _ = aggr.shape
    n = h_r.shape[1]
    h_dim = Wl.shape[1]
    c_out = h_dim // F
    nblk = n // blk

    def body(agg_ref, cnt_ref, h_ref, wl_ref, wr_ref, bl_ref, out_ref):
        cnt2 = cnt_ref[0, :, :1] + cnt_ref[1, :, :1]
        inv = 1.0 / jnp.maximum(cnt2, 1.0)
        acc = jnp.broadcast_to(bl_ref[...], (blk, h_dim))
        for c in range(c_in):
            a = agg_ref[c] * inv
            acc = acc + jnp.dot(a, wl_ref[c * F:(c + 1) * F, :],
                                preferred_element_type=jnp.float32)
            acc = acc + jnp.dot(h_ref[c], wr_ref[c * F:(c + 1) * F, :],
                                preferred_element_type=jnp.float32)
        if relu:
            acc = jnp.maximum(acc, 0.0)
        for j in range(c_out):
            out_ref[j] = acc[:, j * F:(j + 1) * F]

    in_specs = [
        pl.BlockSpec((c_in, blk, F), lambda i: (0, i, 0)),
        pl.BlockSpec((NC, blk, F), lambda i: (0, i, 0)),
        pl.BlockSpec((c_in, blk, F), lambda i: (0, i, 0)),
        pl.BlockSpec((c_in * F, h_dim), lambda i: (0, 0)),
        pl.BlockSpec((c_in * F, h_dim), lambda i: (0, 0)),
        pl.BlockSpec((1, h_dim), lambda i: (0, 0)),
    ]
    out_specs = pl.BlockSpec((c_out, blk, F), lambda i: (0, i, 0))
    out_shape = jax.ShapeDtypeStruct((c_out, n, F), jnp.float32)

    return pl.pallas_call(
        body, grid=(nblk,), in_specs=in_specs, out_specs=out_specs,
        out_shape=out_shape,
    )(aggr, cnt, h_r, Wl, Wr, bl)



def _tc_pool_classifier(h_r, batch_r, Wc1, bc1, Wc2, bc2, g, blk):
    n = h_r.shape[1]
    nblk = n // blk
    h_dim = F * h_r.shape[0]
    hid = Wc1.shape[1]
    n_cls = Wc2.shape[1]

    def body(h_ref, b_ref, wc1_ref, bc1_ref, wc2_ref, bc2_ref,
             logits_ref, emb_ref, gsum, gcnt):
        i = pl.program_id(0)

        @pl.when(i == 0)
        def _():
            gsum[...] = jnp.zeros_like(gsum)
            gcnt[...] = jnp.zeros_like(gcnt)

        bids = b_ref[0]
        iot = lax.broadcasted_iota(jnp.int32, (g, blk), 0)
        oh = (iot == bids).astype(jnp.float32)
        for c in range(4):
            gsum[:, c * F:(c + 1) * F] += jnp.dot(
                oh, h_ref[c], preferred_element_type=jnp.float32)
        gcnt[...] += jnp.broadcast_to(
            jnp.sum(oh, axis=1, keepdims=True), (g, h_dim))

        @pl.when(i == nblk - 1)
        def _():
            emb = gsum[...] * (1.0 / jnp.maximum(gcnt[...], 1.0))
            hc = jnp.dot(emb, wc1_ref[...], preferred_element_type=jnp.float32)
            hc = jnp.maximum(hc + bc1_ref[...], 0.0)
            logits_ref[...] = jnp.dot(
                hc, wc2_ref[...], preferred_element_type=jnp.float32) + bc2_ref[...]
            emb_ref[...] = emb

    in_specs = [
        pl.BlockSpec((4, blk, F), lambda i: (0, i, 0)),
        pl.BlockSpec((1, 1, blk), lambda i: (i, 0, 0)),
        pl.BlockSpec((h_dim, hid), lambda i: (0, 0)),
        pl.BlockSpec((1, hid), lambda i: (0, 0)),
        pl.BlockSpec((hid, n_cls), lambda i: (0, 0)),
        pl.BlockSpec((1, n_cls), lambda i: (0, 0)),
    ]
    out_specs = [
        pl.BlockSpec((g, n_cls), lambda i: (0, 0)),
        pl.BlockSpec((g, h_dim), lambda i: (0, 0)),
    ]
    out_shape = [
        jax.ShapeDtypeStruct((g, n_cls), jnp.float32),
        jax.ShapeDtypeStruct((g, h_dim), jnp.float32),
    ]
    return pl.pallas_call(
        body, grid=(nblk,), in_specs=in_specs, out_specs=out_specs,
        out_shape=out_shape,
        scratch_shapes=[
            pltpu.VMEM((g, h_dim), jnp.float32),
            pltpu.VMEM((g, h_dim), jnp.float32),
        ],
    )(h_r, batch_r, Wc1, bc1, Wc2, bc2)



def kernel(x, edge_index, batch, Wl0, bl0, Wr0, Wl1, bl1, Wr1,
           Wl2, bl2, Wr2, Wc1, bc1, Wc2, bc2):
    n, d_in = x.shape
    e = edge_index.shape[1]
    h_dim = Wl0.shape[1]
    g = 64
    blk = 1000
    c0 = d_in // F
    c1 = h_dim // F

    npad = 10112
    e_pad = NS * NB * K
    nb = e_pad // (NS * K)
    src = jnp.concatenate(
        [edge_index[0], jnp.zeros((e_pad - e,), jnp.int32)])
    dst = jnp.concatenate(
        [edge_index[1], jnp.full((e_pad - e,), npad - 1, jnp.int32)])
    src2 = (jnp.arange(c0, dtype=jnp.int32)[:, None] * n
            + src[None, :]).reshape(c0, NS, nb, K)
    src4 = (jnp.arange(c1, dtype=jnp.int32)[:, None] * n
            + src[None, :]).reshape(c1, NS, nb, K)
    dst3 = dst.reshape(NS, nb, K)

    rpt = npad // NS
    zeros = jnp.zeros((rpt, F), jnp.float32)
    ones = jnp.ones((K, F), jnp.float32)

    x_r = x.reshape(n, c0, F).transpose(1, 0, 2)
    batch_r = batch.reshape(n // 2000, 1, 2000)

    sc_l0 = _make_sc_agg(n, npad, e_pad, c0, True)
    sc_l12 = _make_sc_agg(n, npad, e_pad, c1, False)

    agg0, cnt = sc_l0(x_r.reshape(c0 * n, F), src2, dst3, zeros, ones)
    agg0 = agg0.reshape(c0, npad, F)
    cnt = cnt.reshape(NC, npad, F)
    h1 = _tc_layer(agg0, cnt, x_r, Wl0, Wr0, bl0.reshape(1, -1), True, blk)
    [agg1] = sc_l12(h1.reshape(c1 * n, F), src4, dst3, zeros)
    h2 = _tc_layer(agg1.reshape(c1, npad, F), cnt, h1, Wl1, Wr1,
                   bl1.reshape(1, -1), True, blk)
    [agg2] = sc_l12(h2.reshape(c1 * n, F), src4, dst3, zeros)
    h3 = _tc_layer(agg2.reshape(c1, npad, F), cnt, h2, Wl2, Wr2,
                   bl2.reshape(1, -1), False, blk)

    logits, emb = _tc_pool_classifier(
        h3, batch_r, Wc1, bc1.reshape(1, -1), Wc2, bc2.reshape(1, -1),
        g, 2000)
    return (logits, emb)

# --- scband reference (transcript-rebuilt; emitter-appended) ---
"""Pipeline reference for scband-vuln-graph-sage-85521388798428 (READ-ONLY COPY).

The authoritative reference and input builder live on the scoring server;
editing this copy changes nothing except your own understanding.
"""

import jax, jax.numpy as jnp
import numpy as np

N = 10000
E = 160000
D_IN = 256
H = 512
C = 20
G = 64


def setup_inputs(seed: int = 0) -> dict:
    key = jax.random.key(seed)
    ks = jax.random.split(key, 20)
    x = jax.random.normal(ks[0], (N, D_IN), dtype=jnp.float32)
    edge_index = jax.random.randint(ks[1], (2, E), 0, N, dtype=jnp.int32)
    batch = jnp.sort(jax.random.randint(ks[2], (N,), 0, G, dtype=jnp.int32))

    def lin(k, fan_in, fan_out):
        return jax.random.normal(k, (fan_in, fan_out), dtype=jnp.float32) * (1.0 / np.sqrt(fan_in))

    inp = {
        "x": x,
        "edge_index": edge_index,
        "batch": batch,
        # SAGEConv layer 0: in=D_IN, out=H (lin_l has bias, lin_r has no bias in PyG)
        "Wl0": lin(ks[3], D_IN, H), "bl0": jnp.zeros((H,), jnp.float32), "Wr0": lin(ks[4], D_IN, H),
        # SAGEConv layer 1: H -> H
        "Wl1": lin(ks[5], H, H), "bl1": jnp.zeros((H,), jnp.float32), "Wr1": lin(ks[6], H, H),
        # SAGEConv layer 2: H -> H
        "Wl2": lin(ks[7], H, H), "bl2": jnp.zeros((H,), jnp.float32), "Wr2": lin(ks[8], H, H),
        # classifier: Linear(H, H//2) -> ReLU -> Linear(H//2, C)
        "Wc1": lin(ks[9], H, H // 2), "bc1": jnp.zeros((H // 2,), jnp.float32),
        "Wc2": lin(ks[10], H // 2, C), "bc2": jnp.zeros((C,), jnp.float32),
    }
    return inp


def _sage_conv(h, edge_index, Wl, bl, Wr):
    # PyG SAGEConv with mean aggregation:
    # out = lin_l(mean_{j in N(i)} x_j) + lin_r(x_i)
    src = edge_index[0]
    dst = edge_index[1]
    n = h.shape[0]
    msg = jnp.take(h, src, axis=0)                    # gather source node feats
    agg = jax.ops.segment_sum(msg, dst, num_segments=n)
    cnt = jax.ops.segment_sum(jnp.ones((msg.shape[0],), h.dtype), dst, num_segments=n)
    agg = agg / jnp.maximum(cnt, 1.0)[:, None]
    return agg @ Wl + bl + h @ Wr


def reference(x, edge_index, batch, Wl0, bl0, Wr0, Wl1, bl1, Wr1, Wl2, bl2, Wr2, Wc1, bc1, Wc2, bc2):
    params = [(Wl0, bl0, Wr0), (Wl1, bl1, Wr1), (Wl2, bl2, Wr2)]
    h = x
    for i, (Wl, bl, Wr) in enumerate(params):
        h = _sage_conv(h, edge_index, Wl, bl, Wr)
        if i < len(params) - 1:
            h = jax.nn.relu(h)
            # dropout is identity in eval mode
    # global_mean_pool over batch assignment
    gsum = jax.ops.segment_sum(h, batch, num_segments=G)
    gcnt = jax.ops.segment_sum(jnp.ones((h.shape[0],), h.dtype), batch, num_segments=G)
    graph_embedding = gsum / jnp.maximum(gcnt, 1.0)[:, None]
    # classifier (dropout identity in eval)
    hc = jax.nn.relu(graph_embedding @ Wc1 + bc1)
    logits = hc @ Wc2 + bc2
    return (logits, graph_embedding)

if __name__ == "__main__":
    import jax
    _d = setup_inputs()
    print(jax.jit(kernel)(*tuple(_d.values())))

</pallas_src>

<mosaic_0001>
#map = affine_map<(d0, d1) -> (0, 0)>
#map1 = affine_map<(d0, d1) -> (0, 0, 0, 0)>
#map2 = affine_map<(d0, d1) -> (0, 0, 0)>
module attributes {stable_mosaic.version = 14 : i64} {
  func.func @body(%arg0: i32, %arg1: i32, %arg2: memref<20000x128xf32, #tpu.memory_space<hbm>>, %arg3: memref<2x16x160x64xi32, #tpu.memory_space<hbm>>, %arg4: memref<16x160x64xi32, #tpu.memory_space<hbm>>, %arg5: memref<632x128xf32, #tpu.memory_space<hbm>>, %arg6: memref<64x128xf32, #tpu.memory_space<hbm>>, %arg7: memref<20224x128xf32, #tpu.memory_space<hbm>>, %arg8: memref<20224x128xf32, #tpu.memory_space<hbm>>, %arg9: memref<10112x128xf32, #tpu.memory_space<vmem_shared>>, %arg10: memref<160x64xi32, #tpu.memory_space<vmem>>, %arg11: memref<4x64xi32, #tpu.memory_space<vmem>>, %arg12: memref<4x64xi32, #tpu.memory_space<vmem>>, %arg13: memref<64x128xf32, #tpu.memory_space<vmem>>, %arg14: memref<64x128xf32, #tpu.memory_space<vmem>>, %arg15: memref<!tpu.dma_semaphore, #tpu.memory_space<semaphore_mem>>, %arg16: memref<!tpu.dma_semaphore, #tpu.memory_space<semaphore_mem>>, %arg17: memref<!tpu.dma_semaphore, #tpu.memory_space<semaphore_mem>>, %arg18: memref<!tpu.dma_semaphore, #tpu.memory_space<semaphore_mem>>, %arg19: memref<!tpu.dma_semaphore, #tpu.memory_space<semaphore_mem>>, %arg20: memref<!tpu.dma_semaphore, #tpu.memory_space<semaphore_mem>>) attributes {dimension_semantics = [#tpu.dimension_semantics<core_parallel>, #tpu.dimension_semantics<subcore_parallel>], iteration_bounds = array<i64: 2, 16>, scalar_prefetch = 0 : i64, scratch_operands = 12 : i64, tpu.core_type = #tpu.core_type<sc_vector_subcore>, window_params = [{transform_indices = #map}, {transform_indices = #map1}, {transform_indices = #map2}, {transform_indices = #map}, {transform_indices = #map}, {transform_indices = #map}, {transform_indices = #map}]} {
    "tpu.region"() ({
      %run_scoped3A = tpu.sem_alloc : memref<!tpu.dma_semaphore, #tpu.memory_space<semaphore_mem>>
      %dma_start3A_103 = arith.constant 0 : i32
      %dma_start3A_104 = arith.constant 0 : i32
      %dma_start3A_105 = tpu.memref_slice %arg4[%arg1, %dma_start3A_103, %dma_start3A_104] : memref<16x160x64xi32, #tpu.memory_space<hbm>> -> memref<1x160x64xi32, #tpu.memory_space<hbm>>
      %dma_start3A_106 = tpu.memref_squeeze %dma_start3A_105 : memref<1x160x64xi32, #tpu.memory_space<hbm>> -> memref<160x64xi32, #tpu.memory_space<hbm>>
      %dma_start3A_107 = arith.constant 0 : i32
      %dma_start3A_108 = arith.constant 0 : i32
      %dma_start3A_109 = tpu.memref_slice %arg4[%arg1, %dma_start3A_107, %dma_start3A_108] : memref<16x160x64xi32, #tpu.memory_space<hbm>> -> memref<1x160x64xi32, #tpu.memory_space<hbm>>
      %dma_start3A_110 = tpu.memref_squeeze %dma_start3A_109 : memref<1x160x64xi32, #tpu.memory_space<hbm>> -> memref<160x64xi32, #tpu.memory_space<hbm>>
      tpu.enqueue_dma source(%dma_start3A_110 : memref<160x64xi32, #tpu.memory_space<hbm>>) target(%arg10 : memref<160x64xi32, #tpu.memory_space<vmem>>) target_semaphore(%run_scoped3A : memref<!tpu.dma_semaphore, #tpu.memory_space<semaphore_mem>>)
      %dma_wait3A_111 = arith.constant 0 : i32
      %dma_wait3A_112 = arith.constant 0 : i32
      %dma_wait3A_113 = tpu.memref_slice %arg4[%arg1, %dma_wait3A_111, %dma_wait3A_112] : memref<16x160x64xi32, #tpu.memory_space<hbm>> -> memref<1x160x64xi32, #tpu.memory_space<hbm>>
      %dma_wait3A_114 = tpu.memref_squeeze %dma_wait3A_113 : memref<1x160x64xi32, #tpu.memory_space<hbm>> -> memref<160x64xi32, #tpu.memory_space<hbm>>
      %dma_wait3A_115 = arith.constant 0 : i32
      %dma_wait3A_116 = arith.constant 0 : i32
      %dma_wait3A_117 = tpu.memref_slice %arg4[%arg1, %dma_wait3A_115, %dma_wait3A_116] : memref<16x160x64xi32, #tpu.memory_space<hbm>> -> memref<1x160x64xi32, #tpu.memory_space<hbm>>
      %dma_wait3A_118 = tpu.memref_squeeze %dma_wait3A_117 : memref<1x160x64xi32, #tpu.memory_space<hbm>> -> memref<160x64xi32, #tpu.memory_space<hbm>>
      tpu.wait_dma2 semaphore(%run_scoped3A : memref<!tpu.dma_semaphore, #tpu.memory_space<semaphore_mem>>) src(%dma_wait3A_118 : memref<160x64xi32, #tpu.memory_space<hbm>>) dst(%arg10 : memref<160x64xi32, #tpu.memory_space<vmem>>)
      tpu.yield
    }) : () -> ()
    %add3A = arith.constant 0 : i32
    %add3A_0 = arith.addi %add3A, %arg0 : i32
    %mul3A = arith.constant 632 : i32
    %mul3A_1 = arith.muli %arg1, %mul3A : i32
    "tpu.region"() ({
      %run_scoped3A = tpu.sem_alloc : memref<!tpu.dma_semaphore, #tpu.memory_space<semaphore_mem>>
      %dma_start3A_103 = arith.constant 0 : i32
      %dma_start3A_104 = tpu.memref_slice %arg9[%mul3A_1, %dma_start3A_103] : memref<10112x128xf32, #tpu.memory_space<vmem_shared>> -> memref<632x128xf32, #tpu.memory_space<vmem_shared>>
      tpu.enqueue_dma source(%arg5 : memref<632x128xf32, #tpu.memory_space<hbm>>) target(%dma_start3A_104 : memref<632x128xf32, #tpu.memory_space<vmem_shared>>) target_semaphore(%run_scoped3A : memref<!tpu.dma_semaphore, #tpu.memory_space<semaphore_mem>>)
      %dma_wait3A_105 = arith.constant 0 : i32
      %dma_wait3A_106 = tpu.memref_slice %arg9[%mul3A_1, %dma_wait3A_105] : memref<10112x128xf32, #tpu.memory_space<vmem_shared>> -> memref<632x128xf32, #tpu.memory_space<vmem_shared>>
      tpu.wait_dma2 semaphore(%run_scoped3A : memref<!tpu.dma_semaphore, #tpu.memory_space<semaphore_mem>>) src(%arg5 : memref<632x128xf32, #tpu.memory_space<hbm>>) dst(%dma_wait3A_106 : memref<632x128xf32, #tpu.memory_space<vmem_shared>>)
      tpu.yield
    }) : () -> ()
    "tpu.region"() ({
      %run_scoped3A = tpu.sem_alloc : memref<!tpu.dma_semaphore, #tpu.memory_space<semaphore_mem>>
      %dma_start3A_103 = arith.constant 0 : i32
      %dma_start3A_104 = arith.constant 0 : i32
      %dma_start3A_105 = tpu.memref_slice %arg3[%add3A_0, %arg1, %dma_start3A_103, %dma_start3A_104] : memref<2x16x160x64xi32, #tpu.memory_space<hbm>> -> memref<1x1x4x64xi32, #tpu.memory_space<hbm>>
      %dma_start3A_106 = tpu.memref_squeeze %dma_start3A_105 : memref<1x1x4x64xi32, #tpu.memory_space<hbm>> -> memref<4x64xi32, #tpu.memory_space<hbm>>
      %dma_start3A_107 = arith.constant 0 : i32
      %dma_start3A_108 = arith.constant 0 : i32
      %dma_start3A_109 = tpu.memref_slice %arg3[%add3A_0, %arg1, %dma_start3A_107, %dma_start3A_108] : memref<2x16x160x64xi32, #tpu.memory_space<hbm>> -> memref<1x1x4x64xi32, #tpu.memory_space<hbm>>
      %dma_start3A_110 = tpu.memref_squeeze %dma_start3A_109 : memref<1x1x4x64xi32, #tpu.memory_space<hbm>> -> memref<4x64xi32, #tpu.memory_space<hbm>>
      tpu.enqueue_dma source(%dma_start3A_110 : memref<4x64xi32, #tpu.memory_space<hbm>>) target(%arg11 : memref<4x64xi32, #tpu.memory_space<vmem>>) target_semaphore(%run_scoped3A : memref<!tpu.dma_semaphore, #tpu.memory_space<semaphore_mem>>)
      %dma_wait3A_111 = arith.constant 0 : i32
      %dma_wait3A_112 = arith.constant 0 : i32
      %dma_wait3A_113 = tpu.memref_slice %arg3[%add3A_0, %arg1, %dma_wait3A_111, %dma_wait3A_112] : memref<2x16x160x64xi32, #tpu.memory_space<hbm>> -> memref<1x1x4x64xi32, #tpu.memory_space<hbm>>
      %dma_wait3A_114 = tpu.memref_squeeze %dma_wait3A_113 : memref<1x1x4x64xi32, #tpu.memory_space<hbm>> -> memref<4x64xi32, #tpu.memory_space<hbm>>
      %dma_wait3A_115 = arith.constant 0 : i32
      %dma_wait3A_116 = arith.constant 0 : i32
      %dma_wait3A_117 = tpu.memref_slice %arg3[%add3A_0, %arg1, %dma_wait3A_115, %dma_wait3A_116] : memref<2x16x160x64xi32, #tpu.memory_space<hbm>> -> memref<1x1x4x64xi32, #tpu.memory_space<hbm>>
      %dma_wait3A_118 = tpu.memref_squeeze %dma_wait3A_117 : memref<1x1x4x64xi32, #tpu.memory_space<hbm>> -> memref<4x64xi32, #tpu.memory_space<hbm>>
      tpu.wait_dma2 semaphore(%run_scoped3A : memref<!tpu.dma_semaphore, #tpu.memory_space<semaphore_mem>>) src(%dma_wait3A_118 : memref<4x64xi32, #tpu.memory_space<hbm>>) dst(%arg11 : memref<4x64xi32, #tpu.memory_space<vmem>>)
      tpu.yield
    }) : () -> ()
    %dma_start3A = arith.constant 4 : i32
    %dma_start3A_2 = arith.constant 0 : i32
    %dma_start3A_3 = tpu.memref_slice %arg3[%add3A_0, %arg1, %dma_start3A, %dma_start3A_2] : memref<2x16x160x64xi32, #tpu.memory_space<hbm>> -> memref<1x1x4x64xi32, #tpu.memory_space<hbm>>
    %dma_start3A_4 = tpu.memref_squeeze %dma_start3A_3 : memref<1x1x4x64xi32, #tpu.memory_space<hbm>> -> memref<4x64xi32, #tpu.memory_space<hbm>>
    %dma_start3A_5 = arith.constant 4 : i32
    %dma_start3A_6 = arith.constant 0 : i32
    %dma_start3A_7 = tpu.memref_slice %arg3[%add3A_0, %arg1, %dma_start3A_5, %dma_start3A_6] : memref<2x16x160x64xi32, #tpu.memory_space<hbm>> -> memref<1x1x4x64xi32, #tpu.memory_space<hbm>>
    %dma_start3A_8 = tpu.memref_squeeze %dma_start3A_7 : memref<1x1x4x64xi32, #tpu.memory_space<hbm>> -> memref<4x64xi32, #tpu.memory_space<hbm>>
    tpu.enqueue_dma source(%dma_start3A_8 : memref<4x64xi32, #tpu.memory_space<hbm>>) target(%arg12 : memref<4x64xi32, #tpu.memory_space<vmem>>) target_semaphore(%arg16 : memref<!tpu.dma_semaphore, #tpu.memory_space<semaphore_mem>>)
    %barrier3A = arith.constant 0 : index
    tpu.barrier barrier_id(%barrier3A)
    %dma_start3A_9 = arith.constant 0 : i32
    %dma_start3A_10 = arith.constant 0 : i32
    %dma_start3A_11 = tpu.memref_slice %arg11[%dma_start3A_9, %dma_start3A_10] : memref<4x64xi32, #tpu.memory_space<vmem>> -> memref<1x64xi32, #tpu.memory_space<vmem>>
    %dma_start3A_12 = tpu.memref_squeeze %dma_start3A_11 : memref<1x64xi32, #tpu.memory_space<vmem>> -> memref<64xi32, #tpu.memory_space<vmem>>
    %dma_start3A_13 = arith.constant 0 : i32
    %dma_start3A_14 = arith.constant 0 : i32
    %dma_start3A_15 = tpu.memref_slice %arg2[%dma_start3A_13, %dma_start3A_14] : memref<20000x128xf32, #tpu.memory_space<hbm>> -> memref<20000x128xf32, #tpu.memory_space<hbm>>
    tpu.enqueue_indirect_dma source(%dma_start3A_15 : memref<20000x128xf32, #tpu.memory_space<hbm>>) target(%arg13 : memref<64x128xf32, #tpu.memory_space<vmem>>) offsets(%dma_start3A_12 : memref<64xi32, #tpu.memory_space<vmem>>) semaphore(%arg17 : memref<!tpu.dma_semaphore, #tpu.memory_space<semaphore_mem>>)
    %dma_start3A_16 = arith.constant 1 : i32
    %dma_start3A_17 = arith.constant 0 : i32
    %dma_start3A_18 = tpu.memref_slice %arg11[%dma_start3A_16, %dma_start3A_17] : memref<4x64xi32, #tpu.memory_space<vmem>> -> memref<1x64xi32, #tpu.memory_space<vmem>>
    %dma_start3A_19 = tpu.memref_squeeze %dma_start3A_18 : memref<1x64xi32, #tpu.memory_space<vmem>> -> memref<64xi32, #tpu.memory_space<vmem>>
    %dma_start3A_20 = arith.constant 0 : i32
    %dma_start3A_21 = arith.constant 0 : i32
    %dma_start3A_22 = tpu.memref_slice %arg2[%dma_start3A_20, %dma_start3A_21] : memref<20000x128xf32, #tpu.memory_space<hbm>> -> memref<20000x128xf32, #tpu.memory_space<hbm>>
    tpu.enqueue_indirect_dma source(%dma_start3A_22 : memref<20000x128xf32, #tpu.memory_space<hbm>>) target(%arg14 : memref<64x128xf32, #tpu.memory_space<vmem>>) offsets(%dma_start3A_19 : memref<64xi32, #tpu.memory_space<vmem>>) semaphore(%arg18 : memref<!tpu.dma_semaphore, #tpu.memory_space<semaphore_mem>>)
    %scan3A = arith.constant 0 : i32
    %scan3A_23 = arith.constant 0 : i32
    %scan3A_24 = arith.constant 20 : i32
    %scan3A_25 = arith.addi %scan3A_23, %scan3A_24 : i32
    %scan3A_26 = arith.constant 1 : i32
    scf.for %scan3A_103 = %scan3A_23 to %scan3A_25 step %scan3A_26  : i32 {
      %mul3A_104 = arith.constant 8 : i32
      %mul3A_105 = arith.muli %mul3A_104, %scan3A_103 : i32
      %add3A_106 = arith.constant 0 : i32
      %add3A_107 = arith.addi %mul3A_105, %add3A_106 : i32
      %dma_wait3A_108 = arith.constant 0 : i32
      %dma_wait3A_109 = arith.constant 0 : i32
      %dma_wait3A_110 = tpu.memref_slice %arg11[%dma_wait3A_108, %dma_wait3A_109] : memref<4x64xi32, #tpu.memory_space<vmem>> -> memref<1x64xi32, #tpu.memory_space<vmem>>
      %dma_wait3A_111 = tpu.memref_squeeze %dma_wait3A_110 : memref<1x64xi32, #tpu.memory_space<vmem>> -> memref<64xi32, #tpu.memory_space<vmem>>
      %dma_wait3A_112 = arith.constant 0 : i32
      %dma_wait3A_113 = arith.constant 0 : i32
      %dma_wait3A_114 = tpu.memref_slice %arg2[%dma_wait3A_112, %dma_wait3A_113] : memref<20000x128xf32, #tpu.memory_space<hbm>> -> memref<20000x128xf32, #tpu.memory_space<hbm>>
      tpu.wait_indirect_dma semaphore(%arg17 : memref<!tpu.dma_semaphore, #tpu.memory_space<semaphore_mem>>) src(%dma_wait3A_114 : memref<20000x128xf32, #tpu.memory_space<hbm>>) dst(%arg13 : memref<64x128xf32, #tpu.memory_space<vmem>>)
      %dma_start3A_115 = arith.constant 0 : i32
      %dma_start3A_116 = tpu.memref_slice %arg10[%add3A_107, %dma_start3A_115] : memref<160x64xi32, #tpu.memory_space<vmem>> -> memref<1x64xi32, #tpu.memory_space<vmem>>
      %dma_start3A_117 = tpu.memref_squeeze %dma_start3A_116 : memref<1x64xi32, #tpu.memory_space<vmem>> -> memref<64xi32, #tpu.memory_space<vmem>>
      %dma_start3A_118 = arith.constant 0 : i32
      %dma_start3A_119 = arith.constant 0 : i32
      %dma_start3A_120 = tpu.memref_slice %arg9[%dma_start3A_118, %dma_start3A_119] : memref<10112x128xf32, #tpu.memory_space<vmem_shared>> -> memref<10112x128xf32, #tpu.memory_space<vmem_shared>>
      tpu.enqueue_indirect_dma source(%arg13 : memref<64x128xf32, #tpu.memory_space<vmem>>) target(%dma_start3A_120 : memref<10112x128xf32, #tpu.memory_space<vmem_shared>>) offsets(%dma_start3A_117 : memref<64xi32, #tpu.memory_space<vmem>>) semaphore(%arg19 : memref<!tpu.dma_semaphore, #tpu.memory_space<semaphore_mem>>) {add = true}
      %dma_wait3A_121 = arith.constant 0 : i32
      %dma_wait3A_122 = tpu.memref_slice %arg10[%add3A_107, %dma_wait3A_121] : memref<160x64xi32, #tpu.memory_space<vmem>> -> memref<1x64xi32, #tpu.memory_space<vmem>>
      %dma_wait3A_123 = tpu.memref_squeeze %dma_wait3A_122 : memref<1x64xi32, #tpu.memory_space<vmem>> -> memref<64xi32, #tpu.memory_space<vmem>>
      %dma_wait3A_124 = arith.constant 0 : i32
      %dma_wait3A_125 = arith.constant 0 : i32
      %dma_wait3A_126 = tpu.memref_slice %arg9[%dma_wait3A_124, %dma_wait3A_125] : memref<10112x128xf32, #tpu.memory_space<vmem_shared>> -> memref<10112x128xf32, #tpu.memory_space<vmem_shared>>
      tpu.wait_indirect_dma semaphore(%arg19 : memref<!tpu.dma_semaphore, #tpu.memory_space<semaphore_mem>>) src(%arg13 : memref<64x128xf32, #tpu.memory_space<vmem>>) dst(%dma_wait3A_126 : memref<10112x128xf32, #tpu.memory_space<vmem_shared>>)
      %dma_start3A_127 = arith.constant 2 : i32
      %dma_start3A_128 = arith.constant 0 : i32
      %dma_start3A_129 = tpu.memref_slice %arg11[%dma_start3A_127, %dma_start3A_128] : memref<4x64xi32, #tpu.memory_space<vmem>> -> memref<1x64xi32, #tpu.memory_space<vmem>>
      %dma_start3A_130 = tpu.memref_squeeze %dma_start3A_129 : memref<1x64xi32, #tpu.memory_space<vmem>> -> memref<64xi32, #tpu.memory_space<vmem>>
      %dma_start3A_131 = arith.constant 0 : i32
      %dma_start3A_132 = arith.constant 0 : i32
      %dma_start3A_133 = tpu.memref_slice %arg2[%dma_start3A_131, %dma_start3A_132] : memref<20000x128xf32, #tpu.memory_space<hbm>> -> memref<20000x128xf32, #tpu.memory_space<hbm>>
      tpu.enqueue_indirect_dma source(%dma_start3A_133 : memref<20000x128xf32, #tpu.memory_space<hbm>>) target(%arg13 : memref<64x128xf32, #tpu.memory_space<vmem>>) offsets(%dma_start3A_130 : memref<64xi32, #tpu.memory_space<vmem>>) semaphore(%arg17 : memref<!tpu.dma_semaphore, #tpu.memory_space<semaphore_mem>>)
      %add3A_134 = arith.constant 1 : i32
      %add3A_135 = arith.addi %mul3A_105, %add3A_134 : i32
      %dma_wait3A_136 = arith.constant 0 : i32
      %dma_wait3A_137 = arith.constant 0 : i32
      %dma_wait3A_138 = tpu.memref_slice %arg11[%dma_wait3A_136, %dma_wait3A_137] : memref<4x64xi32, #tpu.memory_space<vmem>> -> memref<1x64xi32, #tpu.memory_space<vmem>>
      %dma_wait3A_139 = tpu.memref_squeeze %dma_wait3A_138 : memref<1x64xi32, #tpu.memory_space<vmem>> -> memref<64xi32, #tpu.memory_space<vmem>>
      %dma_wait3A_140 = arith.constant 0 : i32
      %dma_wait3A_141 = arith.constant 0 : i32
      %dma_wait3A_142 = tpu.memref_slice %arg2[%dma_wait3A_140, %dma_wait3A_141] : memref<20000x128xf32, #tpu.memory_space<hbm>> -> memref<20000x128xf32, #tpu.memory_space<hbm>>
      tpu.wait_indirect_dma semaphore(%arg18 : memref<!tpu.dma_semaphore, #tpu.memory_space<semaphore_mem>>) src(%dma_wait3A_142 : memref<20000x128xf32, #tpu.memory_space<hbm>>) dst(%arg14 : memref<64x128xf32, #tpu.memory_space<vmem>>)
      %dma_start3A_143 = arith.constant 0 : i32
      %dma_start3A_144 = tpu.memref_slice %arg10[%add3A_135, %dma_start3A_143] : memref<160x64xi32, #tpu.memory_space<vmem>> -> memref<1x64xi32, #tpu.memory_space<vmem>>
      %dma_start3A_145 = tpu.memref_squeeze %dma_start3A_144 : memref<1x64xi32, #tpu.memory_space<vmem>> -> memref<64xi32, #tpu.memory_space<vmem>>
      %dma_start3A_146 = arith.constant 0 : i32
      %dma_start3A_147 = arith.constant 0 : i32
      %dma_start3A_148 = tpu.memref_slice %arg9[%dma_start3A_146, %dma_start3A_147] : memref<10112x128xf32, #tpu.memory_space<vmem_shared>> -> memref<10112x128xf32, #tpu.memory_space<vmem_shared>>
      tpu.enqueue_indirect_dma source(%arg14 : memref<64x128xf32, #tpu.memory_space<vmem>>) target(%dma_start3A_148 : memref<10112x128xf32, #tpu.memory_space<vmem_shared>>) offsets(%dma_start3A_145 : memref<64xi32, #tpu.memory_space<vmem>>) semaphore(%arg20 : memref<!tpu.dma_semaphore, #tpu.memory_space<semaphore_mem>>) {add = true}
      %dma_wait3A_149 = arith.constant 0 : i32
      %dma_wait3A_150 = tpu.memref_slice %arg10[%add3A_135, %dma_wait3A_149] : memref<160x64xi32, #tpu.memory_space<vmem>> -> memref<1x64xi32, #tpu.memory_space<vmem>>
      %dma_wait3A_151 = tpu.memref_squeeze %dma_wait3A_150 : memref<1x64xi32, #tpu.memory_space<vmem>> -> memref<64xi32, #tpu.memory_space<vmem>>
      %dma_wait3A_152 = arith.constant 0 : i32
      %dma_wait3A_153 = arith.constant 0 : i32
      %dma_wait3A_154 = tpu.memref_slice %arg9[%dma_wait3A_152, %dma_wait3A_153] : memref<10112x128xf32, #tpu.memory_space<vmem_shared>> -> memref<10112x128xf32, #tpu.memory_space<vmem_shared>>
      tpu.wait_indirect_dma semaphore(%arg20 : memref<!tpu.dma_semaphore, #tpu.memory_space<semaphore_mem>>) src(%arg14 : memref<64x128xf32, #tpu.memory_space<vmem>>) dst(%dma_wait3A_154 : memref<10112x128xf32, #tpu.memory_space<vmem_shared>>)
      %dma_start3A_155 = arith.constant 3 : i32
      %dma_start3A_156 = arith.constant 0 : i32
      %dma_start3A_157 = tpu.memref_slice %arg11[%dma_start3A_155, %dma_start3A_156] : memref<4x64xi32, #tpu.memory_space<vmem>> -> memref<1x64xi32, #tpu.memory_space<vmem>>
      %dma_start3A_158 = tpu.memref_squeeze %dma_start3A_157 : memref<1x64xi32, #tpu.memory_space<vmem>> -> memref<64xi32, #tpu.memory_space<vmem>>
      %dma_start3A_159 = arith.constant 0 : i32
      %dma_start3A_160 = arith.constant 0 : i32
      %dma_start3A_161 = tpu.memref_slice %arg2[%dma_start3A_159, %dma_start3A_160] : memref<20000x128xf32, #tpu.memory_space<hbm>> -> memref<20000x128xf32, #tpu.memory_space<hbm>>
      tpu.enqueue_indirect_dma source(%dma_start3A_161 : memref<20000x128xf32, #tpu.memory_space<hbm>>) target(%arg14 : memref<64x128xf32, #tpu.memory_space<vmem>>) offsets(%dma_start3A_158 : memref<64xi32, #tpu.memory_space<vmem>>) semaphore(%arg18 : memref<!tpu.dma_semaphore, #tpu.memory_space<semaphore_mem>>)
      %add3A_162 = arith.constant 2 : i32
      %add3A_163 = arith.addi %mul3A_105, %add3A_162 : i32
      %dma_wait3A_164 = arith.constant 0 : i32
      %dma_wait3A_165 = arith.constant 0 : i32
      %dma_wait3A_166 = tpu.memref_slice %arg11[%dma_wait3A_164, %dma_wait3A_165] : memref<4x64xi32, #tpu.memory_space<vmem>> -> memref<1x64xi32, #tpu.memory_space<vmem>>
      %dma_wait3A_167 = tpu.memref_squeeze %dma_wait3A_166 : memref<1x64xi32, #tpu.memory_space<vmem>> -> memref<64xi32, #tpu.memory_space<vmem>>
      %dma_wait3A_168 = arith.constant 0 : i32
      %dma_wait3A_169 = arith.constant 0 : i32
      %dma_wait3A_170 = tpu.memref_slice %arg2[%dma_wait3A_168, %dma_wait3A_169] : memref<20000x128xf32, #tpu.memory_space<hbm>> -> memref<20000x128xf32, #tpu.memory_space<hbm>>
      tpu.wait_indirect_dma semaphore(%arg17 : memref<!tpu.dma_semaphore, #tpu.memory_space<semaphore_mem>>) src(%dma_wait3A_170 : memref<20000x128xf32, #tpu.memory_space<hbm>>) dst(%arg13 : memref<64x128xf32, #tpu.memory_space<vmem>>)
      %dma_start3A_171 = arith.constant 0 : i32
      %dma_start3A_172 = tpu.memref_slice %arg10[%add3A_163, %dma_start3A_171] : memref<160x64xi32, #tpu.memory_space<vmem>> -> memref<1x64xi32, #tpu.memory_space<vmem>>
      %dma_start3A_173 = tpu.memref_squeeze %dma_start3A_172 : memref<1x64xi32, #tpu.memory_space<vmem>> -> memref<64xi32, #tpu.memory_space<vmem>>
      %dma_start3A_174 = arith.constant 0 : i32
      %dma_start3A_175 = arith.constant 0 : i32
      %dma_start3A_176 = tpu.memref_slice %arg9[%dma_start3A_174, %dma_start3A_175] : memref<10112x128xf32, #tpu.memory_space<vmem_shared>> -> memref<10112x128xf32, #tpu.memory_space<vmem_shared>>
      tpu.enqueue_indirect_dma source(%arg13 : memref<64x128xf32, #tpu.memory_space<vmem>>) target(%dma_start3A_176 : memref<10112x128xf32, #tpu.memory_space<vmem_shared>>) offsets(%dma_start3A_173 : memref<64xi32, #tpu.memory_space<vmem>>) semaphore(%arg19 : memref<!tpu.dma_semaphore, #tpu.memory_space<semaphore_mem>>) {add = true}
      %dma_wait3A_177 = arith.constant 0 : i32
      %dma_wait3A_178 = arith.constant 0 : i32
      %dma_wait3A_179 = tpu.memref_slice %arg3[%add3A_0, %arg1, %dma_wait3A_177, %dma_wait3A_178] : memref<2x16x160x64xi32, #tpu.memory_space<hbm>> -> memref<1x1x4x64xi32, #tpu.memory_space<hbm>>
      %dma_wait3A_180 = tpu.memref_squeeze %dma_wait3A_179 : memref<1x1x4x64xi32, #tpu.memory_space<hbm>> -> memref<4x64xi32, #tpu.memory_space<hbm>>
      %dma_wait3A_181 = arith.constant 0 : i32
      %dma_wait3A_182 = arith.constant 0 : i32
      %dma_wait3A_183 = tpu.memref_slice %arg3[%add3A_0, %arg1, %dma_wait3A_181, %dma_wait3A_182] : memref<2x16x160x64xi32, #tpu.memory_space<hbm>> -> memref<1x1x4x64xi32, #tpu.memory_space<hbm>>
      %dma_wait3A_184 = tpu.memref_squeeze %dma_wait3A_183 : memref<1x1x4x64xi32, #tpu.memory_space<hbm>> -> memref<4x64xi32, #tpu.memory_space<hbm>>
      tpu.wait_dma2 semaphore(%arg16 : memref<!tpu.dma_semaphore, #tpu.memory_space<semaphore_mem>>) src(%dma_wait3A_184 : memref<4x64xi32, #tpu.memory_space<hbm>>) dst(%arg12 : memref<4x64xi32, #tpu.memory_space<vmem>>)
      %dma_wait3A_185 = arith.constant 0 : i32
      %dma_wait3A_186 = tpu.memref_slice %arg10[%add3A_163, %dma_wait3A_185] : memref<160x64xi32, #tpu.memory_space<vmem>> -> memref<1x64xi32, #tpu.memory_space<vmem>>
      %dma_wait3A_187 = tpu.memref_squeeze %dma_wait3A_186 : memref<1x64xi32, #tpu.memory_space<vmem>> -> memref<64xi32, #tpu.memory_space<vmem>>
      %dma_wait3A_188 = arith.constant 0 : i32
      %dma_wait3A_189 = arith.constant 0 : i32
      %dma_wait3A_190 = tpu.memref_slice %arg9[%dma_wait3A_188, %dma_wait3A_189] : memref<10112x128xf32, #tpu.memory_space<vmem_shared>> -> memref<10112x128xf32, #tpu.memory_space<vmem_shared>>
      tpu.wait_indirect_dma semaphore(%arg19 : memref<!tpu.dma_semaphore, #tpu.memory_space<semaphore_mem>>) src(%arg13 : memref<64x128xf32, #tpu.memory_space<vmem>>) dst(%dma_wait3A_190 : memref<10112x128xf32, #tpu.memory_space<vmem_shared>>)
      %dma_start3A_191 = arith.constant 0 : i32
      %dma_start3A_192 = arith.constant 0 : i32
      %dma_start3A_193 = tpu.memref_slice %arg12[%dma_start3A_191, %dma_start3A_192] : memref<4x64xi32, #tpu.memory_space<vmem>> -> memref<1x64xi32, #tpu.memory_space<vmem>>
      %dma_start3A_194 = tpu.memref_squeeze %dma_start3A_193 : memref<1x64xi32, #tpu.memory_space<vmem>> -> memref<64xi32, #tpu.memory_space<vmem>>
      %dma_start3A_195 = arith.constant 0 : i32
      %dma_start3A_196 = arith.constant 0 : i32
      %dma_start3A_197 = tpu.memref_slice %arg2[%dma_start3A_195, %dma_start3A_196] : memref<20000x128xf32, #tpu.memory_space<hbm>> -> memref<20000x128xf32, #tpu.memory_space<hbm>>
      tpu.enqueue_indirect_dma source(%dma_start3A_197 : memref<20000x128xf32, #tpu.memory_space<hbm>>) target(%arg13 : memref<64x128xf32, #tpu.memory_space<vmem>>) offsets(%dma_start3A_194 : memref<64xi32, #tpu.memory_space<vmem>>) semaphore(%arg17 : memref<!tpu.dma_semaphore, #tpu.memory_space<semaphore_mem>>)
      %add3A_198 = arith.constant 3 : i32
      %add3A_199 = arith.addi %mul3A_105, %add3A_198 : i32
      %dma_wait3A_200 = arith.constant 0 : i32
      %dma_wait3A_201 = arith.constant 0 : i32
      %dma_wait3A_202 = tpu.memref_slice %arg11[%dma_wait3A_200, %dma_wait3A_201] : memref<4x64xi32, #tpu.memory_space<vmem>> -> memref<1x64xi32, #tpu.memory_space<vmem>>
      %dma_wait3A_203 = tpu.memref_squeeze %dma_wait3A_202 : memref<1x64xi32, #tpu.memory_space<vmem>> -> memref<64xi32, #tpu.memory_space<vmem>>
      %dma_wait3A_204 = arith.constant 0 : i32
      %dma_wait3A_205 = arith.constant 0 : i32
      %dma_wait3A_206 = tpu.memref_slice %arg2[%dma_wait3A_204, %dma_wait3A_205] : memref<20000x128xf32, #tpu.memory_space<hbm>> -> memref<20000x128xf32, #tpu.memory_space<hbm>>
      tpu.wait_indirect_dma semaphore(%arg18 : memref<!tpu.dma_semaphore, #tpu.memory_space<semaphore_mem>>) src(%dma_wait3A_206 : memref<20000x128xf32, #tpu.memory_space<hbm>>) dst(%arg14 : memref<64x128xf32, #tpu.memory_space<vmem>>)
      %dma_start3A_207 = arith.constant 0 : i32
      %dma_start3A_208 = tpu.memref_slice %arg10[%add3A_199, %dma_start3A_207] : memref<160x64xi32, #tpu.memory_space<vmem>> -> memref<1x64xi32, #tpu.memory_space<vmem>>
      %dma_start3A_209 = tpu.memref_squeeze %dma_start3A_208 : memref<1x64xi32, #tpu.memory_space<vmem>> -> memref<64xi32, #tpu.memory_space<vmem>>
      %dma_start3A_210 = arith.constant 0 : i32
      %dma_start3A_211 = arith.constant 0 : i32
      %dma_start3A_212 = tpu.memref_slice %arg9[%dma_start3A_210, %dma_start3A_211] : memref<10112x128xf32, #tpu.memory_space<vmem_shared>> -> memref<10112x128xf32, #tpu.memory_space<vmem_shared>>
      tpu.enqueue_indirect_dma source(%arg14 : memref<64x128xf32, #tpu.memory_space<vmem>>) target(%dma_start3A_212 : memref<10112x128xf32, #tpu.memory_space<vmem_shared>>) offsets(%dma_start3A_209 : memref<64xi32, #tpu.memory_space<vmem>>) semaphore(%arg20 : memref<!tpu.dma_semaphore, #tpu.memory_space<semaphore_mem>>) {add = true}
      %add3A_213 = arith.constant 8 : i32
      %add3A_214 = arith.addi %mul3A_105, %add3A_213 : i32
      %min3A = arith.constant 156 : i32
      %min3A_215 = arith.minsi %add3A_214, %min3A : i32
      %dma_start3A_216 = arith.constant 0 : i32
      %dma_start3A_217 = tpu.memref_slice %arg3[%add3A_0, %arg1, %min3A_215, %dma_start3A_216] : memref<2x16x160x64xi32, #tpu.memory_space<hbm>> -> memref<1x1x4x64xi32, #tpu.memory_space<hbm>>
      %dma_start3A_218 = tpu.memref_squeeze %dma_start3A_217 : memref<1x1x4x64xi32, #tpu.memory_space<hbm>> -> memref<4x64xi32, #tpu.memory_space<hbm>>
      %dma_start3A_219 = arith.constant 0 : i32
      %dma_start3A_220 = tpu.memref_slice %arg3[%add3A_0, %arg1, %min3A_215, %dma_start3A_219] : memref<2x16x160x64xi32, #tpu.memory_space<hbm>> -> memref<1x1x4x64xi32, #tpu.memory_space<hbm>>
      %dma_start3A_221 = tpu.memref_squeeze %dma_start3A_220 : memref<1x1x4x64xi32, #tpu.memory_space<hbm>> -> memref<4x64xi32, #tpu.memory_space<hbm>>
      tpu.enqueue_dma source(%dma_start3A_221 : memref<4x64xi32, #tpu.memory_space<hbm>>) target(%arg11 : memref<4x64xi32, #tpu.memory_space<vmem>>) target_semaphore(%arg15 : memref<!tpu.dma_semaphore, #tpu.memory_space<semaphore_mem>>)
      %dma_wait3A_222 = arith.constant 0 : i32
      %dma_wait3A_223 = tpu.memref_slice %arg10[%add3A_199, %dma_wait3A_222] : memref<160x64xi32, #tpu.memory_space<vmem>> -> memref<1x64xi32, #tpu.memory_space<vmem>>
      %dma_wait3A_224 = tpu.memref_squeeze %dma_wait3A_223 : memref<1x64xi32, #tpu.memory_space<vmem>> -> memref<64xi32, #tpu.memory_space<vmem>>
      %dma_wait3A_225 = arith.constant 0 : i32
      %dma_wait3A_226 = arith.constant 0 : i32
      %dma_wait3A_227 = tpu.memref_slice %arg9[%dma_wait3A_225, %dma_wait3A_226] : memref<10112x128xf32, #tpu.memory_space<vmem_shared>> -> memref<10112x128xf32, #tpu.memory_space<vmem_shared>>
      tpu.wait_indirect_dma semaphore(%arg20 : memref<!tpu.dma_semaphore, #tpu.memory_space<semaphore_mem>>) src(%arg14 : memref<64x128xf32, #tpu.memory_space<vmem>>) dst(%dma_wait3A_227 : memref<10112x128xf32, #tpu.memory_space<vmem_shared>>)
      %dma_start3A_228 = arith.constant 1 : i32
      %dma_start3A_229 = arith.constant 0 : i32
      %dma_start3A_230 = tpu.memref_slice %arg12[%dma_start3A_228, %dma_start3A_229] : memref<4x64xi32, #tpu.memory_space<vmem>> -> memref<1x64xi32, #tpu.memory_space<vmem>>
      %dma_start3A_231 = tpu.memref_squeeze %dma_start3A_230 : memref<1x64xi32, #tpu.memory_space<vmem>> -> memref<64xi32, #tpu.memory_space<vmem>>
      %dma_start3A_232 = arith.constant 0 : i32
      %dma_start3A_233 = arith.constant 0 : i32
      %dma_start3A_234 = tpu.memref_slice %arg2[%dma_start3A_232, %dma_start3A_233] : memref<20000x128xf32, #tpu.memory_space<hbm>> -> memref<20000x128xf32, #tpu.memory_space<hbm>>
      tpu.enqueue_indirect_dma source(%dma_start3A_234 : memref<20000x128xf32, #tpu.memory_space<hbm>>) target(%arg14 : memref<64x128xf32, #tpu.memory_space<vmem>>) offsets(%dma_start3A_231 : memref<64xi32, #tpu.memory_space<vmem>>) semaphore(%arg18 : memref<!tpu.dma_semaphore, #tpu.memory_space<semaphore_mem>>)
      %add3A_235 = arith.constant 4 : i32
      %add3A_236 = arith.addi %mul3A_105, %add3A_235 : i32
      %dma_wait3A_237 = arith.constant 0 : i32
      %dma_wait3A_238 = arith.constant 0 : i32
      %dma_wait3A_239 = tpu.memref_slice %arg11[%dma_wait3A_237, %dma_wait3A_238] : memref<4x64xi32, #tpu.memory_space<vmem>> -> memref<1x64xi32, #tpu.memory_space<vmem>>
      %dma_wait3A_240 = tpu.memref_squeeze %dma_wait3A_239 : memref<1x64xi32, #tpu.memory_space<vmem>> -> memref<64xi32, #tpu.memory_space<vmem>>
      %dma_wait3A_241 = arith.constant 0 : i32
      %dma_wait3A_242 = arith.constant 0 : i32
      %dma_wait3A_243 = tpu.memref_slice %arg2[%dma_wait3A_241, %dma_wait3A_242] : memref<20000x128xf32, #tpu.memory_space<hbm>> -> memref<20000x128xf32, #tpu.memory_space<hbm>>
      tpu.wait_indirect_dma semaphore(%arg17 : memref<!tpu.dma_semaphore, #tpu.memory_space<semaphore_mem>>) src(%dma_wait3A_243 : memref<20000x128xf32, #tpu.memory_space<hbm>>) dst(%arg13 : memref<64x128xf32, #tpu.memory_space<vmem>>)
      %dma_start3A_244 = arith.constant 0 : i32
      %dma_start3A_245 = tpu.memref_slice %arg10[%add3A_236, %dma_start3A_244] : memref<160x64xi32, #tpu.memory_space<vmem>> -> memref<1x64xi32, #tpu.memory_space<vmem>>
      %dma_start3A_246 = tpu.memref_squeeze %dma_start3A_245 : memref<1x64xi32, #tpu.memory_space<vmem>> -> memref<64xi32, #tpu.memory_space<vmem>>
      %dma_start3A_247 = arith.constant 0 : i32
      %dma_start3A_248 = arith.constant 0 : i32
      %dma_start3A_249 = tpu.memref_slice %arg9[%dma_start3A_247, %dma_start3A_248] : memref<10112x128xf32, #tpu.memory_space<vmem_shared>> -> memref<10112x128xf32, #tpu.memory_space<vmem_shared>>
      tpu.enqueue_indirect_dma source(%arg13 : memref<64x128xf32, #tpu.memory_space<vmem>>) target(%dma_start3A_249 : memref<10112x128xf32, #tpu.memory_space<vmem_shared>>) offsets(%dma_start3A_246 : memref<64xi32, #tpu.memory_space<vmem>>) semaphore(%arg19 : memref<!tpu.dma_semaphore, #tpu.memory_space<semaphore_mem>>) {add = true}
      %dma_wait3A_250 = arith.constant 0 : i32
      %dma_wait3A_251 = tpu.memref_slice %arg10[%add3A_236, %dma_wait3A_250] : memref<160x64xi32, #tpu.memory_space<vmem>> -> memref<1x64xi32, #tpu.memory_space<vmem>>
      %dma_wait3A_252 = tpu.memref_squeeze %dma_wait3A_251 : memref<1x64xi32, #tpu.memory_space<vmem>> -> memref<64xi32, #tpu.memory_space<vmem>>
      %dma_wait3A_253 = arith.constant 0 : i32
      %dma_wait3A_254 = arith.constant 0 : i32
      %dma_wait3A_255 = tpu.memref_slice %arg9[%dma_wait3A_253, %dma_wait3A_254] : memref<10112x128xf32, #tpu.memory_space<vmem_shared>> -> memref<10112x128xf32, #tpu.memory_space<vmem_shared>>
      tpu.wait_indirect_dma semaphore(%arg19 : memref<!tpu.dma_semaphore, #tpu.memory_space<semaphore_mem>>) src(%arg13 : memref<64x128xf32, #tpu.memory_space<vmem>>) dst(%dma_wait3A_255 : memref<10112x128xf32, #tpu.memory_space<vmem_shared>>)
      %dma_start3A_256 = arith.constant 2 : i32
      %dma_start3A_257 = arith.constant 0 : i32
      %dma_start3A_258 = tpu.memref_slice %arg12[%dma_start3A_256, %dma_start3A_257] : memref<4x64xi32, #tpu.memory_space<vmem>> -> memref<1x64xi32, #tpu.memory_space<vmem>>
      %dma_start3A_259 = tpu.memref_squeeze %dma_start3A_258 : memref<1x64xi32, #tpu.memory_space<vmem>> -> memref<64xi32, #tpu.memory_space<vmem>>
      %dma_start3A_260 = arith.constant 0 : i32
      %dma_start3A_261 = arith.constant 0 : i32
      %dma_start3A_262 = tpu.memref_slice %arg2[%dma_start3A_260, %dma_start3A_261] : memref<20000x128xf32, #tpu.memory_space<hbm>> -> memref<20000x128xf32, #tpu.memory_space<hbm>>
      tpu.enqueue_indirect_dma source(%dma_start3A_262 : memref<20000x128xf32, #tpu.memory_space<hbm>>) target(%arg13 : memref<64x128xf32, #tpu.memory_space<vmem>>) offsets(%dma_start3A_259 : memref<64xi32, #tpu.memory_space<vmem>>) semaphore(%arg17 : memref<!tpu.dma_semaphore, #tpu.memory_space<semaphore_mem>>)
      %add3A_263 = arith.constant 5 : i32
      %add3A_264 = arith.addi %mul3A_105, %add3A_263 : i32
      %dma_wait3A_265 = arith.constant 0 : i32
      %dma_wait3A_266 = arith.constant 0 : i32
      %dma_wait3A_267 = tpu.memref_slice %arg11[%dma_wait3A_265, %dma_wait3A_266] : memref<4x64xi32, #tpu.memory_space<vmem>> -> memref<1x64xi32, #tpu.memory_space<vmem>>
      %dma_wait3A_268 = tpu.memref_squeeze %dma_wait3A_267 : memref<1x64xi32, #tpu.memory_space<vmem>> -> memref<64xi32, #tpu.memory_space<vmem>>
      %dma_wait3A_269 = arith.constant 0 : i32
      %dma_wait3A_270 = arith.constant 0 : i32
      %dma_wait3A_271 = tpu.memref_slice %arg2[%dma_wait3A_269, %dma_wait3A_270] : memref<20000x128xf32, #tpu.memory_space<hbm>> -> memref<20000x128xf32, #tpu.memory_space<hbm>>
      tpu.wait_indirect_dma semaphore(%arg18 : memref<!tpu.dma_semaphore, #tpu.memory_space<semaphore_mem>>) src(%dma_wait3A_271 : memref<20000x128xf32, #tpu.memory_space<hbm>>) dst(%arg14 : memref<64x128xf32, #tpu.memory_space<vmem>>)
      %dma_start3A_272 = arith.constant 0 : i32
      %dma_start3A_273 = tpu.memref_slice %arg10[%add3A_264, %dma_start3A_272] : memref<160x64xi32, #tpu.memory_space<vmem>> -> memref<1x64xi32, #tpu.memory_space<vmem>>
      %dma_start3A_274 = tpu.memref_squeeze %dma_start3A_273 : memref<1x64xi32, #tpu.memory_space<vmem>> -> memref<64xi32, #tpu.memory_space<vmem>>
      %dma_start3A_275 = arith.constant 0 : i32
      %dma_start3A_276 = arith.constant 0 : i32
      %dma_start3A_277 = tpu.memref_slice %arg9[%dma_start3A_275, %dma_start3A_276] : memref<10112x128xf32, #tpu.memory_space<vmem_shared>> -> memref<10112x128xf32, #tpu.memory_space<vmem_shared>>
      tpu.enqueue_indirect_dma source(%arg14 : memref<64x128xf32, #tpu.memory_space<vmem>>) target(%dma_start3A_277 : memref<10112x128xf32, #tpu.memory_space<vmem_shared>>) offsets(%dma_start3A_274 : memref<64xi32, #tpu.memory_space<vmem>>) semaphore(%arg20 : memref<!tpu.dma_semaphore, #tpu.memory_space<semaphore_mem>>) {add = true}
      %dma_wait3A_278 = arith.constant 0 : i32
      %dma_wait3A_279 = tpu.memref_slice %arg10[%add3A_264, %dma_wait3A_278] : memref<160x64xi32, #tpu.memory_space<vmem>> -> memref<1x64xi32, #tpu.memory_space<vmem>>
      %dma_wait3A_280 = tpu.memref_squeeze %dma_wait3A_279 : memref<1x64xi32, #tpu.memory_space<vmem>> -> memref<64xi32, #tpu.memory_space<vmem>>
      %dma_wait3A_281 = arith.constant 0 : i32
      %dma_wait3A_282 = arith.constant 0 : i32
      %dma_wait3A_283 = tpu.memref_slice %arg9[%dma_wait3A_281, %dma_wait3A_282] : memref<10112x128xf32, #tpu.memory_space<vmem_shared>> -> memref<10112x128xf32, #tpu.memory_space<vmem_shared>>
      tpu.wait_indirect_dma semaphore(%arg20 : memref<!tpu.dma_semaphore, #tpu.memory_space<semaphore_mem>>) src(%arg14 : memref<64x128xf32, #tpu.memory_space<vmem>>) dst(%dma_wait3A_283 : memref<10112x128xf32, #tpu.memory_space<vmem_shared>>)
      %dma_start3A_284 = arith.constant 3 : i32
      %dma_start3A_285 = arith.constant 0 : i32
      %dma_start3A_286 = tpu.memref_slice %arg12[%dma_start3A_284, %dma_start3A_285] : memref<4x64xi32, #tpu.memory_space<vmem>> -> memref<1x64xi32, #tpu.memory_space<vmem>>
      %dma_start3A_287 = tpu.memref_squeeze %dma_start3A_286 : memref<1x64xi32, #tpu.memory_space<vmem>> -> memref<64xi32, #tpu.memory_space<vmem>>
      %dma_start3A_288 = arith.constant 0 : i32
      %dma_start3A_289 = arith.constant 0 : i32
      %dma_start3A_290 = tpu.memref_slice %arg2[%dma_start3A_288, %dma_start3A_289] : memref<20000x128xf32, #tpu.memory_space<hbm>> -> memref<20000x128xf32, #tpu.memory_space<hbm>>
      tpu.enqueue_indirect_dma source(%dma_start3A_290 : memref<20000x128xf32, #tpu.memory_space<hbm>>) target(%arg14 : memref<64x128xf32, #tpu.memory_space<vmem>>) offsets(%dma_start3A_287 : memref<64xi32, #tpu.memory_space<vmem>>) semaphore(%arg18 : memref<!tpu.dma_semaphore, #tpu.memory_space<semaphore_mem>>)
      %add3A_291 = arith.constant 6 : i32
      %add3A_292 = arith.addi %mul3A_105, %add3A_291 : i32
      %dma_wait3A_293 = arith.constant 0 : i32
      %dma_wait3A_294 = arith.constant 0 : i32
      %dma_wait3A_295 = tpu.memref_slice %arg11[%dma_wait3A_293, %dma_wait3A_294] : memref<4x64xi32, #tpu.memory_space<vmem>> -> memref<1x64xi32, #tpu.memory_space<vmem>>
      %dma_wait3A_296 = tpu.memref_squeeze %dma_wait3A_295 : memref<1x64xi32, #tpu.memory_space<vmem>> -> memref<64xi32, #tpu.memory_space<vmem>>
      %dma_wait3A_297 = arith.constant 0 : i32
      %dma_wait3A_298 = arith.constant 0 : i32
      %dma_wait3A_299 = tpu.memref_slice %arg2[%dma_wait3A_297, %dma_wait3A_298] : memref<20000x128xf32, #tpu.memory_space<hbm>> -> memref<20000x128xf32, #tpu.memory_space<hbm>>
      tpu.wait_indirect_dma semaphore(%arg17 : memref<!tpu.dma_semaphore, #tpu.memory_space<semaphore_mem>>) src(%dma_wait3A_299 : memref<20000x128xf32, #tpu.memory_space<hbm>>) dst(%arg13 : memref<64x128xf32, #tpu.memory_space<vmem>>)
      %dma_start3A_300 = arith.constant 0 : i32
      %dma_start3A_301 = tpu.memref_slice %arg10[%add3A_292, %dma_start3A_300] : memref<160x64xi32, #tpu.memory_space<vmem>> -> memref<1x64xi32, #tpu.memory_space<vmem>>
      %dma_start3A_302 = tpu.memref_squeeze %dma_start3A_301 : memref<1x64xi32, #tpu.memory_space<vmem>> -> memref<64xi32, #tpu.memory_space<vmem>>
      %dma_start3A_303 = arith.constant 0 : i32
      %dma_start3A_304 = arith.constant 0 : i32
      %dma_start3A_305 = tpu.memref_slice %arg9[%dma_start3A_303, %dma_start3A_304] : memref<10112x128xf32, #tpu.memory_space<vmem_shared>> -> memref<10112x128xf32, #tpu.memory_space<vmem_shared>>
      tpu.enqueue_indirect_dma source(%arg13 : memref<64x128xf32, #tpu.memory_space<vmem>>) target(%dma_start3A_305 : memref<10112x128xf32, #tpu.memory_space<vmem_shared>>) offsets(%dma_start3A_302 : memref<64xi32, #tpu.memory_space<vmem>>) semaphore(%arg19 : memref<!tpu.dma_semaphore, #tpu.memory_space<semaphore_mem>>) {add = true}
      %dma_wait3A_306 = arith.constant 0 : i32
      %dma_wait3A_307 = arith.constant 0 : i32
      %dma_wait3A_308 = tpu.memref_slice %arg3[%add3A_0, %arg1, %dma_wait3A_306, %dma_wait3A_307] : memref<2x16x160x64xi32, #tpu.memory_space<hbm>> -> memref<1x1x4x64xi32, #tpu.memory_space<hbm>>
      %dma_wait3A_309 = tpu.memref_squeeze %dma_wait3A_308 : memref<1x1x4x64xi32, #tpu.memory_space<hbm>> -> memref<4x64xi32, #tpu.memory_space<hbm>>
      %dma_wait3A_310 = arith.constant 0 : i32
      %dma_wait3A_311 = arith.constant 0 : i32
      %dma_wait3A_312 = tpu.memref_slice %arg3[%add3A_0, %arg1, %dma_wait3A_310, %dma_wait3A_311] : memref<2x16x160x64xi32, #tpu.memory_space<hbm>> -> memref<1x1x4x64xi32, #tpu.memory_space<hbm>>
      %dma_wait3A_313 = tpu.memref_squeeze %dma_wait3A_312 : memref<1x1x4x64xi32, #tpu.memory_space<hbm>> -> memref<4x64xi32, #tpu.memory_space<hbm>>
      tpu.wait_dma2 semaphore(%arg15 : memref<!tpu.dma_semaphore, #tpu.memory_space<semaphore_mem>>) src(%dma_wait3A_313 : memref<4x64xi32, #tpu.memory_space<hbm>>) dst(%arg11 : memref<4x64xi32, #tpu.memory_space<vmem>>)
      %dma_wait3A_314 = arith.constant 0 : i32
      %dma_wait3A_315 = tpu.memref_slice %arg10[%add3A_292, %dma_wait3A_314] : memref<160x64xi32, #tpu.memory_space<vmem>> -> memref<1x64xi32, #tpu.memory_space<vmem>>
      %dma_wait3A_316 = tpu.memref_squeeze %dma_wait3A_315 : memref<1x64xi32, #tpu.memory_space<vmem>> -> memref<64xi32, #tpu.memory_space<vmem>>
      %dma_wait3A_317 = arith.constant 0 : i32
      %dma_wait3A_318 = arith.constant 0 : i32
      %dma_wait3A_319 = tpu.memref_slice %arg9[%dma_wait3A_317, %dma_wait3A_318] : memref<10112x128xf32, #tpu.memory_space<vmem_shared>> -> memref<10112x128xf32, #tpu.memory_space<vmem_shared>>
      tpu.wait_indirect_dma semaphore(%arg19 : memref<!tpu.dma_semaphore, #tpu.memory_space<semaphore_mem>>) src(%arg13 : memref<64x128xf32, #tpu.memory_space<vmem>>) dst(%dma_wait3A_319 : memref<10112x128xf32, #tpu.memory_space<vmem_shared>>)
      %dma_start3A_320 = arith.constant 0 : i32
      %dma_start3A_321 = arith.constant 0 : i32
      %dma_start3A_322 = tpu.memref_slice %arg11[%dma_start3A_320, %dma_start3A_321] : memref<4x64xi32, #tpu.memory_space<vmem>> -> memref<1x64xi32, #tpu.memory_space<vmem>>
      %dma_start3A_323 = tpu.memref_squeeze %dma_start3A_322 : memref<1x64xi32, #tpu.memory_space<vmem>> -> memref<64xi32, #tpu.memory_space<vmem>>
      %dma_start3A_324 = arith.constant 0 : i32
      %dma_start3A_325 = arith.constant 0 : i32
      %dma_start3A_326 = tpu.memref_slice %arg2[%dma_start3A_324, %dma_start3A_325] : memref<20000x128xf32, #tpu.memory_space<hbm>> -> memref<20000x128xf32, #tpu.memory_space<hbm>>
      tpu.enqueue_indirect_dma source(%dma_start3A_326 : memref<20000x128xf32, #tpu.memory_space<hbm>>) target(%arg13 : memref<64x128xf32, #tpu.memory_space<vmem>>) offsets(%dma_start3A_323 : memref<64xi32, #tpu.memory_space<vmem>>) semaphore(%arg17 : memref<!tpu.dma_semaphore, #tpu.memory_space<semaphore_mem>>)
      %add3A_327 = arith.constant 7 : i32
      %add3A_328 = arith.addi %mul3A_105, %add3A_327 : i32
      %dma_wait3A_329 = arith.constant 0 : i32
      %dma_wait3A_330 = arith.constant 0 : i32
      %dma_wait3A_331 = tpu.memref_slice %arg11[%dma_wait3A_329, %dma_wait3A_330] : memref<4x64xi32, #tpu.memory_space<vmem>> -> memref<1x64xi32, #tpu.memory_space<vmem>>
      %dma_wait3A_332 = tpu.memref_squeeze %dma_wait3A_331 : memref<1x64xi32, #tpu.memory_space<vmem>> -> memref<64xi32, #tpu.memory_space<vmem>>
      %dma_wait3A_333 = arith.constant 0 : i32
      %dma_wait3A_334 = arith.constant 0 : i32
      %dma_wait3A_335 = tpu.memref_slice %arg2[%dma_wait3A_333, %dma_wait3A_334] : memref<20000x128xf32, #tpu.memory_space<hbm>> -> memref<20000x128xf32, #tpu.memory_space<hbm>>
      tpu.wait_indirect_dma semaphore(%arg18 : memref<!tpu.dma_semaphore, #tpu.memory_space<semaphore_mem>>) src(%dma_wait3A_335 : memref<20000x128xf32, #tpu.memory_space<hbm>>) dst(%arg14 : memref<64x128xf32, #tpu.memory_space<vmem>>)
      %dma_start3A_336 = arith.constant 0 : i32
      %dma_start3A_337 = tpu.memref_slice %arg10[%add3A_328, %dma_start3A_336] : memref<160x64xi32, #tpu.memory_space<vmem>> -> memref<1x64xi32, #tpu.memory_space<vmem>>
      %dma_start3A_338 = tpu.memref_squeeze %dma_start3A_337 : memref<1x64xi32, #tpu.memory_space<vmem>> -> memref<64xi32, #tpu.memory_space<vmem>>
      %dma_start3A_339 = arith.constant 0 : i32
      %dma_start3A_340 = arith.constant 0 : i32
      %dma_start3A_341 = tpu.memref_slice %arg9[%dma_start3A_339, %dma_start3A_340] : memref<10112x128xf32, #tpu.memory_space<vmem_shared>> -> memref<10112x128xf32, #tpu.memory_space<vmem_shared>>
      tpu.enqueue_indirect_dma source(%arg14 : memref<64x128xf32, #tpu.memory_space<vmem>>) target(%dma_start3A_341 : memref<10112x128xf32, #tpu.memory_space<vmem_shared>>) offsets(%dma_start3A_338 : memref<64xi32, #tpu.memory_space<vmem>>) semaphore(%arg20 : memref<!tpu.dma_semaphore, #tpu.memory_space<semaphore_mem>>) {add = true}
      %add3A_342 = arith.constant 12 : i32
      %add3A_343 = arith.addi %mul3A_105, %add3A_342 : i32
      %min3A_344 = arith.constant 156 : i32
      %min3A_345 = arith.minsi %add3A_343, %min3A_344 : i32
      %dma_start3A_346 = arith.constant 0 : i32
      %dma_start3A_347 = tpu.memref_slice %arg3[%add3A_0, %arg1, %min3A_345, %dma_start3A_346] : memref<2x16x160x64xi32, #tpu.memory_space<hbm>> -> memref<1x1x4x64xi32, #tpu.memory_space<hbm>>
      %dma_start3A_348 = tpu.memref_squeeze %dma_start3A_347 : memref<1x1x4x64xi32, #tpu.memory_space<hbm>> -> memref<4x64xi32, #tpu.memory_space<hbm>>
      %dma_start3A_349 = arith.constant 0 : i32
      %dma_start3A_350 = tpu.memref_slice %arg3[%add3A_0, %arg1, %min3A_345, %dma_start3A_349] : memref<2x16x160x64xi32, #tpu.memory_space<hbm>> -> memref<1x1x4x64xi32, #tpu.memory_space<hbm>>
      %dma_start3A_351 = tpu.memref_squeeze %dma_start3A_350 : memref<1x1x4x64xi32, #tpu.memory_space<hbm>> -> memref<4x64xi32, #tpu.memory_space<hbm>>
      tpu.enqueue_dma source(%dma_start3A_351 : memref<4x64xi32, #tpu.memory_space<hbm>>) target(%arg12 : memref<4x64xi32, #tpu.memory_space<vmem>>) target_semaphore(%arg16 : memref<!tpu.dma_semaphore, #tpu.memory_space<semaphore_mem>>)
      %dma_wait3A_352 = arith.constant 0 : i32
      %dma_wait3A_353 = tpu.memref_slice %arg10[%add3A_328, %dma_wait3A_352] : memref<160x64xi32, #tpu.memory_space<vmem>> -> memref<1x64xi32, #tpu.memory_space<vmem>>
      %dma_wait3A_354 = tpu.memref_squeeze %dma_wait3A_353 : memref<1x64xi32, #tpu.memory_space<vmem>> -> memref<64xi32, #tpu.memory_space<vmem>>
      %dma_wait3A_355 = arith.constant 0 : i32
      %dma_wait3A_356 = arith.constant 0 : i32
      %dma_wait3A_357 = tpu.memref_slice %arg9[%dma_wait3A_355, %dma_wait3A_356] : memref<10112x128xf32, #tpu.memory_space<vmem_shared>> -> memref<10112x128xf32, #tpu.memory_space<vmem_shared>>
      tpu.wait_indirect_dma semaphore(%arg20 : memref<!tpu.dma_semaphore, #tpu.memory_space<semaphore_mem>>) src(%arg14 : memref<64x128xf32, #tpu.memory_space<vmem>>) dst(%dma_wait3A_357 : memref<10112x128xf32, #tpu.memory_space<vmem_shared>>)
      %dma_start3A_358 = arith.constant 1 : i32
      %dma_start3A_359 = arith.constant 0 : i32
      %dma_start3A_360 = tpu.memref_slice %arg11[%dma_start3A_358, %dma_start3A_359] : memref<4x64xi32, #tpu.memory_space<vmem>> -> memref<1x64xi32, #tpu.memory_space<vmem>>
      %dma_start3A_361 = tpu.memref_squeeze %dma_start3A_360 : memref<1x64xi32, #tpu.memory_space<vmem>> -> memref<64xi32, #tpu.memory_space<vmem>>
      %dma_start3A_362 = arith.constant 0 : i32
      %dma_start3A_363 = arith.constant 0 : i32
      %dma_start3A_364 = tpu.memref_slice %arg2[%dma_start3A_362, %dma_start3A_363] : memref<20000x128xf32, #tpu.memory_space<hbm>> -> memref<20000x128xf32, #tpu.memory_space<hbm>>
      tpu.enqueue_indirect_dma source(%dma_start3A_364 : memref<20000x128xf32, #tpu.memory_space<hbm>>) target(%arg14 : memref<64x128xf32, #tpu.memory_space<vmem>>) offsets(%dma_start3A_361 : memref<64xi32, #tpu.memory_space<vmem>>) semaphore(%arg18 : memref<!tpu.dma_semaphore, #tpu.memory_space<semaphore_mem>>)
    }
    %scan3A_27 = arith.constant 20 : i32
    %dma_wait3A = arith.constant 0 : i32
    %dma_wait3A_28 = arith.constant 0 : i32
    %dma_wait3A_29 = tpu.memref_slice %arg11[%dma_wait3A, %dma_wait3A_28] : memref<4x64xi32, #tpu.memory_space<vmem>> -> memref<1x64xi32, #tpu.memory_space<vmem>>
    %dma_wait3A_30 = tpu.memref_squeeze %dma_wait3A_29 : memref<1x64xi32, #tpu.memory_space<vmem>> -> memref<64xi32, #tpu.memory_space<vmem>>
    %dma_wait3A_31 = arith.constant 0 : i32
    %dma_wait3A_32 = arith.constant 0 : i32
    %dma_wait3A_33 = tpu.memref_slice %arg2[%dma_wait3A_31, %dma_wait3A_32] : memref<20000x128xf32, #tpu.memory_space<hbm>> -> memref<20000x128xf32, #tpu.memory_space<hbm>>
    tpu.wait_indirect_dma semaphore(%arg17 : memref<!tpu.dma_semaphore, #tpu.memory_space<semaphore_mem>>) src(%dma_wait3A_33 : memref<20000x128xf32, #tpu.memory_space<hbm>>) dst(%arg13 : memref<64x128xf32, #tpu.memory_space<vmem>>)
    %dma_wait3A_34 = arith.constant 1 : i32
    %dma_wait3A_35 = arith.constant 0 : i32
    %dma_wait3A_36 = tpu.memref_slice %arg11[%dma_wait3A_34, %dma_wait3A_35] : memref<4x64xi32, #tpu.memory_space<vmem>> -> memref<1x64xi32, #tpu.memory_space<vmem>>
    %dma_wait3A_37 = tpu.memref_squeeze %dma_wait3A_36 : memref<1x64xi32, #tpu.memory_space<vmem>> -> memref<64xi32, #tpu.memory_space<vmem>>
    %dma_wait3A_38 = arith.constant 0 : i32
    %dma_wait3A_39 = arith.constant 0 : i32
    %dma_wait3A_40 = tpu.memref_slice %arg2[%dma_wait3A_38, %dma_wait3A_39] : memref<20000x128xf32, #tpu.memory_space<hbm>> -> memref<20000x128xf32, #tpu.memory_space<hbm>>
    tpu.wait_indirect_dma semaphore(%arg18 : memref<!tpu.dma_semaphore, #tpu.memory_space<semaphore_mem>>) src(%dma_wait3A_40 : memref<20000x128xf32, #tpu.memory_space<hbm>>) dst(%arg14 : memref<64x128xf32, #tpu.memory_space<vmem>>)
    %dma_wait3A_41 = arith.constant 0 : i32
    %dma_wait3A_42 = arith.constant 0 : i32
    %dma_wait3A_43 = tpu.memref_slice %arg3[%add3A_0, %arg1, %dma_wait3A_41, %dma_wait3A_42] : memref<2x16x160x64xi32, #tpu.memory_space<hbm>> -> memref<1x1x4x64xi32, #tpu.memory_space<hbm>>
    %dma_wait3A_44 = tpu.memref_squeeze %dma_wait3A_43 : memref<1x1x4x64xi32, #tpu.memory_space<hbm>> -> memref<4x64xi32, #tpu.memory_space<hbm>>
    %dma_wait3A_45 = arith.constant 0 : i32
    %dma_wait3A_46 = arith.constant 0 : i32
    %dma_wait3A_47 = tpu.memref_slice %arg3[%add3A_0, %arg1, %dma_wait3A_45, %dma_wait3A_46] : memref<2x16x160x64xi32, #tpu.memory_space<hbm>> -> memref<1x1x4x64xi32, #tpu.memory_space<hbm>>
    %dma_wait3A_48 = tpu.memref_squeeze %dma_wait3A_47 : memref<1x1x4x64xi32, #tpu.memory_space<hbm>> -> memref<4x64xi32, #tpu.memory_space<hbm>>
    tpu.wait_dma2 semaphore(%arg16 : memref<!tpu.dma_semaphore, #tpu.memory_space<semaphore_mem>>) src(%dma_wait3A_48 : memref<4x64xi32, #tpu.memory_space<hbm>>) dst(%arg12 : memref<4x64xi32, #tpu.memory_space<vmem>>)
    %barrier3A_49 = arith.constant 0 : index
    tpu.barrier barrier_id(%barrier3A_49)
    %mul3A_50 = arith.constant 632 : i32
    %mul3A_51 = arith.muli %arg1, %mul3A_50 : i32
    %mul3A_52 = arith.constant 10112 : i32
    %mul3A_53 = arith.muli %add3A_0, %mul3A_52 : i32
    %mul3A_54 = arith.constant 632 : i32
    %mul3A_55 = arith.muli %arg1, %mul3A_54 : i32
    %add3A_56 = arith.addi %mul3A_53, %mul3A_55 : i32
    "tpu.region"() ({
      %run_scoped3A = tpu.sem_alloc : memref<!tpu.dma_semaphore, #tpu.memory_space<semaphore_mem>>
      %dma_start3A_103 = arith.constant 0 : i32
      %dma_start3A_104 = tpu.memref_slice %arg7[%add3A_56, %dma_start3A_103] : memref<20224x128xf32, #tpu.memory_space<hbm>> -> memref<632x128xf32, #tpu.memory_space<hbm>>
      %dma_start3A_105 = arith.constant 0 : i32
      %dma_start3A_106 = tpu.memref_slice %arg9[%mul3A_51, %dma_start3A_105] : memref<10112x128xf32, #tpu.memory_space<vmem_shared>> -> memref<632x128xf32, #tpu.memory_space<vmem_shared>>
      tpu.enqueue_dma source(%dma_start3A_106 : memref<632x128xf32, #tpu.memory_space<vmem_shared>>) target(%dma_start3A_104 : memref<632x128xf32, #tpu.memory_space<hbm>>) target_semaphore(%run_scoped3A : memref<!tpu.dma_semaphore, #tpu.memory_space<semaphore_mem>>)
      %dma_wait3A_107 = arith.constant 0 : i32
      %dma_wait3A_108 = tpu.memref_slice %arg7[%add3A_56, %dma_wait3A_107] : memref<20224x128xf32, #tpu.memory_space<hbm>> -> memref<632x128xf32, #tpu.memory_space<hbm>>
      %dma_wait3A_109 = arith.constant 0 : i32
      %dma_wait3A_110 = tpu.memref_slice %arg9[%mul3A_51, %dma_wait3A_109] : memref<10112x128xf32, #tpu.memory_space<vmem_shared>> -> memref<632x128xf32, #tpu.memory_space<vmem_shared>>
      tpu.wait_dma2 semaphore(%run_scoped3A : memref<!tpu.dma_semaphore, #tpu.memory_space<semaphore_mem>>) src(%dma_wait3A_110 : memref<632x128xf32, #tpu.memory_space<vmem_shared>>) dst(%dma_wait3A_108 : memref<632x128xf32, #tpu.memory_space<hbm>>)
      tpu.yield
    }) : () -> ()
    %barrier3A_57 = arith.constant 0 : index
    tpu.barrier barrier_id(%barrier3A_57)
    %mul3A_58 = arith.constant 632 : i32
    %mul3A_59 = arith.muli %arg1, %mul3A_58 : i32
    "tpu.region"() ({
      %run_scoped3A = tpu.sem_alloc : memref<!tpu.dma_semaphore, #tpu.memory_space<semaphore_mem>>
      %dma_start3A_103 = arith.constant 0 : i32
      %dma_start3A_104 = tpu.memref_slice %arg9[%mul3A_59, %dma_start3A_103] : memref<10112x128xf32, #tpu.memory_space<vmem_shared>> -> memref<632x128xf32, #tpu.memory_space<vmem_shared>>
      tpu.enqueue_dma source(%arg5 : memref<632x128xf32, #tpu.memory_space<hbm>>) target(%dma_start3A_104 : memref<632x128xf32, #tpu.memory_space<vmem_shared>>) target_semaphore(%run_scoped3A : memref<!tpu.dma_semaphore, #tpu.memory_space<semaphore_mem>>)
      %dma_wait3A_105 = arith.constant 0 : i32
      %dma_wait3A_106 = tpu.memref_slice %arg9[%mul3A_59, %dma_wait3A_105] : memref<10112x128xf32, #tpu.memory_space<vmem_shared>> -> memref<632x128xf32, #tpu.memory_space<vmem_shared>>
      tpu.wait_dma2 semaphore(%run_scoped3A : memref<!tpu.dma_semaphore, #tpu.memory_space<semaphore_mem>>) src(%arg5 : memref<632x128xf32, #tpu.memory_space<hbm>>) dst(%dma_wait3A_106 : memref<632x128xf32, #tpu.memory_space<vmem_shared>>)
      tpu.yield
    }) : () -> ()
    "tpu.region"() ({
      %run_scoped3A = tpu.sem_alloc : memref<!tpu.dma_semaphore, #tpu.memory_space<semaphore_mem>>
      tpu.enqueue_dma source(%arg6 : memref<64x128xf32, #tpu.memory_space<hbm>>) target(%arg13 : memref<64x128xf32, #tpu.memory_space<vmem>>) target_semaphore(%run_scoped3A : memref<!tpu.dma_semaphore, #tpu.memory_space<semaphore_mem>>)
      tpu.wait_dma2 semaphore(%run_scoped3A : memref<!tpu.dma_semaphore, #tpu.memory_space<semaphore_mem>>) src(%arg6 : memref<64x128xf32, #tpu.memory_space<hbm>>) dst(%arg13 : memref<64x128xf32, #tpu.memory_space<vmem>>)
      tpu.yield
    }) : () -> ()
    %barrier3A_60 = arith.constant 0 : index
    tpu.barrier barrier_id(%barrier3A_60)
    %mul3A_61 = arith.constant 80 : i32
    %mul3A_62 = arith.muli %arg0, %mul3A_61 : i32
    %dma_start3A_63 = arith.constant 0 : i32
    %dma_start3A_64 = tpu.memref_slice %arg10[%mul3A_62, %dma_start3A_63] : memref<160x64xi32, #tpu.memory_space<vmem>> -> memref<1x64xi32, #tpu.memory_space<vmem>>
    %dma_start3A_65 = tpu.memref_squeeze %dma_start3A_64 : memref<1x64xi32, #tpu.memory_space<vmem>> -> memref<64xi32, #tpu.memory_space<vmem>>
    %dma_start3A_66 = arith.constant 0 : i32
    %dma_start3A_67 = arith.constant 0 : i32
    %dma_start3A_68 = tpu.memref_slice %arg9[%dma_start3A_66, %dma_start3A_67] : memref<10112x128xf32, #tpu.memory_space<vmem_shared>> -> memref<10112x128xf32, #tpu.memory_space<vmem_shared>>
    tpu.enqueue_indirect_dma source(%arg13 : memref<64x128xf32, #tpu.memory_space<vmem>>) target(%dma_start3A_68 : memref<10112x128xf32, #tpu.memory_space<vmem_shared>>) offsets(%dma_start3A_65 : memref<64xi32, #tpu.memory_space<vmem>>) semaphore(%arg19 : memref<!tpu.dma_semaphore, #tpu.memory_space<semaphore_mem>>) {add = true}
    %add3A_69 = arith.constant 1 : i32
    %add3A_70 = arith.addi %mul3A_62, %add3A_69 : i32
    %dma_start3A_71 = arith.constant 0 : i32
    %dma_start3A_72 = tpu.memref_slice %arg10[%add3A_70, %dma_start3A_71] : memref<160x64xi32, #tpu.memory_space<vmem>> -> memref<1x64xi32, #tpu.memory_space<vmem>>
    %dma_start3A_73 = tpu.memref_squeeze %dma_start3A_72 : memref<1x64xi32, #tpu.memory_space<vmem>> -> memref<64xi32, #tpu.memory_space<vmem>>
    %dma_start3A_74 = arith.constant 0 : i32
    %dma_start3A_75 = arith.constant 0 : i32
    %dma_start3A_76 = tpu.memref_slice %arg9[%dma_start3A_74, %dma_start3A_75] : memref<10112x128xf32, #tpu.memory_space<vmem_shared>> -> memref<10112x128xf32, #tpu.memory_space<vmem_shared>>
    tpu.enqueue_indirect_dma source(%arg13 : memref<64x128xf32, #tpu.memory_space<vmem>>) target(%dma_start3A_76 : memref<10112x128xf32, #tpu.memory_space<vmem_shared>>) offsets(%dma_start3A_73 : memref<64xi32, #tpu.memory_space<vmem>>) semaphore(%arg20 : memref<!tpu.dma_semaphore, #tpu.memory_space<semaphore_mem>>) {add = true}
    %scan3A_77 = arith.constant 0 : i32
    %scan3A_78 = arith.constant 0 : i32
    %scan3A_79 = arith.constant 39 : i32
    %scan3A_80 = arith.addi %scan3A_78, %scan3A_79 : i32
    %scan3A_81 = arith.constant 1 : i32
    scf.for %scan3A_103 = %scan3A_78 to %scan3A_80 step %scan3A_81  : i32 {
      %mul3A_104 = arith.constant 2 : i32
      %mul3A_105 = arith.muli %mul3A_104, %scan3A_103 : i32
      %add3A_106 = arith.addi %mul3A_62, %mul3A_105 : i32
      %dma_wait3A_107 = arith.constant 0 : i32
      %dma_wait3A_108 = tpu.memref_slice %arg10[%add3A_106, %dma_wait3A_107] : memref<160x64xi32, #tpu.memory_space<vmem>> -> memref<1x64xi32, #tpu.memory_space<vmem>>
      %dma_wait3A_109 = tpu.memref_squeeze %dma_wait3A_108 : memref<1x64xi32, #tpu.memory_space<vmem>> -> memref<64xi32, #tpu.memory_space<vmem>>
      %dma_wait3A_110 = arith.constant 0 : i32
      %dma_wait3A_111 = arith.constant 0 : i32
      %dma_wait3A_112 = tpu.memref_slice %arg9[%dma_wait3A_110, %dma_wait3A_111] : memref<10112x128xf32, #tpu.memory_space<vmem_shared>> -> memref<10112x128xf32, #tpu.memory_space<vmem_shared>>
      tpu.wait_indirect_dma semaphore(%arg19 : memref<!tpu.dma_semaphore, #tpu.memory_space<semaphore_mem>>) src(%arg13 : memref<64x128xf32, #tpu.memory_space<vmem>>) dst(%dma_wait3A_112 : memref<10112x128xf32, #tpu.memory_space<vmem_shared>>)
      %add3A_113 = arith.constant 2 : i32
      %add3A_114 = arith.addi %add3A_106, %add3A_113 : i32
      %dma_start3A_115 = arith.constant 0 : i32
      %dma_start3A_116 = tpu.memref_slice %arg10[%add3A_114, %dma_start3A_115] : memref<160x64xi32, #tpu.memory_space<vmem>> -> memref<1x64xi32, #tpu.memory_space<vmem>>
      %dma_start3A_117 = tpu.memref_squeeze %dma_start3A_116 : memref<1x64xi32, #tpu.memory_space<vmem>> -> memref<64xi32, #tpu.memory_space<vmem>>
      %dma_start3A_118 = arith.constant 0 : i32
      %dma_start3A_119 = arith.constant 0 : i32
      %dma_start3A_120 = tpu.memref_slice %arg9[%dma_start3A_118, %dma_start3A_119] : memref<10112x128xf32, #tpu.memory_space<vmem_shared>> -> memref<10112x128xf32, #tpu.memory_space<vmem_shared>>
      tpu.enqueue_indirect_dma source(%arg13 : memref<64x128xf32, #tpu.memory_space<vmem>>) target(%dma_start3A_120 : memref<10112x128xf32, #tpu.memory_space<vmem_shared>>) offsets(%dma_start3A_117 : memref<64xi32, #tpu.memory_space<vmem>>) semaphore(%arg19 : memref<!tpu.dma_semaphore, #tpu.memory_space<semaphore_mem>>) {add = true}
      %dma_wait3A_121 = arith.constant 0 : i32
      %dma_wait3A_122 = tpu.memref_slice %arg10[%add3A_106, %dma_wait3A_121] : memref<160x64xi32, #tpu.memory_space<vmem>> -> memref<1x64xi32, #tpu.memory_space<vmem>>
      %dma_wait3A_123 = tpu.memref_squeeze %dma_wait3A_122 : memref<1x64xi32, #tpu.memory_space<vmem>> -> memref<64xi32, #tpu.memory_space<vmem>>
      %dma_wait3A_124 = arith.constant 0 : i32
      %dma_wait3A_125 = arith.constant 0 : i32
      %dma_wait3A_126 = tpu.memref_slice %arg9[%dma_wait3A_124, %dma_wait3A_125] : memref<10112x128xf32, #tpu.memory_space<vmem_shared>> -> memref<10112x128xf32, #tpu.memory_space<vmem_shared>>
      tpu.wait_indirect_dma semaphore(%arg20 : memref<!tpu.dma_semaphore, #tpu.memory_space<semaphore_mem>>) src(%arg13 : memref<64x128xf32, #tpu.memory_space<vmem>>) dst(%dma_wait3A_126 : memref<10112x128xf32, #tpu.memory_space<vmem_shared>>)
      %add3A_127 = arith.constant 3 : i32
      %add3A_128 = arith.addi %add3A_106, %add3A_127 : i32
      %dma_start3A_129 = arith.constant 0 : i32
      %dma_start3A_130 = tpu.memref_slice %arg10[%add3A_128, %dma_start3A_129] : memref<160x64xi32, #tpu.memory_space<vmem>> -> memref<1x64xi32, #tpu.memory_space<vmem>>
      %dma_start3A_131 = tpu.memref_squeeze %dma_start3A_130 : memref<1x64xi32, #tpu.memory_space<vmem>> -> memref<64xi32, #tpu.memory_space<vmem>>
      %dma_start3A_132 = arith.constant 0 : i32
      %dma_start3A_133 = arith.constant 0 : i32
      %dma_start3A_134 = tpu.memref_slice %arg9[%dma_start3A_132, %dma_start3A_133] : memref<10112x128xf32, #tpu.memory_space<vmem_shared>> -> memref<10112x128xf32, #tpu.memory_space<vmem_shared>>
      tpu.enqueue_indirect_dma source(%arg13 : memref<64x128xf32, #tpu.memory_space<vmem>>) target(%dma_start3A_134 : memref<10112x128xf32, #tpu.memory_space<vmem_shared>>) offsets(%dma_start3A_131 : memref<64xi32, #tpu.memory_space<vmem>>) semaphore(%arg20 : memref<!tpu.dma_semaphore, #tpu.memory_space<semaphore_mem>>) {add = true}
    }
    %scan3A_82 = arith.constant 39 : i32
    %dma_wait3A_83 = arith.constant 0 : i32
    %dma_wait3A_84 = tpu.memref_slice %arg10[%mul3A_62, %dma_wait3A_83] : memref<160x64xi32, #tpu.memory_space<vmem>> -> memref<1x64xi32, #tpu.memory_space<vmem>>
    %dma_wait3A_85 = tpu.memref_squeeze %dma_wait3A_84 : memref<1x64xi32, #tpu.memory_space<vmem>> -> memref<64xi32, #tpu.memory_space<vmem>>
    %dma_wait3A_86 = arith.constant 0 : i32
    %dma_wait3A_87 = arith.constant 0 : i32
    %dma_wait3A_88 = tpu.memref_slice %arg9[%dma_wait3A_86, %dma_wait3A_87] : memref<10112x128xf32, #tpu.memory_space<vmem_shared>> -> memref<10112x128xf32, #tpu.memory_space<vmem_shared>>
    tpu.wait_indirect_dma semaphore(%arg19 : memref<!tpu.dma_semaphore, #tpu.memory_space<semaphore_mem>>) src(%arg13 : memref<64x128xf32, #tpu.memory_space<vmem>>) dst(%dma_wait3A_88 : memref<10112x128xf32, #tpu.memory_space<vmem_shared>>)
    %dma_wait3A_89 = arith.constant 0 : i32
    %dma_wait3A_90 = tpu.memref_slice %arg10[%mul3A_62, %dma_wait3A_89] : memref<160x64xi32, #tpu.memory_space<vmem>> -> memref<1x64xi32, #tpu.memory_space<vmem>>
    %dma_wait3A_91 = tpu.memref_squeeze %dma_wait3A_90 : memref<1x64xi32, #tpu.memory_space<vmem>> -> memref<64xi32, #tpu.memory_space<vmem>>
    %dma_wait3A_92 = arith.constant 0 : i32
    %dma_wait3A_93 = arith.constant 0 : i32
    %dma_wait3A_94 = tpu.memref_slice %arg9[%dma_wait3A_92, %dma_wait3A_93] : memref<10112x128xf32, #tpu.memory_space<vmem_shared>> -> memref<10112x128xf32, #tpu.memory_space<vmem_shared>>
    tpu.wait_indirect_dma semaphore(%arg20 : memref<!tpu.dma_semaphore, #tpu.memory_space<semaphore_mem>>) src(%arg13 : memref<64x128xf32, #tpu.memory_space<vmem>>) dst(%dma_wait3A_94 : memref<10112x128xf32, #tpu.memory_space<vmem_shared>>)
    %barrier3A_95 = arith.constant 0 : index
    tpu.barrier barrier_id(%barrier3A_95)
    %mul3A_96 = arith.constant 632 : i32
    %mul3A_97 = arith.muli %arg1, %mul3A_96 : i32
    %mul3A_98 = arith.constant 10112 : i32
    %mul3A_99 = arith.muli %arg0, %mul3A_98 : i32
    %mul3A_100 = arith.constant 632 : i32
    %mul3A_101 = arith.muli %arg1, %mul3A_100 : i32
    %add3A_102 = arith.addi %mul3A_99, %mul3A_101 : i32
    "tpu.region"() ({
      %run_scoped3A = tpu.sem_alloc : memref<!tpu.dma_semaphore, #tpu.memory_space<semaphore_mem>>
      %dma_start3A_103 = arith.constant 0 : i32
      %dma_start3A_104 = tpu.memref_slice %arg8[%add3A_102, %dma_start3A_103] : memref<20224x128xf32, #tpu.memory_space<hbm>> -> memref<632x128xf32, #tpu.memory_space<hbm>>
      %dma_start3A_105 = arith.constant 0 : i32
      %dma_start3A_106 = tpu.memref_slice %arg9[%mul3A_97, %dma_start3A_105] : memref<10112x128xf32, #tpu.memory_space<vmem_shared>> -> memref<632x128xf32, #tpu.memory_space<vmem_shared>>
      tpu.enqueue_dma source(%dma_start3A_106 : memref<632x128xf32, #tpu.memory_space<vmem_shared>>) target(%dma_start3A_104 : memref<632x128xf32, #tpu.memory_space<hbm>>) target_semaphore(%run_scoped3A : memref<!tpu.dma_semaphore, #tpu.memory_space<semaphore_mem>>)
      %dma_wait3A_107 = arith.constant 0 : i32
      %dma_wait3A_108 = tpu.memref_slice %arg8[%add3A_102, %dma_wait3A_107] : memref<20224x128xf32, #tpu.memory_space<hbm>> -> memref<632x128xf32, #tpu.memory_space<hbm>>
      %dma_wait3A_109 = arith.constant 0 : i32
      %dma_wait3A_110 = tpu.memref_slice %arg9[%mul3A_97, %dma_wait3A_109] : memref<10112x128xf32, #tpu.memory_space<vmem_shared>> -> memref<632x128xf32, #tpu.memory_space<vmem_shared>>
      tpu.wait_dma2 semaphore(%run_scoped3A : memref<!tpu.dma_semaphore, #tpu.memory_space<semaphore_mem>>) src(%dma_wait3A_110 : memref<632x128xf32, #tpu.memory_space<vmem_shared>>) dst(%dma_wait3A_108 : memref<632x128xf32, #tpu.memory_space<hbm>>)
      tpu.yield
    }) : () -> ()
    return
  }
}

#map = affine_map<(d0, d1) -> (0, 0)>
#map1 = affine_map<(d0, d1) -> (0, 0, 0, 0)>
#map2 = affine_map<(d0, d1) -> (0, 0, 0)>
module attributes {stable_mosaic.version = 14 : i64} {
  func.func @body(%arg0: i32, %arg1: i32, %arg2: memref<40000x128xf32, #tpu.memory_space<hbm>>, %arg3: memref<4x16x160x64xi32, #tpu.memory_space<hbm>>, %arg4: memref<16x160x64xi32, #tpu.memory_space<hbm>>, %arg5: memref<632x128xf32, #tpu.memory_space<hbm>>, %arg6: memref<40448x128xf32, #tpu.memory_space<hbm>>, %arg7: memref<10112x128xf32, #tpu.memory_space<vmem_shared>>, %arg8: memref<160x64xi32, #tpu.memory_space<vmem>>, %arg9: memref<4x64xi32, #tpu.memory_space<vmem>>, %arg10: memref<4x64xi32, #tpu.memory_space<vmem>>, %arg11: memref<64x128xf32, #tpu.memory_space<vmem>>, %arg12: memref<64x128xf32, #tpu.memory_space<vmem>>, %arg13: memref<!tpu.dma_semaphore, #tpu.memory_space<semaphore_mem>>, %arg14: memref<!tpu.dma_semaphore, #tpu.memory_space<semaphore_mem>>, %arg15: memref<!tpu.dma_semaphore, #tpu.memory_space<semaphore_mem>>, %arg16: memref<!tpu.dma_semaphore, #tpu.memory_space<semaphore_mem>>, %arg17: memref<!tpu.dma_semaphore, #tpu.memory_space<semaphore_mem>>, %arg18: memref<!tpu.dma_semaphore, #tpu.memory_space<semaphore_mem>>) attributes {dimension_semantics = [#tpu.dimension_semantics<core_parallel>, #tpu.dimension_semantics<subcore_parallel>], iteration_bounds = array<i64: 2, 16>, scalar_prefetch = 0 : i64, scratch_operands = 12 : i64, tpu.core_type = #tpu.core_type<sc_vector_subcore>, window_params = [{transform_indices = #map}, {transform_indices = #map1}, {transform_indices = #map2}, {transform_indices = #map}, {transform_indices = #map}]} {
    "tpu.region"() ({
      %run_scoped3A = tpu.sem_alloc : memref<!tpu.dma_semaphore, #tpu.memory_space<semaphore_mem>>
      %dma_start3A_122 = arith.constant 0 : i32
      %dma_start3A_123 = arith.constant 0 : i32
      %dma_start3A_124 = tpu.memref_slice %arg4[%arg1, %dma_start3A_122, %dma_start3A_123] : memref<16x160x64xi32, #tpu.memory_space<hbm>> -> memref<1x160x64xi32, #tpu.memory_space<hbm>>
      %dma_start3A_125 = tpu.memref_squeeze %dma_start3A_124 : memref<1x160x64xi32, #tpu.memory_space<hbm>> -> memref<160x64xi32, #tpu.memory_space<hbm>>
      %dma_start3A_126 = arith.constant 0 : i32
      %dma_start3A_127 = arith.constant 0 : i32
      %dma_start3A_128 = tpu.memref_slice %arg4[%arg1, %dma_start3A_126, %dma_start3A_127] : memref<16x160x64xi32, #tpu.memory_space<hbm>> -> memref<1x160x64xi32, #tpu.memory_space<hbm>>
      %dma_start3A_129 = tpu.memref_squeeze %dma_start3A_128 : memref<1x160x64xi32, #tpu.memory_space<hbm>> -> memref<160x64xi32, #tpu.memory_space<hbm>>
      tpu.enqueue_dma source(%dma_start3A_129 : memref<160x64xi32, #tpu.memory_space<hbm>>) target(%arg8 : memref<160x64xi32, #tpu.memory_space<vmem>>) target_semaphore(%run_scoped3A : memref<!tpu.dma_semaphore, #tpu.memory_space<semaphore_mem>>)
      %dma_wait3A_130 = arith.constant 0 : i32
      %dma_wait3A_131 = arith.constant 0 : i32
      %dma_wait3A_132 = tpu.memref_slice %arg4[%arg1, %dma_wait3A_130, %dma_wait3A_131] : memref<16x160x64xi32, #tpu.memory_space<hbm>> -> memref<1x160x64xi32, #tpu.memory_space<hbm>>
      %dma_wait3A_133 = tpu.memref_squeeze %dma_wait3A_132 : memref<1x160x64xi32, #tpu.memory_space<hbm>> -> memref<160x64xi32, #tpu.memory_space<hbm>>
      %dma_wait3A_134 = arith.constant 0 : i32
      %dma_wait3A_135 = arith.constant 0 : i32
      %dma_wait3A_136 = tpu.memref_slice %arg4[%arg1, %dma_wait3A_134, %dma_wait3A_135] : memref<16x160x64xi32, #tpu.memory_space<hbm>> -> memref<1x160x64xi32, #tpu.memory_space<hbm>>
      %dma_wait3A_137 = tpu.memref_squeeze %dma_wait3A_136 : memref<1x160x64xi32, #tpu.memory_space<hbm>> -> memref<160x64xi32, #tpu.memory_space<hbm>>
      tpu.wait_dma2 semaphore(%run_scoped3A : memref<!tpu.dma_semaphore, #tpu.memory_space<semaphore_mem>>) src(%dma_wait3A_137 : memref<160x64xi32, #tpu.memory_space<hbm>>) dst(%arg8 : memref<160x64xi32, #tpu.memory_space<vmem>>)
      tpu.yield
    }) : () -> ()
    %add3A = arith.constant 0 : i32
    %add3A_0 = arith.addi %add3A, %arg0 : i32
    %mul3A = arith.constant 632 : i32
    %mul3A_1 = arith.muli %arg1, %mul3A : i32
    "tpu.region"() ({
      %run_scoped3A = tpu.sem_alloc : memref<!tpu.dma_semaphore, #tpu.memory_space<semaphore_mem>>
      %dma_start3A_122 = arith.constant 0 : i32
      %dma_start3A_123 = tpu.memref_slice %arg7[%mul3A_1, %dma_start3A_122] : memref<10112x128xf32, #tpu.memory_space<vmem_shared>> -> memref<632x128xf32, #tpu.memory_space<vmem_shared>>
      tpu.enqueue_dma source(%arg5 : memref<632x128xf32, #tpu.memory_space<hbm>>) target(%dma_start3A_123 : memref<632x128xf32, #tpu.memory_space<vmem_shared>>) target_semaphore(%run_scoped3A : memref<!tpu.dma_semaphore, #tpu.memory_space<semaphore_mem>>)
      %dma_wait3A_124 = arith.constant 0 : i32
      %dma_wait3A_125 = tpu.memref_slice %arg7[%mul3A_1, %dma_wait3A_124] : memref<10112x128xf32, #tpu.memory_space<vmem_shared>> -> memref<632x128xf32, #tpu.memory_space<vmem_shared>>
      tpu.wait_dma2 semaphore(%run_scoped3A : memref<!tpu.dma_semaphore, #tpu.memory_space<semaphore_mem>>) src(%arg5 : memref<632x128xf32, #tpu.memory_space<hbm>>) dst(%dma_wait3A_125 : memref<632x128xf32, #tpu.memory_space<vmem_shared>>)
      tpu.yield
    }) : () -> ()
    "tpu.region"() ({
      %run_scoped3A = tpu.sem_alloc : memref<!tpu.dma_semaphore, #tpu.memory_space<semaphore_mem>>
      %dma_start3A_122 = arith.constant 0 : i32
      %dma_start3A_123 = arith.constant 0 : i32
      %dma_start3A_124 = tpu.memref_slice %arg3[%add3A_0, %arg1, %dma_start3A_122, %dma_start3A_123] : memref<4x16x160x64xi32, #tpu.memory_space<hbm>> -> memref<1x1x4x64xi32, #tpu.memory_space<hbm>>
      %dma_start3A_125 = tpu.memref_squeeze %dma_start3A_124 : memref<1x1x4x64xi32, #tpu.memory_space<hbm>> -> memref<4x64xi32, #tpu.memory_space<hbm>>
      %dma_start3A_126 = arith.constant 0 : i32
      %dma_start3A_127 = arith.constant 0 : i32
      %dma_start3A_128 = tpu.memref_slice %arg3[%add3A_0, %arg1, %dma_start3A_126, %dma_start3A_127] : memref<4x16x160x64xi32, #tpu.memory_space<hbm>> -> memref<1x1x4x64xi32, #tpu.memory_space<hbm>>
      %dma_start3A_129 = tpu.memref_squeeze %dma_start3A_128 : memref<1x1x4x64xi32, #tpu.memory_space<hbm>> -> memref<4x64xi32, #tpu.memory_space<hbm>>
      tpu.enqueue_dma source(%dma_start3A_129 : memref<4x64xi32, #tpu.memory_space<hbm>>) target(%arg9 : memref<4x64xi32, #tpu.memory_space<vmem>>) target_semaphore(%run_scoped3A : memref<!tpu.dma_semaphore, #tpu.memory_space<semaphore_mem>>)
      %dma_wait3A_130 = arith.constant 0 : i32
      %dma_wait3A_131 = arith.constant 0 : i32
      %dma_wait3A_132 = tpu.memref_slice %arg3[%add3A_0, %arg1, %dma_wait3A_130, %dma_wait3A_131] : memref<4x16x160x64xi32, #tpu.memory_space<hbm>> -> memref<1x1x4x64xi32, #tpu.memory_space<hbm>>
      %dma_wait3A_133 = tpu.memref_squeeze %dma_wait3A_132 : memref<1x1x4x64xi32, #tpu.memory_space<hbm>> -> memref<4x64xi32, #tpu.memory_space<hbm>>
      %dma_wait3A_134 = arith.constant 0 : i32
      %dma_wait3A_135 = arith.constant 0 : i32
      %dma_wait3A_136 = tpu.memref_slice %arg3[%add3A_0, %arg1, %dma_wait3A_134, %dma_wait3A_135] : memref<4x16x160x64xi32, #tpu.memory_space<hbm>> -> memref<1x1x4x64xi32, #tpu.memory_space<hbm>>
      %dma_wait3A_137 = tpu.memref_squeeze %dma_wait3A_136 : memref<1x1x4x64xi32, #tpu.memory_space<hbm>> -> memref<4x64xi32, #tpu.memory_space<hbm>>
      tpu.wait_dma2 semaphore(%run_scoped3A : memref<!tpu.dma_semaphore, #tpu.memory_space<semaphore_mem>>) src(%dma_wait3A_137 : memref<4x64xi32, #tpu.memory_space<hbm>>) dst(%arg9 : memref<4x64xi32, #tpu.memory_space<vmem>>)
      tpu.yield
    }) : () -> ()
    %dma_start3A = arith.constant 4 : i32
    %dma_start3A_2 = arith.constant 0 : i32
    %dma_start3A_3 = tpu.memref_slice %arg3[%add3A_0, %arg1, %dma_start3A, %dma_start3A_2] : memref<4x16x160x64xi32, #tpu.memory_space<hbm>> -> memref<1x1x4x64xi32, #tpu.memory_space<hbm>>
    %dma_start3A_4 = tpu.memref_squeeze %dma_start3A_3 : memref<1x1x4x64xi32, #tpu.memory_space<hbm>> -> memref<4x64xi32, #tpu.memory_space<hbm>>
    %dma_start3A_5 = arith.constant 4 : i32
    %dma_start3A_6 = arith.constant 0 : i32
    %dma_start3A_7 = tpu.memref_slice %arg3[%add3A_0, %arg1, %dma_start3A_5, %dma_start3A_6] : memref<4x16x160x64xi32, #tpu.memory_space<hbm>> -> memref<1x1x4x64xi32, #tpu.memory_space<hbm>>
    %dma_start3A_8 = tpu.memref_squeeze %dma_start3A_7 : memref<1x1x4x64xi32, #tpu.memory_space<hbm>> -> memref<4x64xi32, #tpu.memory_space<hbm>>
    tpu.enqueue_dma source(%dma_start3A_8 : memref<4x64xi32, #tpu.memory_space<hbm>>) target(%arg10 : memref<4x64xi32, #tpu.memory_space<vmem>>) target_semaphore(%arg14 : memref<!tpu.dma_semaphore, #tpu.memory_space<semaphore_mem>>)
    %barrier3A = arith.constant 0 : index
    tpu.barrier barrier_id(%barrier3A)
    %dma_start3A_9 = arith.constant 0 : i32
    %dma_start3A_10 = arith.constant 0 : i32
    %dma_start3A_11 = tpu.memref_slice %arg9[%dma_start3A_9, %dma_start3A_10] : memref<4x64xi32, #tpu.memory_space<vmem>> -> memref<1x64xi32, #tpu.memory_space<vmem>>
    %dma_start3A_12 = tpu.memref_squeeze %dma_start3A_11 : memref<1x64xi32, #tpu.memory_space<vmem>> -> memref<64xi32, #tpu.memory_space<vmem>>
    %dma_start3A_13 = arith.constant 0 : i32
    %dma_start3A_14 = arith.constant 0 : i32
    %dma_start3A_15 = tpu.memref_slice %arg2[%dma_start3A_13, %dma_start3A_14] : memref<40000x128xf32, #tpu.memory_space<hbm>> -> memref<40000x128xf32, #tpu.memory_space<hbm>>
    tpu.enqueue_indirect_dma source(%dma_start3A_15 : memref<40000x128xf32, #tpu.memory_space<hbm>>) target(%arg11 : memref<64x128xf32, #tpu.memory_space<vmem>>) offsets(%dma_start3A_12 : memref<64xi32, #tpu.memory_space<vmem>>) semaphore(%arg15 : memref<!tpu.dma_semaphore, #tpu.memory_space<semaphore_mem>>)
    %dma_start3A_16 = arith.constant 1 : i32
    %dma_start3A_17 = arith.constant 0 : i32
    %dma_start3A_18 = tpu.memref_slice %arg9[%dma_start3A_16, %dma_start3A_17] : memref<4x64xi32, #tpu.memory_space<vmem>> -> memref<1x64xi32, #tpu.memory_space<vmem>>
    %dma_start3A_19 = tpu.memref_squeeze %dma_start3A_18 : memref<1x64xi32, #tpu.memory_space<vmem>> -> memref<64xi32, #tpu.memory_space<vmem>>
    %dma_start3A_20 = arith.constant 0 : i32
    %dma_start3A_21 = arith.constant 0 : i32
    %dma_start3A_22 = tpu.memref_slice %arg2[%dma_start3A_20, %dma_start3A_21] : memref<40000x128xf32, #tpu.memory_space<hbm>> -> memref<40000x128xf32, #tpu.memory_space<hbm>>
    tpu.enqueue_indirect_dma source(%dma_start3A_22 : memref<40000x128xf32, #tpu.memory_space<hbm>>) target(%arg12 : memref<64x128xf32, #tpu.memory_space<vmem>>) offsets(%dma_start3A_19 : memref<64xi32, #tpu.memory_space<vmem>>) semaphore(%arg16 : memref<!tpu.dma_semaphore, #tpu.memory_space<semaphore_mem>>)
    %scan3A = arith.constant 0 : i32
    %scan3A_23 = arith.constant 0 : i32
    %scan3A_24 = arith.constant 20 : i32
    %scan3A_25 = arith.addi %scan3A_23, %scan3A_24 : i32
    %scan3A_26 = arith.constant 1 : i32
    scf.for %scan3A_122 = %scan3A_23 to %scan3A_25 step %scan3A_26  : i32 {
      %mul3A_123 = arith.constant 8 : i32
      %mul3A_124 = arith.muli %mul3A_123, %scan3A_122 : i32
      %add3A_125 = arith.constant 0 : i32
      %add3A_126 = arith.addi %mul3A_124, %add3A_125 : i32
      %dma_wait3A_127 = arith.constant 0 : i32
      %dma_wait3A_128 = arith.constant 0 : i32
      %dma_wait3A_129 = tpu.memref_slice %arg9[%dma_wait3A_127, %dma_wait3A_128] : memref<4x64xi32, #tpu.memory_space<vmem>> -> memref<1x64xi32, #tpu.memory_space<vmem>>
      %dma_wait3A_130 = tpu.memref_squeeze %dma_wait3A_129 : memref<1x64xi32, #tpu.memory_space<vmem>> -> memref<64xi32, #tpu.memory_space<vmem>>
      %dma_wait3A_131 = arith.constant 0 : i32
      %dma_wait3A_132 = arith.constant 0 : i32
      %dma_wait3A_133 = tpu.memref_slice %arg2[%dma_wait3A_131, %dma_wait3A_132] : memref<40000x128xf32, #tpu.memory_space<hbm>> -> memref<40000x128xf32, #tpu.memory_space<hbm>>
      tpu.wait_indirect_dma semaphore(%arg15 : memref<!tpu.dma_semaphore, #tpu.memory_space<semaphore_mem>>) src(%dma_wait3A_133 : memref<40000x128xf32, #tpu.memory_space<hbm>>) dst(%arg11 : memref<64x128xf32, #tpu.memory_space<vmem>>)
      %dma_start3A_134 = arith.constant 0 : i32
      %dma_start3A_135 = tpu.memref_slice %arg8[%add3A_126, %dma_start3A_134] : memref<160x64xi32, #tpu.memory_space<vmem>> -> memref<1x64xi32, #tpu.memory_space<vmem>>
      %dma_start3A_136 = tpu.memref_squeeze %dma_start3A_135 : memref<1x64xi32, #tpu.memory_space<vmem>> -> memref<64xi32, #tpu.memory_space<vmem>>
      %dma_start3A_137 = arith.constant 0 : i32
      %dma_start3A_138 = arith.constant 0 : i32
      %dma_start3A_139 = tpu.memref_slice %arg7[%dma_start3A_137, %dma_start3A_138] : memref<10112x128xf32, #tpu.memory_space<vmem_shared>> -> memref<10112x128xf32, #tpu.memory_space<vmem_shared>>
      tpu.enqueue_indirect_dma source(%arg11 : memref<64x128xf32, #tpu.memory_space<vmem>>) target(%dma_start3A_139 : memref<10112x128xf32, #tpu.memory_space<vmem_shared>>) offsets(%dma_start3A_136 : memref<64xi32, #tpu.memory_space<vmem>>) semaphore(%arg17 : memref<!tpu.dma_semaphore, #tpu.memory_space<semaphore_mem>>) {add = true}
      %dma_wait3A_140 = arith.constant 0 : i32
      %dma_wait3A_141 = tpu.memref_slice %arg8[%add3A_126, %dma_wait3A_140] : memref<160x64xi32, #tpu.memory_space<vmem>> -> memref<1x64xi32, #tpu.memory_space<vmem>>
      %dma_wait3A_142 = tpu.memref_squeeze %dma_wait3A_141 : memref<1x64xi32, #tpu.memory_space<vmem>> -> memref<64xi32, #tpu.memory_space<vmem>>
      %dma_wait3A_143 = arith.constant 0 : i32
      %dma_wait3A_144 = arith.constant 0 : i32
      %dma_wait3A_145 = tpu.memref_slice %arg7[%dma_wait3A_143, %dma_wait3A_144] : memref<10112x128xf32, #tpu.memory_space<vmem_shared>> -> memref<10112x128xf32, #tpu.memory_space<vmem_shared>>
      tpu.wait_indirect_dma semaphore(%arg17 : memref<!tpu.dma_semaphore, #tpu.memory_space<semaphore_mem>>) src(%arg11 : memref<64x128xf32, #tpu.memory_space<vmem>>) dst(%dma_wait3A_145 : memref<10112x128xf32, #tpu.memory_space<vmem_shared>>)
      %dma_start3A_146 = arith.constant 2 : i32
      %dma_start3A_147 = arith.constant 0 : i32
      %dma_start3A_148 = tpu.memref_slice %arg9[%dma_start3A_146, %dma_start3A_147] : memref<4x64xi32, #tpu.memory_space<vmem>> -> memref<1x64xi32, #tpu.memory_space<vmem>>
      %dma_start3A_149 = tpu.memref_squeeze %dma_start3A_148 : memref<1x64xi32, #tpu.memory_space<vmem>> -> memref<64xi32, #tpu.memory_space<vmem>>
      %dma_start3A_150 = arith.constant 0 : i32
      %dma_start3A_151 = arith.constant 0 : i32
      %dma_start3A_152 = tpu.memref_slice %arg2[%dma_start3A_150, %dma_start3A_151] : memref<40000x128xf32, #tpu.memory_space<hbm>> -> memref<40000x128xf32, #tpu.memory_space<hbm>>
      tpu.enqueue_indirect_dma source(%dma_start3A_152 : memref<40000x128xf32, #tpu.memory_space<hbm>>) target(%arg11 : memref<64x128xf32, #tpu.memory_space<vmem>>) offsets(%dma_start3A_149 : memref<64xi32, #tpu.memory_space<vmem>>) semaphore(%arg15 : memref<!tpu.dma_semaphore, #tpu.memory_space<semaphore_mem>>)
      %add3A_153 = arith.constant 1 : i32
      %add3A_154 = arith.addi %mul3A_124, %add3A_153 : i32
      %dma_wait3A_155 = arith.constant 0 : i32
      %dma_wait3A_156 = arith.constant 0 : i32
      %dma_wait3A_157 = tpu.memref_slice %arg9[%dma_wait3A_155, %dma_wait3A_156] : memref<4x64xi32, #tpu.memory_space<vmem>> -> memref<1x64xi32, #tpu.memory_space<vmem>>
      %dma_wait3A_158 = tpu.memref_squeeze %dma_wait3A_157 : memref<1x64xi32, #tpu.memory_space<vmem>> -> memref<64xi32, #tpu.memory_space<vmem>>
      %dma_wait3A_159 = arith.constant 0 : i32
      %dma_wait3A_160 = arith.constant 0 : i32
      %dma_wait3A_161 = tpu.memref_slice %arg2[%dma_wait3A_159, %dma_wait3A_160] : memref<40000x128xf32, #tpu.memory_space<hbm>> -> memref<40000x128xf32, #tpu.memory_space<hbm>>
      tpu.wait_indirect_dma semaphore(%arg16 : memref<!tpu.dma_semaphore, #tpu.memory_space<semaphore_mem>>) src(%dma_wait3A_161 : memref<40000x128xf32, #tpu.memory_space<hbm>>) dst(%arg12 : memref<64x128xf32, #tpu.memory_space<vmem>>)
      %dma_start3A_162 = arith.constant 0 : i32
      %dma_start3A_163 = tpu.memref_slice %arg8[%add3A_154, %dma_start3A_162] : memref<160x64xi32, #tpu.memory_space<vmem>> -> memref<1x64xi32, #tpu.memory_space<vmem>>
      %dma_start3A_164 = tpu.memref_squeeze %dma_start3A_163 : memref<1x64xi32, #tpu.memory_space<vmem>> -> memref<64xi32, #tpu.memory_space<vmem>>
      %dma_start3A_165 = arith.constant 0 : i32
      %dma_start3A_166 = arith.constant 0 : i32
      %dma_start3A_167 = tpu.memref_slice %arg7[%dma_start3A_165, %dma_start3A_166] : memref<10112x128xf32, #tpu.memory_space<vmem_shared>> -> memref<10112x128xf32, #tpu.memory_space<vmem_shared>>
      tpu.enqueue_indirect_dma source(%arg12 : memref<64x128xf32, #tpu.memory_space<vmem>>) target(%dma_start3A_167 : memref<10112x128xf32, #tpu.memory_space<vmem_shared>>) offsets(%dma_start3A_164 : memref<64xi32, #tpu.memory_space<vmem>>) semaphore(%arg18 : memref<!tpu.dma_semaphore, #tpu.memory_space<semaphore_mem>>) {add = true}
      %dma_wait3A_168 = arith.constant 0 : i32
      %dma_wait3A_169 = tpu.memref_slice %arg8[%add3A_154, %dma_wait3A_168] : memref<160x64xi32, #tpu.memory_space<vmem>> -> memref<1x64xi32, #tpu.memory_space<vmem>>
      %dma_wait3A_170 = tpu.memref_squeeze %dma_wait3A_169 : memref<1x64xi32, #tpu.memory_space<vmem>> -> memref<64xi32, #tpu.memory_space<vmem>>
      %dma_wait3A_171 = arith.constant 0 : i32
      %dma_wait3A_172 = arith.constant 0 : i32
      %dma_wait3A_173 = tpu.memref_slice %arg7[%dma_wait3A_171, %dma_wait3A_172] : memref<10112x128xf32, #tpu.memory_space<vmem_shared>> -> memref<10112x128xf32, #tpu.memory_space<vmem_shared>>
      tpu.wait_indirect_dma semaphore(%arg18 : memref<!tpu.dma_semaphore, #tpu.memory_space<semaphore_mem>>) src(%arg12 : memref<64x128xf32, #tpu.memory_space<vmem>>) dst(%dma_wait3A_173 : memref<10112x128xf32, #tpu.memory_space<vmem_shared>>)
      %dma_start3A_174 = arith.constant 3 : i32
      %dma_start3A_175 = arith.constant 0 : i32
      %dma_start3A_176 = tpu.memref_slice %arg9[%dma_start3A_174, %dma_start3A_175] : memref<4x64xi32, #tpu.memory_space<vmem>> -> memref<1x64xi32, #tpu.memory_space<vmem>>
      %dma_start3A_177 = tpu.memref_squeeze %dma_start3A_176 : memref<1x64xi32, #tpu.memory_space<vmem>> -> memref<64xi32, #tpu.memory_space<vmem>>
      %dma_start3A_178 = arith.constant 0 : i32
      %dma_start3A_179 = arith.constant 0 : i32
      %dma_start3A_180 = tpu.memref_slice %arg2[%dma_start3A_178, %dma_start3A_179] : memref<40000x128xf32, #tpu.memory_space<hbm>> -> memref<40000x128xf32, #tpu.memory_space<hbm>>
      tpu.enqueue_indirect_dma source(%dma_start3A_180 : memref<40000x128xf32, #tpu.memory_space<hbm>>) target(%arg12 : memref<64x128xf32, #tpu.memory_space<vmem>>) offsets(%dma_start3A_177 : memref<64xi32, #tpu.memory_space<vmem>>) semaphore(%arg16 : memref<!tpu.dma_semaphore, #tpu.memory_space<semaphore_mem>>)
      %add3A_181 = arith.constant 2 : i32
      %add3A_182 = arith.addi %mul3A_124, %add3A_181 : i32
      %dma_wait3A_183 = arith.constant 0 : i32
      %dma_wait3A_184 = arith.constant 0 : i32
      %dma_wait3A_185 = tpu.memref_slice %arg9[%dma_wait3A_183, %dma_wait3A_184] : memref<4x64xi32, #tpu.memory_space<vmem>> -> memref<1x64xi32, #tpu.memory_space<vmem>>
      %dma_wait3A_186 = tpu.memref_squeeze %dma_wait3A_185 : memref<1x64xi32, #tpu.memory_space<vmem>> -> memref<64xi32, #tpu.memory_space<vmem>>
      %dma_wait3A_187 = arith.constant 0 : i32
      %dma_wait3A_188 = arith.constant 0 : i32
      %dma_wait3A_189 = tpu.memref_slice %arg2[%dma_wait3A_187, %dma_wait3A_188] : memref<40000x128xf32, #tpu.memory_space<hbm>> -> memref<40000x128xf32, #tpu.memory_space<hbm>>
      tpu.wait_indirect_dma semaphore(%arg15 : memref<!tpu.dma_semaphore, #tpu.memory_space<semaphore_mem>>) src(%dma_wait3A_189 : memref<40000x128xf32, #tpu.memory_space<hbm>>) dst(%arg11 : memref<64x128xf32, #tpu.memory_space<vmem>>)
      %dma_start3A_190 = arith.constant 0 : i32
      %dma_start3A_191 = tpu.memref_slice %arg8[%add3A_182, %dma_start3A_190] : memref<160x64xi32, #tpu.memory_space<vmem>> -> memref<1x64xi32, #tpu.memory_space<vmem>>
      %dma_start3A_192 = tpu.memref_squeeze %dma_start3A_191 : memref<1x64xi32, #tpu.memory_space<vmem>> -> memref<64xi32, #tpu.memory_space<vmem>>
      %dma_start3A_193 = arith.constant 0 : i32
      %dma_start3A_194 = arith.constant 0 : i32
      %dma_start3A_195 = tpu.memref_slice %arg7[%dma_start3A_193, %dma_start3A_194] : memref<10112x128xf32, #tpu.memory_space<vmem_shared>> -> memref<10112x128xf32, #tpu.memory_space<vmem_shared>>
      tpu.enqueue_indirect_dma source(%arg11 : memref<64x128xf32, #tpu.memory_space<vmem>>) target(%dma_start3A_195 : memref<10112x128xf32, #tpu.memory_space<vmem_shared>>) offsets(%dma_start3A_192 : memref<64xi32, #tpu.memory_space<vmem>>) semaphore(%arg17 : memref<!tpu.dma_semaphore, #tpu.memory_space<semaphore_mem>>) {add = true}
      %dma_wait3A_196 = arith.constant 0 : i32
      %dma_wait3A_197 = arith.constant 0 : i32
      %dma_wait3A_198 = tpu.memref_slice %arg3[%add3A_0, %arg1, %dma_wait3A_196, %dma_wait3A_197] : memref<4x16x160x64xi32, #tpu.memory_space<hbm>> -> memref<1x1x4x64xi32, #tpu.memory_space<hbm>>
      %dma_wait3A_199 = tpu.memref_squeeze %dma_wait3A_198 : memref<1x1x4x64xi32, #tpu.memory_space<hbm>> -> memref<4x64xi32, #tpu.memory_space<hbm>>
      %dma_wait3A_200 = arith.constant 0 : i32
      %dma_wait3A_201 = arith.constant 0 : i32
      %dma_wait3A_202 = tpu.memref_slice %arg3[%add3A_0, %arg1, %dma_wait3A_200, %dma_wait3A_201] : memref<4x16x160x64xi32, #tpu.memory_space<hbm>> -> memref<1x1x4x64xi32, #tpu.memory_space<hbm>>
      %dma_wait3A_203 = tpu.memref_squeeze %dma_wait3A_202 : memref<1x1x4x64xi32, #tpu.memory_space<hbm>> -> memref<4x64xi32, #tpu.memory_space<hbm>>
      tpu.wait_dma2 semaphore(%arg14 : memref<!tpu.dma_semaphore, #tpu.memory_space<semaphore_mem>>) src(%dma_wait3A_203 : memref<4x64xi32, #tpu.memory_space<hbm>>) dst(%arg10 : memref<4x64xi32, #tpu.memory_space<vmem>>)
      %dma_wait3A_204 = arith.constant 0 : i32
      %dma_wait3A_205 = tpu.memref_slice %arg8[%add3A_182, %dma_wait3A_204] : memref<160x64xi32, #tpu.memory_space<vmem>> -> memref<1x64xi32, #tpu.memory_space<vmem>>
      %dma_wait3A_206 = tpu.memref_squeeze %dma_wait3A_205 : memref<1x64xi32, #tpu.memory_space<vmem>> -> memref<64xi32, #tpu.memory_space<vmem>>
      %dma_wait3A_207 = arith.constant 0 : i32
      %dma_wait3A_208 = arith.constant 0 : i32
      %dma_wait3A_209 = tpu.memref_slice %arg7[%dma_wait3A_207, %dma_wait3A_208] : memref<10112x128xf32, #tpu.memory_space<vmem_shared>> -> memref<10112x128xf32, #tpu.memory_space<vmem_shared>>
      tpu.wait_indirect_dma semaphore(%arg17 : memref<!tpu.dma_semaphore, #tpu.memory_space<semaphore_mem>>) src(%arg11 : memref<64x128xf32, #tpu.memory_space<vmem>>) dst(%dma_wait3A_209 : memref<10112x128xf32, #tpu.memory_space<vmem_shared>>)
      %dma_start3A_210 = arith.constant 0 : i32
      %dma_start3A_211 = arith.constant 0 : i32
      %dma_start3A_212 = tpu.memref_slice %arg10[%dma_start3A_210, %dma_start3A_211] : memref<4x64xi32, #tpu.memory_space<vmem>> -> memref<1x64xi32, #tpu.memory_space<vmem>>
      %dma_start3A_213 = tpu.memref_squeeze %dma_start3A_212 : memref<1x64xi32, #tpu.memory_space<vmem>> -> memref<64xi32, #tpu.memory_space<vmem>>
      %dma_start3A_214 = arith.constant 0 : i32
      %dma_start3A_215 = arith.constant 0 : i32
      %dma_start3A_216 = tpu.memref_slice %arg2[%dma_start3A_214, %dma_start3A_215] : memref<40000x128xf32, #tpu.memory_space<hbm>> -> memref<40000x128xf32, #tpu.memory_space<hbm>>
      tpu.enqueue_indirect_dma source(%dma_start3A_216 : memref<40000x128xf32, #tpu.memory_space<hbm>>) target(%arg11 : memref<64x128xf32, #tpu.memory_space<vmem>>) offsets(%dma_start3A_213 : memref<64xi32, #tpu.memory_space<vmem>>) semaphore(%arg15 : memref<!tpu.dma_semaphore, #tpu.memory_space<semaphore_mem>>)
      %add3A_217 = arith.constant 3 : i32
      %add3A_218 = arith.addi %mul3A_124, %add3A_217 : i32
      %dma_wait3A_219 = arith.constant 0 : i32
      %dma_wait3A_220 = arith.constant 0 : i32
      %dma_wait3A_221 = tpu.memref_slice %arg9[%dma_wait3A_219, %dma_wait3A_220] : memref<4x64xi32, #tpu.memory_space<vmem>> -> memref<1x64xi32, #tpu.memory_space<vmem>>
      %dma_wait3A_222 = tpu.memref_squeeze %dma_wait3A_221 : memref<1x64xi32, #tpu.memory_space<vmem>> -> memref<64xi32, #tpu.memory_space<vmem>>
      %dma_wait3A_223 = arith.constant 0 : i32
      %dma_wait3A_224 = arith.constant 0 : i32
      %dma_wait3A_225 = tpu.memref_slice %arg2[%dma_wait3A_223, %dma_wait3A_224] : memref<40000x128xf32, #tpu.memory_space<hbm>> -> memref<40000x128xf32, #tpu.memory_space<hbm>>
      tpu.wait_indirect_dma semaphore(%arg16 : memref<!tpu.dma_semaphore, #tpu.memory_space<semaphore_mem>>) src(%dma_wait3A_225 : memref<40000x128xf32, #tpu.memory_space<hbm>>) dst(%arg12 : memref<64x128xf32, #tpu.memory_space<vmem>>)
      %dma_start3A_226 = arith.constant 0 : i32
      %dma_start3A_227 = tpu.memref_slice %arg8[%add3A_218, %dma_start3A_226] : memref<160x64xi32, #tpu.memory_space<vmem>> -> memref<1x64xi32, #tpu.memory_space<vmem>>
      %dma_start3A_228 = tpu.memref_squeeze %dma_start3A_227 : memref<1x64xi32, #tpu.memory_space<vmem>> -> memref<64xi32, #tpu.memory_space<vmem>>
      %dma_start3A_229 = arith.constant 0 : i32
      %dma_start3A_230 = arith.constant 0 : i32
      %dma_start3A_231 = tpu.memref_slice %arg7[%dma_start3A_229, %dma_start3A_230] : memref<10112x128xf32, #tpu.memory_space<vmem_shared>> -> memref<10112x128xf32, #tpu.memory_space<vmem_shared>>
      tpu.enqueue_indirect_dma source(%arg12 : memref<64x128xf32, #tpu.memory_space<vmem>>) target(%dma_start3A_231 : memref<10112x128xf32, #tpu.memory_space<vmem_shared>>) offsets(%dma_start3A_228 : memref<64xi32, #tpu.memory_space<vmem>>) semaphore(%arg18 : memref<!tpu.dma_semaphore, #tpu.memory_space<semaphore_mem>>) {add = true}
      %add3A_232 = arith.constant 8 : i32
      %add3A_233 = arith.addi %mul3A_124, %add3A_232 : i32
      %min3A = arith.constant 156 : i32
      %min3A_234 = arith.minsi %add3A_233, %min3A : i32
      %dma_start3A_235 = arith.constant 0 : i32
      %dma_start3A_236 = tpu.memref_slice %arg3[%add3A_0, %arg1, %min3A_234, %dma_start3A_235] : memref<4x16x160x64xi32, #tpu.memory_space<hbm>> -> memref<1x1x4x64xi32, #tpu.memory_space<hbm>>
      %dma_start3A_237 = tpu.memref_squeeze %dma_start3A_236 : memref<1x1x4x64xi32, #tpu.memory_space<hbm>> -> memref<4x64xi32, #tpu.memory_space<hbm>>
      %dma_start3A_238 = arith.constant 0 : i32
      %dma_start3A_239 = tpu.memref_slice %arg3[%add3A_0, %arg1, %min3A_234, %dma_start3A_238] : memref<4x16x160x64xi32, #tpu.memory_space<hbm>> -> memref<1x1x4x64xi32, #tpu.memory_space<hbm>>
      %dma_start3A_240 = tpu.memref_squeeze %dma_start3A_239 : memref<1x1x4x64xi32, #tpu.memory_space<hbm>> -> memref<4x64xi32, #tpu.memory_space<hbm>>
      tpu.enqueue_dma source(%dma_start3A_240 : memref<4x64xi32, #tpu.memory_space<hbm>>) target(%arg9 : memref<4x64xi32, #tpu.memory_space<vmem>>) target_semaphore(%arg13 : memref<!tpu.dma_semaphore, #tpu.memory_space<semaphore_mem>>)
      %dma_wait3A_241 = arith.constant 0 : i32
      %dma_wait3A_242 = tpu.memref_slice %arg8[%add3A_218, %dma_wait3A_241] : memref<160x64xi32, #tpu.memory_space<vmem>> -> memref<1x64xi32, #tpu.memory_space<vmem>>
      %dma_wait3A_243 = tpu.memref_squeeze %dma_wait3A_242 : memref<1x64xi32, #tpu.memory_space<vmem>> -> memref<64xi32, #tpu.memory_space<vmem>>
      %dma_wait3A_244 = arith.constant 0 : i32
      %dma_wait3A_245 = arith.constant 0 : i32
      %dma_wait3A_246 = tpu.memref_slice %arg7[%dma_wait3A_244, %dma_wait3A_245] : memref<10112x128xf32, #tpu.memory_space<vmem_shared>> -> memref<10112x128xf32, #tpu.memory_space<vmem_shared>>
      tpu.wait_indirect_dma semaphore(%arg18 : memref<!tpu.dma_semaphore, #tpu.memory_space<semaphore_mem>>) src(%arg12 : memref<64x128xf32, #tpu.memory_space<vmem>>) dst(%dma_wait3A_246 : memref<10112x128xf32, #tpu.memory_space<vmem_shared>>)
      %dma_start3A_247 = arith.constant 1 : i32
      %dma_start3A_248 = arith.constant 0 : i32
      %dma_start3A_249 = tpu.memref_slice %arg10[%dma_start3A_247, %dma_start3A_248] : memref<4x64xi32, #tpu.memory_space<vmem>> -> memref<1x64xi32, #tpu.memory_space<vmem>>
      %dma_start3A_250 = tpu.memref_squeeze %dma_start3A_249 : memref<1x64xi32, #tpu.memory_space<vmem>> -> memref<64xi32, #tpu.memory_space<vmem>>
      %dma_start3A_251 = arith.constant 0 : i32
      %dma_start3A_252 = arith.constant 0 : i32
      %dma_start3A_253 = tpu.memref_slice %arg2[%dma_start3A_251, %dma_start3A_252] : memref<40000x128xf32, #tpu.memory_space<hbm>> -> memref<40000x128xf32, #tpu.memory_space<hbm>>
      tpu.enqueue_indirect_dma source(%dma_start3A_253 : memref<40000x128xf32, #tpu.memory_space<hbm>>) target(%arg12 : memref<64x128xf32, #tpu.memory_space<vmem>>) offsets(%dma_start3A_250 : memref<64xi32, #tpu.memory_space<vmem>>) semaphore(%arg16 : memref<!tpu.dma_semaphore, #tpu.memory_space<semaphore_mem>>)
      %add3A_254 = arith.constant 4 : i32
      %add3A_255 = arith.addi %mul3A_124, %add3A_254 : i32
      %dma_wait3A_256 = arith.constant 0 : i32
      %dma_wait3A_257 = arith.constant 0 : i32
      %dma_wait3A_258 = tpu.memref_slice %arg9[%dma_wait3A_256, %dma_wait3A_257] : memref<4x64xi32, #tpu.memory_space<vmem>> -> memref<1x64xi32, #tpu.memory_space<vmem>>
      %dma_wait3A_259 = tpu.memref_squeeze %dma_wait3A_258 : memref<1x64xi32, #tpu.memory_space<vmem>> -> memref<64xi32, #tpu.memory_space<vmem>>
      %dma_wait3A_260 = arith.constant 0 : i32
      %dma_wait3A_261 = arith.constant 0 : i32
      %dma_wait3A_262 = tpu.memref_slice %arg2[%dma_wait3A_260, %dma_wait3A_261] : memref<40000x128xf32, #tpu.memory_space<hbm>> -> memref<40000x128xf32, #tpu.memory_space<hbm>>
      tpu.wait_indirect_dma semaphore(%arg15 : memref<!tpu.dma_semaphore, #tpu.memory_space<semaphore_mem>>) src(%dma_wait3A_262 : memref<40000x128xf32, #tpu.memory_space<hbm>>) dst(%arg11 : memref<64x128xf32, #tpu.memory_space<vmem>>)
      %dma_start3A_263 = arith.constant 0 : i32
      %dma_start3A_264 = tpu.memref_slice %arg8[%add3A_255, %dma_start3A_263] : memref<160x64xi32, #tpu.memory_space<vmem>> -> memref<1x64xi32, #tpu.memory_space<vmem>>
      %dma_start3A_265 = tpu.memref_squeeze %dma_start3A_264 : memref<1x64xi32, #tpu.memory_space<vmem>> -> memref<64xi32, #tpu.memory_space<vmem>>
      %dma_start3A_266 = arith.constant 0 : i32
      %dma_start3A_267 = arith.constant 0 : i32
      %dma_start3A_268 = tpu.memref_slice %arg7[%dma_start3A_266, %dma_start3A_267] : memref<10112x128xf32, #tpu.memory_space<vmem_shared>> -> memref<10112x128xf32, #tpu.memory_space<vmem_shared>>
      tpu.enqueue_indirect_dma source(%arg11 : memref<64x128xf32, #tpu.memory_space<vmem>>) target(%dma_start3A_268 : memref<10112x128xf32, #tpu.memory_space<vmem_shared>>) offsets(%dma_start3A_265 : memref<64xi32, #tpu.memory_space<vmem>>) semaphore(%arg17 : memref<!tpu.dma_semaphore, #tpu.memory_space<semaphore_mem>>) {add = true}
      %dma_wait3A_269 = arith.constant 0 : i32
      %dma_wait3A_270 = tpu.memref_slice %arg8[%add3A_255, %dma_wait3A_269] : memref<160x64xi32, #tpu.memory_space<vmem>> -> memref<1x64xi32, #tpu.memory_space<vmem>>
      %dma_wait3A_271 = tpu.memref_squeeze %dma_wait3A_270 : memref<1x64xi32, #tpu.memory_space<vmem>> -> memref<64xi32, #tpu.memory_space<vmem>>
      %dma_wait3A_272 = arith.constant 0 : i32
      %dma_wait3A_273 = arith.constant 0 : i32
      %dma_wait3A_274 = tpu.memref_slice %arg7[%dma_wait3A_272, %dma_wait3A_273] : memref<10112x128xf32, #tpu.memory_space<vmem_shared>> -> memref<10112x128xf32, #tpu.memory_space<vmem_shared>>
      tpu.wait_indirect_dma semaphore(%arg17 : memref<!tpu.dma_semaphore, #tpu.memory_space<semaphore_mem>>) src(%arg11 : memref<64x128xf32, #tpu.memory_space<vmem>>) dst(%dma_wait3A_274 : memref<10112x128xf32, #tpu.memory_space<vmem_shared>>)
      %dma_start3A_275 = arith.constant 2 : i32
      %dma_start3A_276 = arith.constant 0 : i32
      %dma_start3A_277 = tpu.memref_slice %arg10[%dma_start3A_275, %dma_start3A_276] : memref<4x64xi32, #tpu.memory_space<vmem>> -> memref<1x64xi32, #tpu.memory_space<vmem>>
      %dma_start3A_278 = tpu.memref_squeeze %dma_start3A_277 : memref<1x64xi32, #tpu.memory_space<vmem>> -> memref<64xi32, #tpu.memory_space<vmem>>
      %dma_start3A_279 = arith.constant 0 : i32
      %dma_start3A_280 = arith.constant 0 : i32
      %dma_start3A_281 = tpu.memref_slice %arg2[%dma_start3A_279, %dma_start3A_280] : memref<40000x128xf32, #tpu.memory_space<hbm>> -> memref<40000x128xf32, #tpu.memory_space<hbm>>
      tpu.enqueue_indirect_dma source(%dma_start3A_281 : memref<40000x128xf32, #tpu.memory_space<hbm>>) target(%arg11 : memref<64x128xf32, #tpu.memory_space<vmem>>) offsets(%dma_start3A_278 : memref<64xi32, #tpu.memory_space<vmem>>) semaphore(%arg15 : memref<!tpu.dma_semaphore, #tpu.memory_space<semaphore_mem>>)
      %add3A_282 = arith.constant 5 : i32
      %add3A_283 = arith.addi %mul3A_124, %add3A_282 : i32
      %dma_wait3A_284 = arith.constant 0 : i32
      %dma_wait3A_285 = arith.constant 0 : i32
      %dma_wait3A_286 = tpu.memref_slice %arg9[%dma_wait3A_284, %dma_wait3A_285] : memref<4x64xi32, #tpu.memory_space<vmem>> -> memref<1x64xi32, #tpu.memory_space<vmem>>
      %dma_wait3A_287 = tpu.memref_squeeze %dma_wait3A_286 : memref<1x64xi32, #tpu.memory_space<vmem>> -> memref<64xi32, #tpu.memory_space<vmem>>
      %dma_wait3A_288 = arith.constant 0 : i32
      %dma_wait3A_289 = arith.constant 0 : i32
      %dma_wait3A_290 = tpu.memref_slice %arg2[%dma_wait3A_288, %dma_wait3A_289] : memref<40000x128xf32, #tpu.memory_space<hbm>> -> memref<40000x128xf32, #tpu.memory_space<hbm>>
      tpu.wait_indirect_dma semaphore(%arg16 : memref<!tpu.dma_semaphore, #tpu.memory_space<semaphore_mem>>) src(%dma_wait3A_290 : memref<40000x128xf32, #tpu.memory_space<hbm>>) dst(%arg12 : memref<64x128xf32, #tpu.memory_space<vmem>>)
      %dma_start3A_291 = arith.constant 0 : i32
      %dma_start3A_292 = tpu.memref_slice %arg8[%add3A_283, %dma_start3A_291] : memref<160x64xi32, #tpu.memory_space<vmem>> -> memref<1x64xi32, #tpu.memory_space<vmem>>
      %dma_start3A_293 = tpu.memref_squeeze %dma_start3A_292 : memref<1x64xi32, #tpu.memory_space<vmem>> -> memref<64xi32, #tpu.memory_space<vmem>>
      %dma_start3A_294 = arith.constant 0 : i32
      %dma_start3A_295 = arith.constant 0 : i32
      %dma_start3A_296 = tpu.memref_slice %arg7[%dma_start3A_294, %dma_start3A_295] : memref<10112x128xf32, #tpu.memory_space<vmem_shared>> -> memref<10112x128xf32, #tpu.memory_space<vmem_shared>>
      tpu.enqueue_indirect_dma source(%arg12 : memref<64x128xf32, #tpu.memory_space<vmem>>) target(%dma_start3A_296 : memref<10112x128xf32, #tpu.memory_space<vmem_shared>>) offsets(%dma_start3A_293 : memref<64xi32, #tpu.memory_space<vmem>>) semaphore(%arg18 : memref<!tpu.dma_semaphore, #tpu.memory_space<semaphore_mem>>) {add = true}
      %dma_wait3A_297 = arith.constant 0 : i32
      %dma_wait3A_298 = tpu.memref_slice %arg8[%add3A_283, %dma_wait3A_297] : memref<160x64xi32, #tpu.memory_space<vmem>> -> memref<1x64xi32, #tpu.memory_space<vmem>>
      %dma_wait3A_299 = tpu.memref_squeeze %dma_wait3A_298 : memref<1x64xi32, #tpu.memory_space<vmem>> -> memref<64xi32, #tpu.memory_space<vmem>>
      %dma_wait3A_300 = arith.constant 0 : i32
      %dma_wait3A_301 = arith.constant 0 : i32
      %dma_wait3A_302 = tpu.memref_slice %arg7[%dma_wait3A_300, %dma_wait3A_301] : memref<10112x128xf32, #tpu.memory_space<vmem_shared>> -> memref<10112x128xf32, #tpu.memory_space<vmem_shared>>
      tpu.wait_indirect_dma semaphore(%arg18 : memref<!tpu.dma_semaphore, #tpu.memory_space<semaphore_mem>>) src(%arg12 : memref<64x128xf32, #tpu.memory_space<vmem>>) dst(%dma_wait3A_302 : memref<10112x128xf32, #tpu.memory_space<vmem_shared>>)
      %dma_start3A_303 = arith.constant 3 : i32
      %dma_start3A_304 = arith.constant 0 : i32
      %dma_start3A_305 = tpu.memref_slice %arg10[%dma_start3A_303, %dma_start3A_304] : memref<4x64xi32, #tpu.memory_space<vmem>> -> memref<1x64xi32, #tpu.memory_space<vmem>>
      %dma_start3A_306 = tpu.memref_squeeze %dma_start3A_305 : memref<1x64xi32, #tpu.memory_space<vmem>> -> memref<64xi32, #tpu.memory_space<vmem>>
      %dma_start3A_307 = arith.constant 0 : i32
      %dma_start3A_308 = arith.constant 0 : i32
      %dma_start3A_309 = tpu.memref_slice %arg2[%dma_start3A_307, %dma_start3A_308] : memref<40000x128xf32, #tpu.memory_space<hbm>> -> memref<40000x128xf32, #tpu.memory_space<hbm>>
      tpu.enqueue_indirect_dma source(%dma_start3A_309 : memref<40000x128xf32, #tpu.memory_space<hbm>>) target(%arg12 : memref<64x128xf32, #tpu.memory_space<vmem>>) offsets(%dma_start3A_306 : memref<64xi32, #tpu.memory_space<vmem>>) semaphore(%arg16 : memref<!tpu.dma_semaphore, #tpu.memory_space<semaphore_mem>>)
      %add3A_310 = arith.constant 6 : i32
      %add3A_311 = arith.addi %mul3A_124, %add3A_310 : i32
      %dma_wait3A_312 = arith.constant 0 : i32
      %dma_wait3A_313 = arith.constant 0 : i32
      %dma_wait3A_314 = tpu.memref_slice %arg9[%dma_wait3A_312, %dma_wait3A_313] : memref<4x64xi32, #tpu.memory_space<vmem>> -> memref<1x64xi32, #tpu.memory_space<vmem>>
      %dma_wait3A_315 = tpu.memref_squeeze %dma_wait3A_314 : memref<1x64xi32, #tpu.memory_space<vmem>> -> memref<64xi32, #tpu.memory_space<vmem>>
      %dma_wait3A_316 = arith.constant 0 : i32
      %dma_wait3A_317 = arith.constant 0 : i32
      %dma_wait3A_318 = tpu.memref_slice %arg2[%dma_wait3A_316, %dma_wait3A_317] : memref<40000x128xf32, #tpu.memory_space<hbm>> -> memref<40000x128xf32, #tpu.memory_space<hbm>>
      tpu.wait_indirect_dma semaphore(%arg15 : memref<!tpu.dma_semaphore, #tpu.memory_space<semaphore_mem>>) src(%dma_wait3A_318 : memref<40000x128xf32, #tpu.memory_space<hbm>>) dst(%arg11 : memref<64x128xf32, #tpu.memory_space<vmem>>)
      %dma_start3A_319 = arith.constant 0 : i32
      %dma_start3A_320 = tpu.memref_slice %arg8[%add3A_311, %dma_start3A_319] : memref<160x64xi32, #tpu.memory_space<vmem>> -> memref<1x64xi32, #tpu.memory_space<vmem>>
      %dma_start3A_321 = tpu.memref_squeeze %dma_start3A_320 : memref<1x64xi32, #tpu.memory_space<vmem>> -> memref<64xi32, #tpu.memory_space<vmem>>
      %dma_start3A_322 = arith.constant 0 : i32
      %dma_start3A_323 = arith.constant 0 : i32
      %dma_start3A_324 = tpu.memref_slice %arg7[%dma_start3A_322, %dma_start3A_323] : memref<10112x128xf32, #tpu.memory_space<vmem_shared>> -> memref<10112x128xf32, #tpu.memory_space<vmem_shared>>
      tpu.enqueue_indirect_dma source(%arg11 : memref<64x128xf32, #tpu.memory_space<vmem>>) target(%dma_start3A_324 : memref<10112x128xf32, #tpu.memory_space<vmem_shared>>) offsets(%dma_start3A_321 : memref<64xi32, #tpu.memory_space<vmem>>) semaphore(%arg17 : memref<!tpu.dma_semaphore, #tpu.memory_space<semaphore_mem>>) {add = true}
      %dma_wait3A_325 = arith.constant 0 : i32
      %dma_wait3A_326 = arith.constant 0 : i32
      %dma_wait3A_327 = tpu.memref_slice %arg3[%add3A_0, %arg1, %dma_wait3A_325, %dma_wait3A_326] : memref<4x16x160x64xi32, #tpu.memory_space<hbm>> -> memref<1x1x4x64xi32, #tpu.memory_space<hbm>>
      %dma_wait3A_328 = tpu.memref_squeeze %dma_wait3A_327 : memref<1x1x4x64xi32, #tpu.memory_space<hbm>> -> memref<4x64xi32, #tpu.memory_space<hbm>>
      %dma_wait3A_329 = arith.constant 0 : i32
      %dma_wait3A_330 = arith.constant 0 : i32
      %dma_wait3A_331 = tpu.memref_slice %arg3[%add3A_0, %arg1, %dma_wait3A_329, %dma_wait3A_330] : memref<4x16x160x64xi32, #tpu.memory_space<hbm>> -> memref<1x1x4x64xi32, #tpu.memory_space<hbm>>
      %dma_wait3A_332 = tpu.memref_squeeze %dma_wait3A_331 : memref<1x1x4x64xi32, #tpu.memory_space<hbm>> -> memref<4x64xi32, #tpu.memory_space<hbm>>
      tpu.wait_dma2 semaphore(%arg13 : memref<!tpu.dma_semaphore, #tpu.memory_space<semaphore_mem>>) src(%dma_wait3A_332 : memref<4x64xi32, #tpu.memory_space<hbm>>) dst(%arg9 : memref<4x64xi32, #tpu.memory_space<vmem>>)
      %dma_wait3A_333 = arith.constant 0 : i32
      %dma_wait3A_334 = tpu.memref_slice %arg8[%add3A_311, %dma_wait3A_333] : memref<160x64xi32, #tpu.memory_space<vmem>> -> memref<1x64xi32, #tpu.memory_space<vmem>>
      %dma_wait3A_335 = tpu.memref_squeeze %dma_wait3A_334 : memref<1x64xi32, #tpu.memory_space<vmem>> -> memref<64xi32, #tpu.memory_space<vmem>>
      %dma_wait3A_336 = arith.constant 0 : i32
      %dma_wait3A_337 = arith.constant 0 : i32
      %dma_wait3A_338 = tpu.memref_slice %arg7[%dma_wait3A_336, %dma_wait3A_337] : memref<10112x128xf32, #tpu.memory_space<vmem_shared>> -> memref<10112x128xf32, #tpu.memory_space<vmem_shared>>
      tpu.wait_indirect_dma semaphore(%arg17 : memref<!tpu.dma_semaphore, #tpu.memory_space<semaphore_mem>>) src(%arg11 : memref<64x128xf32, #tpu.memory_space<vmem>>) dst(%dma_wait3A_338 : memref<10112x128xf32, #tpu.memory_space<vmem_shared>>)
      %dma_start3A_339 = arith.constant 0 : i32
      %dma_start3A_340 = arith.constant 0 : i32
      %dma_start3A_341 = tpu.memref_slice %arg9[%dma_start3A_339, %dma_start3A_340] : memref<4x64xi32, #tpu.memory_space<vmem>> -> memref<1x64xi32, #tpu.memory_space<vmem>>
      %dma_start3A_342 = tpu.memref_squeeze %dma_start3A_341 : memref<1x64xi32, #tpu.memory_space<vmem>> -> memref<64xi32, #tpu.memory_space<vmem>>
      %dma_start3A_343 = arith.constant 0 : i32
      %dma_start3A_344 = arith.constant 0 : i32
      %dma_start3A_345 = tpu.memref_slice %arg2[%dma_start3A_343, %dma_start3A_344] : memref<40000x128xf32, #tpu.memory_space<hbm>> -> memref<40000x128xf32, #tpu.memory_space<hbm>>
      tpu.enqueue_indirect_dma source(%dma_start3A_345 : memref<40000x128xf32, #tpu.memory_space<hbm>>) target(%arg11 : memref<64x128xf32, #tpu.memory_space<vmem>>) offsets(%dma_start3A_342 : memref<64xi32, #tpu.memory_space<vmem>>) semaphore(%arg15 : memref<!tpu.dma_semaphore, #tpu.memory_space<semaphore_mem>>)
      %add3A_346 = arith.constant 7 : i32
      %add3A_347 = arith.addi %mul3A_124, %add3A_346 : i32
      %dma_wait3A_348 = arith.constant 0 : i32
      %dma_wait3A_349 = arith.constant 0 : i32
      %dma_wait3A_350 = tpu.memref_slice %arg9[%dma_wait3A_348, %dma_wait3A_349] : memref<4x64xi32, #tpu.memory_space<vmem>> -> memref<1x64xi32, #tpu.memory_space<vmem>>
      %dma_wait3A_351 = tpu.memref_squeeze %dma_wait3A_350 : memref<1x64xi32, #tpu.memory_space<vmem>> -> memref<64xi32, #tpu.memory_space<vmem>>
      %dma_wait3A_352 = arith.constant 0 : i32
      %dma_wait3A_353 = arith.constant 0 : i32
      %dma_wait3A_354 = tpu.memref_slice %arg2[%dma_wait3A_352, %dma_wait3A_353] : memref<40000x128xf32, #tpu.memory_space<hbm>> -> memref<40000x128xf32, #tpu.memory_space<hbm>>
      tpu.wait_indirect_dma semaphore(%arg16 : memref<!tpu.dma_semaphore, #tpu.memory_space<semaphore_mem>>) src(%dma_wait3A_354 : memref<40000x128xf32, #tpu.memory_space<hbm>>) dst(%arg12 : memref<64x128xf32, #tpu.memory_space<vmem>>)
      %dma_start3A_355 = arith.constant 0 : i32
      %dma_start3A_356 = tpu.memref_slice %arg8[%add3A_347, %dma_start3A_355] : memref<160x64xi32, #tpu.memory_space<vmem>> -> memref<1x64xi32, #tpu.memory_space<vmem>>
      %dma_start3A_357 = tpu.memref_squeeze %dma_start3A_356 : memref<1x64xi32, #tpu.memory_space<vmem>> -> memref<64xi32, #tpu.memory_space<vmem>>
      %dma_start3A_358 = arith.constant 0 : i32
      %dma_start3A_359 = arith.constant 0 : i32
      %dma_start3A_360 = tpu.memref_slice %arg7[%dma_start3A_358, %dma_start3A_359] : memref<10112x128xf32, #tpu.memory_space<vmem_shared>> -> memref<10112x128xf32, #tpu.memory_space<vmem_shared>>
      tpu.enqueue_indirect_dma source(%arg12 : memref<64x128xf32, #tpu.memory_space<vmem>>) target(%dma_start3A_360 : memref<10112x128xf32, #tpu.memory_space<vmem_shared>>) offsets(%dma_start3A_357 : memref<64xi32, #tpu.memory_space<vmem>>) semaphore(%arg18 : memref<!tpu.dma_semaphore, #tpu.memory_space<semaphore_mem>>) {add = true}
      %add3A_361 = arith.constant 12 : i32
      %add3A_362 = arith.addi %mul3A_124, %add3A_361 : i32
      %min3A_363 = arith.constant 156 : i32
      %min3A_364 = arith.minsi %add3A_362, %min3A_363 : i32
      %dma_start3A_365 = arith.constant 0 : i32
      %dma_start3A_366 = tpu.memref_slice %arg3[%add3A_0, %arg1, %min3A_364, %dma_start3A_365] : memref<4x16x160x64xi32, #tpu.memory_space<hbm>> -> memref<1x1x4x64xi32, #tpu.memory_space<hbm>>
      %dma_start3A_367 = tpu.memref_squeeze %dma_start3A_366 : memref<1x1x4x64xi32, #tpu.memory_space<hbm>> -> memref<4x64xi32, #tpu.memory_space<hbm>>
      %dma_start3A_368 = arith.constant 0 : i32
      %dma_start3A_369 = tpu.memref_slice %arg3[%add3A_0, %arg1, %min3A_364, %dma_start3A_368] : memref<4x16x160x64xi32, #tpu.memory_space<hbm>> -> memref<1x1x4x64xi32, #tpu.memory_space<hbm>>
      %dma_start3A_370 = tpu.memref_squeeze %dma_start3A_369 : memref<1x1x4x64xi32, #tpu.memory_space<hbm>> -> memref<4x64xi32, #tpu.memory_space<hbm>>
      tpu.enqueue_dma source(%dma_start3A_370 : memref<4x64xi32, #tpu.memory_space<hbm>>) target(%arg10 : memref<4x64xi32, #tpu.memory_space<vmem>>) target_semaphore(%arg14 : memref<!tpu.dma_semaphore, #tpu.memory_space<semaphore_mem>>)
      %dma_wait3A_371 = arith.constant 0 : i32
      %dma_wait3A_372 = tpu.memref_slice %arg8[%add3A_347, %dma_wait3A_371] : memref<160x64xi32, #tpu.memory_space<vmem>> -> memref<1x64xi32, #tpu.memory_space<vmem>>
      %dma_wait3A_373 = tpu.memref_squeeze %dma_wait3A_372 : memref<1x64xi32, #tpu.memory_space<vmem>> -> memref<64xi32, #tpu.memory_space<vmem>>
      %dma_wait3A_374 = arith.constant 0 : i32
      %dma_wait3A_375 = arith.constant 0 : i32
      %dma_wait3A_376 = tpu.memref_slice %arg7[%dma_wait3A_374, %dma_wait3A_375] : memref<10112x128xf32, #tpu.memory_space<vmem_shared>> -> memref<10112x128xf32, #tpu.memory_space<vmem_shared>>
      tpu.wait_indirect_dma semaphore(%arg18 : memref<!tpu.dma_semaphore, #tpu.memory_space<semaphore_mem>>) src(%arg12 : memref<64x128xf32, #tpu.memory_space<vmem>>) dst(%dma_wait3A_376 : memref<10112x128xf32, #tpu.memory_space<vmem_shared>>)
      %dma_start3A_377 = arith.constant 1 : i32
      %dma_start3A_378 = arith.constant 0 : i32
      %dma_start3A_379 = tpu.memref_slice %arg9[%dma_start3A_377, %dma_start3A_378] : memref<4x64xi32, #tpu.memory_space<vmem>> -> memref<1x64xi32, #tpu.memory_space<vmem>>
      %dma_start3A_380 = tpu.memref_squeeze %dma_start3A_379 : memref<1x64xi32, #tpu.memory_space<vmem>> -> memref<64xi32, #tpu.memory_space<vmem>>
      %dma_start3A_381 = arith.constant 0 : i32
      %dma_start3A_382 = arith.constant 0 : i32
      %dma_start3A_383 = tpu.memref_slice %arg2[%dma_start3A_381, %dma_start3A_382] : memref<40000x128xf32, #tpu.memory_space<hbm>> -> memref<40000x128xf32, #tpu.memory_space<hbm>>
      tpu.enqueue_indirect_dma source(%dma_start3A_383 : memref<40000x128xf32, #tpu.memory_space<hbm>>) target(%arg12 : memref<64x128xf32, #tpu.memory_space<vmem>>) offsets(%dma_start3A_380 : memref<64xi32, #tpu.memory_space<vmem>>) semaphore(%arg16 : memref<!tpu.dma_semaphore, #tpu.memory_space<semaphore_mem>>)
    }
    %scan3A_27 = arith.constant 20 : i32
    %dma_wait3A = arith.constant 0 : i32
    %dma_wait3A_28 = arith.constant 0 : i32
    %dma_wait3A_29 = tpu.memref_slice %arg9[%dma_wait3A, %dma_wait3A_28] : memref<4x64xi32, #tpu.memory_space<vmem>> -> memref<1x64xi32, #tpu.memory_space<vmem>>
    %dma_wait3A_30 = tpu.memref_squeeze %dma_wait3A_29 : memref<1x64xi32, #tpu.memory_space<vmem>> -> memref<64xi32, #tpu.memory_space<vmem>>
    %dma_wait3A_31 = arith.constant 0 : i32
    %dma_wait3A_32 = arith.constant 0 : i32
    %dma_wait3A_33 = tpu.memref_slice %arg2[%dma_wait3A_31, %dma_wait3A_32] : memref<40000x128xf32, #tpu.memory_space<hbm>> -> memref<40000x128xf32, #tpu.memory_space<hbm>>
    tpu.wait_indirect_dma semaphore(%arg15 : memref<!tpu.dma_semaphore, #tpu.memory_space<semaphore_mem>>) src(%dma_wait3A_33 : memref<40000x128xf32, #tpu.memory_space<hbm>>) dst(%arg11 : memref<64x128xf32, #tpu.memory_space<vmem>>)
    %dma_wait3A_34 = arith.constant 1 : i32
    %dma_wait3A_35 = arith.constant 0 : i32
    %dma_wait3A_36 = tpu.memref_slice %arg9[%dma_wait3A_34, %dma_wait3A_35] : memref<4x64xi32, #tpu.memory_space<vmem>> -> memref<1x64xi32, #tpu.memory_space<vmem>>
    %dma_wait3A_37 = tpu.memref_squeeze %dma_wait3A_36 : memref<1x64xi32, #tpu.memory_space<vmem>> -> memref<64xi32, #tpu.memory_space<vmem>>
    %dma_wait3A_38 = arith.constant 0 : i32
    %dma_wait3A_39 = arith.constant 0 : i32
    %dma_wait3A_40 = tpu.memref_slice %arg2[%dma_wait3A_38, %dma_wait3A_39] : memref<40000x128xf32, #tpu.memory_space<hbm>> -> memref<40000x128xf32, #tpu.memory_space<hbm>>
    tpu.wait_indirect_dma semaphore(%arg16 : memref<!tpu.dma_semaphore, #tpu.memory_space<semaphore_mem>>) src(%dma_wait3A_40 : memref<40000x128xf32, #tpu.memory_space<hbm>>) dst(%arg12 : memref<64x128xf32, #tpu.memory_space<vmem>>)
    %dma_wait3A_41 = arith.constant 0 : i32
    %dma_wait3A_42 = arith.constant 0 : i32
    %dma_wait3A_43 = tpu.memref_slice %arg3[%add3A_0, %arg1, %dma_wait3A_41, %dma_wait3A_42] : memref<4x16x160x64xi32, #tpu.memory_space<hbm>> -> memref<1x1x4x64xi32, #tpu.memory_space<hbm>>
    %dma_wait3A_44 = tpu.memref_squeeze %dma_wait3A_43 : memref<1x1x4x64xi32, #tpu.memory_space<hbm>> -> memref<4x64xi32, #tpu.memory_space<hbm>>
    %dma_wait3A_45 = arith.constant 0 : i32
    %dma_wait3A_46 = arith.constant 0 : i32
    %dma_wait3A_47 = tpu.memref_slice %arg3[%add3A_0, %arg1, %dma_wait3A_45, %dma_wait3A_46] : memref<4x16x160x64xi32, #tpu.memory_space<hbm>> -> memref<1x1x4x64xi32, #tpu.memory_space<hbm>>
    %dma_wait3A_48 = tpu.memref_squeeze %dma_wait3A_47 : memref<1x1x4x64xi32, #tpu.memory_space<hbm>> -> memref<4x64xi32, #tpu.memory_space<hbm>>
    tpu.wait_dma2 semaphore(%arg14 : memref<!tpu.dma_semaphore, #tpu.memory_space<semaphore_mem>>) src(%dma_wait3A_48 : memref<4x64xi32, #tpu.memory_space<hbm>>) dst(%arg10 : memref<4x64xi32, #tpu.memory_space<vmem>>)
    %barrier3A_49 = arith.constant 0 : index
    tpu.barrier barrier_id(%barrier3A_49)
    %mul3A_50 = arith.constant 632 : i32
    %mul3A_51 = arith.muli %arg1, %mul3A_50 : i32
    %mul3A_52 = arith.constant 10112 : i32
    %mul3A_53 = arith.muli %add3A_0, %mul3A_52 : i32
    %mul3A_54 = arith.constant 632 : i32
    %mul3A_55 = arith.muli %arg1, %mul3A_54 : i32
    %add3A_56 = arith.addi %mul3A_53, %mul3A_55 : i32
    "tpu.region"() ({
      %run_scoped3A = tpu.sem_alloc : memref<!tpu.dma_semaphore, #tpu.memory_space<semaphore_mem>>
      %dma_start3A_122 = arith.constant 0 : i32
      %dma_start3A_123 = tpu.memref_slice %arg6[%add3A_56, %dma_start3A_122] : memref<40448x128xf32, #tpu.memory_space<hbm>> -> memref<632x128xf32, #tpu.memory_space<hbm>>
      %dma_start3A_124 = arith.constant 0 : i32
      %dma_start3A_125 = tpu.memref_slice %arg7[%mul3A_51, %dma_start3A_124] : memref<10112x128xf32, #tpu.memory_space<vmem_shared>> -> memref<632x128xf32, #tpu.memory_space<vmem_shared>>
      tpu.enqueue_dma source(%dma_start3A_125 : memref<632x128xf32, #tpu.memory_space<vmem_shared>>) target(%dma_start3A_123 : memref<632x128xf32, #tpu.memory_space<hbm>>) target_semaphore(%run_scoped3A : memref<!tpu.dma_semaphore, #tpu.memory_space<semaphore_mem>>)
      %dma_wait3A_126 = arith.constant 0 : i32
      %dma_wait3A_127 = tpu.memref_slice %arg6[%add3A_56, %dma_wait3A_126] : memref<40448x128xf32, #tpu.memory_space<hbm>> -> memref<632x128xf32, #tpu.memory_space<hbm>>
      %dma_wait3A_128 = arith.constant 0 : i32
      %dma_wait3A_129 = tpu.memref_slice %arg7[%mul3A_51, %dma_wait3A_128] : memref<10112x128xf32, #tpu.memory_space<vmem_shared>> -> memref<632x128xf32, #tpu.memory_space<vmem_shared>>
      tpu.wait_dma2 semaphore(%run_scoped3A : memref<!tpu.dma_semaphore, #tpu.memory_space<semaphore_mem>>) src(%dma_wait3A_129 : memref<632x128xf32, #tpu.memory_space<vmem_shared>>) dst(%dma_wait3A_127 : memref<632x128xf32, #tpu.memory_space<hbm>>)
      tpu.yield
    }) : () -> ()
    %barrier3A_57 = arith.constant 0 : index
    tpu.barrier barrier_id(%barrier3A_57)
    %add3A_58 = arith.constant 2 : i32
    %add3A_59 = arith.addi %add3A_58, %arg0 : i32
    %mul3A_60 = arith.constant 632 : i32
    %mul3A_61 = arith.muli %arg1, %mul3A_60 : i32
    "tpu.region"() ({
      %run_scoped3A = tpu.sem_alloc : memref<!tpu.dma_semaphore, #tpu.memory_space<semaphore_mem>>
      %dma_start3A_122 = arith.constant 0 : i32
      %dma_start3A_123 = tpu.memref_slice %arg7[%mul3A_61, %dma_start3A_122] : memref<10112x128xf32, #tpu.memory_space<vmem_shared>> -> memref<632x128xf32, #tpu.memory_space<vmem_shared>>
      tpu.enqueue_dma source(%arg5 : memref<632x128xf32, #tpu.memory_space<hbm>>) target(%dma_start3A_123 : memref<632x128xf32, #tpu.memory_space<vmem_shared>>) target_semaphore(%run_scoped3A : memref<!tpu.dma_semaphore, #tpu.memory_space<semaphore_mem>>)
      %dma_wait3A_124 = arith.constant 0 : i32
      %dma_wait3A_125 = tpu.memref_slice %arg7[%mul3A_61, %dma_wait3A_124] : memref<10112x128xf32, #tpu.memory_space<vmem_shared>> -> memref<632x128xf32, #tpu.memory_space<vmem_shared>>
      tpu.wait_dma2 semaphore(%run_scoped3A : memref<!tpu.dma_semaphore, #tpu.memory_space<semaphore_mem>>) src(%arg5 : memref<632x128xf32, #tpu.memory_space<hbm>>) dst(%dma_wait3A_125 : memref<632x128xf32, #tpu.memory_space<vmem_shared>>)
      tpu.yield
    }) : () -> ()
    "tpu.region"() ({
      %run_scoped3A = tpu.sem_alloc : memref<!tpu.dma_semaphore, #tpu.memory_space<semaphore_mem>>
      %dma_start3A_122 = arith.constant 0 : i32
      %dma_start3A_123 = arith.constant 0 : i32
      %dma_start3A_124 = tpu.memref_slice %arg3[%add3A_59, %arg1, %dma_start3A_122, %dma_start3A_123] : memref<4x16x160x64xi32, #tpu.memory_space<hbm>> -> memref<1x1x4x64xi32, #tpu.memory_space<hbm>>
      %dma_start3A_125 = tpu.memref_squeeze %dma_start3A_124 : memref<1x1x4x64xi32, #tpu.memory_space<hbm>> -> memref<4x64xi32, #tpu.memory_space<hbm>>
      %dma_start3A_126 = arith.constant 0 : i32
      %dma_start3A_127 = arith.constant 0 : i32
      %dma_start3A_128 = tpu.memref_slice %arg3[%add3A_59, %arg1, %dma_start3A_126, %dma_start3A_127] : memref<4x16x160x64xi32, #tpu.memory_space<hbm>> -> memref<1x1x4x64xi32, #tpu.memory_space<hbm>>
      %dma_start3A_129 = tpu.memref_squeeze %dma_start3A_128 : memref<1x1x4x64xi32, #tpu.memory_space<hbm>> -> memref<4x64xi32, #tpu.memory_space<hbm>>
      tpu.enqueue_dma source(%dma_start3A_129 : memref<4x64xi32, #tpu.memory_space<hbm>>) target(%arg9 : memref<4x64xi32, #tpu.memory_space<vmem>>) target_semaphore(%run_scoped3A : memref<!tpu.dma_semaphore, #tpu.memory_space<semaphore_mem>>)
      %dma_wait3A_130 = arith.constant 0 : i32
      %dma_wait3A_131 = arith.constant 0 : i32
      %dma_wait3A_132 = tpu.memref_slice %arg3[%add3A_59, %arg1, %dma_wait3A_130, %dma_wait3A_131] : memref<4x16x160x64xi32, #tpu.memory_space<hbm>> -> memref<1x1x4x64xi32, #tpu.memory_space<hbm>>
      %dma_wait3A_133 = tpu.memref_squeeze %dma_wait3A_132 : memref<1x1x4x64xi32, #tpu.memory_space<hbm>> -> memref<4x64xi32, #tpu.memory_space<hbm>>
      %dma_wait3A_134 = arith.constant 0 : i32
      %dma_wait3A_135 = arith.constant 0 : i32
      %dma_wait3A_136 = tpu.memref_slice %arg3[%add3A_59, %arg1, %dma_wait3A_134, %dma_wait3A_135] : memref<4x16x160x64xi32, #tpu.memory_space<hbm>> -> memref<1x1x4x64xi32, #tpu.memory_space<hbm>>
      %dma_wait3A_137 = tpu.memref_squeeze %dma_wait3A_136 : memref<1x1x4x64xi32, #tpu.memory_space<hbm>> -> memref<4x64xi32, #tpu.memory_space<hbm>>
      tpu.wait_dma2 semaphore(%run_scoped3A : memref<!tpu.dma_semaphore, #tpu.memory_space<semaphore_mem>>) src(%dma_wait3A_137 : memref<4x64xi32, #tpu.memory_space<hbm>>) dst(%arg9 : memref<4x64xi32, #tpu.memory_space<vmem>>)
      tpu.yield
    }) : () -> ()
    %dma_start3A_62 = arith.constant 4 : i32
    %dma_start3A_63 = arith.constant 0 : i32
    %dma_start3A_64 = tpu.memref_slice %arg3[%add3A_59, %arg1, %dma_start3A_62, %dma_start3A_63] : memref<4x16x160x64xi32, #tpu.memory_space<hbm>> -> memref<1x1x4x64xi32, #tpu.memory_space<hbm>>
    %dma_start3A_65 = tpu.memref_squeeze %dma_start3A_64 : memref<1x1x4x64xi32, #tpu.memory_space<hbm>> -> memref<4x64xi32, #tpu.memory_space<hbm>>
    %dma_start3A_66 = arith.constant 4 : i32
    %dma_start3A_67 = arith.constant 0 : i32
    %dma_start3A_68 = tpu.memref_slice %arg3[%add3A_59, %arg1, %dma_start3A_66, %dma_start3A_67] : memref<4x16x160x64xi32, #tpu.memory_space<hbm>> -> memref<1x1x4x64xi32, #tpu.memory_space<hbm>>
    %dma_start3A_69 = tpu.memref_squeeze %dma_start3A_68 : memref<1x1x4x64xi32, #tpu.memory_space<hbm>> -> memref<4x64xi32, #tpu.memory_space<hbm>>
    tpu.enqueue_dma source(%dma_start3A_69 : memref<4x64xi32, #tpu.memory_space<hbm>>) target(%arg10 : memref<4x64xi32, #tpu.memory_space<vmem>>) target_semaphore(%arg14 : memref<!tpu.dma_semaphore, #tpu.memory_space<semaphore_mem>>)
    %barrier3A_70 = arith.constant 0 : index
    tpu.barrier barrier_id(%barrier3A_70)
    %dma_start3A_71 = arith.constant 0 : i32
    %dma_start3A_72 = arith.constant 0 : i32
    %dma_start3A_73 = tpu.memref_slice %arg9[%dma_start3A_71, %dma_start3A_72] : memref<4x64xi32, #tpu.memory_space<vmem>> -> memref<1x64xi32, #tpu.memory_space<vmem>>
    %dma_start3A_74 = tpu.memref_squeeze %dma_start3A_73 : memref<1x64xi32, #tpu.memory_space<vmem>> -> memref<64xi32, #tpu.memory_space<vmem>>
    %dma_start3A_75 = arith.constant 0 : i32
    %dma_start3A_76 = arith.constant 0 : i32
    %dma_start3A_77 = tpu.memref_slice %arg2[%dma_start3A_75, %dma_start3A_76] : memref<40000x128xf32, #tpu.memory_space<hbm>> -> memref<40000x128xf32, #tpu.memory_space<hbm>>
    tpu.enqueue_indirect_dma source(%dma_start3A_77 : memref<40000x128xf32, #tpu.memory_space<hbm>>) target(%arg11 : memref<64x128xf32, #tpu.memory_space<vmem>>) offsets(%dma_start3A_74 : memref<64xi32, #tpu.memory_space<vmem>>) semaphore(%arg15 : memref<!tpu.dma_semaphore, #tpu.memory_space<semaphore_mem>>)
    %dma_start3A_78 = arith.constant 1 : i32
    %dma_start3A_79 = arith.constant 0 : i32
    %dma_start3A_80 = tpu.memref_slice %arg9[%dma_start3A_78, %dma_start3A_79] : memref<4x64xi32, #tpu.memory_space<vmem>> -> memref<1x64xi32, #tpu.memory_space<vmem>>
    %dma_start3A_81 = tpu.memref_squeeze %dma_start3A_80 : memref<1x64xi32, #tpu.memory_space<vmem>> -> memref<64xi32, #tpu.memory_space<vmem>>
    %dma_start3A_82 = arith.constant 0 : i32
    %dma_start3A_83 = arith.constant 0 : i32
    %dma_start3A_84 = tpu.memref_slice %arg2[%dma_start3A_82, %dma_start3A_83] : memref<40000x128xf32, #tpu.memory_space<hbm>> -> memref<40000x128xf32, #tpu.memory_space<hbm>>
    tpu.enqueue_indirect_dma source(%dma_start3A_84 : memref<40000x128xf32, #tpu.memory_space<hbm>>) target(%arg12 : memref<64x128xf32, #tpu.memory_space<vmem>>) offsets(%dma_start3A_81 : memref<64xi32, #tpu.memory_space<vmem>>) semaphore(%arg16 : memref<!tpu.dma_semaphore, #tpu.memory_space<semaphore_mem>>)
    %scan3A_85 = arith.constant 0 : i32
    %scan3A_86 = arith.constant 0 : i32
    %scan3A_87 = arith.constant 20 : i32
    %scan3A_88 = arith.addi %scan3A_86, %scan3A_87 : i32
    %scan3A_89 = arith.constant 1 : i32
    scf.for %scan3A_122 = %scan3A_86 to %scan3A_88 step %scan3A_89  : i32 {
      %mul3A_123 = arith.constant 8 : i32
      %mul3A_124 = arith.muli %mul3A_123, %scan3A_122 : i32
      %add3A_125 = arith.constant 0 : i32
      %add3A_126 = arith.addi %mul3A_124, %add3A_125 : i32
      %dma_wait3A_127 = arith.constant 0 : i32
      %dma_wait3A_128 = arith.constant 0 : i32
      %dma_wait3A_129 = tpu.memref_slice %arg9[%dma_wait3A_127, %dma_wait3A_128] : memref<4x64xi32, #tpu.memory_space<vmem>> -> memref<1x64xi32, #tpu.memory_space<vmem>>
      %dma_wait3A_130 = tpu.memref_squeeze %dma_wait3A_129 : memref<1x64xi32, #tpu.memory_space<vmem>> -> memref<64xi32, #tpu.memory_space<vmem>>
      %dma_wait3A_131 = arith.constant 0 : i32
      %dma_wait3A_132 = arith.constant 0 : i32
      %dma_wait3A_133 = tpu.memref_slice %arg2[%dma_wait3A_131, %dma_wait3A_132] : memref<40000x128xf32, #tpu.memory_space<hbm>> -> memref<40000x128xf32, #tpu.memory_space<hbm>>
      tpu.wait_indirect_dma semaphore(%arg15 : memref<!tpu.dma_semaphore, #tpu.memory_space<semaphore_mem>>) src(%dma_wait3A_133 : memref<40000x128xf32, #tpu.memory_space<hbm>>) dst(%arg11 : memref<64x128xf32, #tpu.memory_space<vmem>>)
      %dma_start3A_134 = arith.constant 0 : i32
      %dma_start3A_135 = tpu.memref_slice %arg8[%add3A_126, %dma_start3A_134] : memref<160x64xi32, #tpu.memory_space<vmem>> -> memref<1x64xi32, #tpu.memory_space<vmem>>
      %dma_start3A_136 = tpu.memref_squeeze %dma_start3A_135 : memref<1x64xi32, #tpu.memory_space<vmem>> -> memref<64xi32, #tpu.memory_space<vmem>>
      %dma_start3A_137 = arith.constant 0 : i32
      %dma_start3A_138 = arith.constant 0 : i32
      %dma_start3A_139 = tpu.memref_slice %arg7[%dma_start3A_137, %dma_start3A_138] : memref<10112x128xf32, #tpu.memory_space<vmem_shared>> -> memref<10112x128xf32, #tpu.memory_space<vmem_shared>>
      tpu.enqueue_indirect_dma source(%arg11 : memref<64x128xf32, #tpu.memory_space<vmem>>) target(%dma_start3A_139 : memref<10112x128xf32, #tpu.memory_space<vmem_shared>>) offsets(%dma_start3A_136 : memref<64xi32, #tpu.memory_space<vmem>>) semaphore(%arg17 : memref<!tpu.dma_semaphore, #tpu.memory_space<semaphore_mem>>) {add = true}
      %dma_wait3A_140 = arith.constant 0 : i32
      %dma_wait3A_141 = tpu.memref_slice %arg8[%add3A_126, %dma_wait3A_140] : memref<160x64xi32, #tpu.memory_space<vmem>> -> memref<1x64xi32, #tpu.memory_space<vmem>>
      %dma_wait3A_142 = tpu.memref_squeeze %dma_wait3A_141 : memref<1x64xi32, #tpu.memory_space<vmem>> -> memref<64xi32, #tpu.memory_space<vmem>>
      %dma_wait3A_143 = arith.constant 0 : i32
      %dma_wait3A_144 = arith.constant 0 : i32
      %dma_wait3A_145 = tpu.memref_slice %arg7[%dma_wait3A_143, %dma_wait3A_144] : memref<10112x128xf32, #tpu.memory_space<vmem_shared>> -> memref<10112x128xf32, #tpu.memory_space<vmem_shared>>
      tpu.wait_indirect_dma semaphore(%arg17 : memref<!tpu.dma_semaphore, #tpu.memory_space<semaphore_mem>>) src(%arg11 : memref<64x128xf32, #tpu.memory_space<vmem>>) dst(%dma_wait3A_145 : memref<10112x128xf32, #tpu.memory_space<vmem_shared>>)
      %dma_start3A_146 = arith.constant 2 : i32
      %dma_start3A_147 = arith.constant 0 : i32
      %dma_start3A_148 = tpu.memref_slice %arg9[%dma_start3A_146, %dma_start3A_147] : memref<4x64xi32, #tpu.memory_space<vmem>> -> memref<1x64xi32, #tpu.memory_space<vmem>>
      %dma_start3A_149 = tpu.memref_squeeze %dma_start3A_148 : memref<1x64xi32, #tpu.memory_space<vmem>> -> memref<64xi32, #tpu.memory_space<vmem>>
      %dma_start3A_150 = arith.constant 0 : i32
      %dma_start3A_151 = arith.constant 0 : i32
      %dma_start3A_152 = tpu.memref_slice %arg2[%dma_start3A_150, %dma_start3A_151] : memref<40000x128xf32, #tpu.memory_space<hbm>> -> memref<40000x128xf32, #tpu.memory_space<hbm>>
      tpu.enqueue_indirect_dma source(%dma_start3A_152 : memref<40000x128xf32, #tpu.memory_space<hbm>>) target(%arg11 : memref<64x128xf32, #tpu.memory_space<vmem>>) offsets(%dma_start3A_149 : memref<64xi32, #tpu.memory_space<vmem>>) semaphore(%arg15 : memref<!tpu.dma_semaphore, #tpu.memory_space<semaphore_mem>>)
      %add3A_153 = arith.constant 1 : i32
      %add3A_154 = arith.addi %mul3A_124, %add3A_153 : i32
      %dma_wait3A_155 = arith.constant 0 : i32
      %dma_wait3A_156 = arith.constant 0 : i32
      %dma_wait3A_157 = tpu.memref_slice %arg9[%dma_wait3A_155, %dma_wait3A_156] : memref<4x64xi32, #tpu.memory_space<vmem>> -> memref<1x64xi32, #tpu.memory_space<vmem>>
      %dma_wait3A_158 = tpu.memref_squeeze %dma_wait3A_157 : memref<1x64xi32, #tpu.memory_space<vmem>> -> memref<64xi32, #tpu.memory_space<vmem>>
      %dma_wait3A_159 = arith.constant 0 : i32
      %dma_wait3A_160 = arith.constant 0 : i32
      %dma_wait3A_161 = tpu.memref_slice %arg2[%dma_wait3A_159, %dma_wait3A_160] : memref<40000x128xf32, #tpu.memory_space<hbm>> -> memref<40000x128xf32, #tpu.memory_space<hbm>>
      tpu.wait_indirect_dma semaphore(%arg16 : memref<!tpu.dma_semaphore, #tpu.memory_space<semaphore_mem>>) src(%dma_wait3A_161 : memref<40000x128xf32, #tpu.memory_space<hbm>>) dst(%arg12 : memref<64x128xf32, #tpu.memory_space<vmem>>)
      %dma_start3A_162 = arith.constant 0 : i32
      %dma_start3A_163 = tpu.memref_slice %arg8[%add3A_154, %dma_start3A_162] : memref<160x64xi32, #tpu.memory_space<vmem>> -> memref<1x64xi32, #tpu.memory_space<vmem>>
      %dma_start3A_164 = tpu.memref_squeeze %dma_start3A_163 : memref<1x64xi32, #tpu.memory_space<vmem>> -> memref<64xi32, #tpu.memory_space<vmem>>
      %dma_start3A_165 = arith.constant 0 : i32
      %dma_start3A_166 = arith.constant 0 : i32
      %dma_start3A_167 = tpu.memref_slice %arg7[%dma_start3A_165, %dma_start3A_166] : memref<10112x128xf32, #tpu.memory_space<vmem_shared>> -> memref<10112x128xf32, #tpu.memory_space<vmem_shared>>
      tpu.enqueue_indirect_dma source(%arg12 : memref<64x128xf32, #tpu.memory_space<vmem>>) target(%dma_start3A_167 : memref<10112x128xf32, #tpu.memory_space<vmem_shared>>) offsets(%dma_start3A_164 : memref<64xi32, #tpu.memory_space<vmem>>) semaphore(%arg18 : memref<!tpu.dma_semaphore, #tpu.memory_space<semaphore_mem>>) {add = true}
      %dma_wait3A_168 = arith.constant 0 : i32
      %dma_wait3A_169 = tpu.memref_slice %arg8[%add3A_154, %dma_wait3A_168] : memref<160x64xi32, #tpu.memory_space<vmem>> -> memref<1x64xi32, #tpu.memory_space<vmem>>
      %dma_wait3A_170 = tpu.memref_squeeze %dma_wait3A_169 : memref<1x64xi32, #tpu.memory_space<vmem>> -> memref<64xi32, #tpu.memory_space<vmem>>
      %dma_wait3A_171 = arith.constant 0 : i32
      %dma_wait3A_172 = arith.constant 0 : i32
      %dma_wait3A_173 = tpu.memref_slice %arg7[%dma_wait3A_171, %dma_wait3A_172] : memref<10112x128xf32, #tpu.memory_space<vmem_shared>> -> memref<10112x128xf32, #tpu.memory_space<vmem_shared>>
      tpu.wait_indirect_dma semaphore(%arg18 : memref<!tpu.dma_semaphore, #tpu.memory_space<semaphore_mem>>) src(%arg12 : memref<64x128xf32, #tpu.memory_space<vmem>>) dst(%dma_wait3A_173 : memref<10112x128xf32, #tpu.memory_space<vmem_shared>>)
      %dma_start3A_174 = arith.constant 3 : i32
      %dma_start3A_175 = arith.constant 0 : i32
      %dma_start3A_176 = tpu.memref_slice %arg9[%dma_start3A_174, %dma_start3A_175] : memref<4x64xi32, #tpu.memory_space<vmem>> -> memref<1x64xi32, #tpu.memory_space<vmem>>
      %dma_start3A_177 = tpu.memref_squeeze %dma_start3A_176 : memref<1x64xi32, #tpu.memory_space<vmem>> -> memref<64xi32, #tpu.memory_space<vmem>>
      %dma_start3A_178 = arith.constant 0 : i32
      %dma_start3A_179 = arith.constant 0 : i32
      %dma_start3A_180 = tpu.memref_slice %arg2[%dma_start3A_178, %dma_start3A_179] : memref<40000x128xf32, #tpu.memory_space<hbm>> -> memref<40000x128xf32, #tpu.memory_space<hbm>>
      tpu.enqueue_indirect_dma source(%dma_start3A_180 : memref<40000x128xf32, #tpu.memory_space<hbm>>) target(%arg12 : memref<64x128xf32, #tpu.memory_space<vmem>>) offsets(%dma_start3A_177 : memref<64xi32, #tpu.memory_space<vmem>>) semaphore(%arg16 : memref<!tpu.dma_semaphore, #tpu.memory_space<semaphore_mem>>)
      %add3A_181 = arith.constant 2 : i32
      %add3A_182 = arith.addi %mul3A_124, %add3A_181 : i32
      %dma_wait3A_183 = arith.constant 0 : i32
      %dma_wait3A_184 = arith.constant 0 : i32
      %dma_wait3A_185 = tpu.memref_slice %arg9[%dma_wait3A_183, %dma_wait3A_184] : memref<4x64xi32, #tpu.memory_space<vmem>> -> memref<1x64xi32, #tpu.memory_space<vmem>>
      %dma_wait3A_186 = tpu.memref_squeeze %dma_wait3A_185 : memref<1x64xi32, #tpu.memory_space<vmem>> -> memref<64xi32, #tpu.memory_space<vmem>>
      %dma_wait3A_187 = arith.constant 0 : i32
      %dma_wait3A_188 = arith.constant 0 : i32
      %dma_wait3A_189 = tpu.memref_slice %arg2[%dma_wait3A_187, %dma_wait3A_188] : memref<40000x128xf32, #tpu.memory_space<hbm>> -> memref<40000x128xf32, #tpu.memory_space<hbm>>
      tpu.wait_indirect_dma semaphore(%arg15 : memref<!tpu.dma_semaphore, #tpu.memory_space<semaphore_mem>>) src(%dma_wait3A_189 : memref<40000x128xf32, #tpu.memory_space<hbm>>) dst(%arg11 : memref<64x128xf32, #tpu.memory_space<vmem>>)
      %dma_start3A_190 = arith.constant 0 : i32
      %dma_start3A_191 = tpu.memref_slice %arg8[%add3A_182, %dma_start3A_190] : memref<160x64xi32, #tpu.memory_space<vmem>> -> memref<1x64xi32, #tpu.memory_space<vmem>>
      %dma_start3A_192 = tpu.memref_squeeze %dma_start3A_191 : memref<1x64xi32, #tpu.memory_space<vmem>> -> memref<64xi32, #tpu.memory_space<vmem>>
      %dma_start3A_193 = arith.constant 0 : i32
      %dma_start3A_194 = arith.constant 0 : i32
      %dma_start3A_195 = tpu.memref_slice %arg7[%dma_start3A_193, %dma_start3A_194] : memref<10112x128xf32, #tpu.memory_space<vmem_shared>> -> memref<10112x128xf32, #tpu.memory_space<vmem_shared>>
      tpu.enqueue_indirect_dma source(%arg11 : memref<64x128xf32, #tpu.memory_space<vmem>>) target(%dma_start3A_195 : memref<10112x128xf32, #tpu.memory_space<vmem_shared>>) offsets(%dma_start3A_192 : memref<64xi32, #tpu.memory_space<vmem>>) semaphore(%arg17 : memref<!tpu.dma_semaphore, #tpu.memory_space<semaphore_mem>>) {add = true}
      %dma_wait3A_196 = arith.constant 0 : i32
      %dma_wait3A_197 = arith.constant 0 : i32
      %dma_wait3A_198 = tpu.memref_slice %arg3[%add3A_59, %arg1, %dma_wait3A_196, %dma_wait3A_197] : memref<4x16x160x64xi32, #tpu.memory_space<hbm>> -> memref<1x1x4x64xi32, #tpu.memory_space<hbm>>
      %dma_wait3A_199 = tpu.memref_squeeze %dma_wait3A_198 : memref<1x1x4x64xi32, #tpu.memory_space<hbm>> -> memref<4x64xi32, #tpu.memory_space<hbm>>
      %dma_wait3A_200 = arith.constant 0 : i32
      %dma_wait3A_201 = arith.constant 0 : i32
      %dma_wait3A_202 = tpu.memref_slice %arg3[%add3A_59, %arg1, %dma_wait3A_200, %dma_wait3A_201] : memref<4x16x160x64xi32, #tpu.memory_space<hbm>> -> memref<1x1x4x64xi32, #tpu.memory_space<hbm>>
      %dma_wait3A_203 = tpu.memref_squeeze %dma_wait3A_202 : memref<1x1x4x64xi32, #tpu.memory_space<hbm>> -> memref<4x64xi32, #tpu.memory_space<hbm>>
      tpu.wait_dma2 semaphore(%arg14 : memref<!tpu.dma_semaphore, #tpu.memory_space<semaphore_mem>>) src(%dma_wait3A_203 : memref<4x64xi32, #tpu.memory_space<hbm>>) dst(%arg10 : memref<4x64xi32, #tpu.memory_space<vmem>>)
      %dma_wait3A_204 = arith.constant 0 : i32
      %dma_wait3A_205 = tpu.memref_slice %arg8[%add3A_182, %dma_wait3A_204] : memref<160x64xi32, #tpu.memory_space<vmem>> -> memref<1x64xi32, #tpu.memory_space<vmem>>
      %dma_wait3A_206 = tpu.memref_squeeze %dma_wait3A_205 : memref<1x64xi32, #tpu.memory_space<vmem>> -> memref<64xi32, #tpu.memory_space<vmem>>
      %dma_wait3A_207 = arith.constant 0 : i32
      %dma_wait3A_208 = arith.constant 0 : i32
      %dma_wait3A_209 = tpu.memref_slice %arg7[%dma_wait3A_207, %dma_wait3A_208] : memref<10112x128xf32, #tpu.memory_space<vmem_shared>> -> memref<10112x128xf32, #tpu.memory_space<vmem_shared>>
      tpu.wait_indirect_dma semaphore(%arg17 : memref<!tpu.dma_semaphore, #tpu.memory_space<semaphore_mem>>) src(%arg11 : memref<64x128xf32, #tpu.memory_space<vmem>>) dst(%dma_wait3A_209 : memref<10112x128xf32, #tpu.memory_space<vmem_shared>>)
      %dma_start3A_210 = arith.constant 0 : i32
      %dma_start3A_211 = arith.constant 0 : i32
      %dma_start3A_212 = tpu.memref_slice %arg10[%dma_start3A_210, %dma_start3A_211] : memref<4x64xi32, #tpu.memory_space<vmem>> -> memref<1x64xi32, #tpu.memory_space<vmem>>
      %dma_start3A_213 = tpu.memref_squeeze %dma_start3A_212 : memref<1x64xi32, #tpu.memory_space<vmem>> -> memref<64xi32, #tpu.memory_space<vmem>>
      %dma_start3A_214 = arith.constant 0 : i32
      %dma_start3A_215 = arith.constant 0 : i32
      %dma_start3A_216 = tpu.memref_slice %arg2[%dma_start3A_214, %dma_start3A_215] : memref<40000x128xf32, #tpu.memory_space<hbm>> -> memref<40000x128xf32, #tpu.memory_space<hbm>>
      tpu.enqueue_indirect_dma source(%dma_start3A_216 : memref<40000x128xf32, #tpu.memory_space<hbm>>) target(%arg11 : memref<64x128xf32, #tpu.memory_space<vmem>>) offsets(%dma_start3A_213 : memref<64xi32, #tpu.memory_space<vmem>>) semaphore(%arg15 : memref<!tpu.dma_semaphore, #tpu.memory_space<semaphore_mem>>)
      %add3A_217 = arith.constant 3 : i32
      %add3A_218 = arith.addi %mul3A_124, %add3A_217 : i32
      %dma_wait3A_219 = arith.constant 0 : i32
      %dma_wait3A_220 = arith.constant 0 : i32
      %dma_wait3A_221 = tpu.memref_slice %arg9[%dma_wait3A_219, %dma_wait3A_220] : memref<4x64xi32, #tpu.memory_space<vmem>> -> memref<1x64xi32, #tpu.memory_space<vmem>>
      %dma_wait3A_222 = tpu.memref_squeeze %dma_wait3A_221 : memref<1x64xi32, #tpu.memory_space<vmem>> -> memref<64xi32, #tpu.memory_space<vmem>>
      %dma_wait3A_223 = arith.constant 0 : i32
      %dma_wait3A_224 = arith.constant 0 : i32
      %dma_wait3A_225 = tpu.memref_slice %arg2[%dma_wait3A_223, %dma_wait3A_224] : memref<40000x128xf32, #tpu.memory_space<hbm>> -> memref<40000x128xf32, #tpu.memory_space<hbm>>
      tpu.wait_indirect_dma semaphore(%arg16 : memref<!tpu.dma_semaphore, #tpu.memory_space<semaphore_mem>>) src(%dma_wait3A_225 : memref<40000x128xf32, #tpu.memory_space<hbm>>) dst(%arg12 : memref<64x128xf32, #tpu.memory_space<vmem>>)
      %dma_start3A_226 = arith.constant 0 : i32
      %dma_start3A_227 = tpu.memref_slice %arg8[%add3A_218, %dma_start3A_226] : memref<160x64xi32, #tpu.memory_space<vmem>> -> memref<1x64xi32, #tpu.memory_space<vmem>>
      %dma_start3A_228 = tpu.memref_squeeze %dma_start3A_227 : memref<1x64xi32, #tpu.memory_space<vmem>> -> memref<64xi32, #tpu.memory_space<vmem>>
      %dma_start3A_229 = arith.constant 0 : i32
      %dma_start3A_230 = arith.constant 0 : i32
      %dma_start3A_231 = tpu.memref_slice %arg7[%dma_start3A_229, %dma_start3A_230] : memref<10112x128xf32, #tpu.memory_space<vmem_shared>> -> memref<10112x128xf32, #tpu.memory_space<vmem_shared>>
      tpu.enqueue_indirect_dma source(%arg12 : memref<64x128xf32, #tpu.memory_space<vmem>>) target(%dma_start3A_231 : memref<10112x128xf32, #tpu.memory_space<vmem_shared>>) offsets(%dma_start3A_228 : memref<64xi32, #tpu.memory_space<vmem>>) semaphore(%arg18 : memref<!tpu.dma_semaphore, #tpu.memory_space<semaphore_mem>>) {add = true}
      %add3A_232 = arith.constant 8 : i32
      %add3A_233 = arith.addi %mul3A_124, %add3A_232 : i32
      %min3A = arith.constant 156 : i32
      %min3A_234 = arith.minsi %add3A_233, %min3A : i32
      %dma_start3A_235 = arith.constant 0 : i32
      %dma_start3A_236 = tpu.memref_slice %arg3[%add3A_59, %arg1, %min3A_234, %dma_start3A_235] : memref<4x16x160x64xi32, #tpu.memory_space<hbm>> -> memref<1x1x4x64xi32, #tpu.memory_space<hbm>>
      %dma_start3A_237 = tpu.memref_squeeze %dma_start3A_236 : memref<1x1x4x64xi32, #tpu.memory_space<hbm>> -> memref<4x64xi32, #tpu.memory_space<hbm>>
      %dma_start3A_238 = arith.constant 0 : i32
      %dma_start3A_239 = tpu.memref_slice %arg3[%add3A_59, %arg1, %min3A_234, %dma_start3A_238] : memref<4x16x160x64xi32, #tpu.memory_space<hbm>> -> memref<1x1x4x64xi32, #tpu.memory_space<hbm>>
      %dma_start3A_240 = tpu.memref_squeeze %dma_start3A_239 : memref<1x1x4x64xi32, #tpu.memory_space<hbm>> -> memref<4x64xi32, #tpu.memory_space<hbm>>
      tpu.enqueue_dma source(%dma_start3A_240 : memref<4x64xi32, #tpu.memory_space<hbm>>) target(%arg9 : memref<4x64xi32, #tpu.memory_space<vmem>>) target_semaphore(%arg13 : memref<!tpu.dma_semaphore, #tpu.memory_space<semaphore_mem>>)
      %dma_wait3A_241 = arith.constant 0 : i32
      %dma_wait3A_242 = tpu.memref_slice %arg8[%add3A_218, %dma_wait3A_241] : memref<160x64xi32, #tpu.memory_space<vmem>> -> memref<1x64xi32, #tpu.memory_space<vmem>>
      %dma_wait3A_243 = tpu.memref_squeeze %dma_wait3A_242 : memref<1x64xi32, #tpu.memory_space<vmem>> -> memref<64xi32, #tpu.memory_space<vmem>>
      %dma_wait3A_244 = arith.constant 0 : i32
      %dma_wait3A_245 = arith.constant 0 : i32
      %dma_wait3A_246 = tpu.memref_slice %arg7[%dma_wait3A_244, %dma_wait3A_245] : memref<10112x128xf32, #tpu.memory_space<vmem_shared>> -> memref<10112x128xf32, #tpu.memory_space<vmem_shared>>
      tpu.wait_indirect_dma semaphore(%arg18 : memref<!tpu.dma_semaphore, #tpu.memory_space<semaphore_mem>>) src(%arg12 : memref<64x128xf32, #tpu.memory_space<vmem>>) dst(%dma_wait3A_246 : memref<10112x128xf32, #tpu.memory_space<vmem_shared>>)
      %dma_start3A_247 = arith.constant 1 : i32
      %dma_start3A_248 = arith.constant 0 : i32
      %dma_start3A_249 = tpu.memref_slice %arg10[%dma_start3A_247, %dma_start3A_248] : memref<4x64xi32, #tpu.memory_space<vmem>> -> memref<1x64xi32, #tpu.memory_space<vmem>>
      %dma_start3A_250 = tpu.memref_squeeze %dma_start3A_249 : memref<1x64xi32, #tpu.memory_space<vmem>> -> memref<64xi32, #tpu.memory_space<vmem>>
      %dma_start3A_251 = arith.constant 0 : i32
      %dma_start3A_252 = arith.constant 0 : i32
      %dma_start3A_253 = tpu.memref_slice %arg2[%dma_start3A_251, %dma_start3A_252] : memref<40000x128xf32, #tpu.memory_space<hbm>> -> memref<40000x128xf32, #tpu.memory_space<hbm>>
      tpu.enqueue_indirect_dma source(%dma_start3A_253 : memref<40000x128xf32, #tpu.memory_space<hbm>>) target(%arg12 : memref<64x128xf32, #tpu.memory_space<vmem>>) offsets(%dma_start3A_250 : memref<64xi32, #tpu.memory_space<vmem>>) semaphore(%arg16 : memref<!tpu.dma_semaphore, #tpu.memory_space<semaphore_mem>>)
      %add3A_254 = arith.constant 4 : i32
      %add3A_255 = arith.addi %mul3A_124, %add3A_254 : i32
      %dma_wait3A_256 = arith.constant 0 : i32
      %dma_wait3A_257 = arith.constant 0 : i32
      %dma_wait3A_258 = tpu.memref_slice %arg9[%dma_wait3A_256, %dma_wait3A_257] : memref<4x64xi32, #tpu.memory_space<vmem>> -> memref<1x64xi32, #tpu.memory_space<vmem>>
      %dma_wait3A_259 = tpu.memref_squeeze %dma_wait3A_258 : memref<1x64xi32, #tpu.memory_space<vmem>> -> memref<64xi32, #tpu.memory_space<vmem>>
      %dma_wait3A_260 = arith.constant 0 : i32
      %dma_wait3A_261 = arith.constant 0 : i32
      %dma_wait3A_262 = tpu.memref_slice %arg2[%dma_wait3A_260, %dma_wait3A_261] : memref<40000x128xf32, #tpu.memory_space<hbm>> -> memref<40000x128xf32, #tpu.memory_space<hbm>>
      tpu.wait_indirect_dma semaphore(%arg15 : memref<!tpu.dma_semaphore, #tpu.memory_space<semaphore_mem>>) src(%dma_wait3A_262 : memref<40000x128xf32, #tpu.memory_space<hbm>>) dst(%arg11 : memref<64x128xf32, #tpu.memory_space<vmem>>)
      %dma_start3A_263 = arith.constant 0 : i32
      %dma_start3A_264 = tpu.memref_slice %arg8[%add3A_255, %dma_start3A_263] : memref<160x64xi32, #tpu.memory_space<vmem>> -> memref<1x64xi32, #tpu.memory_space<vmem>>
      %dma_start3A_265 = tpu.memref_squeeze %dma_start3A_264 : memref<1x64xi32, #tpu.memory_space<vmem>> -> memref<64xi32, #tpu.memory_space<vmem>>
      %dma_start3A_266 = arith.constant 0 : i32
      %dma_start3A_267 = arith.constant 0 : i32
      %dma_start3A_268 = tpu.memref_slice %arg7[%dma_start3A_266, %dma_start3A_267] : memref<10112x128xf32, #tpu.memory_space<vmem_shared>> -> memref<10112x128xf32, #tpu.memory_space<vmem_shared>>
      tpu.enqueue_indirect_dma source(%arg11 : memref<64x128xf32, #tpu.memory_space<vmem>>) target(%dma_start3A_268 : memref<10112x128xf32, #tpu.memory_space<vmem_shared>>) offsets(%dma_start3A_265 : memref<64xi32, #tpu.memory_space<vmem>>) semaphore(%arg17 : memref<!tpu.dma_semaphore, #tpu.memory_space<semaphore_mem>>) {add = true}
      %dma_wait3A_269 = arith.constant 0 : i32
      %dma_wait3A_270 = tpu.memref_slice %arg8[%add3A_255, %dma_wait3A_269] : memref<160x64xi32, #tpu.memory_space<vmem>> -> memref<1x64xi32, #tpu.memory_space<vmem>>
      %dma_wait3A_271 = tpu.memref_squeeze %dma_wait3A_270 : memref<1x64xi32, #tpu.memory_space<vmem>> -> memref<64xi32, #tpu.memory_space<vmem>>
      %dma_wait3A_272 = arith.constant 0 : i32
      %dma_wait3A_273 = arith.constant 0 : i32
      %dma_wait3A_274 = tpu.memref_slice %arg7[%dma_wait3A_272, %dma_wait3A_273] : memref<10112x128xf32, #tpu.memory_space<vmem_shared>> -> memref<10112x128xf32, #tpu.memory_space<vmem_shared>>
      tpu.wait_indirect_dma semaphore(%arg17 : memref<!tpu.dma_semaphore, #tpu.memory_space<semaphore_mem>>) src(%arg11 : memref<64x128xf32, #tpu.memory_space<vmem>>) dst(%dma_wait3A_274 : memref<10112x128xf32, #tpu.memory_space<vmem_shared>>)
      %dma_start3A_275 = arith.constant 2 : i32
      %dma_start3A_276 = arith.constant 0 : i32
      %dma_start3A_277 = tpu.memref_slice %arg10[%dma_start3A_275, %dma_start3A_276] : memref<4x64xi32, #tpu.memory_space<vmem>> -> memref<1x64xi32, #tpu.memory_space<vmem>>
      %dma_start3A_278 = tpu.memref_squeeze %dma_start3A_277 : memref<1x64xi32, #tpu.memory_space<vmem>> -> memref<64xi32, #tpu.memory_space<vmem>>
      %dma_start3A_279 = arith.constant 0 : i32
      %dma_start3A_280 = arith.constant 0 : i32
      %dma_start3A_281 = tpu.memref_slice %arg2[%dma_start3A_279, %dma_start3A_280] : memref<40000x128xf32, #tpu.memory_space<hbm>> -> memref<40000x128xf32, #tpu.memory_space<hbm>>
      tpu.enqueue_indirect_dma source(%dma_start3A_281 : memref<40000x128xf32, #tpu.memory_space<hbm>>) target(%arg11 : memref<64x128xf32, #tpu.memory_space<vmem>>) offsets(%dma_start3A_278 : memref<64xi32, #tpu.memory_space<vmem>>) semaphore(%arg15 : memref<!tpu.dma_semaphore, #tpu.memory_space<semaphore_mem>>)
      %add3A_282 = arith.constant 5 : i32
      %add3A_283 = arith.addi %mul3A_124, %add3A_282 : i32
      %dma_wait3A_284 = arith.constant 0 : i32
      %dma_wait3A_285 = arith.constant 0 : i32
      %dma_wait3A_286 = tpu.memref_slice %arg9[%dma_wait3A_284, %dma_wait3A_285] : memref<4x64xi32, #tpu.memory_space<vmem>> -> memref<1x64xi32, #tpu.memory_space<vmem>>
      %dma_wait3A_287 = tpu.memref_squeeze %dma_wait3A_286 : memref<1x64xi32, #tpu.memory_space<vmem>> -> memref<64xi32, #tpu.memory_space<vmem>>
      %dma_wait3A_288 = arith.constant 0 : i32
      %dma_wait3A_289 = arith.constant 0 : i32
      %dma_wait3A_290 = tpu.memref_slice %arg2[%dma_wait3A_288, %dma_wait3A_289] : memref<40000x128xf32, #tpu.memory_space<hbm>> -> memref<40000x128xf32, #tpu.memory_space<hbm>>
      tpu.wait_indirect_dma semaphore(%arg16 : memref<!tpu.dma_semaphore, #tpu.memory_space<semaphore_mem>>) src(%dma_wait3A_290 : memref<40000x128xf32, #tpu.memory_space<hbm>>) dst(%arg12 : memref<64x128xf32, #tpu.memory_space<vmem>>)
      %dma_start3A_291 = arith.constant 0 : i32
      %dma_start3A_292 = tpu.memref_slice %arg8[%add3A_283, %dma_start3A_291] : memref<160x64xi32, #tpu.memory_space<vmem>> -> memref<1x64xi32, #tpu.memory_space<vmem>>
      %dma_start3A_293 = tpu.memref_squeeze %dma_start3A_292 : memref<1x64xi32, #tpu.memory_space<vmem>> -> memref<64xi32, #tpu.memory_space<vmem>>
      %dma_start3A_294 = arith.constant 0 : i32
      %dma_start3A_295 = arith.constant 0 : i32
      %dma_start3A_296 = tpu.memref_slice %arg7[%dma_start3A_294, %dma_start3A_295] : memref<10112x128xf32, #tpu.memory_space<vmem_shared>> -> memref<10112x128xf32, #tpu.memory_space<vmem_shared>>
      tpu.enqueue_indirect_dma source(%arg12 : memref<64x128xf32, #tpu.memory_space<vmem>>) target(%dma_start3A_296 : memref<10112x128xf32, #tpu.memory_space<vmem_shared>>) offsets(%dma_start3A_293 : memref<64xi32, #tpu.memory_space<vmem>>) semaphore(%arg18 : memref<!tpu.dma_semaphore, #tpu.memory_space<semaphore_mem>>) {add = true}
      %dma_wait3A_297 = arith.constant 0 : i32
      %dma_wait3A_298 = tpu.memref_slice %arg8[%add3A_283, %dma_wait3A_297] : memref<160x64xi32, #tpu.memory_space<vmem>> -> memref<1x64xi32, #tpu.memory_space<vmem>>
      %dma_wait3A_299 = tpu.memref_squeeze %dma_wait3A_298 : memref<1x64xi32, #tpu.memory_space<vmem>> -> memref<64xi32, #tpu.memory_space<vmem>>
      %dma_wait3A_300 = arith.constant 0 : i32
      %dma_wait3A_301 = arith.constant 0 : i32
      %dma_wait3A_302 = tpu.memref_slice %arg7[%dma_wait3A_300, %dma_wait3A_301] : memref<10112x128xf32, #tpu.memory_space<vmem_shared>> -> memref<10112x128xf32, #tpu.memory_space<vmem_shared>>
      tpu.wait_indirect_dma semaphore(%arg18 : memref<!tpu.dma_semaphore, #tpu.memory_space<semaphore_mem>>) src(%arg12 : memref<64x128xf32, #tpu.memory_space<vmem>>) dst(%dma_wait3A_302 : memref<10112x128xf32, #tpu.memory_space<vmem_shared>>)
      %dma_start3A_303 = arith.constant 3 : i32
      %dma_start3A_304 = arith.constant 0 : i32
      %dma_start3A_305 = tpu.memref_slice %arg10[%dma_start3A_303, %dma_start3A_304] : memref<4x64xi32, #tpu.memory_space<vmem>> -> memref<1x64xi32, #tpu.memory_space<vmem>>
      %dma_start3A_306 = tpu.memref_squeeze %dma_start3A_305 : memref<1x64xi32, #tpu.memory_space<vmem>> -> memref<64xi32, #tpu.memory_space<vmem>>
      %dma_start3A_307 = arith.constant 0 : i32
      %dma_start3A_308 = arith.constant 0 : i32
      %dma_start3A_309 = tpu.memref_slice %arg2[%dma_start3A_307, %dma_start3A_308] : memref<40000x128xf32, #tpu.memory_space<hbm>> -> memref<40000x128xf32, #tpu.memory_space<hbm>>
      tpu.enqueue_indirect_dma source(%dma_start3A_309 : memref<40000x128xf32, #tpu.memory_space<hbm>>) target(%arg12 : memref<64x128xf32, #tpu.memory_space<vmem>>) offsets(%dma_start3A_306 : memref<64xi32, #tpu.memory_space<vmem>>) semaphore(%arg16 : memref<!tpu.dma_semaphore, #tpu.memory_space<semaphore_mem>>)
      %add3A_310 = arith.constant 6 : i32
      %add3A_311 = arith.addi %mul3A_124, %add3A_310 : i32
      %dma_wait3A_312 = arith.constant 0 : i32
      %dma_wait3A_313 = arith.constant 0 : i32
      %dma_wait3A_314 = tpu.memref_slice %arg9[%dma_wait3A_312, %dma_wait3A_313] : memref<4x64xi32, #tpu.memory_space<vmem>> -> memref<1x64xi32, #tpu.memory_space<vmem>>
      %dma_wait3A_315 = tpu.memref_squeeze %dma_wait3A_314 : memref<1x64xi32, #tpu.memory_space<vmem>> -> memref<64xi32, #tpu.memory_space<vmem>>
      %dma_wait3A_316 = arith.constant 0 : i32
      %dma_wait3A_317 = arith.constant 0 : i32
      %dma_wait3A_318 = tpu.memref_slice %arg2[%dma_wait3A_316, %dma_wait3A_317] : memref<40000x128xf32, #tpu.memory_space<hbm>> -> memref<40000x128xf32, #tpu.memory_space<hbm>>
      tpu.wait_indirect_dma semaphore(%arg15 : memref<!tpu.dma_semaphore, #tpu.memory_space<semaphore_mem>>) src(%dma_wait3A_318 : memref<40000x128xf32, #tpu.memory_space<hbm>>) dst(%arg11 : memref<64x128xf32, #tpu.memory_space<vmem>>)
      %dma_start3A_319 = arith.constant 0 : i32
      %dma_start3A_320 = tpu.memref_slice %arg8[%add3A_311, %dma_start3A_319] : memref<160x64xi32, #tpu.memory_space<vmem>> -> memref<1x64xi32, #tpu.memory_space<vmem>>
      %dma_start3A_321 = tpu.memref_squeeze %dma_start3A_320 : memref<1x64xi32, #tpu.memory_space<vmem>> -> memref<64xi32, #tpu.memory_space<vmem>>
      %dma_start3A_322 = arith.constant 0 : i32
      %dma_start3A_323 = arith.constant 0 : i32
      %dma_start3A_324 = tpu.memref_slice %arg7[%dma_start3A_322, %dma_start3A_323] : memref<10112x128xf32, #tpu.memory_space<vmem_shared>> -> memref<10112x128xf32, #tpu.memory_space<vmem_shared>>
      tpu.enqueue_indirect_dma source(%arg11 : memref<64x128xf32, #tpu.memory_space<vmem>>) target(%dma_start3A_324 : memref<10112x128xf32, #tpu.memory_space<vmem_shared>>) offsets(%dma_start3A_321 : memref<64xi32, #tpu.memory_space<vmem>>) semaphore(%arg17 : memref<!tpu.dma_semaphore, #tpu.memory_space<semaphore_mem>>) {add = true}
      %dma_wait3A_325 = arith.constant 0 : i32
      %dma_wait3A_326 = arith.constant 0 : i32
      %dma_wait3A_327 = tpu.memref_slice %arg3[%add3A_59, %arg1, %dma_wait3A_325, %dma_wait3A_326] : memref<4x16x160x64xi32, #tpu.memory_space<hbm>> -> memref<1x1x4x64xi32, #tpu.memory_space<hbm>>
      %dma_wait3A_328 = tpu.memref_squeeze %dma_wait3A_327 : memref<1x1x4x64xi32, #tpu.memory_space<hbm>> -> memref<4x64xi32, #tpu.memory_space<hbm>>
      %dma_wait3A_329 = arith.constant 0 : i32
      %dma_wait3A_330 = arith.constant 0 : i32
      %dma_wait3A_331 = tpu.memref_slice %arg3[%add3A_59, %arg1, %dma_wait3A_329, %dma_wait3A_330] : memref<4x16x160x64xi32, #tpu.memory_space<hbm>> -> memref<1x1x4x64xi32, #tpu.memory_space<hbm>>
      %dma_wait3A_332 = tpu.memref_squeeze %dma_wait3A_331 : memref<1x1x4x64xi32, #tpu.memory_space<hbm>> -> memref<4x64xi32, #tpu.memory_space<hbm>>
      tpu.wait_dma2 semaphore(%arg13 : memref<!tpu.dma_semaphore, #tpu.memory_space<semaphore_mem>>) src(%dma_wait3A_332 : memref<4x64xi32, #tpu.memory_space<hbm>>) dst(%arg9 : memref<4x64xi32, #tpu.memory_space<vmem>>)
      %dma_wait3A_333 = arith.constant 0 : i32
      %dma_wait3A_334 = tpu.memref_slice %arg8[%add3A_311, %dma_wait3A_333] : memref<160x64xi32, #tpu.memory_space<vmem>> -> memref<1x64xi32, #tpu.memory_space<vmem>>
      %dma_wait3A_335 = tpu.memref_squeeze %dma_wait3A_334 : memref<1x64xi32, #tpu.memory_space<vmem>> -> memref<64xi32, #tpu.memory_space<vmem>>
      %dma_wait3A_336 = arith.constant 0 : i32
      %dma_wait3A_337 = arith.constant 0 : i32
      %dma_wait3A_338 = tpu.memref_slice %arg7[%dma_wait3A_336, %dma_wait3A_337] : memref<10112x128xf32, #tpu.memory_space<vmem_shared>> -> memref<10112x128xf32, #tpu.memory_space<vmem_shared>>
      tpu.wait_indirect_dma semaphore(%arg17 : memref<!tpu.dma_semaphore, #tpu.memory_space<semaphore_mem>>) src(%arg11 : memref<64x128xf32, #tpu.memory_space<vmem>>) dst(%dma_wait3A_338 : memref<10112x128xf32, #tpu.memory_space<vmem_shared>>)
      %dma_start3A_339 = arith.constant 0 : i32
      %dma_start3A_340 = arith.constant 0 : i32
      %dma_start3A_341 = tpu.memref_slice %arg9[%dma_start3A_339, %dma_start3A_340] : memref<4x64xi32, #tpu.memory_space<vmem>> -> memref<1x64xi32, #tpu.memory_space<vmem>>
      %dma_start3A_342 = tpu.memref_squeeze %dma_start3A_341 : memref<1x64xi32, #tpu.memory_space<vmem>> -> memref<64xi32, #tpu.memory_space<vmem>>
      %dma_start3A_343 = arith.constant 0 : i32
      %dma_start3A_344 = arith.constant 0 : i32
      %dma_start3A_345 = tpu.memref_slice %arg2[%dma_start3A_343, %dma_start3A_344] : memref<40000x128xf32, #tpu.memory_space<hbm>> -> memref<40000x128xf32, #tpu.memory_space<hbm>>
      tpu.enqueue_indirect_dma source(%dma_start3A_345 : memref<40000x128xf32, #tpu.memory_space<hbm>>) target(%arg11 : memref<64x128xf32, #tpu.memory_space<vmem>>) offsets(%dma_start3A_342 : memref<64xi32, #tpu.memory_space<vmem>>) semaphore(%arg15 : memref<!tpu.dma_semaphore, #tpu.memory_space<semaphore_mem>>)
      %add3A_346 = arith.constant 7 : i32
      %add3A_347 = arith.addi %mul3A_124, %add3A_346 : i32
      %dma_wait3A_348 = arith.constant 0 : i32
      %dma_wait3A_349 = arith.constant 0 : i32
      %dma_wait3A_350 = tpu.memref_slice %arg9[%dma_wait3A_348, %dma_wait3A_349] : memref<4x64xi32, #tpu.memory_space<vmem>> -> memref<1x64xi32, #tpu.memory_space<vmem>>
      %dma_wait3A_351 = tpu.memref_squeeze %dma_wait3A_350 : memref<1x64xi32, #tpu.memory_space<vmem>> -> memref<64xi32, #tpu.memory_space<vmem>>
      %dma_wait3A_352 = arith.constant 0 : i32
      %dma_wait3A_353 = arith.constant 0 : i32
      %dma_wait3A_354 = tpu.memref_slice %arg2[%dma_wait3A_352, %dma_wait3A_353] : memref<40000x128xf32, #tpu.memory_space<hbm>> -> memref<40000x128xf32, #tpu.memory_space<hbm>>
      tpu.wait_indirect_dma semaphore(%arg16 : memref<!tpu.dma_semaphore, #tpu.memory_space<semaphore_mem>>) src(%dma_wait3A_354 : memref<40000x128xf32, #tpu.memory_space<hbm>>) dst(%arg12 : memref<64x128xf32, #tpu.memory_space<vmem>>)
      %dma_start3A_355 = arith.constant 0 : i32
      %dma_start3A_356 = tpu.memref_slice %arg8[%add3A_347, %dma_start3A_355] : memref<160x64xi32, #tpu.memory_space<vmem>> -> memref<1x64xi32, #tpu.memory_space<vmem>>
      %dma_start3A_357 = tpu.memref_squeeze %dma_start3A_356 : memref<1x64xi32, #tpu.memory_space<vmem>> -> memref<64xi32, #tpu.memory_space<vmem>>
      %dma_start3A_358 = arith.constant 0 : i32
      %dma_start3A_359 = arith.constant 0 : i32
      %dma_start3A_360 = tpu.memref_slice %arg7[%dma_start3A_358, %dma_start3A_359] : memref<10112x128xf32, #tpu.memory_space<vmem_shared>> -> memref<10112x128xf32, #tpu.memory_space<vmem_shared>>
      tpu.enqueue_indirect_dma source(%arg12 : memref<64x128xf32, #tpu.memory_space<vmem>>) target(%dma_start3A_360 : memref<10112x128xf32, #tpu.memory_space<vmem_shared>>) offsets(%dma_start3A_357 : memref<64xi32, #tpu.memory_space<vmem>>) semaphore(%arg18 : memref<!tpu.dma_semaphore, #tpu.memory_space<semaphore_mem>>) {add = true}
      %add3A_361 = arith.constant 12 : i32
      %add3A_362 = arith.addi %mul3A_124, %add3A_361 : i32
      %min3A_363 = arith.constant 156 : i32
      %min3A_364 = arith.minsi %add3A_362, %min3A_363 : i32
      %dma_start3A_365 = arith.constant 0 : i32
      %dma_start3A_366 = tpu.memref_slice %arg3[%add3A_59, %arg1, %min3A_364, %dma_start3A_365] : memref<4x16x160x64xi32, #tpu.memory_space<hbm>> -> memref<1x1x4x64xi32, #tpu.memory_space<hbm>>
      %dma_start3A_367 = tpu.memref_squeeze %dma_start3A_366 : memref<1x1x4x64xi32, #tpu.memory_space<hbm>> -> memref<4x64xi32, #tpu.memory_space<hbm>>
      %dma_start3A_368 = arith.constant 0 : i32
      %dma_start3A_369 = tpu.memref_slice %arg3[%add3A_59, %arg1, %min3A_364, %dma_start3A_368] : memref<4x16x160x64xi32, #tpu.memory_space<hbm>> -> memref<1x1x4x64xi32, #tpu.memory_space<hbm>>
      %dma_start3A_370 = tpu.memref_squeeze %dma_start3A_369 : memref<1x1x4x64xi32, #tpu.memory_space<hbm>> -> memref<4x64xi32, #tpu.memory_space<hbm>>
      tpu.enqueue_dma source(%dma_start3A_370 : memref<4x64xi32, #tpu.memory_space<hbm>>) target(%arg10 : memref<4x64xi32, #tpu.memory_space<vmem>>) target_semaphore(%arg14 : memref<!tpu.dma_semaphore, #tpu.memory_space<semaphore_mem>>)
      %dma_wait3A_371 = arith.constant 0 : i32
      %dma_wait3A_372 = tpu.memref_slice %arg8[%add3A_347, %dma_wait3A_371] : memref<160x64xi32, #tpu.memory_space<vmem>> -> memref<1x64xi32, #tpu.memory_space<vmem>>
      %dma_wait3A_373 = tpu.memref_squeeze %dma_wait3A_372 : memref<1x64xi32, #tpu.memory_space<vmem>> -> memref<64xi32, #tpu.memory_space<vmem>>
      %dma_wait3A_374 = arith.constant 0 : i32
      %dma_wait3A_375 = arith.constant 0 : i32
      %dma_wait3A_376 = tpu.memref_slice %arg7[%dma_wait3A_374, %dma_wait3A_375] : memref<10112x128xf32, #tpu.memory_space<vmem_shared>> -> memref<10112x128xf32, #tpu.memory_space<vmem_shared>>
      tpu.wait_indirect_dma semaphore(%arg18 : memref<!tpu.dma_semaphore, #tpu.memory_space<semaphore_mem>>) src(%arg12 : memref<64x128xf32, #tpu.memory_space<vmem>>) dst(%dma_wait3A_376 : memref<10112x128xf32, #tpu.memory_space<vmem_shared>>)
      %dma_start3A_377 = arith.constant 1 : i32
      %dma_start3A_378 = arith.constant 0 : i32
      %dma_start3A_379 = tpu.memref_slice %arg9[%dma_start3A_377, %dma_start3A_378] : memref<4x64xi32, #tpu.memory_space<vmem>> -> memref<1x64xi32, #tpu.memory_space<vmem>>
      %dma_start3A_380 = tpu.memref_squeeze %dma_start3A_379 : memref<1x64xi32, #tpu.memory_space<vmem>> -> memref<64xi32, #tpu.memory_space<vmem>>
      %dma_start3A_381 = arith.constant 0 : i32
      %dma_start3A_382 = arith.constant 0 : i32
      %dma_start3A_383 = tpu.memref_slice %arg2[%dma_start3A_381, %dma_start3A_382] : memref<40000x128xf32, #tpu.memory_space<hbm>> -> memref<40000x128xf32, #tpu.memory_space<hbm>>
      tpu.enqueue_indirect_dma source(%dma_start3A_383 : memref<40000x128xf32, #tpu.memory_space<hbm>>) target(%arg12 : memref<64x128xf32, #tpu.memory_space<vmem>>) offsets(%dma_start3A_380 : memref<64xi32, #tpu.memory_space<vmem>>) semaphore(%arg16 : memref<!tpu.dma_semaphore, #tpu.memory_space<semaphore_mem>>)
    }
    %scan3A_90 = arith.constant 20 : i32
    %dma_wait3A_91 = arith.constant 0 : i32
    %dma_wait3A_92 = arith.constant 0 : i32
    %dma_wait3A_93 = tpu.memref_slice %arg9[%dma_wait3A_91, %dma_wait3A_92] : memref<4x64xi32, #tpu.memory_space<vmem>> -> memref<1x64xi32, #tpu.memory_space<vmem>>
    %dma_wait3A_94 = tpu.memref_squeeze %dma_wait3A_93 : memref<1x64xi32, #tpu.memory_space<vmem>> -> memref<64xi32, #tpu.memory_space<vmem>>
    %dma_wait3A_95 = arith.constant 0 : i32
    %dma_wait3A_96 = arith.constant 0 : i32
    %dma_wait3A_97 = tpu.memref_slice %arg2[%dma_wait3A_95, %dma_wait3A_96] : memref<40000x128xf32, #tpu.memory_space<hbm>> -> memref<40000x128xf32, #tpu.memory_space<hbm>>
    tpu.wait_indirect_dma semaphore(%arg15 : memref<!tpu.dma_semaphore, #tpu.memory_space<semaphore_mem>>) src(%dma_wait3A_97 : memref<40000x128xf32, #tpu.memory_space<hbm>>) dst(%arg11 : memref<64x128xf32, #tpu.memory_space<vmem>>)
    %dma_wait3A_98 = arith.constant 1 : i32
    %dma_wait3A_99 = arith.constant 0 : i32
    %dma_wait3A_100 = tpu.memref_slice %arg9[%dma_wait3A_98, %dma_wait3A_99] : memref<4x64xi32, #tpu.memory_space<vmem>> -> memref<1x64xi32, #tpu.memory_space<vmem>>
    %dma_wait3A_101 = tpu.memref_squeeze %dma_wait3A_100 : memref<1x64xi32, #tpu.memory_space<vmem>> -> memref<64xi32, #tpu.memory_space<vmem>>
    %dma_wait3A_102 = arith.constant 0 : i32
    %dma_wait3A_103 = arith.constant 0 : i32
    %dma_wait3A_104 = tpu.memref_slice %arg2[%dma_wait3A_102, %dma_wait3A_103] : memref<40000x128xf32, #tpu.memory_space<hbm>> -> memref<40000x128xf32, #tpu.memory_space<hbm>>
    tpu.wait_indirect_dma semaphore(%arg16 : memref<!tpu.dma_semaphore, #tpu.memory_space<semaphore_mem>>) src(%dma_wait3A_104 : memref<40000x128xf32, #tpu.memory_space<hbm>>) dst(%arg12 : memref<64x128xf32, #tpu.memory_space<vmem>>)
    %dma_wait3A_105 = arith.constant 0 : i32
    %dma_wait3A_106 = arith.constant 0 : i32
    %dma_wait3A_107 = tpu.memref_slice %arg3[%add3A_59, %arg1, %dma_wait3A_105, %dma_wait3A_106] : memref<4x16x160x64xi32, #tpu.memory_space<hbm>> -> memref<1x1x4x64xi32, #tpu.memory_space<hbm>>
    %dma_wait3A_108 = tpu.memref_squeeze %dma_wait3A_107 : memref<1x1x4x64xi32, #tpu.memory_space<hbm>> -> memref<4x64xi32, #tpu.memory_space<hbm>>
    %dma_wait3A_109 = arith.constant 0 : i32
    %dma_wait3A_110 = arith.constant 0 : i32
    %dma_wait3A_111 = tpu.memref_slice %arg3[%add3A_59, %arg1, %dma_wait3A_109, %dma_wait3A_110] : memref<4x16x160x64xi32, #tpu.memory_space<hbm>> -> memref<1x1x4x64xi32, #tpu.memory_space<hbm>>
    %dma_wait3A_112 = tpu.memref_squeeze %dma_wait3A_111 : memref<1x1x4x64xi32, #tpu.memory_space<hbm>> -> memref<4x64xi32, #tpu.memory_space<hbm>>
    tpu.wait_dma2 semaphore(%arg14 : memref<!tpu.dma_semaphore, #tpu.memory_space<semaphore_mem>>) src(%dma_wait3A_112 : memref<4x64xi32, #tpu.memory_space<hbm>>) dst(%arg10 : memref<4x64xi32, #tpu.memory_space<vmem>>)
    %barrier3A_113 = arith.constant 0 : index
    tpu.barrier barrier_id(%barrier3A_113)
    %mul3A_114 = arith.constant 632 : i32
    %mul3A_115 = arith.muli %arg1, %mul3A_114 : i32
    %mul3A_116 = arith.constant 10112 : i32
    %mul3A_117 = arith.muli %add3A_59, %mul3A_116 : i32
    %mul3A_118 = arith.constant 632 : i32
    %mul3A_119 = arith.muli %arg1, %mul3A_118 : i32
    %add3A_120 = arith.addi %mul3A_117, %mul3A_119 : i32
    "tpu.region"() ({
      %run_scoped3A = tpu.sem_alloc : memref<!tpu.dma_semaphore, #tpu.memory_space<semaphore_mem>>
      %dma_start3A_122 = arith.constant 0 : i32
      %dma_start3A_123 = tpu.memref_slice %arg6[%add3A_120, %dma_start3A_122] : memref<40448x128xf32, #tpu.memory_space<hbm>> -> memref<632x128xf32, #tpu.memory_space<hbm>>
      %dma_start3A_124 = arith.constant 0 : i32
      %dma_start3A_125 = tpu.memref_slice %arg7[%mul3A_115, %dma_start3A_124] : memref<10112x128xf32, #tpu.memory_space<vmem_shared>> -> memref<632x128xf32, #tpu.memory_space<vmem_shared>>
      tpu.enqueue_dma source(%dma_start3A_125 : memref<632x128xf32, #tpu.memory_space<vmem_shared>>) target(%dma_start3A_123 : memref<632x128xf32, #tpu.memory_space<hbm>>) target_semaphore(%run_scoped3A : memref<!tpu.dma_semaphore, #tpu.memory_space<semaphore_mem>>)
      %dma_wait3A_126 = arith.constant 0 : i32
      %dma_wait3A_127 = tpu.memref_slice %arg6[%add3A_120, %dma_wait3A_126] : memref<40448x128xf32, #tpu.memory_space<hbm>> -> memref<632x128xf32, #tpu.memory_space<hbm>>
      %dma_wait3A_128 = arith.constant 0 : i32
      %dma_wait3A_129 = tpu.memref_slice %arg7[%mul3A_115, %dma_wait3A_128] : memref<10112x128xf32, #tpu.memory_space<vmem_shared>> -> memref<632x128xf32, #tpu.memory_space<vmem_shared>>
      tpu.wait_dma2 semaphore(%run_scoped3A : memref<!tpu.dma_semaphore, #tpu.memory_space<semaphore_mem>>) src(%dma_wait3A_129 : memref<632x128xf32, #tpu.memory_space<vmem_shared>>) dst(%dma_wait3A_127 : memref<632x128xf32, #tpu.memory_space<hbm>>)
      tpu.yield
    }) : () -> ()
    %barrier3A_121 = arith.constant 0 : index
    tpu.barrier barrier_id(%barrier3A_121)
    return
  }
}

#map = affine_map<(d0, d1) -> (0, 0)>
#map1 = affine_map<(d0, d1) -> (0, 0, 0, 0)>
#map2 = affine_map<(d0, d1) -> (0, 0, 0)>
module attributes {stable_mosaic.version = 14 : i64} {
  func.func @body(%arg0: i32, %arg1: i32, %arg2: memref<40000x128xf32, #tpu.memory_space<hbm>>, %arg3: memref<4x16x160x64xi32, #tpu.memory_space<hbm>>, %arg4: memref<16x160x64xi32, #tpu.memory_space<hbm>>, %arg5: memref<632x128xf32, #tpu.memory_space<hbm>>, %arg6: memref<40448x128xf32, #tpu.memory_space<hbm>>, %arg7: memref<10112x128xf32, #tpu.memory_space<vmem_shared>>, %arg8: memref<160x64xi32, #tpu.memory_space<vmem>>, %arg9: memref<4x64xi32, #tpu.memory_space<vmem>>, %arg10: memref<4x64xi32, #tpu.memory_space<vmem>>, %arg11: memref<64x128xf32, #tpu.memory_space<vmem>>, %arg12: memref<64x128xf32, #tpu.memory_space<vmem>>, %arg13: memref<!tpu.dma_semaphore, #tpu.memory_space<semaphore_mem>>, %arg14: memref<!tpu.dma_semaphore, #tpu.memory_space<semaphore_mem>>, %arg15: memref<!tpu.dma_semaphore, #tpu.memory_space<semaphore_mem>>, %arg16: memref<!tpu.dma_semaphore, #tpu.memory_space<semaphore_mem>>, %arg17: memref<!tpu.dma_semaphore, #tpu.memory_space<semaphore_mem>>, %arg18: memref<!tpu.dma_semaphore, #tpu.memory_space<semaphore_mem>>) attributes {dimension_semantics = [#tpu.dimension_semantics<core_parallel>, #tpu.dimension_semantics<subcore_parallel>], iteration_bounds = array<i64: 2, 16>, scalar_prefetch = 0 : i64, scratch_operands = 12 : i64, tpu.core_type = #tpu.core_type<sc_vector_subcore>, window_params = [{transform_indices = #map}, {transform_indices = #map1}, {transform_indices = #map2}, {transform_indices = #map}, {transform_indices = #map}]} {
    "tpu.region"() ({
      %run_scoped3A = tpu.sem_alloc : memref<!tpu.dma_semaphore, #tpu.memory_space<semaphore_mem>>
      %dma_start3A_122 = arith.constant 0 : i32
      %dma_start3A_123 = arith.constant 0 : i32
      %dma_start3A_124 = tpu.memref_slice %arg4[%arg1, %dma_start3A_122, %dma_start3A_123] : memref<16x160x64xi32, #tpu.memory_space<hbm>> -> memref<1x160x64xi32, #tpu.memory_space<hbm>>
      %dma_start3A_125 = tpu.memref_squeeze %dma_start3A_124 : memref<1x160x64xi32, #tpu.memory_space<hbm>> -> memref<160x64xi32, #tpu.memory_space<hbm>>
      %dma_start3A_126 = arith.constant 0 : i32
      %dma_start3A_127 = arith.constant 0 : i32
      %dma_start3A_128 = tpu.memref_slice %arg4[%arg1, %dma_start3A_126, %dma_start3A_127] : memref<16x160x64xi32, #tpu.memory_space<hbm>> -> memref<1x160x64xi32, #tpu.memory_space<hbm>>
      %dma_start3A_129 = tpu.memref_squeeze %dma_start3A_128 : memref<1x160x64xi32, #tpu.memory_space<hbm>> -> memref<160x64xi32, #tpu.memory_space<hbm>>
      tpu.enqueue_dma source(%dma_start3A_129 : memref<160x64xi32, #tpu.memory_space<hbm>>) target(%arg8 : memref<160x64xi32, #tpu.memory_space<vmem>>) target_semaphore(%run_scoped3A : memref<!tpu.dma_semaphore, #tpu.memory_space<semaphore_mem>>)
      %dma_wait3A_130 = arith.constant 0 : i32
      %dma_wait3A_131 = arith.constant 0 : i32
      %dma_wait3A_132 = tpu.memref_slice %arg4[%arg1, %dma_wait3A_130, %dma_wait3A_131] : memref<16x160x64xi32, #tpu.memory_space<hbm>> -> memref<1x160x64xi32, #tpu.memory_space<hbm>>
      %dma_wait3A_133 = tpu.memref_squeeze %dma_wait3A_132 : memref<1x160x64xi32, #tpu.memory_space<hbm>> -> memref<160x64xi32, #tpu.memory_space<hbm>>
      %dma_wait3A_134 = arith.constant 0 : i32
      %dma_wait3A_135 = arith.constant 0 : i32
      %dma_wait3A_136 = tpu.memref_slice %arg4[%arg1, %dma_wait3A_134, %dma_wait3A_135] : memref<16x160x64xi32, #tpu.memory_space<hbm>> -> memref<1x160x64xi32, #tpu.memory_space<hbm>>
      %dma_wait3A_137 = tpu.memref_squeeze %dma_wait3A_136 : memref<1x160x64xi32, #tpu.memory_space<hbm>> -> memref<160x64xi32, #tpu.memory_space<hbm>>
      tpu.wait_dma2 semaphore(%run_scoped3A : memref<!tpu.dma_semaphore, #tpu.memory_space<semaphore_mem>>) src(%dma_wait3A_137 : memref<160x64xi32, #tpu.memory_space<hbm>>) dst(%arg8 : memref<160x64xi32, #tpu.memory_space<vmem>>)
      tpu.yield
    }) : () -> ()
    %add3A = arith.constant 0 : i32
    %add3A_0 = arith.addi %add3A, %arg0 : i32
    %mul3A = arith.constant 632 : i32
    %mul3A_1 = arith.muli %arg1, %mul3A : i32
    "tpu.region"() ({
      %run_scoped3A = tpu.sem_alloc : memref<!tpu.dma_semaphore, #tpu.memory_space<semaphore_mem>>
      %dma_start3A_122 = arith.constant 0 : i32
      %dma_start3A_123 = tpu.memref_slice %arg7[%mul3A_1, %dma_start3A_122] : memref<10112x128xf32, #tpu.memory_space<vmem_shared>> -> memref<632x128xf32, #tpu.memory_space<vmem_shared>>
      tpu.enqueue_dma source(%arg5 : memref<632x128xf32, #tpu.memory_space<hbm>>) target(%dma_start3A_123 : memref<632x128xf32, #tpu.memory_space<vmem_shared>>) target_semaphore(%run_scoped3A : memref<!tpu.dma_semaphore, #tpu.memory_space<semaphore_mem>>)
      %dma_wait3A_124 = arith.constant 0 : i32
      %dma_wait3A_125 = tpu.memref_slice %arg7[%mul3A_1, %dma_wait3A_124] : memref<10112x128xf32, #tpu.memory_space<vmem_shared>> -> memref<632x128xf32, #tpu.memory_space<vmem_shared>>
      tpu.wait_dma2 semaphore(%run_scoped3A : memref<!tpu.dma_semaphore, #tpu.memory_space<semaphore_mem>>) src(%arg5 : memref<632x128xf32, #tpu.memory_space<hbm>>) dst(%dma_wait3A_125 : memref<632x128xf32, #tpu.memory_space<vmem_shared>>)
      tpu.yield
    }) : () -> ()
    "tpu.region"() ({
      %run_scoped3A = tpu.sem_alloc : memref<!tpu.dma_semaphore, #tpu.memory_space<semaphore_mem>>
      %dma_start3A_122 = arith.constant 0 : i32
      %dma_start3A_123 = arith.constant 0 : i32
      %dma_start3A_124 = tpu.memref_slice %arg3[%add3A_0, %arg1, %dma_start3A_122, %dma_start3A_123] : memref<4x16x160x64xi32, #tpu.memory_space<hbm>> -> memref<1x1x4x64xi32, #tpu.memory_space<hbm>>
      %dma_start3A_125 = tpu.memref_squeeze %dma_start3A_124 : memref<1x1x4x64xi32, #tpu.memory_space<hbm>> -> memref<4x64xi32, #tpu.memory_space<hbm>>
      %dma_start3A_126 = arith.constant 0 : i32
      %dma_start3A_127 = arith.constant 0 : i32
      %dma_start3A_128 = tpu.memref_slice %arg3[%add3A_0, %arg1, %dma_start3A_126, %dma_start3A_127] : memref<4x16x160x64xi32, #tpu.memory_space<hbm>> -> memref<1x1x4x64xi32, #tpu.memory_space<hbm>>
      %dma_start3A_129 = tpu.memref_squeeze %dma_start3A_128 : memref<1x1x4x64xi32, #tpu.memory_space<hbm>> -> memref<4x64xi32, #tpu.memory_space<hbm>>
      tpu.enqueue_dma source(%dma_start3A_129 : memref<4x64xi32, #tpu.memory_space<hbm>>) target(%arg9 : memref<4x64xi32, #tpu.memory_space<vmem>>) target_semaphore(%run_scoped3A : memref<!tpu.dma_semaphore, #tpu.memory_space<semaphore_mem>>)
      %dma_wait3A_130 = arith.constant 0 : i32
      %dma_wait3A_131 = arith.constant 0 : i32
      %dma_wait3A_132 = tpu.memref_slice %arg3[%add3A_0, %arg1, %dma_wait3A_130, %dma_wait3A_131] : memref<4x16x160x64xi32, #tpu.memory_space<hbm>> -> memref<1x1x4x64xi32, #tpu.memory_space<hbm>>
      %dma_wait3A_133 = tpu.memref_squeeze %dma_wait3A_132 : memref<1x1x4x64xi32, #tpu.memory_space<hbm>> -> memref<4x64xi32, #tpu.memory_space<hbm>>
      %dma_wait3A_134 = arith.constant 0 : i32
      %dma_wait3A_135 = arith.constant 0 : i32
      %dma_wait3A_136 = tpu.memref_slice %arg3[%add3A_0, %arg1, %dma_wait3A_134, %dma_wait3A_135] : memref<4x16x160x64xi32, #tpu.memory_space<hbm>> -> memref<1x1x4x64xi32, #tpu.memory_space<hbm>>
      %dma_wait3A_137 = tpu.memref_squeeze %dma_wait3A_136 : memref<1x1x4x64xi32, #tpu.memory_space<hbm>> -> memref<4x64xi32, #tpu.memory_space<hbm>>
      tpu.wait_dma2 semaphore(%run_scoped3A : memref<!tpu.dma_semaphore, #tpu.memory_space<semaphore_mem>>) src(%dma_wait3A_137 : memref<4x64xi32, #tpu.memory_space<hbm>>) dst(%arg9 : memref<4x64xi32, #tpu.memory_space<vmem>>)
      tpu.yield
    }) : () -> ()
    %dma_start3A = arith.constant 4 : i32
    %dma_start3A_2 = arith.constant 0 : i32
    %dma_start3A_3 = tpu.memref_slice %arg3[%add3A_0, %arg1, %dma_start3A, %dma_start3A_2] : memref<4x16x160x64xi32, #tpu.memory_space<hbm>> -> memref<1x1x4x64xi32, #tpu.memory_space<hbm>>
    %dma_start3A_4 = tpu.memref_squeeze %dma_start3A_3 : memref<1x1x4x64xi32, #tpu.memory_space<hbm>> -> memref<4x64xi32, #tpu.memory_space<hbm>>
    %dma_start3A_5 = arith.constant 4 : i32
    %dma_start3A_6 = arith.constant 0 : i32
    %dma_start3A_7 = tpu.memref_slice %arg3[%add3A_0, %arg1, %dma_start3A_5, %dma_start3A_6] : memref<4x16x160x64xi32, #tpu.memory_space<hbm>> -> memref<1x1x4x64xi32, #tpu.memory_space<hbm>>
    %dma_start3A_8 = tpu.memref_squeeze %dma_start3A_7 : memref<1x1x4x64xi32, #tpu.memory_space<hbm>> -> memref<4x64xi32, #tpu.memory_space<hbm>>
    tpu.enqueue_dma source(%dma_start3A_8 : memref<4x64xi32, #tpu.memory_space<hbm>>) target(%arg10 : memref<4x64xi32, #tpu.memory_space<vmem>>) target_semaphore(%arg14 : memref<!tpu.dma_semaphore, #tpu.memory_space<semaphore_mem>>)
    %barrier3A = arith.constant 0 : index
    tpu.barrier barrier_id(%barrier3A)
    %dma_start3A_9 = arith.constant 0 : i32
    %dma_start3A_10 = arith.constant 0 : i32
    %dma_start3A_11 = tpu.memref_slice %arg9[%dma_start3A_9, %dma_start3A_10] : memref<4x64xi32, #tpu.memory_space<vmem>> -> memref<1x64xi32, #tpu.memory_space<vmem>>
    %dma_start3A_12 = tpu.memref_squeeze %dma_start3A_11 : memref<1x64xi32, #tpu.memory_space<vmem>> -> memref<64xi32, #tpu.memory_space<vmem>>
    %dma_start3A_13 = arith.constant 0 : i32
    %dma_start3A_14 = arith.constant 0 : i32
    %dma_start3A_15 = tpu.memref_slice %arg2[%dma_start3A_13, %dma_start3A_14] : memref<40000x128xf32, #tpu.memory_space<hbm>> -> memref<40000x128xf32, #tpu.memory_space<hbm>>
    tpu.enqueue_indirect_dma source(%dma_start3A_15 : memref<40000x128xf32, #tpu.memory_space<hbm>>) target(%arg11 : memref<64x128xf32, #tpu.memory_space<vmem>>) offsets(%dma_start3A_12 : memref<64xi32, #tpu.memory_space<vmem>>) semaphore(%arg15 : memref<!tpu.dma_semaphore, #tpu.memory_space<semaphore_mem>>)
    %dma_start3A_16 = arith.constant 1 : i32
    %dma_start3A_17 = arith.constant 0 : i32
    %dma_start3A_18 = tpu.memref_slice %arg9[%dma_start3A_16, %dma_start3A_17] : memref<4x64xi32, #tpu.memory_space<vmem>> -> memref<1x64xi32, #tpu.memory_space<vmem>>
    %dma_start3A_19 = tpu.memref_squeeze %dma_start3A_18 : memref<1x64xi32, #tpu.memory_space<vmem>> -> memref<64xi32, #tpu.memory_space<vmem>>
    %dma_start3A_20 = arith.constant 0 : i32
    %dma_start3A_21 = arith.constant 0 : i32
    %dma_start3A_22 = tpu.memref_slice %arg2[%dma_start3A_20, %dma_start3A_21] : memref<40000x128xf32, #tpu.memory_space<hbm>> -> memref<40000x128xf32, #tpu.memory_space<hbm>>
    tpu.enqueue_indirect_dma source(%dma_start3A_22 : memref<40000x128xf32, #tpu.memory_space<hbm>>) target(%arg12 : memref<64x128xf32, #tpu.memory_space<vmem>>) offsets(%dma_start3A_19 : memref<64xi32, #tpu.memory_space<vmem>>) semaphore(%arg16 : memref<!tpu.dma_semaphore, #tpu.memory_space<semaphore_mem>>)
    %scan3A = arith.constant 0 : i32
    %scan3A_23 = arith.constant 0 : i32
    %scan3A_24 = arith.constant 20 : i32
    %scan3A_25 = arith.addi %scan3A_23, %scan3A_24 : i32
    %scan3A_26 = arith.constant 1 : i32
    scf.for %scan3A_122 = %scan3A_23 to %scan3A_25 step %scan3A_26  : i32 {
      %mul3A_123 = arith.constant 8 : i32
      %mul3A_124 = arith.muli %mul3A_123, %scan3A_122 : i32
      %add3A_125 = arith.constant 0 : i32
      %add3A_126 = arith.addi %mul3A_124, %add3A_125 : i32
      %dma_wait3A_127 = arith.constant 0 : i32
      %dma_wait3A_128 = arith.constant 0 : i32
      %dma_wait3A_129 = tpu.memref_slice %arg9[%dma_wait3A_127, %dma_wait3A_128] : memref<4x64xi32, #tpu.memory_space<vmem>> -> memref<1x64xi32, #tpu.memory_space<vmem>>
      %dma_wait3A_130 = tpu.memref_squeeze %dma_wait3A_129 : memref<1x64xi32, #tpu.memory_space<vmem>> -> memref<64xi32, #tpu.memory_space<vmem>>
      %dma_wait3A_131 = arith.constant 0 : i32
      %dma_wait3A_132 = arith.constant 0 : i32
      %dma_wait3A_133 = tpu.memref_slice %arg2[%dma_wait3A_131, %dma_wait3A_132] : memref<40000x128xf32, #tpu.memory_space<hbm>> -> memref<40000x128xf32, #tpu.memory_space<hbm>>
      tpu.wait_indirect_dma semaphore(%arg15 : memref<!tpu.dma_semaphore, #tpu.memory_space<semaphore_mem>>) src(%dma_wait3A_133 : memref<40000x128xf32, #tpu.memory_space<hbm>>) dst(%arg11 : memref<64x128xf32, #tpu.memory_space<vmem>>)
      %dma_start3A_134 = arith.constant 0 : i32
      %dma_start3A_135 = tpu.memref_slice %arg8[%add3A_126, %dma_start3A_134] : memref<160x64xi32, #tpu.memory_space<vmem>> -> memref<1x64xi32, #tpu.memory_space<vmem>>
      %dma_start3A_136 = tpu.memref_squeeze %dma_start3A_135 : memref<1x64xi32, #tpu.memory_space<vmem>> -> memref<64xi32, #tpu.memory_space<vmem>>
      %dma_start3A_137 = arith.constant 0 : i32
      %dma_start3A_138 = arith.constant 0 : i32
      %dma_start3A_139 = tpu.memref_slice %arg7[%dma_start3A_137, %dma_start3A_138] : memref<10112x128xf32, #tpu.memory_space<vmem_shared>> -> memref<10112x128xf32, #tpu.memory_space<vmem_shared>>
      tpu.enqueue_indirect_dma source(%arg11 : memref<64x128xf32, #tpu.memory_space<vmem>>) target(%dma_start3A_139 : memref<10112x128xf32, #tpu.memory_space<vmem_shared>>) offsets(%dma_start3A_136 : memref<64xi32, #tpu.memory_space<vmem>>) semaphore(%arg17 : memref<!tpu.dma_semaphore, #tpu.memory_space<semaphore_mem>>) {add = true}
      %dma_wait3A_140 = arith.constant 0 : i32
      %dma_wait3A_141 = tpu.memref_slice %arg8[%add3A_126, %dma_wait3A_140] : memref<160x64xi32, #tpu.memory_space<vmem>> -> memref<1x64xi32, #tpu.memory_space<vmem>>
      %dma_wait3A_142 = tpu.memref_squeeze %dma_wait3A_141 : memref<1x64xi32, #tpu.memory_space<vmem>> -> memref<64xi32, #tpu.memory_space<vmem>>
      %dma_wait3A_143 = arith.constant 0 : i32
      %dma_wait3A_144 = arith.constant 0 : i32
      %dma_wait3A_145 = tpu.memref_slice %arg7[%dma_wait3A_143, %dma_wait3A_144] : memref<10112x128xf32, #tpu.memory_space<vmem_shared>> -> memref<10112x128xf32, #tpu.memory_space<vmem_shared>>
      tpu.wait_indirect_dma semaphore(%arg17 : memref<!tpu.dma_semaphore, #tpu.memory_space<semaphore_mem>>) src(%arg11 : memref<64x128xf32, #tpu.memory_space<vmem>>) dst(%dma_wait3A_145 : memref<10112x128xf32, #tpu.memory_space<vmem_shared>>)
      %dma_start3A_146 = arith.constant 2 : i32
      %dma_start3A_147 = arith.constant 0 : i32
      %dma_start3A_148 = tpu.memref_slice %arg9[%dma_start3A_146, %dma_start3A_147] : memref<4x64xi32, #tpu.memory_space<vmem>> -> memref<1x64xi32, #tpu.memory_space<vmem>>
      %dma_start3A_149 = tpu.memref_squeeze %dma_start3A_148 : memref<1x64xi32, #tpu.memory_space<vmem>> -> memref<64xi32, #tpu.memory_space<vmem>>
      %dma_start3A_150 = arith.constant 0 : i32
      %dma_start3A_151 = arith.constant 0 : i32
      %dma_start3A_152 = tpu.memref_slice %arg2[%dma_start3A_150, %dma_start3A_151] : memref<40000x128xf32, #tpu.memory_space<hbm>> -> memref<40000x128xf32, #tpu.memory_space<hbm>>
      tpu.enqueue_indirect_dma source(%dma_start3A_152 : memref<40000x128xf32, #tpu.memory_space<hbm>>) target(%arg11 : memref<64x128xf32, #tpu.memory_space<vmem>>) offsets(%dma_start3A_149 : memref<64xi32, #tpu.memory_space<vmem>>) semaphore(%arg15 : memref<!tpu.dma_semaphore, #tpu.memory_space<semaphore_mem>>)
      %add3A_153 = arith.constant 1 : i32
      %add3A_154 = arith.addi %mul3A_124, %add3A_153 : i32
      %dma_wait3A_155 = arith.constant 0 : i32
      %dma_wait3A_156 = arith.constant 0 : i32
      %dma_wait3A_157 = tpu.memref_slice %arg9[%dma_wait3A_155, %dma_wait3A_156] : memref<4x64xi32, #tpu.memory_space<vmem>> -> memref<1x64xi32, #tpu.memory_space<vmem>>
      %dma_wait3A_158 = tpu.memref_squeeze %dma_wait3A_157 : memref<1x64xi32, #tpu.memory_space<vmem>> -> memref<64xi32, #tpu.memory_space<vmem>>
      %dma_wait3A_159 = arith.constant 0 : i32
      %dma_wait3A_160 = arith.constant 0 : i32
      %dma_wait3A_161 = tpu.memref_slice %arg2[%dma_wait3A_159, %dma_wait3A_160] : memref<40000x128xf32, #tpu.memory_space<hbm>> -> memref<40000x128xf32, #tpu.memory_space<hbm>>
      tpu.wait_indirect_dma semaphore(%arg16 : memref<!tpu.dma_semaphore, #tpu.memory_space<semaphore_mem>>) src(%dma_wait3A_161 : memref<40000x128xf32, #tpu.memory_space<hbm>>) dst(%arg12 : memref<64x128xf32, #tpu.memory_space<vmem>>)
      %dma_start3A_162 = arith.constant 0 : i32
      %dma_start3A_163 = tpu.memref_slice %arg8[%add3A_154, %dma_start3A_162] : memref<160x64xi32, #tpu.memory_space<vmem>> -> memref<1x64xi32, #tpu.memory_space<vmem>>
      %dma_start3A_164 = tpu.memref_squeeze %dma_start3A_163 : memref<1x64xi32, #tpu.memory_space<vmem>> -> memref<64xi32, #tpu.memory_space<vmem>>
      %dma_start3A_165 = arith.constant 0 : i32
      %dma_start3A_166 = arith.constant 0 : i32
      %dma_start3A_167 = tpu.memref_slice %arg7[%dma_start3A_165, %dma_start3A_166] : memref<10112x128xf32, #tpu.memory_space<vmem_shared>> -> memref<10112x128xf32, #tpu.memory_space<vmem_shared>>
      tpu.enqueue_indirect_dma source(%arg12 : memref<64x128xf32, #tpu.memory_space<vmem>>) target(%dma_start3A_167 : memref<10112x128xf32, #tpu.memory_space<vmem_shared>>) offsets(%dma_start3A_164 : memref<64xi32, #tpu.memory_space<vmem>>) semaphore(%arg18 : memref<!tpu.dma_semaphore, #tpu.memory_space<semaphore_mem>>) {add = true}
      %dma_wait3A_168 = arith.constant 0 : i32
      %dma_wait3A_169 = tpu.memref_slice %arg8[%add3A_154, %dma_wait3A_168] : memref<160x64xi32, #tpu.memory_space<vmem>> -> memref<1x64xi32, #tpu.memory_space<vmem>>
      %dma_wait3A_170 = tpu.memref_squeeze %dma_wait3A_169 : memref<1x64xi32, #tpu.memory_space<vmem>> -> memref<64xi32, #tpu.memory_space<vmem>>
      %dma_wait3A_171 = arith.constant 0 : i32
      %dma_wait3A_172 = arith.constant 0 : i32
      %dma_wait3A_173 = tpu.memref_slice %arg7[%dma_wait3A_171, %dma_wait3A_172] : memref<10112x128xf32, #tpu.memory_space<vmem_shared>> -> memref<10112x128xf32, #tpu.memory_space<vmem_shared>>
      tpu.wait_indirect_dma semaphore(%arg18 : memref<!tpu.dma_semaphore, #tpu.memory_space<semaphore_mem>>) src(%arg12 : memref<64x128xf32, #tpu.memory_space<vmem>>) dst(%dma_wait3A_173 : memref<10112x128xf32, #tpu.memory_space<vmem_shared>>)
      %dma_start3A_174 = arith.constant 3 : i32
      %dma_start3A_175 = arith.constant 0 : i32
      %dma_start3A_176 = tpu.memref_slice %arg9[%dma_start3A_174, %dma_start3A_175] : memref<4x64xi32, #tpu.memory_space<vmem>> -> memref<1x64xi32, #tpu.memory_space<vmem>>
      %dma_start3A_177 = tpu.memref_squeeze %dma_start3A_176 : memref<1x64xi32, #tpu.memory_space<vmem>> -> memref<64xi32, #tpu.memory_space<vmem>>
      %dma_start3A_178 = arith.constant 0 : i32
      %dma_start3A_179 = arith.constant 0 : i32
      %dma_start3A_180 = tpu.memref_slice %arg2[%dma_start3A_178, %dma_start3A_179] : memref<40000x128xf32, #tpu.memory_space<hbm>> -> memref<40000x128xf32, #tpu.memory_space<hbm>>
      tpu.enqueue_indirect_dma source(%dma_start3A_180 : memref<40000x128xf32, #tpu.memory_space<hbm>>) target(%arg12 : memref<64x128xf32, #tpu.memory_space<vmem>>) offsets(%dma_start3A_177 : memref<64xi32, #tpu.memory_space<vmem>>) semaphore(%arg16 : memref<!tpu.dma_semaphore, #tpu.memory_space<semaphore_mem>>)
      %add3A_181 = arith.constant 2 : i32
      %add3A_182 = arith.addi %mul3A_124, %add3A_181 : i32
      %dma_wait3A_183 = arith.constant 0 : i32
      %dma_wait3A_184 = arith.constant 0 : i32
      %dma_wait3A_185 = tpu.memref_slice %arg9[%dma_wait3A_183, %dma_wait3A_184] : memref<4x64xi32, #tpu.memory_space<vmem>> -> memref<1x64xi32, #tpu.memory_space<vmem>>
      %dma_wait3A_186 = tpu.memref_squeeze %dma_wait3A_185 : memref<1x64xi32, #tpu.memory_space<vmem>> -> memref<64xi32, #tpu.memory_space<vmem>>
      %dma_wait3A_187 = arith.constant 0 : i32
      %dma_wait3A_188 = arith.constant 0 : i32
      %dma_wait3A_189 = tpu.memref_slice %arg2[%dma_wait3A_187, %dma_wait3A_188] : memref<40000x128xf32, #tpu.memory_space<hbm>> -> memref<40000x128xf32, #tpu.memory_space<hbm>>
      tpu.wait_indirect_dma semaphore(%arg15 : memref<!tpu.dma_semaphore, #tpu.memory_space<semaphore_mem>>) src(%dma_wait3A_189 : memref<40000x128xf32, #tpu.memory_space<hbm>>) dst(%arg11 : memref<64x128xf32, #tpu.memory_space<vmem>>)
      %dma_start3A_190 = arith.constant 0 : i32
      %dma_start3A_191 = tpu.memref_slice %arg8[%add3A_182, %dma_start3A_190] : memref<160x64xi32, #tpu.memory_space<vmem>> -> memref<1x64xi32, #tpu.memory_space<vmem>>
      %dma_start3A_192 = tpu.memref_squeeze %dma_start3A_191 : memref<1x64xi32, #tpu.memory_space<vmem>> -> memref<64xi32, #tpu.memory_space<vmem>>
      %dma_start3A_193 = arith.constant 0 : i32
      %dma_start3A_194 = arith.constant 0 : i32
      %dma_start3A_195 = tpu.memref_slice %arg7[%dma_start3A_193, %dma_start3A_194] : memref<10112x128xf32, #tpu.memory_space<vmem_shared>> -> memref<10112x128xf32, #tpu.memory_space<vmem_shared>>
      tpu.enqueue_indirect_dma source(%arg11 : memref<64x128xf32, #tpu.memory_space<vmem>>) target(%dma_start3A_195 : memref<10112x128xf32, #tpu.memory_space<vmem_shared>>) offsets(%dma_start3A_192 : memref<64xi32, #tpu.memory_space<vmem>>) semaphore(%arg17 : memref<!tpu.dma_semaphore, #tpu.memory_space<semaphore_mem>>) {add = true}
      %dma_wait3A_196 = arith.constant 0 : i32
      %dma_wait3A_197 = arith.constant 0 : i32
      %dma_wait3A_198 = tpu.memref_slice %arg3[%add3A_0, %arg1, %dma_wait3A_196, %dma_wait3A_197] : memref<4x16x160x64xi32, #tpu.memory_space<hbm>> -> memref<1x1x4x64xi32, #tpu.memory_space<hbm>>
      %dma_wait3A_199 = tpu.memref_squeeze %dma_wait3A_198 : memref<1x1x4x64xi32, #tpu.memory_space<hbm>> -> memref<4x64xi32, #tpu.memory_space<hbm>>
      %dma_wait3A_200 = arith.constant 0 : i32
      %dma_wait3A_201 = arith.constant 0 : i32
      %dma_wait3A_202 = tpu.memref_slice %arg3[%add3A_0, %arg1, %dma_wait3A_200, %dma_wait3A_201] : memref<4x16x160x64xi32, #tpu.memory_space<hbm>> -> memref<1x1x4x64xi32, #tpu.memory_space<hbm>>
      %dma_wait3A_203 = tpu.memref_squeeze %dma_wait3A_202 : memref<1x1x4x64xi32, #tpu.memory_space<hbm>> -> memref<4x64xi32, #tpu.memory_space<hbm>>
      tpu.wait_dma2 semaphore(%arg14 : memref<!tpu.dma_semaphore, #tpu.memory_space<semaphore_mem>>) src(%dma_wait3A_203 : memref<4x64xi32, #tpu.memory_space<hbm>>) dst(%arg10 : memref<4x64xi32, #tpu.memory_space<vmem>>)
      %dma_wait3A_204 = arith.constant 0 : i32
      %dma_wait3A_205 = tpu.memref_slice %arg8[%add3A_182, %dma_wait3A_204] : memref<160x64xi32, #tpu.memory_space<vmem>> -> memref<1x64xi32, #tpu.memory_space<vmem>>
      %dma_wait3A_206 = tpu.memref_squeeze %dma_wait3A_205 : memref<1x64xi32, #tpu.memory_space<vmem>> -> memref<64xi32, #tpu.memory_space<vmem>>
      %dma_wait3A_207 = arith.constant 0 : i32
      %dma_wait3A_208 = arith.constant 0 : i32
      %dma_wait3A_209 = tpu.memref_slice %arg7[%dma_wait3A_207, %dma_wait3A_208] : memref<10112x128xf32, #tpu.memory_space<vmem_shared>> -> memref<10112x128xf32, #tpu.memory_space<vmem_shared>>
      tpu.wait_indirect_dma semaphore(%arg17 : memref<!tpu.dma_semaphore, #tpu.memory_space<semaphore_mem>>) src(%arg11 : memref<64x128xf32, #tpu.memory_space<vmem>>) dst(%dma_wait3A_209 : memref<10112x128xf32, #tpu.memory_space<vmem_shared>>)
      %dma_start3A_210 = arith.constant 0 : i32
      %dma_start3A_211 = arith.constant 0 : i32
      %dma_start3A_212 = tpu.memref_slice %arg10[%dma_start3A_210, %dma_start3A_211] : memref<4x64xi32, #tpu.memory_space<vmem>> -> memref<1x64xi32, #tpu.memory_space<vmem>>
      %dma_start3A_213 = tpu.memref_squeeze %dma_start3A_212 : memref<1x64xi32, #tpu.memory_space<vmem>> -> memref<64xi32, #tpu.memory_space<vmem>>
      %dma_start3A_214 = arith.constant 0 : i32
      %dma_start3A_215 = arith.constant 0 : i32
      %dma_start3A_216 = tpu.memref_slice %arg2[%dma_start3A_214, %dma_start3A_215] : memref<40000x128xf32, #tpu.memory_space<hbm>> -> memref<40000x128xf32, #tpu.memory_space<hbm>>
      tpu.enqueue_indirect_dma source(%dma_start3A_216 : memref<40000x128xf32, #tpu.memory_space<hbm>>) target(%arg11 : memref<64x128xf32, #tpu.memory_space<vmem>>) offsets(%dma_start3A_213 : memref<64xi32, #tpu.memory_space<vmem>>) semaphore(%arg15 : memref<!tpu.dma_semaphore, #tpu.memory_space<semaphore_mem>>)
      %add3A_217 = arith.constant 3 : i32
      %add3A_218 = arith.addi %mul3A_124, %add3A_217 : i32
      %dma_wait3A_219 = arith.constant 0 : i32
      %dma_wait3A_220 = arith.constant 0 : i32
      %dma_wait3A_221 = tpu.memref_slice %arg9[%dma_wait3A_219, %dma_wait3A_220] : memref<4x64xi32, #tpu.memory_space<vmem>> -> memref<1x64xi32, #tpu.memory_space<vmem>>
      %dma_wait3A_222 = tpu.memref_squeeze %dma_wait3A_221 : memref<1x64xi32, #tpu.memory_space<vmem>> -> memref<64xi32, #tpu.memory_space<vmem>>
      %dma_wait3A_223 = arith.constant 0 : i32
      %dma_wait3A_224 = arith.constant 0 : i32
      %dma_wait3A_225 = tpu.memref_slice %arg2[%dma_wait3A_223, %dma_wait3A_224] : memref<40000x128xf32, #tpu.memory_space<hbm>> -> memref<40000x128xf32, #tpu.memory_space<hbm>>
      tpu.wait_indirect_dma semaphore(%arg16 : memref<!tpu.dma_semaphore, #tpu.memory_space<semaphore_mem>>) src(%dma_wait3A_225 : memref<40000x128xf32, #tpu.memory_space<hbm>>) dst(%arg12 : memref<64x128xf32, #tpu.memory_space<vmem>>)
      %dma_start3A_226 = arith.constant 0 : i32
      %dma_start3A_227 = tpu.memref_slice %arg8[%add3A_218, %dma_start3A_226] : memref<160x64xi32, #tpu.memory_space<vmem>> -> memref<1x64xi32, #tpu.memory_space<vmem>>
      %dma_start3A_228 = tpu.memref_squeeze %dma_start3A_227 : memref<1x64xi32, #tpu.memory_space<vmem>> -> memref<64xi32, #tpu.memory_space<vmem>>
      %dma_start3A_229 = arith.constant 0 : i32
      %dma_start3A_230 = arith.constant 0 : i32
      %dma_start3A_231 = tpu.memref_slice %arg7[%dma_start3A_229, %dma_start3A_230] : memref<10112x128xf32, #tpu.memory_space<vmem_shared>> -> memref<10112x128xf32, #tpu.memory_space<vmem_shared>>
      tpu.enqueue_indirect_dma source(%arg12 : memref<64x128xf32, #tpu.memory_space<vmem>>) target(%dma_start3A_231 : memref<10112x128xf32, #tpu.memory_space<vmem_shared>>) offsets(%dma_start3A_228 : memref<64xi32, #tpu.memory_space<vmem>>) semaphore(%arg18 : memref<!tpu.dma_semaphore, #tpu.memory_space<semaphore_mem>>) {add = true}
      %add3A_232 = arith.constant 8 : i32
      %add3A_233 = arith.addi %mul3A_124, %add3A_232 : i32
      %min3A = arith.constant 156 : i32
      %min3A_234 = arith.minsi %add3A_233, %min3A : i32
      %dma_start3A_235 = arith.constant 0 : i32
      %dma_start3A_236 = tpu.memref_slice %arg3[%add3A_0, %arg1, %min3A_234, %dma_start3A_235] : memref<4x16x160x64xi32, #tpu.memory_space<hbm>> -> memref<1x1x4x64xi32, #tpu.memory_space<hbm>>
      %dma_start3A_237 = tpu.memref_squeeze %dma_start3A_236 : memref<1x1x4x64xi32, #tpu.memory_space<hbm>> -> memref<4x64xi32, #tpu.memory_space<hbm>>
      %dma_start3A_238 = arith.constant 0 : i32
      %dma_start3A_239 = tpu.memref_slice %arg3[%add3A_0, %arg1, %min3A_234, %dma_start3A_238] : memref<4x16x160x64xi32, #tpu.memory_space<hbm>> -> memref<1x1x4x64xi32, #tpu.memory_space<hbm>>
      %dma_start3A_240 = tpu.memref_squeeze %dma_start3A_239 : memref<1x1x4x64xi32, #tpu.memory_space<hbm>> -> memref<4x64xi32, #tpu.memory_space<hbm>>
      tpu.enqueue_dma source(%dma_start3A_240 : memref<4x64xi32, #tpu.memory_space<hbm>>) target(%arg9 : memref<4x64xi32, #tpu.memory_space<vmem>>) target_semaphore(%arg13 : memref<!tpu.dma_semaphore, #tpu.memory_space<semaphore_mem>>)
      %dma_wait3A_241 = arith.constant 0 : i32
      %dma_wait3A_242 = tpu.memref_slice %arg8[%add3A_218, %dma_wait3A_241] : memref<160x64xi32, #tpu.memory_space<vmem>> -> memref<1x64xi32, #tpu.memory_space<vmem>>
      %dma_wait3A_243 = tpu.memref_squeeze %dma_wait3A_242 : memref<1x64xi32, #tpu.memory_space<vmem>> -> memref<64xi32, #tpu.memory_space<vmem>>
      %dma_wait3A_244 = arith.constant 0 : i32
      %dma_wait3A_245 = arith.constant 0 : i32
      %dma_wait3A_246 = tpu.memref_slice %arg7[%dma_wait3A_244, %dma_wait3A_245] : memref<10112x128xf32, #tpu.memory_space<vmem_shared>> -> memref<10112x128xf32, #tpu.memory_space<vmem_shared>>
      tpu.wait_indirect_dma semaphore(%arg18 : memref<!tpu.dma_semaphore, #tpu.memory_space<semaphore_mem>>) src(%arg12 : memref<64x128xf32, #tpu.memory_space<vmem>>) dst(%dma_wait3A_246 : memref<10112x128xf32, #tpu.memory_space<vmem_shared>>)
      %dma_start3A_247 = arith.constant 1 : i32
      %dma_start3A_248 = arith.constant 0 : i32
      %dma_start3A_249 = tpu.memref_slice %arg10[%dma_start3A_247, %dma_start3A_248] : memref<4x64xi32, #tpu.memory_space<vmem>> -> memref<1x64xi32, #tpu.memory_space<vmem>>
      %dma_start3A_250 = tpu.memref_squeeze %dma_start3A_249 : memref<1x64xi32, #tpu.memory_space<vmem>> -> memref<64xi32, #tpu.memory_space<vmem>>
      %dma_start3A_251 = arith.constant 0 : i32
      %dma_start3A_252 = arith.constant 0 : i32
      %dma_start3A_253 = tpu.memref_slice %arg2[%dma_start3A_251, %dma_start3A_252] : memref<40000x128xf32, #tpu.memory_space<hbm>> -> memref<40000x128xf32, #tpu.memory_space<hbm>>
      tpu.enqueue_indirect_dma source(%dma_start3A_253 : memref<40000x128xf32, #tpu.memory_space<hbm>>) target(%arg12 : memref<64x128xf32, #tpu.memory_space<vmem>>) offsets(%dma_start3A_250 : memref<64xi32, #tpu.memory_space<vmem>>) semaphore(%arg16 : memref<!tpu.dma_semaphore, #tpu.memory_space<semaphore_mem>>)
      %add3A_254 = arith.constant 4 : i32
      %add3A_255 = arith.addi %mul3A_124, %add3A_254 : i32
      %dma_wait3A_256 = arith.constant 0 : i32
      %dma_wait3A_257 = arith.constant 0 : i32
      %dma_wait3A_258 = tpu.memref_slice %arg9[%dma_wait3A_256, %dma_wait3A_257] : memref<4x64xi32, #tpu.memory_space<vmem>> -> memref<1x64xi32, #tpu.memory_space<vmem>>
      %dma_wait3A_259 = tpu.memref_squeeze %dma_wait3A_258 : memref<1x64xi32, #tpu.memory_space<vmem>> -> memref<64xi32, #tpu.memory_space<vmem>>
      %dma_wait3A_260 = arith.constant 0 : i32
      %dma_wait3A_261 = arith.constant 0 : i32
      %dma_wait3A_262 = tpu.memref_slice %arg2[%dma_wait3A_260, %dma_wait3A_261] : memref<40000x128xf32, #tpu.memory_space<hbm>> -> memref<40000x128xf32, #tpu.memory_space<hbm>>
      tpu.wait_indirect_dma semaphore(%arg15 : memref<!tpu.dma_semaphore, #tpu.memory_space<semaphore_mem>>) src(%dma_wait3A_262 : memref<40000x128xf32, #tpu.memory_space<hbm>>) dst(%arg11 : memref<64x128xf32, #tpu.memory_space<vmem>>)
      %dma_start3A_263 = arith.constant 0 : i32
      %dma_start3A_264 = tpu.memref_slice %arg8[%add3A_255, %dma_start3A_263] : memref<160x64xi32, #tpu.memory_space<vmem>> -> memref<1x64xi32, #tpu.memory_space<vmem>>
      %dma_start3A_265 = tpu.memref_squeeze %dma_start3A_264 : memref<1x64xi32, #tpu.memory_space<vmem>> -> memref<64xi32, #tpu.memory_space<vmem>>
      %dma_start3A_266 = arith.constant 0 : i32
      %dma_start3A_267 = arith.constant 0 : i32
      %dma_start3A_268 = tpu.memref_slice %arg7[%dma_start3A_266, %dma_start3A_267] : memref<10112x128xf32, #tpu.memory_space<vmem_shared>> -> memref<10112x128xf32, #tpu.memory_space<vmem_shared>>
      tpu.enqueue_indirect_dma source(%arg11 : memref<64x128xf32, #tpu.memory_space<vmem>>) target(%dma_start3A_268 : memref<10112x128xf32, #tpu.memory_space<vmem_shared>>) offsets(%dma_start3A_265 : memref<64xi32, #tpu.memory_space<vmem>>) semaphore(%arg17 : memref<!tpu.dma_semaphore, #tpu.memory_space<semaphore_mem>>) {add = true}
      %dma_wait3A_269 = arith.constant 0 : i32
      %dma_wait3A_270 = tpu.memref_slice %arg8[%add3A_255, %dma_wait3A_269] : memref<160x64xi32, #tpu.memory_space<vmem>> -> memref<1x64xi32, #tpu.memory_space<vmem>>
      %dma_wait3A_271 = tpu.memref_squeeze %dma_wait3A_270 : memref<1x64xi32, #tpu.memory_space<vmem>> -> memref<64xi32, #tpu.memory_space<vmem>>
      %dma_wait3A_272 = arith.constant 0 : i32
      %dma_wait3A_273 = arith.constant 0 : i32
      %dma_wait3A_274 = tpu.memref_slice %arg7[%dma_wait3A_272, %dma_wait3A_273] : memref<10112x128xf32, #tpu.memory_space<vmem_shared>> -> memref<10112x128xf32, #tpu.memory_space<vmem_shared>>
      tpu.wait_indirect_dma semaphore(%arg17 : memref<!tpu.dma_semaphore, #tpu.memory_space<semaphore_mem>>) src(%arg11 : memref<64x128xf32, #tpu.memory_space<vmem>>) dst(%dma_wait3A_274 : memref<10112x128xf32, #tpu.memory_space<vmem_shared>>)
      %dma_start3A_275 = arith.constant 2 : i32
      %dma_start3A_276 = arith.constant 0 : i32
      %dma_start3A_277 = tpu.memref_slice %arg10[%dma_start3A_275, %dma_start3A_276] : memref<4x64xi32, #tpu.memory_space<vmem>> -> memref<1x64xi32, #tpu.memory_space<vmem>>
      %dma_start3A_278 = tpu.memref_squeeze %dma_start3A_277 : memref<1x64xi32, #tpu.memory_space<vmem>> -> memref<64xi32, #tpu.memory_space<vmem>>
      %dma_start3A_279 = arith.constant 0 : i32
      %dma_start3A_280 = arith.constant 0 : i32
      %dma_start3A_281 = tpu.memref_slice %arg2[%dma_start3A_279, %dma_start3A_280] : memref<40000x128xf32, #tpu.memory_space<hbm>> -> memref<40000x128xf32, #tpu.memory_space<hbm>>
      tpu.enqueue_indirect_dma source(%dma_start3A_281 : memref<40000x128xf32, #tpu.memory_space<hbm>>) target(%arg11 : memref<64x128xf32, #tpu.memory_space<vmem>>) offsets(%dma_start3A_278 : memref<64xi32, #tpu.memory_space<vmem>>) semaphore(%arg15 : memref<!tpu.dma_semaphore, #tpu.memory_space<semaphore_mem>>)
      %add3A_282 = arith.constant 5 : i32
      %add3A_283 = arith.addi %mul3A_124, %add3A_282 : i32
      %dma_wait3A_284 = arith.constant 0 : i32
      %dma_wait3A_285 = arith.constant 0 : i32
      %dma_wait3A_286 = tpu.memref_slice %arg9[%dma_wait3A_284, %dma_wait3A_285] : memref<4x64xi32, #tpu.memory_space<vmem>> -> memref<1x64xi32, #tpu.memory_space<vmem>>
      %dma_wait3A_287 = tpu.memref_squeeze %dma_wait3A_286 : memref<1x64xi32, #tpu.memory_space<vmem>> -> memref<64xi32, #tpu.memory_space<vmem>>
      %dma_wait3A_288 = arith.constant 0 : i32
      %dma_wait3A_289 = arith.constant 0 : i32
      %dma_wait3A_290 = tpu.memref_slice %arg2[%dma_wait3A_288, %dma_wait3A_289] : memref<40000x128xf32, #tpu.memory_space<hbm>> -> memref<40000x128xf32, #tpu.memory_space<hbm>>
      tpu.wait_indirect_dma semaphore(%arg16 : memref<!tpu.dma_semaphore, #tpu.memory_space<semaphore_mem>>) src(%dma_wait3A_290 : memref<40000x128xf32, #tpu.memory_space<hbm>>) dst(%arg12 : memref<64x128xf32, #tpu.memory_space<vmem>>)
      %dma_start3A_291 = arith.constant 0 : i32
      %dma_start3A_292 = tpu.memref_slice %arg8[%add3A_283, %dma_start3A_291] : memref<160x64xi32, #tpu.memory_space<vmem>> -> memref<1x64xi32, #tpu.memory_space<vmem>>
      %dma_start3A_293 = tpu.memref_squeeze %dma_start3A_292 : memref<1x64xi32, #tpu.memory_space<vmem>> -> memref<64xi32, #tpu.memory_space<vmem>>
      %dma_start3A_294 = arith.constant 0 : i32
      %dma_start3A_295 = arith.constant 0 : i32
      %dma_start3A_296 = tpu.memref_slice %arg7[%dma_start3A_294, %dma_start3A_295] : memref<10112x128xf32, #tpu.memory_space<vmem_shared>> -> memref<10112x128xf32, #tpu.memory_space<vmem_shared>>
      tpu.enqueue_indirect_dma source(%arg12 : memref<64x128xf32, #tpu.memory_space<vmem>>) target(%dma_start3A_296 : memref<10112x128xf32, #tpu.memory_space<vmem_shared>>) offsets(%dma_start3A_293 : memref<64xi32, #tpu.memory_space<vmem>>) semaphore(%arg18 : memref<!tpu.dma_semaphore, #tpu.memory_space<semaphore_mem>>) {add = true}
      %dma_wait3A_297 = arith.constant 0 : i32
      %dma_wait3A_298 = tpu.memref_slice %arg8[%add3A_283, %dma_wait3A_297] : memref<160x64xi32, #tpu.memory_space<vmem>> -> memref<1x64xi32, #tpu.memory_space<vmem>>
      %dma_wait3A_299 = tpu.memref_squeeze %dma_wait3A_298 : memref<1x64xi32, #tpu.memory_space<vmem>> -> memref<64xi32, #tpu.memory_space<vmem>>
      %dma_wait3A_300 = arith.constant 0 : i32
      %dma_wait3A_301 = arith.constant 0 : i32
      %dma_wait3A_302 = tpu.memref_slice %arg7[%dma_wait3A_300, %dma_wait3A_301] : memref<10112x128xf32, #tpu.memory_space<vmem_shared>> -> memref<10112x128xf32, #tpu.memory_space<vmem_shared>>
      tpu.wait_indirect_dma semaphore(%arg18 : memref<!tpu.dma_semaphore, #tpu.memory_space<semaphore_mem>>) src(%arg12 : memref<64x128xf32, #tpu.memory_space<vmem>>) dst(%dma_wait3A_302 : memref<10112x128xf32, #tpu.memory_space<vmem_shared>>)
      %dma_start3A_303 = arith.constant 3 : i32
      %dma_start3A_304 = arith.constant 0 : i32
      %dma_start3A_305 = tpu.memref_slice %arg10[%dma_start3A_303, %dma_start3A_304] : memref<4x64xi32, #tpu.memory_space<vmem>> -> memref<1x64xi32, #tpu.memory_space<vmem>>
      %dma_start3A_306 = tpu.memref_squeeze %dma_start3A_305 : memref<1x64xi32, #tpu.memory_space<vmem>> -> memref<64xi32, #tpu.memory_space<vmem>>
      %dma_start3A_307 = arith.constant 0 : i32
      %dma_start3A_308 = arith.constant 0 : i32
      %dma_start3A_309 = tpu.memref_slice %arg2[%dma_start3A_307, %dma_start3A_308] : memref<40000x128xf32, #tpu.memory_space<hbm>> -> memref<40000x128xf32, #tpu.memory_space<hbm>>
      tpu.enqueue_indirect_dma source(%dma_start3A_309 : memref<40000x128xf32, #tpu.memory_space<hbm>>) target(%arg12 : memref<64x128xf32, #tpu.memory_space<vmem>>) offsets(%dma_start3A_306 : memref<64xi32, #tpu.memory_space<vmem>>) semaphore(%arg16 : memref<!tpu.dma_semaphore, #tpu.memory_space<semaphore_mem>>)
      %add3A_310 = arith.constant 6 : i32
      %add3A_311 = arith.addi %mul3A_124, %add3A_310 : i32
      %dma_wait3A_312 = arith.constant 0 : i32
      %dma_wait3A_313 = arith.constant 0 : i32
      %dma_wait3A_314 = tpu.memref_slice %arg9[%dma_wait3A_312, %dma_wait3A_313] : memref<4x64xi32, #tpu.memory_space<vmem>> -> memref<1x64xi32, #tpu.memory_space<vmem>>
      %dma_wait3A_315 = tpu.memref_squeeze %dma_wait3A_314 : memref<1x64xi32, #tpu.memory_space<vmem>> -> memref<64xi32, #tpu.memory_space<vmem>>
      %dma_wait3A_316 = arith.constant 0 : i32
      %dma_wait3A_317 = arith.constant 0 : i32
      %dma_wait3A_318 = tpu.memref_slice %arg2[%dma_wait3A_316, %dma_wait3A_317] : memref<40000x128xf32, #tpu.memory_space<hbm>> -> memref<40000x128xf32, #tpu.memory_space<hbm>>
      tpu.wait_indirect_dma semaphore(%arg15 : memref<!tpu.dma_semaphore, #tpu.memory_space<semaphore_mem>>) src(%dma_wait3A_318 : memref<40000x128xf32, #tpu.memory_space<hbm>>) dst(%arg11 : memref<64x128xf32, #tpu.memory_space<vmem>>)
      %dma_start3A_319 = arith.constant 0 : i32
      %dma_start3A_320 = tpu.memref_slice %arg8[%add3A_311, %dma_start3A_319] : memref<160x64xi32, #tpu.memory_space<vmem>> -> memref<1x64xi32, #tpu.memory_space<vmem>>
      %dma_start3A_321 = tpu.memref_squeeze %dma_start3A_320 : memref<1x64xi32, #tpu.memory_space<vmem>> -> memref<64xi32, #tpu.memory_space<vmem>>
      %dma_start3A_322 = arith.constant 0 : i32
      %dma_start3A_323 = arith.constant 0 : i32
      %dma_start3A_324 = tpu.memref_slice %arg7[%dma_start3A_322, %dma_start3A_323] : memref<10112x128xf32, #tpu.memory_space<vmem_shared>> -> memref<10112x128xf32, #tpu.memory_space<vmem_shared>>
      tpu.enqueue_indirect_dma source(%arg11 : memref<64x128xf32, #tpu.memory_space<vmem>>) target(%dma_start3A_324 : memref<10112x128xf32, #tpu.memory_space<vmem_shared>>) offsets(%dma_start3A_321 : memref<64xi32, #tpu.memory_space<vmem>>) semaphore(%arg17 : memref<!tpu.dma_semaphore, #tpu.memory_space<semaphore_mem>>) {add = true}
      %dma_wait3A_325 = arith.constant 0 : i32
      %dma_wait3A_326 = arith.constant 0 : i32
      %dma_wait3A_327 = tpu.memref_slice %arg3[%add3A_0, %arg1, %dma_wait3A_325, %dma_wait3A_326] : memref<4x16x160x64xi32, #tpu.memory_space<hbm>> -> memref<1x1x4x64xi32, #tpu.memory_space<hbm>>
      %dma_wait3A_328 = tpu.memref_squeeze %dma_wait3A_327 : memref<1x1x4x64xi32, #tpu.memory_space<hbm>> -> memref<4x64xi32, #tpu.memory_space<hbm>>
      %dma_wait3A_329 = arith.constant 0 : i32
      %dma_wait3A_330 = arith.constant 0 : i32
      %dma_wait3A_331 = tpu.memref_slice %arg3[%add3A_0, %arg1, %dma_wait3A_329, %dma_wait3A_330] : memref<4x16x160x64xi32, #tpu.memory_space<hbm>> -> memref<1x1x4x64xi32, #tpu.memory_space<hbm>>
      %dma_wait3A_332 = tpu.memref_squeeze %dma_wait3A_331 : memref<1x1x4x64xi32, #tpu.memory_space<hbm>> -> memref<4x64xi32, #tpu.memory_space<hbm>>
      tpu.wait_dma2 semaphore(%arg13 : memref<!tpu.dma_semaphore, #tpu.memory_space<semaphore_mem>>) src(%dma_wait3A_332 : memref<4x64xi32, #tpu.memory_space<hbm>>) dst(%arg9 : memref<4x64xi32, #tpu.memory_space<vmem>>)
      %dma_wait3A_333 = arith.constant 0 : i32
      %dma_wait3A_334 = tpu.memref_slice %arg8[%add3A_311, %dma_wait3A_333] : memref<160x64xi32, #tpu.memory_space<vmem>> -> memref<1x64xi32, #tpu.memory_space<vmem>>
      %dma_wait3A_335 = tpu.memref_squeeze %dma_wait3A_334 : memref<1x64xi32, #tpu.memory_space<vmem>> -> memref<64xi32, #tpu.memory_space<vmem>>
      %dma_wait3A_336 = arith.constant 0 : i32
      %dma_wait3A_337 = arith.constant 0 : i32
      %dma_wait3A_338 = tpu.memref_slice %arg7[%dma_wait3A_336, %dma_wait3A_337] : memref<10112x128xf32, #tpu.memory_space<vmem_shared>> -> memref<10112x128xf32, #tpu.memory_space<vmem_shared>>
      tpu.wait_indirect_dma semaphore(%arg17 : memref<!tpu.dma_semaphore, #tpu.memory_space<semaphore_mem>>) src(%arg11 : memref<64x128xf32, #tpu.memory_space<vmem>>) dst(%dma_wait3A_338 : memref<10112x128xf32, #tpu.memory_space<vmem_shared>>)
      %dma_start3A_339 = arith.constant 0 : i32
      %dma_start3A_340 = arith.constant 0 : i32
      %dma_start3A_341 = tpu.memref_slice %arg9[%dma_start3A_339, %dma_start3A_340] : memref<4x64xi32, #tpu.memory_space<vmem>> -> memref<1x64xi32, #tpu.memory_space<vmem>>
      %dma_start3A_342 = tpu.memref_squeeze %dma_start3A_341 : memref<1x64xi32, #tpu.memory_space<vmem>> -> memref<64xi32, #tpu.memory_space<vmem>>
      %dma_start3A_343 = arith.constant 0 : i32
      %dma_start3A_344 = arith.constant 0 : i32
      %dma_start3A_345 = tpu.memref_slice %arg2[%dma_start3A_343, %dma_start3A_344] : memref<40000x128xf32, #tpu.memory_space<hbm>> -> memref<40000x128xf32, #tpu.memory_space<hbm>>
      tpu.enqueue_indirect_dma source(%dma_start3A_345 : memref<40000x128xf32, #tpu.memory_space<hbm>>) target(%arg11 : memref<64x128xf32, #tpu.memory_space<vmem>>) offsets(%dma_start3A_342 : memref<64xi32, #tpu.memory_space<vmem>>) semaphore(%arg15 : memref<!tpu.dma_semaphore, #tpu.memory_space<semaphore_mem>>)
      %add3A_346 = arith.constant 7 : i32
      %add3A_347 = arith.addi %mul3A_124, %add3A_346 : i32
      %dma_wait3A_348 = arith.constant 0 : i32
      %dma_wait3A_349 = arith.constant 0 : i32
      %dma_wait3A_350 = tpu.memref_slice %arg9[%dma_wait3A_348, %dma_wait3A_349] : memref<4x64xi32, #tpu.memory_space<vmem>> -> memref<1x64xi32, #tpu.memory_space<vmem>>
      %dma_wait3A_351 = tpu.memref_squeeze %dma_wait3A_350 : memref<1x64xi32, #tpu.memory_space<vmem>> -> memref<64xi32, #tpu.memory_space<vmem>>
      %dma_wait3A_352 = arith.constant 0 : i32
      %dma_wait3A_353 = arith.constant 0 : i32
      %dma_wait3A_354 = tpu.memref_slice %arg2[%dma_wait3A_352, %dma_wait3A_353] : memref<40000x128xf32, #tpu.memory_space<hbm>> -> memref<40000x128xf32, #tpu.memory_space<hbm>>
      tpu.wait_indirect_dma semaphore(%arg16 : memref<!tpu.dma_semaphore, #tpu.memory_space<semaphore_mem>>) src(%dma_wait3A_354 : memref<40000x128xf32, #tpu.memory_space<hbm>>) dst(%arg12 : memref<64x128xf32, #tpu.memory_space<vmem>>)
      %dma_start3A_355 = arith.constant 0 : i32
      %dma_start3A_356 = tpu.memref_slice %arg8[%add3A_347, %dma_start3A_355] : memref<160x64xi32, #tpu.memory_space<vmem>> -> memref<1x64xi32, #tpu.memory_space<vmem>>
      %dma_start3A_357 = tpu.memref_squeeze %dma_start3A_356 : memref<1x64xi32, #tpu.memory_space<vmem>> -> memref<64xi32, #tpu.memory_space<vmem>>
      %dma_start3A_358 = arith.constant 0 : i32
      %dma_start3A_359 = arith.constant 0 : i32
      %dma_start3A_360 = tpu.memref_slice %arg7[%dma_start3A_358, %dma_start3A_359] : memref<10112x128xf32, #tpu.memory_space<vmem_shared>> -> memref<10112x128xf32, #tpu.memory_space<vmem_shared>>
      tpu.enqueue_indirect_dma source(%arg12 : memref<64x128xf32, #tpu.memory_space<vmem>>) target(%dma_start3A_360 : memref<10112x128xf32, #tpu.memory_space<vmem_shared>>) offsets(%dma_start3A_357 : memref<64xi32, #tpu.memory_space<vmem>>) semaphore(%arg18 : memref<!tpu.dma_semaphore, #tpu.memory_space<semaphore_mem>>) {add = true}
      %add3A_361 = arith.constant 12 : i32
      %add3A_362 = arith.addi %mul3A_124, %add3A_361 : i32
      %min3A_363 = arith.constant 156 : i32
      %min3A_364 = arith.minsi %add3A_362, %min3A_363 : i32
      %dma_start3A_365 = arith.constant 0 : i32
      %dma_start3A_366 = tpu.memref_slice %arg3[%add3A_0, %arg1, %min3A_364, %dma_start3A_365] : memref<4x16x160x64xi32, #tpu.memory_space<hbm>> -> memref<1x1x4x64xi32, #tpu.memory_space<hbm>>
      %dma_start3A_367 = tpu.memref_squeeze %dma_start3A_366 : memref<1x1x4x64xi32, #tpu.memory_space<hbm>> -> memref<4x64xi32, #tpu.memory_space<hbm>>
      %dma_start3A_368 = arith.constant 0 : i32
      %dma_start3A_369 = tpu.memref_slice %arg3[%add3A_0, %arg1, %min3A_364, %dma_start3A_368] : memref<4x16x160x64xi32, #tpu.memory_space<hbm>> -> memref<1x1x4x64xi32, #tpu.memory_space<hbm>>
      %dma_start3A_370 = tpu.memref_squeeze %dma_start3A_369 : memref<1x1x4x64xi32, #tpu.memory_space<hbm>> -> memref<4x64xi32, #tpu.memory_space<hbm>>
      tpu.enqueue_dma source(%dma_start3A_370 : memref<4x64xi32, #tpu.memory_space<hbm>>) target(%arg10 : memref<4x64xi32, #tpu.memory_space<vmem>>) target_semaphore(%arg14 : memref<!tpu.dma_semaphore, #tpu.memory_space<semaphore_mem>>)
      %dma_wait3A_371 = arith.constant 0 : i32
      %dma_wait3A_372 = tpu.memref_slice %arg8[%add3A_347, %dma_wait3A_371] : memref<160x64xi32, #tpu.memory_space<vmem>> -> memref<1x64xi32, #tpu.memory_space<vmem>>
      %dma_wait3A_373 = tpu.memref_squeeze %dma_wait3A_372 : memref<1x64xi32, #tpu.memory_space<vmem>> -> memref<64xi32, #tpu.memory_space<vmem>>
      %dma_wait3A_374 = arith.constant 0 : i32
      %dma_wait3A_375 = arith.constant 0 : i32
      %dma_wait3A_376 = tpu.memref_slice %arg7[%dma_wait3A_374, %dma_wait3A_375] : memref<10112x128xf32, #tpu.memory_space<vmem_shared>> -> memref<10112x128xf32, #tpu.memory_space<vmem_shared>>
      tpu.wait_indirect_dma semaphore(%arg18 : memref<!tpu.dma_semaphore, #tpu.memory_space<semaphore_mem>>) src(%arg12 : memref<64x128xf32, #tpu.memory_space<vmem>>) dst(%dma_wait3A_376 : memref<10112x128xf32, #tpu.memory_space<vmem_shared>>)
      %dma_start3A_377 = arith.constant 1 : i32
      %dma_start3A_378 = arith.constant 0 : i32
      %dma_start3A_379 = tpu.memref_slice %arg9[%dma_start3A_377, %dma_start3A_378] : memref<4x64xi32, #tpu.memory_space<vmem>> -> memref<1x64xi32, #tpu.memory_space<vmem>>
      %dma_start3A_380 = tpu.memref_squeeze %dma_start3A_379 : memref<1x64xi32, #tpu.memory_space<vmem>> -> memref<64xi32, #tpu.memory_space<vmem>>
      %dma_start3A_381 = arith.constant 0 : i32
      %dma_start3A_382 = arith.constant 0 : i32
      %dma_start3A_383 = tpu.memref_slice %arg2[%dma_start3A_381, %dma_start3A_382] : memref<40000x128xf32, #tpu.memory_space<hbm>> -> memref<40000x128xf32, #tpu.memory_space<hbm>>
      tpu.enqueue_indirect_dma source(%dma_start3A_383 : memref<40000x128xf32, #tpu.memory_space<hbm>>) target(%arg12 : memref<64x128xf32, #tpu.memory_space<vmem>>) offsets(%dma_start3A_380 : memref<64xi32, #tpu.memory_space<vmem>>) semaphore(%arg16 : memref<!tpu.dma_semaphore, #tpu.memory_space<semaphore_mem>>)
    }
    %scan3A_27 = arith.constant 20 : i32
    %dma_wait3A = arith.constant 0 : i32
    %dma_wait3A_28 = arith.constant 0 : i32
    %dma_wait3A_29 = tpu.memref_slice %arg9[%dma_wait3A, %dma_wait3A_28] : memref<4x64xi32, #tpu.memory_space<vmem>> -> memref<1x64xi32, #tpu.memory_space<vmem>>
    %dma_wait3A_30 = tpu.memref_squeeze %dma_wait3A_29 : memref<1x64xi32, #tpu.memory_space<vmem>> -> memref<64xi32, #tpu.memory_space<vmem>>
    %dma_wait3A_31 = arith.constant 0 : i32
    %dma_wait3A_32 = arith.constant 0 : i32
    %dma_wait3A_33 = tpu.memref_slice %arg2[%dma_wait3A_31, %dma_wait3A_32] : memref<40000x128xf32, #tpu.memory_space<hbm>> -> memref<40000x128xf32, #tpu.memory_space<hbm>>
    tpu.wait_indirect_dma semaphore(%arg15 : memref<!tpu.dma_semaphore, #tpu.memory_space<semaphore_mem>>) src(%dma_wait3A_33 : memref<40000x128xf32, #tpu.memory_space<hbm>>) dst(%arg11 : memref<64x128xf32, #tpu.memory_space<vmem>>)
    %dma_wait3A_34 = arith.constant 1 : i32
    %dma_wait3A_35 = arith.constant 0 : i32
    %dma_wait3A_36 = tpu.memref_slice %arg9[%dma_wait3A_34, %dma_wait3A_35] : memref<4x64xi32, #tpu.memory_space<vmem>> -> memref<1x64xi32, #tpu.memory_space<vmem>>
    %dma_wait3A_37 = tpu.memref_squeeze %dma_wait3A_36 : memref<1x64xi32, #tpu.memory_space<vmem>> -> memref<64xi32, #tpu.memory_space<vmem>>
    %dma_wait3A_38 = arith.constant 0 : i32
    %dma_wait3A_39 = arith.constant 0 : i32
    %dma_wait3A_40 = tpu.memref_slice %arg2[%dma_wait3A_38, %dma_wait3A_39] : memref<40000x128xf32, #tpu.memory_space<hbm>> -> memref<40000x128xf32, #tpu.memory_space<hbm>>
    tpu.wait_indirect_dma semaphore(%arg16 : memref<!tpu.dma_semaphore, #tpu.memory_space<semaphore_mem>>) src(%dma_wait3A_40 : memref<40000x128xf32, #tpu.memory_space<hbm>>) dst(%arg12 : memref<64x128xf32, #tpu.memory_space<vmem>>)
    %dma_wait3A_41 = arith.constant 0 : i32
    %dma_wait3A_42 = arith.constant 0 : i32
    %dma_wait3A_43 = tpu.memref_slice %arg3[%add3A_0, %arg1, %dma_wait3A_41, %dma_wait3A_42] : memref<4x16x160x64xi32, #tpu.memory_space<hbm>> -> memref<1x1x4x64xi32, #tpu.memory_space<hbm>>
    %dma_wait3A_44 = tpu.memref_squeeze %dma_wait3A_43 : memref<1x1x4x64xi32, #tpu.memory_space<hbm>> -> memref<4x64xi32, #tpu.memory_space<hbm>>
    %dma_wait3A_45 = arith.constant 0 : i32
    %dma_wait3A_46 = arith.constant 0 : i32
    %dma_wait3A_47 = tpu.memref_slice %arg3[%add3A_0, %arg1, %dma_wait3A_45, %dma_wait3A_46] : memref<4x16x160x64xi32, #tpu.memory_space<hbm>> -> memref<1x1x4x64xi32, #tpu.memory_space<hbm>>
    %dma_wait3A_48 = tpu.memref_squeeze %dma_wait3A_47 : memref<1x1x4x64xi32, #tpu.memory_space<hbm>> -> memref<4x64xi32, #tpu.memory_space<hbm>>
    tpu.wait_dma2 semaphore(%arg14 : memref<!tpu.dma_semaphore, #tpu.memory_space<semaphore_mem>>) src(%dma_wait3A_48 : memref<4x64xi32, #tpu.memory_space<hbm>>) dst(%arg10 : memref<4x64xi32, #tpu.memory_space<vmem>>)
    %barrier3A_49 = arith.constant 0 : index
    tpu.barrier barrier_id(%barrier3A_49)
    %mul3A_50 = arith.constant 632 : i32
    %mul3A_51 = arith.muli %arg1, %mul3A_50 : i32
    %mul3A_52 = arith.constant 10112 : i32
    %mul3A_53 = arith.muli %add3A_0, %mul3A_52 : i32
    %mul3A_54 = arith.constant 632 : i32
    %mul3A_55 = arith.muli %arg1, %mul3A_54 : i32
    %add3A_56 = arith.addi %mul3A_53, %mul3A_55 : i32
    "tpu.region"() ({
      %run_scoped3A = tpu.sem_alloc : memref<!tpu.dma_semaphore, #tpu.memory_space<semaphore_mem>>
      %dma_start3A_122 = arith.constant 0 : i32
      %dma_start3A_123 = tpu.memref_slice %arg6[%add3A_56, %dma_start3A_122] : memref<40448x128xf32, #tpu.memory_space<hbm>> -> memref<632x128xf32, #tpu.memory_space<hbm>>
      %dma_start3A_124 = arith.constant 0 : i32
      %dma_start3A_125 = tpu.memref_slice %arg7[%mul3A_51, %dma_start3A_124] : memref<10112x128xf32, #tpu.memory_space<vmem_shared>> -> memref<632x128xf32, #tpu.memory_space<vmem_shared>>
      tpu.enqueue_dma source(%dma_start3A_125 : memref<632x128xf32, #tpu.memory_space<vmem_shared>>) target(%dma_start3A_123 : memref<632x128xf32, #tpu.memory_space<hbm>>) target_semaphore(%run_scoped3A : memref<!tpu.dma_semaphore, #tpu.memory_space<semaphore_mem>>)
      %dma_wait3A_126 = arith.constant 0 : i32
      %dma_wait3A_127 = tpu.memref_slice %arg6[%add3A_56, %dma_wait3A_126] : memref<40448x128xf32, #tpu.memory_space<hbm>> -> memref<632x128xf32, #tpu.memory_space<hbm>>
      %dma_wait3A_128 = arith.constant 0 : i32
      %dma_wait3A_129 = tpu.memref_slice %arg7[%mul3A_51, %dma_wait3A_128] : memref<10112x128xf32, #tpu.memory_space<vmem_shared>> -> memref<632x128xf32, #tpu.memory_space<vmem_shared>>
      tpu.wait_dma2 semaphore(%run_scoped3A : memref<!tpu.dma_semaphore, #tpu.memory_space<semaphore_mem>>) src(%dma_wait3A_129 : memref<632x128xf32, #tpu.memory_space<vmem_shared>>) dst(%dma_wait3A_127 : memref<632x128xf32, #tpu.memory_space<hbm>>)
      tpu.yield
    }) : () -> ()
    %barrier3A_57 = arith.constant 0 : index
    tpu.barrier barrier_id(%barrier3A_57)
    %add3A_58 = arith.constant 2 : i32
    %add3A_59 = arith.addi %add3A_58, %arg0 : i32
    %mul3A_60 = arith.constant 632 : i32
    %mul3A_61 = arith.muli %arg1, %mul3A_60 : i32
    "tpu.region"() ({
      %run_scoped3A = tpu.sem_alloc : memref<!tpu.dma_semaphore, #tpu.memory_space<semaphore_mem>>
      %dma_start3A_122 = arith.constant 0 : i32
      %dma_start3A_123 = tpu.memref_slice %arg7[%mul3A_61, %dma_start3A_122] : memref<10112x128xf32, #tpu.memory_space<vmem_shared>> -> memref<632x128xf32, #tpu.memory_space<vmem_shared>>
      tpu.enqueue_dma source(%arg5 : memref<632x128xf32, #tpu.memory_space<hbm>>) target(%dma_start3A_123 : memref<632x128xf32, #tpu.memory_space<vmem_shared>>) target_semaphore(%run_scoped3A : memref<!tpu.dma_semaphore, #tpu.memory_space<semaphore_mem>>)
      %dma_wait3A_124 = arith.constant 0 : i32
      %dma_wait3A_125 = tpu.memref_slice %arg7[%mul3A_61, %dma_wait3A_124] : memref<10112x128xf32, #tpu.memory_space<vmem_shared>> -> memref<632x128xf32, #tpu.memory_space<vmem_shared>>
      tpu.wait_dma2 semaphore(%run_scoped3A : memref<!tpu.dma_semaphore, #tpu.memory_space<semaphore_mem>>) src(%arg5 : memref<632x128xf32, #tpu.memory_space<hbm>>) dst(%dma_wait3A_125 : memref<632x128xf32, #tpu.memory_space<vmem_shared>>)
      tpu.yield
    }) : () -> ()
    "tpu.region"() ({
      %run_scoped3A = tpu.sem_alloc : memref<!tpu.dma_semaphore, #tpu.memory_space<semaphore_mem>>
      %dma_start3A_122 = arith.constant 0 : i32
      %dma_start3A_123 = arith.constant 0 : i32
      %dma_start3A_124 = tpu.memref_slice %arg3[%add3A_59, %arg1, %dma_start3A_122, %dma_start3A_123] : memref<4x16x160x64xi32, #tpu.memory_space<hbm>> -> memref<1x1x4x64xi32, #tpu.memory_space<hbm>>
      %dma_start3A_125 = tpu.memref_squeeze %dma_start3A_124 : memref<1x1x4x64xi32, #tpu.memory_space<hbm>> -> memref<4x64xi32, #tpu.memory_space<hbm>>
      %dma_start3A_126 = arith.constant 0 : i32
      %dma_start3A_127 = arith.constant 0 : i32
      %dma_start3A_128 = tpu.memref_slice %arg3[%add3A_59, %arg1, %dma_start3A_126, %dma_start3A_127] : memref<4x16x160x64xi32, #tpu.memory_space<hbm>> -> memref<1x1x4x64xi32, #tpu.memory_space<hbm>>
      %dma_start3A_129 = tpu.memref_squeeze %dma_start3A_128 : memref<1x1x4x64xi32, #tpu.memory_space<hbm>> -> memref<4x64xi32, #tpu.memory_space<hbm>>
      tpu.enqueue_dma source(%dma_start3A_129 : memref<4x64xi32, #tpu.memory_space<hbm>>) target(%arg9 : memref<4x64xi32, #tpu.memory_space<vmem>>) target_semaphore(%run_scoped3A : memref<!tpu.dma_semaphore, #tpu.memory_space<semaphore_mem>>)
      %dma_wait3A_130 = arith.constant 0 : i32
      %dma_wait3A_131 = arith.constant 0 : i32
      %dma_wait3A_132 = tpu.memref_slice %arg3[%add3A_59, %arg1, %dma_wait3A_130, %dma_wait3A_131] : memref<4x16x160x64xi32, #tpu.memory_space<hbm>> -> memref<1x1x4x64xi32, #tpu.memory_space<hbm>>
      %dma_wait3A_133 = tpu.memref_squeeze %dma_wait3A_132 : memref<1x1x4x64xi32, #tpu.memory_space<hbm>> -> memref<4x64xi32, #tpu.memory_space<hbm>>
      %dma_wait3A_134 = arith.constant 0 : i32
      %dma_wait3A_135 = arith.constant 0 : i32
      %dma_wait3A_136 = tpu.memref_slice %arg3[%add3A_59, %arg1, %dma_wait3A_134, %dma_wait3A_135] : memref<4x16x160x64xi32, #tpu.memory_space<hbm>> -> memref<1x1x4x64xi32, #tpu.memory_space<hbm>>
      %dma_wait3A_137 = tpu.memref_squeeze %dma_wait3A_136 : memref<1x1x4x64xi32, #tpu.memory_space<hbm>> -> memref<4x64xi32, #tpu.memory_space<hbm>>
      tpu.wait_dma2 semaphore(%run_scoped3A : memref<!tpu.dma_semaphore, #tpu.memory_space<semaphore_mem>>) src(%dma_wait3A_137 : memref<4x64xi32, #tpu.memory_space<hbm>>) dst(%arg9 : memref<4x64xi32, #tpu.memory_space<vmem>>)
      tpu.yield
    }) : () -> ()
    %dma_start3A_62 = arith.constant 4 : i32
    %dma_start3A_63 = arith.constant 0 : i32
    %dma_start3A_64 = tpu.memref_slice %arg3[%add3A_59, %arg1, %dma_start3A_62, %dma_start3A_63] : memref<4x16x160x64xi32, #tpu.memory_space<hbm>> -> memref<1x1x4x64xi32, #tpu.memory_space<hbm>>
    %dma_start3A_65 = tpu.memref_squeeze %dma_start3A_64 : memref<1x1x4x64xi32, #tpu.memory_space<hbm>> -> memref<4x64xi32, #tpu.memory_space<hbm>>
    %dma_start3A_66 = arith.constant 4 : i32
    %dma_start3A_67 = arith.constant 0 : i32
    %dma_start3A_68 = tpu.memref_slice %arg3[%add3A_59, %arg1, %dma_start3A_66, %dma_start3A_67] : memref<4x16x160x64xi32, #tpu.memory_space<hbm>> -> memref<1x1x4x64xi32, #tpu.memory_space<hbm>>
    %dma_start3A_69 = tpu.memref_squeeze %dma_start3A_68 : memref<1x1x4x64xi32, #tpu.memory_space<hbm>> -> memref<4x64xi32, #tpu.memory_space<hbm>>
    tpu.enqueue_dma source(%dma_start3A_69 : memref<4x64xi32, #tpu.memory_space<hbm>>) target(%arg10 : memref<4x64xi32, #tpu.memory_space<vmem>>) target_semaphore(%arg14 : memref<!tpu.dma_semaphore, #tpu.memory_space<semaphore_mem>>)
    %barrier3A_70 = arith.constant 0 : index
    tpu.barrier barrier_id(%barrier3A_70)
    %dma_start3A_71 = arith.constant 0 : i32
    %dma_start3A_72 = arith.constant 0 : i32
    %dma_start3A_73 = tpu.memref_slice %arg9[%dma_start3A_71, %dma_start3A_72] : memref<4x64xi32, #tpu.memory_space<vmem>> -> memref<1x64xi32, #tpu.memory_space<vmem>>
    %dma_start3A_74 = tpu.memref_squeeze %dma_start3A_73 : memref<1x64xi32, #tpu.memory_space<vmem>> -> memref<64xi32, #tpu.memory_space<vmem>>
    %dma_start3A_75 = arith.constant 0 : i32
    %dma_start3A_76 = arith.constant 0 : i32
    %dma_start3A_77 = tpu.memref_slice %arg2[%dma_start3A_75, %dma_start3A_76] : memref<40000x128xf32, #tpu.memory_space<hbm>> -> memref<40000x128xf32, #tpu.memory_space<hbm>>
    tpu.enqueue_indirect_dma source(%dma_start3A_77 : memref<40000x128xf32, #tpu.memory_space<hbm>>) target(%arg11 : memref<64x128xf32, #tpu.memory_space<vmem>>) offsets(%dma_start3A_74 : memref<64xi32, #tpu.memory_space<vmem>>) semaphore(%arg15 : memref<!tpu.dma_semaphore, #tpu.memory_space<semaphore_mem>>)
    %dma_start3A_78 = arith.constant 1 : i32
    %dma_start3A_79 = arith.constant 0 : i32
    %dma_start3A_80 = tpu.memref_slice %arg9[%dma_start3A_78, %dma_start3A_79] : memref<4x64xi32, #tpu.memory_space<vmem>> -> memref<1x64xi32, #tpu.memory_space<vmem>>
    %dma_start3A_81 = tpu.memref_squeeze %dma_start3A_80 : memref<1x64xi32, #tpu.memory_space<vmem>> -> memref<64xi32, #tpu.memory_space<vmem>>
    %dma_start3A_82 = arith.constant 0 : i32
    %dma_start3A_83 = arith.constant 0 : i32
    %dma_start3A_84 = tpu.memref_slice %arg2[%dma_start3A_82, %dma_start3A_83] : memref<40000x128xf32, #tpu.memory_space<hbm>> -> memref<40000x128xf32, #tpu.memory_space<hbm>>
    tpu.enqueue_indirect_dma source(%dma_start3A_84 : memref<40000x128xf32, #tpu.memory_space<hbm>>) target(%arg12 : memref<64x128xf32, #tpu.memory_space<vmem>>) offsets(%dma_start3A_81 : memref<64xi32, #tpu.memory_space<vmem>>) semaphore(%arg16 : memref<!tpu.dma_semaphore, #tpu.memory_space<semaphore_mem>>)
    %scan3A_85 = arith.constant 0 : i32
    %scan3A_86 = arith.constant 0 : i32
    %scan3A_87 = arith.constant 20 : i32
    %scan3A_88 = arith.addi %scan3A_86, %scan3A_87 : i32
    %scan3A_89 = arith.constant 1 : i32
    scf.for %scan3A_122 = %scan3A_86 to %scan3A_88 step %scan3A_89  : i32 {
      %mul3A_123 = arith.constant 8 : i32
      %mul3A_124 = arith.muli %mul3A_123, %scan3A_122 : i32
      %add3A_125 = arith.constant 0 : i32
      %add3A_126 = arith.addi %mul3A_124, %add3A_125 : i32
      %dma_wait3A_127 = arith.constant 0 : i32
      %dma_wait3A_128 = arith.constant 0 : i32
      %dma_wait3A_129 = tpu.memref_slice %arg9[%dma_wait3A_127, %dma_wait3A_128] : memref<4x64xi32, #tpu.memory_space<vmem>> -> memref<1x64xi32, #tpu.memory_space<vmem>>
      %dma_wait3A_130 = tpu.memref_squeeze %dma_wait3A_129 : memref<1x64xi32, #tpu.memory_space<vmem>> -> memref<64xi32, #tpu.memory_space<vmem>>
      %dma_wait3A_131 = arith.constant 0 : i32
      %dma_wait3A_132 = arith.constant 0 : i32
      %dma_wait3A_133 = tpu.memref_slice %arg2[%dma_wait3A_131, %dma_wait3A_132] : memref<40000x128xf32, #tpu.memory_space<hbm>> -> memref<40000x128xf32, #tpu.memory_space<hbm>>
      tpu.wait_indirect_dma semaphore(%arg15 : memref<!tpu.dma_semaphore, #tpu.memory_space<semaphore_mem>>) src(%dma_wait3A_133 : memref<40000x128xf32, #tpu.memory_space<hbm>>) dst(%arg11 : memref<64x128xf32, #tpu.memory_space<vmem>>)
      %dma_start3A_134 = arith.constant 0 : i32
      %dma_start3A_135 = tpu.memref_slice %arg8[%add3A_126, %dma_start3A_134] : memref<160x64xi32, #tpu.memory_space<vmem>> -> memref<1x64xi32, #tpu.memory_space<vmem>>
      %dma_start3A_136 = tpu.memref_squeeze %dma_start3A_135 : memref<1x64xi32, #tpu.memory_space<vmem>> -> memref<64xi32, #tpu.memory_space<vmem>>
      %dma_start3A_137 = arith.constant 0 : i32
      %dma_start3A_138 = arith.constant 0 : i32
      %dma_start3A_139 = tpu.memref_slice %arg7[%dma_start3A_137, %dma_start3A_138] : memref<10112x128xf32, #tpu.memory_space<vmem_shared>> -> memref<10112x128xf32, #tpu.memory_space<vmem_shared>>
      tpu.enqueue_indirect_dma source(%arg11 : memref<64x128xf32, #tpu.memory_space<vmem>>) target(%dma_start3A_139 : memref<10112x128xf32, #tpu.memory_space<vmem_shared>>) offsets(%dma_start3A_136 : memref<64xi32, #tpu.memory_space<vmem>>) semaphore(%arg17 : memref<!tpu.dma_semaphore, #tpu.memory_space<semaphore_mem>>) {add = true}
      %dma_wait3A_140 = arith.constant 0 : i32
      %dma_wait3A_141 = tpu.memref_slice %arg8[%add3A_126, %dma_wait3A_140] : memref<160x64xi32, #tpu.memory_space<vmem>> -> memref<1x64xi32, #tpu.memory_space<vmem>>
      %dma_wait3A_142 = tpu.memref_squeeze %dma_wait3A_141 : memref<1x64xi32, #tpu.memory_space<vmem>> -> memref<64xi32, #tpu.memory_space<vmem>>
      %dma_wait3A_143 = arith.constant 0 : i32
      %dma_wait3A_144 = arith.constant 0 : i32
      %dma_wait3A_145 = tpu.memref_slice %arg7[%dma_wait3A_143, %dma_wait3A_144] : memref<10112x128xf32, #tpu.memory_space<vmem_shared>> -> memref<10112x128xf32, #tpu.memory_space<vmem_shared>>
      tpu.wait_indirect_dma semaphore(%arg17 : memref<!tpu.dma_semaphore, #tpu.memory_space<semaphore_mem>>) src(%arg11 : memref<64x128xf32, #tpu.memory_space<vmem>>) dst(%dma_wait3A_145 : memref<10112x128xf32, #tpu.memory_space<vmem_shared>>)
      %dma_start3A_146 = arith.constant 2 : i32
      %dma_start3A_147 = arith.constant 0 : i32
      %dma_start3A_148 = tpu.memref_slice %arg9[%dma_start3A_146, %dma_start3A_147] : memref<4x64xi32, #tpu.memory_space<vmem>> -> memref<1x64xi32, #tpu.memory_space<vmem>>
      %dma_start3A_149 = tpu.memref_squeeze %dma_start3A_148 : memref<1x64xi32, #tpu.memory_space<vmem>> -> memref<64xi32, #tpu.memory_space<vmem>>
      %dma_start3A_150 = arith.constant 0 : i32
      %dma_start3A_151 = arith.constant 0 : i32
      %dma_start3A_152 = tpu.memref_slice %arg2[%dma_start3A_150, %dma_start3A_151] : memref<40000x128xf32, #tpu.memory_space<hbm>> -> memref<40000x128xf32, #tpu.memory_space<hbm>>
      tpu.enqueue_indirect_dma source(%dma_start3A_152 : memref<40000x128xf32, #tpu.memory_space<hbm>>) target(%arg11 : memref<64x128xf32, #tpu.memory_space<vmem>>) offsets(%dma_start3A_149 : memref<64xi32, #tpu.memory_space<vmem>>) semaphore(%arg15 : memref<!tpu.dma_semaphore, #tpu.memory_space<semaphore_mem>>)
      %add3A_153 = arith.constant 1 : i32
      %add3A_154 = arith.addi %mul3A_124, %add3A_153 : i32
      %dma_wait3A_155 = arith.constant 0 : i32
      %dma_wait3A_156 = arith.constant 0 : i32
      %dma_wait3A_157 = tpu.memref_slice %arg9[%dma_wait3A_155, %dma_wait3A_156] : memref<4x64xi32, #tpu.memory_space<vmem>> -> memref<1x64xi32, #tpu.memory_space<vmem>>
      %dma_wait3A_158 = tpu.memref_squeeze %dma_wait3A_157 : memref<1x64xi32, #tpu.memory_space<vmem>> -> memref<64xi32, #tpu.memory_space<vmem>>
      %dma_wait3A_159 = arith.constant 0 : i32
      %dma_wait3A_160 = arith.constant 0 : i32
      %dma_wait3A_161 = tpu.memref_slice %arg2[%dma_wait3A_159, %dma_wait3A_160] : memref<40000x128xf32, #tpu.memory_space<hbm>> -> memref<40000x128xf32, #tpu.memory_space<hbm>>
      tpu.wait_indirect_dma semaphore(%arg16 : memref<!tpu.dma_semaphore, #tpu.memory_space<semaphore_mem>>) src(%dma_wait3A_161 : memref<40000x128xf32, #tpu.memory_space<hbm>>) dst(%arg12 : memref<64x128xf32, #tpu.memory_space<vmem>>)
      %dma_start3A_162 = arith.constant 0 : i32
      %dma_start3A_163 = tpu.memref_slice %arg8[%add3A_154, %dma_start3A_162] : memref<160x64xi32, #tpu.memory_space<vmem>> -> memref<1x64xi32, #tpu.memory_space<vmem>>
      %dma_start3A_164 = tpu.memref_squeeze %dma_start3A_163 : memref<1x64xi32, #tpu.memory_space<vmem>> -> memref<64xi32, #tpu.memory_space<vmem>>
      %dma_start3A_165 = arith.constant 0 : i32
      %dma_start3A_166 = arith.constant 0 : i32
      %dma_start3A_167 = tpu.memref_slice %arg7[%dma_start3A_165, %dma_start3A_166] : memref<10112x128xf32, #tpu.memory_space<vmem_shared>> -> memref<10112x128xf32, #tpu.memory_space<vmem_shared>>
      tpu.enqueue_indirect_dma source(%arg12 : memref<64x128xf32, #tpu.memory_space<vmem>>) target(%dma_start3A_167 : memref<10112x128xf32, #tpu.memory_space<vmem_shared>>) offsets(%dma_start3A_164 : memref<64xi32, #tpu.memory_space<vmem>>) semaphore(%arg18 : memref<!tpu.dma_semaphore, #tpu.memory_space<semaphore_mem>>) {add = true}
      %dma_wait3A_168 = arith.constant 0 : i32
      %dma_wait3A_169 = tpu.memref_slice %arg8[%add3A_154, %dma_wait3A_168] : memref<160x64xi32, #tpu.memory_space<vmem>> -> memref<1x64xi32, #tpu.memory_space<vmem>>
      %dma_wait3A_170 = tpu.memref_squeeze %dma_wait3A_169 : memref<1x64xi32, #tpu.memory_space<vmem>> -> memref<64xi32, #tpu.memory_space<vmem>>
      %dma_wait3A_171 = arith.constant 0 : i32
      %dma_wait3A_172 = arith.constant 0 : i32
      %dma_wait3A_173 = tpu.memref_slice %arg7[%dma_wait3A_171, %dma_wait3A_172] : memref<10112x128xf32, #tpu.memory_space<vmem_shared>> -> memref<10112x128xf32, #tpu.memory_space<vmem_shared>>
      tpu.wait_indirect_dma semaphore(%arg18 : memref<!tpu.dma_semaphore, #tpu.memory_space<semaphore_mem>>) src(%arg12 : memref<64x128xf32, #tpu.memory_space<vmem>>) dst(%dma_wait3A_173 : memref<10112x128xf32, #tpu.memory_space<vmem_shared>>)
      %dma_start3A_174 = arith.constant 3 : i32
      %dma_start3A_175 = arith.constant 0 : i32
      %dma_start3A_176 = tpu.memref_slice %arg9[%dma_start3A_174, %dma_start3A_175] : memref<4x64xi32, #tpu.memory_space<vmem>> -> memref<1x64xi32, #tpu.memory_space<vmem>>
      %dma_start3A_177 = tpu.memref_squeeze %dma_start3A_176 : memref<1x64xi32, #tpu.memory_space<vmem>> -> memref<64xi32, #tpu.memory_space<vmem>>
      %dma_start3A_178 = arith.constant 0 : i32
      %dma_start3A_179 = arith.constant 0 : i32
      %dma_start3A_180 = tpu.memref_slice %arg2[%dma_start3A_178, %dma_start3A_179] : memref<40000x128xf32, #tpu.memory_space<hbm>> -> memref<40000x128xf32, #tpu.memory_space<hbm>>
      tpu.enqueue_indirect_dma source(%dma_start3A_180 : memref<40000x128xf32, #tpu.memory_space<hbm>>) target(%arg12 : memref<64x128xf32, #tpu.memory_space<vmem>>) offsets(%dma_start3A_177 : memref<64xi32, #tpu.memory_space<vmem>>) semaphore(%arg16 : memref<!tpu.dma_semaphore, #tpu.memory_space<semaphore_mem>>)
      %add3A_181 = arith.constant 2 : i32
      %add3A_182 = arith.addi %mul3A_124, %add3A_181 : i32
      %dma_wait3A_183 = arith.constant 0 : i32
      %dma_wait3A_184 = arith.constant 0 : i32
      %dma_wait3A_185 = tpu.memref_slice %arg9[%dma_wait3A_183, %dma_wait3A_184] : memref<4x64xi32, #tpu.memory_space<vmem>> -> memref<1x64xi32, #tpu.memory_space<vmem>>
      %dma_wait3A_186 = tpu.memref_squeeze %dma_wait3A_185 : memref<1x64xi32, #tpu.memory_space<vmem>> -> memref<64xi32, #tpu.memory_space<vmem>>
      %dma_wait3A_187 = arith.constant 0 : i32
      %dma_wait3A_188 = arith.constant 0 : i32
      %dma_wait3A_189 = tpu.memref_slice %arg2[%dma_wait3A_187, %dma_wait3A_188] : memref<40000x128xf32, #tpu.memory_space<hbm>> -> memref<40000x128xf32, #tpu.memory_space<hbm>>
      tpu.wait_indirect_dma semaphore(%arg15 : memref<!tpu.dma_semaphore, #tpu.memory_space<semaphore_mem>>) src(%dma_wait3A_189 : memref<40000x128xf32, #tpu.memory_space<hbm>>) dst(%arg11 : memref<64x128xf32, #tpu.memory_space<vmem>>)
      %dma_start3A_190 = arith.constant 0 : i32
      %dma_start3A_191 = tpu.memref_slice %arg8[%add3A_182, %dma_start3A_190] : memref<160x64xi32, #tpu.memory_space<vmem>> -> memref<1x64xi32, #tpu.memory_space<vmem>>
      %dma_start3A_192 = tpu.memref_squeeze %dma_start3A_191 : memref<1x64xi32, #tpu.memory_space<vmem>> -> memref<64xi32, #tpu.memory_space<vmem>>
      %dma_start3A_193 = arith.constant 0 : i32
      %dma_start3A_194 = arith.constant 0 : i32
      %dma_start3A_195 = tpu.memref_slice %arg7[%dma_start3A_193, %dma_start3A_194] : memref<10112x128xf32, #tpu.memory_space<vmem_shared>> -> memref<10112x128xf32, #tpu.memory_space<vmem_shared>>
      tpu.enqueue_indirect_dma source(%arg11 : memref<64x128xf32, #tpu.memory_space<vmem>>) target(%dma_start3A_195 : memref<10112x128xf32, #tpu.memory_space<vmem_shared>>) offsets(%dma_start3A_192 : memref<64xi32, #tpu.memory_space<vmem>>) semaphore(%arg17 : memref<!tpu.dma_semaphore, #tpu.memory_space<semaphore_mem>>) {add = true}
      %dma_wait3A_196 = arith.constant 0 : i32
      %dma_wait3A_197 = arith.constant 0 : i32
      %dma_wait3A_198 = tpu.memref_slice %arg3[%add3A_59, %arg1, %dma_wait3A_196, %dma_wait3A_197] : memref<4x16x160x64xi32, #tpu.memory_space<hbm>> -> memref<1x1x4x64xi32, #tpu.memory_space<hbm>>
      %dma_wait3A_199 = tpu.memref_squeeze %dma_wait3A_198 : memref<1x1x4x64xi32, #tpu.memory_space<hbm>> -> memref<4x64xi32, #tpu.memory_space<hbm>>
      %dma_wait3A_200 = arith.constant 0 : i32
      %dma_wait3A_201 = arith.constant 0 : i32
      %dma_wait3A_202 = tpu.memref_slice %arg3[%add3A_59, %arg1, %dma_wait3A_200, %dma_wait3A_201] : memref<4x16x160x64xi32, #tpu.memory_space<hbm>> -> memref<1x1x4x64xi32, #tpu.memory_space<hbm>>
      %dma_wait3A_203 = tpu.memref_squeeze %dma_wait3A_202 : memref<1x1x4x64xi32, #tpu.memory_space<hbm>> -> memref<4x64xi32, #tpu.memory_space<hbm>>
      tpu.wait_dma2 semaphore(%arg14 : memref<!tpu.dma_semaphore, #tpu.memory_space<semaphore_mem>>) src(%dma_wait3A_203 : memref<4x64xi32, #tpu.memory_space<hbm>>) dst(%arg10 : memref<4x64xi32, #tpu.memory_space<vmem>>)
      %dma_wait3A_204 = arith.constant 0 : i32
      %dma_wait3A_205 = tpu.memref_slice %arg8[%add3A_182, %dma_wait3A_204] : memref<160x64xi32, #tpu.memory_space<vmem>> -> memref<1x64xi32, #tpu.memory_space<vmem>>
      %dma_wait3A_206 = tpu.memref_squeeze %dma_wait3A_205 : memref<1x64xi32, #tpu.memory_space<vmem>> -> memref<64xi32, #tpu.memory_space<vmem>>
      %dma_wait3A_207 = arith.constant 0 : i32
      %dma_wait3A_208 = arith.constant 0 : i32
      %dma_wait3A_209 = tpu.memref_slice %arg7[%dma_wait3A_207, %dma_wait3A_208] : memref<10112x128xf32, #tpu.memory_space<vmem_shared>> -> memref<10112x128xf32, #tpu.memory_space<vmem_shared>>
      tpu.wait_indirect_dma semaphore(%arg17 : memref<!tpu.dma_semaphore, #tpu.memory_space<semaphore_mem>>) src(%arg11 : memref<64x128xf32, #tpu.memory_space<vmem>>) dst(%dma_wait3A_209 : memref<10112x128xf32, #tpu.memory_space<vmem_shared>>)
      %dma_start3A_210 = arith.constant 0 : i32
      %dma_start3A_211 = arith.constant 0 : i32
      %dma_start3A_212 = tpu.memref_slice %arg10[%dma_start3A_210, %dma_start3A_211] : memref<4x64xi32, #tpu.memory_space<vmem>> -> memref<1x64xi32, #tpu.memory_space<vmem>>
      %dma_start3A_213 = tpu.memref_squeeze %dma_start3A_212 : memref<1x64xi32, #tpu.memory_space<vmem>> -> memref<64xi32, #tpu.memory_space<vmem>>
      %dma_start3A_214 = arith.constant 0 : i32
      %dma_start3A_215 = arith.constant 0 : i32
      %dma_start3A_216 = tpu.memref_slice %arg2[%dma_start3A_214, %dma_start3A_215] : memref<40000x128xf32, #tpu.memory_space<hbm>> -> memref<40000x128xf32, #tpu.memory_space<hbm>>
      tpu.enqueue_indirect_dma source(%dma_start3A_216 : memref<40000x128xf32, #tpu.memory_space<hbm>>) target(%arg11 : memref<64x128xf32, #tpu.memory_space<vmem>>) offsets(%dma_start3A_213 : memref<64xi32, #tpu.memory_space<vmem>>) semaphore(%arg15 : memref<!tpu.dma_semaphore, #tpu.memory_space<semaphore_mem>>)
      %add3A_217 = arith.constant 3 : i32
      %add3A_218 = arith.addi %mul3A_124, %add3A_217 : i32
      %dma_wait3A_219 = arith.constant 0 : i32
      %dma_wait3A_220 = arith.constant 0 : i32
      %dma_wait3A_221 = tpu.memref_slice %arg9[%dma_wait3A_219, %dma_wait3A_220] : memref<4x64xi32, #tpu.memory_space<vmem>> -> memref<1x64xi32, #tpu.memory_space<vmem>>
      %dma_wait3A_222 = tpu.memref_squeeze %dma_wait3A_221 : memref<1x64xi32, #tpu.memory_space<vmem>> -> memref<64xi32, #tpu.memory_space<vmem>>
      %dma_wait3A_223 = arith.constant 0 : i32
      %dma_wait3A_224 = arith.constant 0 : i32
      %dma_wait3A_225 = tpu.memref_slice %arg2[%dma_wait3A_223, %dma_wait3A_224] : memref<40000x128xf32, #tpu.memory_space<hbm>> -> memref<40000x128xf32, #tpu.memory_space<hbm>>
      tpu.wait_indirect_dma semaphore(%arg16 : memref<!tpu.dma_semaphore, #tpu.memory_space<semaphore_mem>>) src(%dma_wait3A_225 : memref<40000x128xf32, #tpu.memory_space<hbm>>) dst(%arg12 : memref<64x128xf32, #tpu.memory_space<vmem>>)
      %dma_start3A_226 = arith.constant 0 : i32
      %dma_start3A_227 = tpu.memref_slice %arg8[%add3A_218, %dma_start3A_226] : memref<160x64xi32, #tpu.memory_space<vmem>> -> memref<1x64xi32, #tpu.memory_space<vmem>>
      %dma_start3A_228 = tpu.memref_squeeze %dma_start3A_227 : memref<1x64xi32, #tpu.memory_space<vmem>> -> memref<64xi32, #tpu.memory_space<vmem>>
      %dma_start3A_229 = arith.constant 0 : i32
      %dma_start3A_230 = arith.constant 0 : i32
      %dma_start3A_231 = tpu.memref_slice %arg7[%dma_start3A_229, %dma_start3A_230] : memref<10112x128xf32, #tpu.memory_space<vmem_shared>> -> memref<10112x128xf32, #tpu.memory_space<vmem_shared>>
      tpu.enqueue_indirect_dma source(%arg12 : memref<64x128xf32, #tpu.memory_space<vmem>>) target(%dma_start3A_231 : memref<10112x128xf32, #tpu.memory_space<vmem_shared>>) offsets(%dma_start3A_228 : memref<64xi32, #tpu.memory_space<vmem>>) semaphore(%arg18 : memref<!tpu.dma_semaphore, #tpu.memory_space<semaphore_mem>>) {add = true}
      %add3A_232 = arith.constant 8 : i32
      %add3A_233 = arith.addi %mul3A_124, %add3A_232 : i32
      %min3A = arith.constant 156 : i32
      %min3A_234 = arith.minsi %add3A_233, %min3A : i32
      %dma_start3A_235 = arith.constant 0 : i32
      %dma_start3A_236 = tpu.memref_slice %arg3[%add3A_59, %arg1, %min3A_234, %dma_start3A_235] : memref<4x16x160x64xi32, #tpu.memory_space<hbm>> -> memref<1x1x4x64xi32, #tpu.memory_space<hbm>>
      %dma_start3A_237 = tpu.memref_squeeze %dma_start3A_236 : memref<1x1x4x64xi32, #tpu.memory_space<hbm>> -> memref<4x64xi32, #tpu.memory_space<hbm>>
      %dma_start3A_238 = arith.constant 0 : i32
      %dma_start3A_239 = tpu.memref_slice %arg3[%add3A_59, %arg1, %min3A_234, %dma_start3A_238] : memref<4x16x160x64xi32, #tpu.memory_space<hbm>> -> memref<1x1x4x64xi32, #tpu.memory_space<hbm>>
      %dma_start3A_240 = tpu.memref_squeeze %dma_start3A_239 : memref<1x1x4x64xi32, #tpu.memory_space<hbm>> -> memref<4x64xi32, #tpu.memory_space<hbm>>
      tpu.enqueue_dma source(%dma_start3A_240 : memref<4x64xi32, #tpu.memory_space<hbm>>) target(%arg9 : memref<4x64xi32, #tpu.memory_space<vmem>>) target_semaphore(%arg13 : memref<!tpu.dma_semaphore, #tpu.memory_space<semaphore_mem>>)
      %dma_wait3A_241 = arith.constant 0 : i32
      %dma_wait3A_242 = tpu.memref_slice %arg8[%add3A_218, %dma_wait3A_241] : memref<160x64xi32, #tpu.memory_space<vmem>> -> memref<1x64xi32, #tpu.memory_space<vmem>>
      %dma_wait3A_243 = tpu.memref_squeeze %dma_wait3A_242 : memref<1x64xi32, #tpu.memory_space<vmem>> -> memref<64xi32, #tpu.memory_space<vmem>>
      %dma_wait3A_244 = arith.constant 0 : i32
      %dma_wait3A_245 = arith.constant 0 : i32
      %dma_wait3A_246 = tpu.memref_slice %arg7[%dma_wait3A_244, %dma_wait3A_245] : memref<10112x128xf32, #tpu.memory_space<vmem_shared>> -> memref<10112x128xf32, #tpu.memory_space<vmem_shared>>
      tpu.wait_indirect_dma semaphore(%arg18 : memref<!tpu.dma_semaphore, #tpu.memory_space<semaphore_mem>>) src(%arg12 : memref<64x128xf32, #tpu.memory_space<vmem>>) dst(%dma_wait3A_246 : memref<10112x128xf32, #tpu.memory_space<vmem_shared>>)
      %dma_start3A_247 = arith.constant 1 : i32
      %dma_start3A_248 = arith.constant 0 : i32
      %dma_start3A_249 = tpu.memref_slice %arg10[%dma_start3A_247, %dma_start3A_248] : memref<4x64xi32, #tpu.memory_space<vmem>> -> memref<1x64xi32, #tpu.memory_space<vmem>>
      %dma_start3A_250 = tpu.memref_squeeze %dma_start3A_249 : memref<1x64xi32, #tpu.memory_space<vmem>> -> memref<64xi32, #tpu.memory_space<vmem>>
      %dma_start3A_251 = arith.constant 0 : i32
      %dma_start3A_252 = arith.constant 0 : i32
      %dma_start3A_253 = tpu.memref_slice %arg2[%dma_start3A_251, %dma_start3A_252] : memref<40000x128xf32, #tpu.memory_space<hbm>> -> memref<40000x128xf32, #tpu.memory_space<hbm>>
      tpu.enqueue_indirect_dma source(%dma_start3A_253 : memref<40000x128xf32, #tpu.memory_space<hbm>>) target(%arg12 : memref<64x128xf32, #tpu.memory_space<vmem>>) offsets(%dma_start3A_250 : memref<64xi32, #tpu.memory_space<vmem>>) semaphore(%arg16 : memref<!tpu.dma_semaphore, #tpu.memory_space<semaphore_mem>>)
      %add3A_254 = arith.constant 4 : i32
      %add3A_255 = arith.addi %mul3A_124, %add3A_254 : i32
      %dma_wait3A_256 = arith.constant 0 : i32
      %dma_wait3A_257 = arith.constant 0 : i32
      %dma_wait3A_258 = tpu.memref_slice %arg9[%dma_wait3A_256, %dma_wait3A_257] : memref<4x64xi32, #tpu.memory_space<vmem>> -> memref<1x64xi32, #tpu.memory_space<vmem>>
      %dma_wait3A_259 = tpu.memref_squeeze %dma_wait3A_258 : memref<1x64xi32, #tpu.memory_space<vmem>> -> memref<64xi32, #tpu.memory_space<vmem>>
      %dma_wait3A_260 = arith.constant 0 : i32
      %dma_wait3A_261 = arith.constant 0 : i32
      %dma_wait3A_262 = tpu.memref_slice %arg2[%dma_wait3A_260, %dma_wait3A_261] : memref<40000x128xf32, #tpu.memory_space<hbm>> -> memref<40000x128xf32, #tpu.memory_space<hbm>>
      tpu.wait_indirect_dma semaphore(%arg15 : memref<!tpu.dma_semaphore, #tpu.memory_space<semaphore_mem>>) src(%dma_wait3A_262 : memref<40000x128xf32, #tpu.memory_space<hbm>>) dst(%arg11 : memref<64x128xf32, #tpu.memory_space<vmem>>)
      %dma_start3A_263 = arith.constant 0 : i32
      %dma_start3A_264 = tpu.memref_slice %arg8[%add3A_255, %dma_start3A_263] : memref<160x64xi32, #tpu.memory_space<vmem>> -> memref<1x64xi32, #tpu.memory_space<vmem>>
      %dma_start3A_265 = tpu.memref_squeeze %dma_start3A_264 : memref<1x64xi32, #tpu.memory_space<vmem>> -> memref<64xi32, #tpu.memory_space<vmem>>
      %dma_start3A_266 = arith.constant 0 : i32
      %dma_start3A_267 = arith.constant 0 : i32
      %dma_start3A_268 = tpu.memref_slice %arg7[%dma_start3A_266, %dma_start3A_267] : memref<10112x128xf32, #tpu.memory_space<vmem_shared>> -> memref<10112x128xf32, #tpu.memory_space<vmem_shared>>
      tpu.enqueue_indirect_dma source(%arg11 : memref<64x128xf32, #tpu.memory_space<vmem>>) target(%dma_start3A_268 : memref<10112x128xf32, #tpu.memory_space<vmem_shared>>) offsets(%dma_start3A_265 : memref<64xi32, #tpu.memory_space<vmem>>) semaphore(%arg17 : memref<!tpu.dma_semaphore, #tpu.memory_space<semaphore_mem>>) {add = true}
      %dma_wait3A_269 = arith.constant 0 : i32
      %dma_wait3A_270 = tpu.memref_slice %arg8[%add3A_255, %dma_wait3A_269] : memref<160x64xi32, #tpu.memory_space<vmem>> -> memref<1x64xi32, #tpu.memory_space<vmem>>
      %dma_wait3A_271 = tpu.memref_squeeze %dma_wait3A_270 : memref<1x64xi32, #tpu.memory_space<vmem>> -> memref<64xi32, #tpu.memory_space<vmem>>
      %dma_wait3A_272 = arith.constant 0 : i32
      %dma_wait3A_273 = arith.constant 0 : i32
      %dma_wait3A_274 = tpu.memref_slice %arg7[%dma_wait3A_272, %dma_wait3A_273] : memref<10112x128xf32, #tpu.memory_space<vmem_shared>> -> memref<10112x128xf32, #tpu.memory_space<vmem_shared>>
      tpu.wait_indirect_dma semaphore(%arg17 : memref<!tpu.dma_semaphore, #tpu.memory_space<semaphore_mem>>) src(%arg11 : memref<64x128xf32, #tpu.memory_space<vmem>>) dst(%dma_wait3A_274 : memref<10112x128xf32, #tpu.memory_space<vmem_shared>>)
      %dma_start3A_275 = arith.constant 2 : i32
      %dma_start3A_276 = arith.constant 0 : i32
      %dma_start3A_277 = tpu.memref_slice %arg10[%dma_start3A_275, %dma_start3A_276] : memref<4x64xi32, #tpu.memory_space<vmem>> -> memref<1x64xi32, #tpu.memory_space<vmem>>
      %dma_start3A_278 = tpu.memref_squeeze %dma_start3A_277 : memref<1x64xi32, #tpu.memory_space<vmem>> -> memref<64xi32, #tpu.memory_space<vmem>>
      %dma_start3A_279 = arith.constant 0 : i32
      %dma_start3A_280 = arith.constant 0 : i32
      %dma_start3A_281 = tpu.memref_slice %arg2[%dma_start3A_279, %dma_start3A_280] : memref<40000x128xf32, #tpu.memory_space<hbm>> -> memref<40000x128xf32, #tpu.memory_space<hbm>>
      tpu.enqueue_indirect_dma source(%dma_start3A_281 : memref<40000x128xf32, #tpu.memory_space<hbm>>) target(%arg11 : memref<64x128xf32, #tpu.memory_space<vmem>>) offsets(%dma_start3A_278 : memref<64xi32, #tpu.memory_space<vmem>>) semaphore(%arg15 : memref<!tpu.dma_semaphore, #tpu.memory_space<semaphore_mem>>)
      %add3A_282 = arith.constant 5 : i32
      %add3A_283 = arith.addi %mul3A_124, %add3A_282 : i32
      %dma_wait3A_284 = arith.constant 0 : i32
      %dma_wait3A_285 = arith.constant 0 : i32
      %dma_wait3A_286 = tpu.memref_slice %arg9[%dma_wait3A_284, %dma_wait3A_285] : memref<4x64xi32, #tpu.memory_space<vmem>> -> memref<1x64xi32, #tpu.memory_space<vmem>>
      %dma_wait3A_287 = tpu.memref_squeeze %dma_wait3A_286 : memref<1x64xi32, #tpu.memory_space<vmem>> -> memref<64xi32, #tpu.memory_space<vmem>>
      %dma_wait3A_288 = arith.constant 0 : i32
      %dma_wait3A_289 = arith.constant 0 : i32
      %dma_wait3A_290 = tpu.memref_slice %arg2[%dma_wait3A_288, %dma_wait3A_289] : memref<40000x128xf32, #tpu.memory_space<hbm>> -> memref<40000x128xf32, #tpu.memory_space<hbm>>
      tpu.wait_indirect_dma semaphore(%arg16 : memref<!tpu.dma_semaphore, #tpu.memory_space<semaphore_mem>>) src(%dma_wait3A_290 : memref<40000x128xf32, #tpu.memory_space<hbm>>) dst(%arg12 : memref<64x128xf32, #tpu.memory_space<vmem>>)
      %dma_start3A_291 = arith.constant 0 : i32
      %dma_start3A_292 = tpu.memref_slice %arg8[%add3A_283, %dma_start3A_291] : memref<160x64xi32, #tpu.memory_space<vmem>> -> memref<1x64xi32, #tpu.memory_space<vmem>>
      %dma_start3A_293 = tpu.memref_squeeze %dma_start3A_292 : memref<1x64xi32, #tpu.memory_space<vmem>> -> memref<64xi32, #tpu.memory_space<vmem>>
      %dma_start3A_294 = arith.constant 0 : i32
      %dma_start3A_295 = arith.constant 0 : i32
      %dma_start3A_296 = tpu.memref_slice %arg7[%dma_start3A_294, %dma_start3A_295] : memref<10112x128xf32, #tpu.memory_space<vmem_shared>> -> memref<10112x128xf32, #tpu.memory_space<vmem_shared>>
      tpu.enqueue_indirect_dma source(%arg12 : memref<64x128xf32, #tpu.memory_space<vmem>>) target(%dma_start3A_296 : memref<10112x128xf32, #tpu.memory_space<vmem_shared>>) offsets(%dma_start3A_293 : memref<64xi32, #tpu.memory_space<vmem>>) semaphore(%arg18 : memref<!tpu.dma_semaphore, #tpu.memory_space<semaphore_mem>>) {add = true}
      %dma_wait3A_297 = arith.constant 0 : i32
      %dma_wait3A_298 = tpu.memref_slice %arg8[%add3A_283, %dma_wait3A_297] : memref<160x64xi32, #tpu.memory_space<vmem>> -> memref<1x64xi32, #tpu.memory_space<vmem>>
      %dma_wait3A_299 = tpu.memref_squeeze %dma_wait3A_298 : memref<1x64xi32, #tpu.memory_space<vmem>> -> memref<64xi32, #tpu.memory_space<vmem>>
      %dma_wait3A_300 = arith.constant 0 : i32
      %dma_wait3A_301 = arith.constant 0 : i32
      %dma_wait3A_302 = tpu.memref_slice %arg7[%dma_wait3A_300, %dma_wait3A_301] : memref<10112x128xf32, #tpu.memory_space<vmem_shared>> -> memref<10112x128xf32, #tpu.memory_space<vmem_shared>>
      tpu.wait_indirect_dma semaphore(%arg18 : memref<!tpu.dma_semaphore, #tpu.memory_space<semaphore_mem>>) src(%arg12 : memref<64x128xf32, #tpu.memory_space<vmem>>) dst(%dma_wait3A_302 : memref<10112x128xf32, #tpu.memory_space<vmem_shared>>)
      %dma_start3A_303 = arith.constant 3 : i32
      %dma_start3A_304 = arith.constant 0 : i32
      %dma_start3A_305 = tpu.memref_slice %arg10[%dma_start3A_303, %dma_start3A_304] : memref<4x64xi32, #tpu.memory_space<vmem>> -> memref<1x64xi32, #tpu.memory_space<vmem>>
      %dma_start3A_306 = tpu.memref_squeeze %dma_start3A_305 : memref<1x64xi32, #tpu.memory_space<vmem>> -> memref<64xi32, #tpu.memory_space<vmem>>
      %dma_start3A_307 = arith.constant 0 : i32
      %dma_start3A_308 = arith.constant 0 : i32
      %dma_start3A_309 = tpu.memref_slice %arg2[%dma_start3A_307, %dma_start3A_308] : memref<40000x128xf32, #tpu.memory_space<hbm>> -> memref<40000x128xf32, #tpu.memory_space<hbm>>
      tpu.enqueue_indirect_dma source(%dma_start3A_309 : memref<40000x128xf32, #tpu.memory_space<hbm>>) target(%arg12 : memref<64x128xf32, #tpu.memory_space<vmem>>) offsets(%dma_start3A_306 : memref<64xi32, #tpu.memory_space<vmem>>) semaphore(%arg16 : memref<!tpu.dma_semaphore, #tpu.memory_space<semaphore_mem>>)
      %add3A_310 = arith.constant 6 : i32
      %add3A_311 = arith.addi %mul3A_124, %add3A_310 : i32
      %dma_wait3A_312 = arith.constant 0 : i32
      %dma_wait3A_313 = arith.constant 0 : i32
      %dma_wait3A_314 = tpu.memref_slice %arg9[%dma_wait3A_312, %dma_wait3A_313] : memref<4x64xi32, #tpu.memory_space<vmem>> -> memref<1x64xi32, #tpu.memory_space<vmem>>
      %dma_wait3A_315 = tpu.memref_squeeze %dma_wait3A_314 : memref<1x64xi32, #tpu.memory_space<vmem>> -> memref<64xi32, #tpu.memory_space<vmem>>
      %dma_wait3A_316 = arith.constant 0 : i32
      %dma_wait3A_317 = arith.constant 0 : i32
      %dma_wait3A_318 = tpu.memref_slice %arg2[%dma_wait3A_316, %dma_wait3A_317] : memref<40000x128xf32, #tpu.memory_space<hbm>> -> memref<40000x128xf32, #tpu.memory_space<hbm>>
      tpu.wait_indirect_dma semaphore(%arg15 : memref<!tpu.dma_semaphore, #tpu.memory_space<semaphore_mem>>) src(%dma_wait3A_318 : memref<40000x128xf32, #tpu.memory_space<hbm>>) dst(%arg11 : memref<64x128xf32, #tpu.memory_space<vmem>>)
      %dma_start3A_319 = arith.constant 0 : i32
      %dma_start3A_320 = tpu.memref_slice %arg8[%add3A_311, %dma_start3A_319] : memref<160x64xi32, #tpu.memory_space<vmem>> -> memref<1x64xi32, #tpu.memory_space<vmem>>
      %dma_start3A_321 = tpu.memref_squeeze %dma_start3A_320 : memref<1x64xi32, #tpu.memory_space<vmem>> -> memref<64xi32, #tpu.memory_space<vmem>>
      %dma_start3A_322 = arith.constant 0 : i32
      %dma_start3A_323 = arith.constant 0 : i32
      %dma_start3A_324 = tpu.memref_slice %arg7[%dma_start3A_322, %dma_start3A_323] : memref<10112x128xf32, #tpu.memory_space<vmem_shared>> -> memref<10112x128xf32, #tpu.memory_space<vmem_shared>>
      tpu.enqueue_indirect_dma source(%arg11 : memref<64x128xf32, #tpu.memory_space<vmem>>) target(%dma_start3A_324 : memref<10112x128xf32, #tpu.memory_space<vmem_shared>>) offsets(%dma_start3A_321 : memref<64xi32, #tpu.memory_space<vmem>>) semaphore(%arg17 : memref<!tpu.dma_semaphore, #tpu.memory_space<semaphore_mem>>) {add = true}
      %dma_wait3A_325 = arith.constant 0 : i32
      %dma_wait3A_326 = arith.constant 0 : i32
      %dma_wait3A_327 = tpu.memref_slice %arg3[%add3A_59, %arg1, %dma_wait3A_325, %dma_wait3A_326] : memref<4x16x160x64xi32, #tpu.memory_space<hbm>> -> memref<1x1x4x64xi32, #tpu.memory_space<hbm>>
      %dma_wait3A_328 = tpu.memref_squeeze %dma_wait3A_327 : memref<1x1x4x64xi32, #tpu.memory_space<hbm>> -> memref<4x64xi32, #tpu.memory_space<hbm>>
      %dma_wait3A_329 = arith.constant 0 : i32
      %dma_wait3A_330 = arith.constant 0 : i32
      %dma_wait3A_331 = tpu.memref_slice %arg3[%add3A_59, %arg1, %dma_wait3A_329, %dma_wait3A_330] : memref<4x16x160x64xi32, #tpu.memory_space<hbm>> -> memref<1x1x4x64xi32, #tpu.memory_space<hbm>>
      %dma_wait3A_332 = tpu.memref_squeeze %dma_wait3A_331 : memref<1x1x4x64xi32, #tpu.memory_space<hbm>> -> memref<4x64xi32, #tpu.memory_space<hbm>>
      tpu.wait_dma2 semaphore(%arg13 : memref<!tpu.dma_semaphore, #tpu.memory_space<semaphore_mem>>) src(%dma_wait3A_332 : memref<4x64xi32, #tpu.memory_space<hbm>>) dst(%arg9 : memref<4x64xi32, #tpu.memory_space<vmem>>)
      %dma_wait3A_333 = arith.constant 0 : i32
      %dma_wait3A_334 = tpu.memref_slice %arg8[%add3A_311, %dma_wait3A_333] : memref<160x64xi32, #tpu.memory_space<vmem>> -> memref<1x64xi32, #tpu.memory_space<vmem>>
      %dma_wait3A_335 = tpu.memref_squeeze %dma_wait3A_334 : memref<1x64xi32, #tpu.memory_space<vmem>> -> memref<64xi32, #tpu.memory_space<vmem>>
      %dma_wait3A_336 = arith.constant 0 : i32
      %dma_wait3A_337 = arith.constant 0 : i32
      %dma_wait3A_338 = tpu.memref_slice %arg7[%dma_wait3A_336, %dma_wait3A_337] : memref<10112x128xf32, #tpu.memory_space<vmem_shared>> -> memref<10112x128xf32, #tpu.memory_space<vmem_shared>>
      tpu.wait_indirect_dma semaphore(%arg17 : memref<!tpu.dma_semaphore, #tpu.memory_space<semaphore_mem>>) src(%arg11 : memref<64x128xf32, #tpu.memory_space<vmem>>) dst(%dma_wait3A_338 : memref<10112x128xf32, #tpu.memory_space<vmem_shared>>)
      %dma_start3A_339 = arith.constant 0 : i32
      %dma_start3A_340 = arith.constant 0 : i32
      %dma_start3A_341 = tpu.memref_slice %arg9[%dma_start3A_339, %dma_start3A_340] : memref<4x64xi32, #tpu.memory_space<vmem>> -> memref<1x64xi32, #tpu.memory_space<vmem>>
      %dma_start3A_342 = tpu.memref_squeeze %dma_start3A_341 : memref<1x64xi32, #tpu.memory_space<vmem>> -> memref<64xi32, #tpu.memory_space<vmem>>
      %dma_start3A_343 = arith.constant 0 : i32
      %dma_start3A_344 = arith.constant 0 : i32
      %dma_start3A_345 = tpu.memref_slice %arg2[%dma_start3A_343, %dma_start3A_344] : memref<40000x128xf32, #tpu.memory_space<hbm>> -> memref<40000x128xf32, #tpu.memory_space<hbm>>
      tpu.enqueue_indirect_dma source(%dma_start3A_345 : memref<40000x128xf32, #tpu.memory_space<hbm>>) target(%arg11 : memref<64x128xf32, #tpu.memory_space<vmem>>) offsets(%dma_start3A_342 : memref<64xi32, #tpu.memory_space<vmem>>) semaphore(%arg15 : memref<!tpu.dma_semaphore, #tpu.memory_space<semaphore_mem>>)
      %add3A_346 = arith.constant 7 : i32
      %add3A_347 = arith.addi %mul3A_124, %add3A_346 : i32
      %dma_wait3A_348 = arith.constant 0 : i32
      %dma_wait3A_349 = arith.constant 0 : i32
      %dma_wait3A_350 = tpu.memref_slice %arg9[%dma_wait3A_348, %dma_wait3A_349] : memref<4x64xi32, #tpu.memory_space<vmem>> -> memref<1x64xi32, #tpu.memory_space<vmem>>
      %dma_wait3A_351 = tpu.memref_squeeze %dma_wait3A_350 : memref<1x64xi32, #tpu.memory_space<vmem>> -> memref<64xi32, #tpu.memory_space<vmem>>
      %dma_wait3A_352 = arith.constant 0 : i32
      %dma_wait3A_353 = arith.constant 0 : i32
      %dma_wait3A_354 = tpu.memref_slice %arg2[%dma_wait3A_352, %dma_wait3A_353] : memref<40000x128xf32, #tpu.memory_space<hbm>> -> memref<40000x128xf32, #tpu.memory_space<hbm>>
      tpu.wait_indirect_dma semaphore(%arg16 : memref<!tpu.dma_semaphore, #tpu.memory_space<semaphore_mem>>) src(%dma_wait3A_354 : memref<40000x128xf32, #tpu.memory_space<hbm>>) dst(%arg12 : memref<64x128xf32, #tpu.memory_space<vmem>>)
      %dma_start3A_355 = arith.constant 0 : i32
      %dma_start3A_356 = tpu.memref_slice %arg8[%add3A_347, %dma_start3A_355] : memref<160x64xi32, #tpu.memory_space<vmem>> -> memref<1x64xi32, #tpu.memory_space<vmem>>
      %dma_start3A_357 = tpu.memref_squeeze %dma_start3A_356 : memref<1x64xi32, #tpu.memory_space<vmem>> -> memref<64xi32, #tpu.memory_space<vmem>>
      %dma_start3A_358 = arith.constant 0 : i32
      %dma_start3A_359 = arith.constant 0 : i32
      %dma_start3A_360 = tpu.memref_slice %arg7[%dma_start3A_358, %dma_start3A_359] : memref<10112x128xf32, #tpu.memory_space<vmem_shared>> -> memref<10112x128xf32, #tpu.memory_space<vmem_shared>>
      tpu.enqueue_indirect_dma source(%arg12 : memref<64x128xf32, #tpu.memory_space<vmem>>) target(%dma_start3A_360 : memref<10112x128xf32, #tpu.memory_space<vmem_shared>>) offsets(%dma_start3A_357 : memref<64xi32, #tpu.memory_space<vmem>>) semaphore(%arg18 : memref<!tpu.dma_semaphore, #tpu.memory_space<semaphore_mem>>) {add = true}
      %add3A_361 = arith.constant 12 : i32
      %add3A_362 = arith.addi %mul3A_124, %add3A_361 : i32
      %min3A_363 = arith.constant 156 : i32
      %min3A_364 = arith.minsi %add3A_362, %min3A_363 : i32
      %dma_start3A_365 = arith.constant 0 : i32
      %dma_start3A_366 = tpu.memref_slice %arg3[%add3A_59, %arg1, %min3A_364, %dma_start3A_365] : memref<4x16x160x64xi32, #tpu.memory_space<hbm>> -> memref<1x1x4x64xi32, #tpu.memory_space<hbm>>
      %dma_start3A_367 = tpu.memref_squeeze %dma_start3A_366 : memref<1x1x4x64xi32, #tpu.memory_space<hbm>> -> memref<4x64xi32, #tpu.memory_space<hbm>>
      %dma_start3A_368 = arith.constant 0 : i32
      %dma_start3A_369 = tpu.memref_slice %arg3[%add3A_59, %arg1, %min3A_364, %dma_start3A_368] : memref<4x16x160x64xi32, #tpu.memory_space<hbm>> -> memref<1x1x4x64xi32, #tpu.memory_space<hbm>>
      %dma_start3A_370 = tpu.memref_squeeze %dma_start3A_369 : memref<1x1x4x64xi32, #tpu.memory_space<hbm>> -> memref<4x64xi32, #tpu.memory_space<hbm>>
      tpu.enqueue_dma source(%dma_start3A_370 : memref<4x64xi32, #tpu.memory_space<hbm>>) target(%arg10 : memref<4x64xi32, #tpu.memory_space<vmem>>) target_semaphore(%arg14 : memref<!tpu.dma_semaphore, #tpu.memory_space<semaphore_mem>>)
      %dma_wait3A_371 = arith.constant 0 : i32
      %dma_wait3A_372 = tpu.memref_slice %arg8[%add3A_347, %dma_wait3A_371] : memref<160x64xi32, #tpu.memory_space<vmem>> -> memref<1x64xi32, #tpu.memory_space<vmem>>
      %dma_wait3A_373 = tpu.memref_squeeze %dma_wait3A_372 : memref<1x64xi32, #tpu.memory_space<vmem>> -> memref<64xi32, #tpu.memory_space<vmem>>
      %dma_wait3A_374 = arith.constant 0 : i32
      %dma_wait3A_375 = arith.constant 0 : i32
      %dma_wait3A_376 = tpu.memref_slice %arg7[%dma_wait3A_374, %dma_wait3A_375] : memref<10112x128xf32, #tpu.memory_space<vmem_shared>> -> memref<10112x128xf32, #tpu.memory_space<vmem_shared>>
      tpu.wait_indirect_dma semaphore(%arg18 : memref<!tpu.dma_semaphore, #tpu.memory_space<semaphore_mem>>) src(%arg12 : memref<64x128xf32, #tpu.memory_space<vmem>>) dst(%dma_wait3A_376 : memref<10112x128xf32, #tpu.memory_space<vmem_shared>>)
      %dma_start3A_377 = arith.constant 1 : i32
      %dma_start3A_378 = arith.constant 0 : i32
      %dma_start3A_379 = tpu.memref_slice %arg9[%dma_start3A_377, %dma_start3A_378] : memref<4x64xi32, #tpu.memory_space<vmem>> -> memref<1x64xi32, #tpu.memory_space<vmem>>
      %dma_start3A_380 = tpu.memref_squeeze %dma_start3A_379 : memref<1x64xi32, #tpu.memory_space<vmem>> -> memref<64xi32, #tpu.memory_space<vmem>>
      %dma_start3A_381 = arith.constant 0 : i32
      %dma_start3A_382 = arith.constant 0 : i32
      %dma_start3A_383 = tpu.memref_slice %arg2[%dma_start3A_381, %dma_start3A_382] : memref<40000x128xf32, #tpu.memory_space<hbm>> -> memref<40000x128xf32, #tpu.memory_space<hbm>>
      tpu.enqueue_indirect_dma source(%dma_start3A_383 : memref<40000x128xf32, #tpu.memory_space<hbm>>) target(%arg12 : memref<64x128xf32, #tpu.memory_space<vmem>>) offsets(%dma_start3A_380 : memref<64xi32, #tpu.memory_space<vmem>>) semaphore(%arg16 : memref<!tpu.dma_semaphore, #tpu.memory_space<semaphore_mem>>)
    }
    %scan3A_90 = arith.constant 20 : i32
    %dma_wait3A_91 = arith.constant 0 : i32
    %dma_wait3A_92 = arith.constant 0 : i32
    %dma_wait3A_93 = tpu.memref_slice %arg9[%dma_wait3A_91, %dma_wait3A_92] : memref<4x64xi32, #tpu.memory_space<vmem>> -> memref<1x64xi32, #tpu.memory_space<vmem>>
    %dma_wait3A_94 = tpu.memref_squeeze %dma_wait3A_93 : memref<1x64xi32, #tpu.memory_space<vmem>> -> memref<64xi32, #tpu.memory_space<vmem>>
    %dma_wait3A_95 = arith.constant 0 : i32
    %dma_wait3A_96 = arith.constant 0 : i32
    %dma_wait3A_97 = tpu.memref_slice %arg2[%dma_wait3A_95, %dma_wait3A_96] : memref<40000x128xf32, #tpu.memory_space<hbm>> -> memref<40000x128xf32, #tpu.memory_space<hbm>>
    tpu.wait_indirect_dma semaphore(%arg15 : memref<!tpu.dma_semaphore, #tpu.memory_space<semaphore_mem>>) src(%dma_wait3A_97 : memref<40000x128xf32, #tpu.memory_space<hbm>>) dst(%arg11 : memref<64x128xf32, #tpu.memory_space<vmem>>)
    %dma_wait3A_98 = arith.constant 1 : i32
    %dma_wait3A_99 = arith.constant 0 : i32
    %dma_wait3A_100 = tpu.memref_slice %arg9[%dma_wait3A_98, %dma_wait3A_99] : memref<4x64xi32, #tpu.memory_space<vmem>> -> memref<1x64xi32, #tpu.memory_space<vmem>>
    %dma_wait3A_101 = tpu.memref_squeeze %dma_wait3A_100 : memref<1x64xi32, #tpu.memory_space<vmem>> -> memref<64xi32, #tpu.memory_space<vmem>>
    %dma_wait3A_102 = arith.constant 0 : i32
    %dma_wait3A_103 = arith.constant 0 : i32
    %dma_wait3A_104 = tpu.memref_slice %arg2[%dma_wait3A_102, %dma_wait3A_103] : memref<40000x128xf32, #tpu.memory_space<hbm>> -> memref<40000x128xf32, #tpu.memory_space<hbm>>
    tpu.wait_indirect_dma semaphore(%arg16 : memref<!tpu.dma_semaphore, #tpu.memory_space<semaphore_mem>>) src(%dma_wait3A_104 : memref<40000x128xf32, #tpu.memory_space<hbm>>) dst(%arg12 : memref<64x128xf32, #tpu.memory_space<vmem>>)
    %dma_wait3A_105 = arith.constant 0 : i32
    %dma_wait3A_106 = arith.constant 0 : i32
    %dma_wait3A_107 = tpu.memref_slice %arg3[%add3A_59, %arg1, %dma_wait3A_105, %dma_wait3A_106] : memref<4x16x160x64xi32, #tpu.memory_space<hbm>> -> memref<1x1x4x64xi32, #tpu.memory_space<hbm>>
    %dma_wait3A_108 = tpu.memref_squeeze %dma_wait3A_107 : memref<1x1x4x64xi32, #tpu.memory_space<hbm>> -> memref<4x64xi32, #tpu.memory_space<hbm>>
    %dma_wait3A_109 = arith.constant 0 : i32
    %dma_wait3A_110 = arith.constant 0 : i32
    %dma_wait3A_111 = tpu.memref_slice %arg3[%add3A_59, %arg1, %dma_wait3A_109, %dma_wait3A_110] : memref<4x16x160x64xi32, #tpu.memory_space<hbm>> -> memref<1x1x4x64xi32, #tpu.memory_space<hbm>>
    %dma_wait3A_112 = tpu.memref_squeeze %dma_wait3A_111 : memref<1x1x4x64xi32, #tpu.memory_space<hbm>> -> memref<4x64xi32, #tpu.memory_space<hbm>>
    tpu.wait_dma2 semaphore(%arg14 : memref<!tpu.dma_semaphore, #tpu.memory_space<semaphore_mem>>) src(%dma_wait3A_112 : memref<4x64xi32, #tpu.memory_space<hbm>>) dst(%arg10 : memref<4x64xi32, #tpu.memory_space<vmem>>)
    %barrier3A_113 = arith.constant 0 : index
    tpu.barrier barrier_id(%barrier3A_113)
    %mul3A_114 = arith.constant 632 : i32
    %mul3A_115 = arith.muli %arg1, %mul3A_114 : i32
    %mul3A_116 = arith.constant 10112 : i32
    %mul3A_117 = arith.muli %add3A_59, %mul3A_116 : i32
    %mul3A_118 = arith.constant 632 : i32
    %mul3A_119 = arith.muli %arg1, %mul3A_118 : i32
    %add3A_120 = arith.addi %mul3A_117, %mul3A_119 : i32
    "tpu.region"() ({
      %run_scoped3A = tpu.sem_alloc : memref<!tpu.dma_semaphore, #tpu.memory_space<semaphore_mem>>
      %dma_start3A_122 = arith.constant 0 : i32
      %dma_start3A_123 = tpu.memref_slice %arg6[%add3A_120, %dma_start3A_122] : memref<40448x128xf32, #tpu.memory_space<hbm>> -> memref<632x128xf32, #tpu.memory_space<hbm>>
      %dma_start3A_124 = arith.constant 0 : i32
      %dma_start3A_125 = tpu.memref_slice %arg7[%mul3A_115, %dma_start3A_124] : memref<10112x128xf32, #tpu.memory_space<vmem_shared>> -> memref<632x128xf32, #tpu.memory_space<vmem_shared>>
      tpu.enqueue_dma source(%dma_start3A_125 : memref<632x128xf32, #tpu.memory_space<vmem_shared>>) target(%dma_start3A_123 : memref<632x128xf32, #tpu.memory_space<hbm>>) target_semaphore(%run_scoped3A : memref<!tpu.dma_semaphore, #tpu.memory_space<semaphore_mem>>)
      %dma_wait3A_126 = arith.constant 0 : i32
      %dma_wait3A_127 = tpu.memref_slice %arg6[%add3A_120, %dma_wait3A_126] : memref<40448x128xf32, #tpu.memory_space<hbm>> -> memref<632x128xf32, #tpu.memory_space<hbm>>
      %dma_wait3A_128 = arith.constant 0 : i32
      %dma_wait3A_129 = tpu.memref_slice %arg7[%mul3A_115, %dma_wait3A_128] : memref<10112x128xf32, #tpu.memory_space<vmem_shared>> -> memref<632x128xf32, #tpu.memory_space<vmem_shared>>
      tpu.wait_dma2 semaphore(%run_scoped3A : memref<!tpu.dma_semaphore, #tpu.memory_space<semaphore_mem>>) src(%dma_wait3A_129 : memref<632x128xf32, #tpu.memory_space<vmem_shared>>) dst(%dma_wait3A_127 : memref<632x128xf32, #tpu.memory_space<hbm>>)
      tpu.yield
    }) : () -> ()
    %barrier3A_121 = arith.constant 0 : index
    tpu.barrier barrier_id(%barrier3A_121)
    return
  }
}

module attributes {stable_mosaic.version = 14 : i64} {
  func.func @body(%arg0: i32, %arg1: memref<2x1000x128xf32, #tpu.memory_space<vmem>>, %arg2: memref<2x1000x128xf32, #tpu.memory_space<vmem>>, %arg3: memref<2x1000x128xf32, #tpu.memory_space<vmem>>, %arg4: memref<256x512xf32, #tpu.memory_space<vmem>>, %arg5: memref<256x512xf32, #tpu.memory_space<vmem>>, %arg6: memref<1x512xf32, #tpu.memory_space<vmem>>, %arg7: memref<4x1000x128xf32, #tpu.memory_space<vmem>>) attributes {dimension_semantics = [#tpu.dimension_semantics<arbitrary>], iteration_bounds = array<i64: 10>, scalar_prefetch = 0 : i64, scratch_operands = 0 : i64, tpu.core_type = #tpu.core_type<tc>, window_params = [{transform_indices = @transform_0, window_bounds = array<i64: 2, 1000, 128>}, {transform_indices = @transform_1, window_bounds = array<i64: 2, 1000, 128>}, {transform_indices = @transform_2, window_bounds = array<i64: 2, 1000, 128>}, {pipeline_mode = #tpu.pipeline_mode<synchronous>, transform_indices = @transform_3, window_bounds = array<i64: 256, 512>}, {pipeline_mode = #tpu.pipeline_mode<synchronous>, transform_indices = @transform_4, window_bounds = array<i64: 256, 512>}, {pipeline_mode = #tpu.pipeline_mode<synchronous>, transform_indices = @transform_5, window_bounds = array<i64: 1, 512>}, {transform_indices = @transform_6, window_bounds = array<i64: 4, 1000, 128>}]} {
    %get3A = arith.constant 0 : index
    %get3A_0 = arith.constant 0 : index
    %get3A_1 = arith.constant 0 : index
    %get3A_2 = vector.load %arg2[%get3A, %get3A_0, %get3A_1] : memref<2x1000x128xf32, #tpu.memory_space<vmem>>, vector<1x1000x1xf32>
    %get3A_3 = vector.shape_cast %get3A_2 : vector<1x1000x1xf32> to vector<1000x1xf32>
    %get3A_4 = arith.constant 1 : index
    %get3A_5 = arith.constant 0 : index
    %get3A_6 = arith.constant 0 : index
    %get3A_7 = vector.load %arg2[%get3A_4, %get3A_5, %get3A_6] : memref<2x1000x128xf32, #tpu.memory_space<vmem>>, vector<1x1000x1xf32>
    %get3A_8 = vector.shape_cast %get3A_7 : vector<1x1000x1xf32> to vector<1000x1xf32>
    %add3A = arith.addf %get3A_3, %get3A_8 : vector<1000x1xf32>
    %max3A = arith.constant 1.000000e+00 : f32
    %max3A_9 = vector.broadcast %max3A : f32 to vector<1000x1xf32>
    %max3A_10 = arith.maximumf %add3A, %max3A_9 : vector<1000x1xf32>
    %div3A = arith.constant 1.000000e+00 : f32
    %div3A_11 = vector.broadcast %div3A : f32 to vector<1000x1xf32>
    %div3A_12 = arith.divf %div3A_11, %max3A_10 : vector<1000x1xf32>
    %get3A_13 = arith.constant 0 : index
    %get3A_14 = arith.constant 0 : index
    %get3A_15 = vector.load %arg6[%get3A_13, %get3A_14] : memref<1x512xf32, #tpu.memory_space<vmem>>, vector<1x512xf32>
    %broadcast_in_dim3A = vector.shape_cast %get3A_15 : vector<1x512xf32> to vector<1x512xf32>
    %broadcast_in_dim3A_16 = vector.broadcast %broadcast_in_dim3A : vector<1x512xf32> to vector<1000x512xf32>
    %get3A_17 = arith.constant 0 : index
    %get3A_18 = arith.constant 0 : index
    %get3A_19 = arith.constant 0 : index
    %get3A_20 = vector.load %arg1[%get3A_17, %get3A_18, %get3A_19] : memref<2x1000x128xf32, #tpu.memory_space<vmem>>, vector<1x1000x128xf32>
    %get3A_21 = vector.shape_cast %get3A_20 : vector<1x1000x128xf32> to vector<1000x128xf32>
    %mul3A = vector.broadcast %div3A_12 : vector<1000x1xf32> to vector<1000x128xf32>
    %mul3A_22 = arith.mulf %get3A_21, %mul3A : vector<1000x128xf32>
    %get3A_23 = arith.constant 0 : index
    %get3A_24 = arith.constant 0 : index
    %get3A_25 = vector.load %arg4[%get3A_23, %get3A_24] : memref<256x512xf32, #tpu.memory_space<vmem>>, vector<128x512xf32>
    %dot_general3A = arith.constant dense<0.000000e+00> : vector<1000x512xf32>
    %dot_general3A_26 = tpu.matmul %mul3A_22, %get3A_25, %dot_general3A {dimension_numbers = #tpu.dot_dimension_numbers<[1], [0], [0], [1], [0, 0, 1, 1], [], []>, transpose_lhs_hint = false} : vector<1000x128xf32>, vector<128x512xf32>, vector<1000x512xf32> -> vector<1000x512xf32>
    %add3A_27 = arith.addf %broadcast_in_dim3A_16, %dot_general3A_26 : vector<1000x512xf32>
    %get3A_28 = arith.constant 0 : index
    %get3A_29 = arith.constant 0 : index
    %get3A_30 = arith.constant 0 : index
    %get3A_31 = vector.load %arg3[%get3A_28, %get3A_29, %get3A_30] : memref<2x1000x128xf32, #tpu.memory_space<vmem>>, vector<1x1000x128xf32>
    %get3A_32 = vector.shape_cast %get3A_31 : vector<1x1000x128xf32> to vector<1000x128xf32>
    %get3A_33 = arith.constant 0 : index
    %get3A_34 = arith.constant 0 : index
    %get3A_35 = vector.load %arg5[%get3A_33, %get3A_34] : memref<256x512xf32, #tpu.memory_space<vmem>>, vector<128x512xf32>
    %dot_general3A_36 = arith.constant dense<0.000000e+00> : vector<1000x512xf32>
    %dot_general3A_37 = tpu.matmul %get3A_32, %get3A_35, %dot_general3A_36 {dimension_numbers = #tpu.dot_dimension_numbers<[1], [0], [0], [1], [0, 0, 1, 1], [], []>, transpose_lhs_hint = false} : vector<1000x128xf32>, vector<128x512xf32>, vector<1000x512xf32> -> vector<1000x512xf32>
    %add3A_38 = arith.addf %add3A_27, %dot_general3A_37 : vector<1000x512xf32>
    %get3A_39 = arith.constant 1 : index
    %get3A_40 = arith.constant 0 : index
    %get3A_41 = arith.constant 0 : index
    %get3A_42 = vector.load %arg1[%get3A_39, %get3A_40, %get3A_41] : memref<2x1000x128xf32, #tpu.memory_space<vmem>>, vector<1x1000x128xf32>
    %get3A_43 = vector.shape_cast %get3A_42 : vector<1x1000x128xf32> to vector<1000x128xf32>
    %mul3A_44 = vector.broadcast %div3A_12 : vector<1000x1xf32> to vector<1000x128xf32>
    %mul3A_45 = arith.mulf %get3A_43, %mul3A_44 : vector<1000x128xf32>
    %get3A_46 = arith.constant 128 : index
    %get3A_47 = arith.constant 0 : index
    %get3A_48 = vector.load %arg4[%get3A_46, %get3A_47] : memref<256x512xf32, #tpu.memory_space<vmem>>, vector<128x512xf32>
    %dot_general3A_49 = arith.constant dense<0.000000e+00> : vector<1000x512xf32>
    %dot_general3A_50 = tpu.matmul %mul3A_45, %get3A_48, %dot_general3A_49 {dimension_numbers = #tpu.dot_dimension_numbers<[1], [0], [0], [1], [0, 0, 1, 1], [], []>, transpose_lhs_hint = false} : vector<1000x128xf32>, vector<128x512xf32>, vector<1000x512xf32> -> vector<1000x512xf32>
    %add3A_51 = arith.addf %add3A_38, %dot_general3A_50 : vector<1000x512xf32>
    %get3A_52 = arith.constant 1 : index
    %get3A_53 = arith.constant 0 : index
    %get3A_54 = arith.constant 0 : index
    %get3A_55 = vector.load %arg3[%get3A_52, %get3A_53, %get3A_54] : memref<2x1000x128xf32, #tpu.memory_space<vmem>>, vector<1x1000x128xf32>
    %get3A_56 = vector.shape_cast %get3A_55 : vector<1x1000x128xf32> to vector<1000x128xf32>
    %get3A_57 = arith.constant 128 : index
    %get3A_58 = arith.constant 0 : index
    %get3A_59 = vector.load %arg5[%get3A_57, %get3A_58] : memref<256x512xf32, #tpu.memory_space<vmem>>, vector<128x512xf32>
    %dot_general3A_60 = arith.constant dense<0.000000e+00> : vector<1000x512xf32>
    %dot_general3A_61 = tpu.matmul %get3A_56, %get3A_59, %dot_general3A_60 {dimension_numbers = #tpu.dot_dimension_numbers<[1], [0], [0], [1], [0, 0, 1, 1], [], []>, transpose_lhs_hint = false} : vector<1000x128xf32>, vector<128x512xf32>, vector<1000x512xf32> -> vector<1000x512xf32>
    %add3A_62 = arith.addf %add3A_51, %dot_general3A_61 : vector<1000x512xf32>
    %max3A_63 = arith.constant 0.000000e+00 : f32
    %max3A_64 = vector.broadcast %max3A_63 : f32 to vector<1000x512xf32>
    %max3A_65 = arith.maximumf %add3A_62, %max3A_64 : vector<1000x512xf32>
    %slice3A = vector.extract_strided_slice %max3A_65 {offsets = [0, 0], sizes = [1000, 128], strides = [1, 1]} : vector<1000x512xf32> to vector<1000x128xf32>
    %swap3A = arith.constant 0 : index
    %swap3A_66 = arith.constant 0 : index
    %swap3A_67 = arith.constant 0 : index
    %swap3A_68 = vector.load %arg7[%swap3A, %swap3A_66, %swap3A_67] : memref<4x1000x128xf32, #tpu.memory_space<vmem>>, vector<1x1000x128xf32>
    %swap3A_69 = vector.shape_cast %swap3A_68 : vector<1x1000x128xf32> to vector<1000x128xf32>
    %swap3A_70 = vector.shape_cast %slice3A : vector<1000x128xf32> to vector<1x1000x128xf32>
    tpu.vector_store %arg7[%swap3A, %swap3A_66, %swap3A_67], %swap3A_70 {strides = array<i32>} : memref<4x1000x128xf32, #tpu.memory_space<vmem>>, vector<1x1000x128xf32>,
    %slice3A_71 = vector.extract_strided_slice %max3A_65 {offsets = [0, 128], sizes = [1000, 128], strides = [1, 1]} : vector<1000x512xf32> to vector<1000x128xf32>
    %swap3A_72 = arith.constant 1 : index
    %swap3A_73 = arith.constant 0 : index
    %swap3A_74 = arith.constant 0 : index
    %swap3A_75 = vector.load %arg7[%swap3A_72, %swap3A_73, %swap3A_74] : memref<4x1000x128xf32, #tpu.memory_space<vmem>>, vector<1x1000x128xf32>
    %swap3A_76 = vector.shape_cast %swap3A_75 : vector<1x1000x128xf32> to vector<1000x128xf32>
    %swap3A_77 = vector.shape_cast %slice3A_71 : vector<1000x128xf32> to vector<1x1000x128xf32>
    tpu.vector_store %arg7[%swap3A_72, %swap3A_73, %swap3A_74], %swap3A_77 {strides = array<i32>} : memref<4x1000x128xf32, #tpu.memory_space<vmem>>, vector<1x1000x128xf32>,
    %slice3A_78 = vector.extract_strided_slice %max3A_65 {offsets = [0, 256], sizes = [1000, 128], strides = [1, 1]} : vector<1000x512xf32> to vector<1000x128xf32>
    %swap3A_79 = arith.constant 2 : index
    %swap3A_80 = arith.constant 0 : index
    %swap3A_81 = arith.constant 0 : index
    %swap3A_82 = vector.load %arg7[%swap3A_79, %swap3A_80, %swap3A_81] : memref<4x1000x128xf32, #tpu.memory_space<vmem>>, vector<1x1000x128xf32>
    %swap3A_83 = vector.shape_cast %swap3A_82 : vector<1x1000x128xf32> to vector<1000x128xf32>
    %swap3A_84 = vector.shape_cast %slice3A_78 : vector<1000x128xf32> to vector<1x1000x128xf32>
    tpu.vector_store %arg7[%swap3A_79, %swap3A_80, %swap3A_81], %swap3A_84 {strides = array<i32>} : memref<4x1000x128xf32, #tpu.memory_space<vmem>>, vector<1x1000x128xf32>,
    %slice3A_85 = vector.extract_strided_slice %max3A_65 {offsets = [0, 384], sizes = [1000, 128], strides = [1, 1]} : vector<1000x512xf32> to vector<1000x128xf32>
    %swap3A_86 = arith.constant 3 : index
    %swap3A_87 = arith.constant 0 : index
    %swap3A_88 = arith.constant 0 : index
    %swap3A_89 = vector.load %arg7[%swap3A_86, %swap3A_87, %swap3A_88] : memref<4x1000x128xf32, #tpu.memory_space<vmem>>, vector<1x1000x128xf32>
    %swap3A_90 = vector.shape_cast %swap3A_89 : vector<1x1000x128xf32> to vector<1000x128xf32>
    %swap3A_91 = vector.shape_cast %slice3A_85 : vector<1000x128xf32> to vector<1x1000x128xf32>
    tpu.vector_store %arg7[%swap3A_86, %swap3A_87, %swap3A_88], %swap3A_91 {strides = array<i32>} : memref<4x1000x128xf32, #tpu.memory_space<vmem>>, vector<1x1000x128xf32>,
    return
  }
  func.func @transform_0(%arg0: i32) -> (i32, i32, i32) {
    %c0_i32 = arith.constant 0 : i32
    %c0_i32_0 = arith.constant 0 : i32
    %c0_i32_1 = arith.constant 0 : i32
    return %c0_i32, %arg0, %c0_i32_0 : i32, i32, i32
  }
  func.func @transform_1(%arg0: i32) -> (i32, i32, i32) {
    %c0_i32 = arith.constant 0 : i32
    %c0_i32_0 = arith.constant 0 : i32
    %c0_i32_1 = arith.constant 0 : i32
    return %c0_i32, %arg0, %c0_i32_0 : i32, i32, i32
  }
  func.func @transform_2(%arg0: i32) -> (i32, i32, i32) {
    %c0_i32 = arith.constant 0 : i32
    %c0_i32_0 = arith.constant 0 : i32
    %c0_i32_1 = arith.constant 0 : i32
    return %c0_i32, %arg0, %c0_i32_0 : i32, i32, i32
  }
  func.func @transform_3(%arg0: i32) -> (i32, i32) {
    %c0_i32 = arith.constant 0 : i32
    %c0_i32_0 = arith.constant 0 : i32
    %c0_i32_1 = arith.constant 0 : i32
    return %c0_i32, %c0_i32_0 : i32, i32
  }
  func.func @transform_4(%arg0: i32) -> (i32, i32) {
    %c0_i32 = arith.constant 0 : i32
    %c0_i32_0 = arith.constant 0 : i32
    %c0_i32_1 = arith.constant 0 : i32
    return %c0_i32, %c0_i32_0 : i32, i32
  }
  func.func @transform_5(%arg0: i32) -> (i32, i32) {
    %c0_i32 = arith.constant 0 : i32
    %c0_i32_0 = arith.constant 0 : i32
    %c0_i32_1 = arith.constant 0 : i32
    return %c0_i32, %c0_i32_0 : i32, i32
  }
  func.func @transform_6(%arg0: i32) -> (i32, i32, i32) {
    %c0_i32 = arith.constant 0 : i32
    %c0_i32_0 = arith.constant 0 : i32
    %c0_i32_1 = arith.constant 0 : i32
    return %c0_i32, %arg0, %c0_i32_0 : i32, i32, i32
  }
}

module attributes {stable_mosaic.version = 14 : i64} {
  func.func @body(%arg0: i32, %arg1: memref<4x1000x128xf32, #tpu.memory_space<vmem>>, %arg2: memref<2x1000x128xf32, #tpu.memory_space<vmem>>, %arg3: memref<4x1000x128xf32, #tpu.memory_space<vmem>>, %arg4: memref<512x512xf32, #tpu.memory_space<vmem>>, %arg5: memref<512x512xf32, #tpu.memory_space<vmem>>, %arg6: memref<1x512xf32, #tpu.memory_space<vmem>>, %arg7: memref<4x1000x128xf32, #tpu.memory_space<vmem>>) attributes {dimension_semantics = [#tpu.dimension_semantics<arbitrary>], iteration_bounds = array<i64: 10>, scalar_prefetch = 0 : i64, scratch_operands = 0 : i64, tpu.core_type = #tpu.core_type<tc>, window_params = [{transform_indices = @transform_0, window_bounds = array<i64: 4, 1000, 128>}, {transform_indices = @transform_1, window_bounds = array<i64: 2, 1000, 128>}, {transform_indices = @transform_2, window_bounds = array<i64: 4, 1000, 128>}, {pipeline_mode = #tpu.pipeline_mode<synchronous>, transform_indices = @transform_3, window_bounds = array<i64: 512, 512>}, {pipeline_mode = #tpu.pipeline_mode<synchronous>, transform_indices = @transform_4, window_bounds = array<i64: 512, 512>}, {pipeline_mode = #tpu.pipeline_mode<synchronous>, transform_indices = @transform_5, window_bounds = array<i64: 1, 512>}, {transform_indices = @transform_6, window_bounds = array<i64: 4, 1000, 128>}]} {
    %get3A = arith.constant 0 : index
    %get3A_0 = arith.constant 0 : index
    %get3A_1 = arith.constant 0 : index
    %get3A_2 = vector.load %arg2[%get3A, %get3A_0, %get3A_1] : memref<2x1000x128xf32, #tpu.memory_space<vmem>>, vector<1x1000x1xf32>
    %get3A_3 = vector.shape_cast %get3A_2 : vector<1x1000x1xf32> to vector<1000x1xf32>
    %get3A_4 = arith.constant 1 : index
    %get3A_5 = arith.constant 0 : index
    %get3A_6 = arith.constant 0 : index
    %get3A_7 = vector.load %arg2[%get3A_4, %get3A_5, %get3A_6] : memref<2x1000x128xf32, #tpu.memory_space<vmem>>, vector<1x1000x1xf32>
    %get3A_8 = vector.shape_cast %get3A_7 : vector<1x1000x1xf32> to vector<1000x1xf32>
    %add3A = arith.addf %get3A_3, %get3A_8 : vector<1000x1xf32>
    %max3A = arith.constant 1.000000e+00 : f32
    %max3A_9 = vector.broadcast %max3A : f32 to vector<1000x1xf32>
    %max3A_10 = arith.maximumf %add3A, %max3A_9 : vector<1000x1xf32>
    %div3A = arith.constant 1.000000e+00 : f32
    %div3A_11 = vector.broadcast %div3A : f32 to vector<1000x1xf32>
    %div3A_12 = arith.divf %div3A_11, %max3A_10 : vector<1000x1xf32>
    %get3A_13 = arith.constant 0 : index
    %get3A_14 = arith.constant 0 : index
    %get3A_15 = vector.load %arg6[%get3A_13, %get3A_14] : memref<1x512xf32, #tpu.memory_space<vmem>>, vector<1x512xf32>
    %broadcast_in_dim3A = vector.shape_cast %get3A_15 : vector<1x512xf32> to vector<1x512xf32>
    %broadcast_in_dim3A_16 = vector.broadcast %broadcast_in_dim3A : vector<1x512xf32> to vector<1000x512xf32>
    %get3A_17 = arith.constant 0 : index
    %get3A_18 = arith.constant 0 : index
    %get3A_19 = arith.constant 0 : index
    %get3A_20 = vector.load %arg1[%get3A_17, %get3A_18, %get3A_19] : memref<4x1000x128xf32, #tpu.memory_space<vmem>>, vector<1x1000x128xf32>
    %get3A_21 = vector.shape_cast %get3A_20 : vector<1x1000x128xf32> to vector<1000x128xf32>
    %mul3A = vector.broadcast %div3A_12 : vector<1000x1xf32> to vector<1000x128xf32>
    %mul3A_22 = arith.mulf %get3A_21, %mul3A : vector<1000x128xf32>
    %get3A_23 = arith.constant 0 : index
    %get3A_24 = arith.constant 0 : index
    %get3A_25 = vector.load %arg4[%get3A_23, %get3A_24] : memref<512x512xf32, #tpu.memory_space<vmem>>, vector<128x512xf32>
    %dot_general3A = arith.constant dense<0.000000e+00> : vector<1000x512xf32>
    %dot_general3A_26 = tpu.matmul %mul3A_22, %get3A_25, %dot_general3A {dimension_numbers = #tpu.dot_dimension_numbers<[1], [0], [0], [1], [0, 0, 1, 1], [], []>, transpose_lhs_hint = false} : vector<1000x128xf32>, vector<128x512xf32>, vector<1000x512xf32> -> vector<1000x512xf32>
    %add3A_27 = arith.addf %broadcast_in_dim3A_16, %dot_general3A_26 : vector<1000x512xf32>
    %get3A_28 = arith.constant 0 : index
    %get3A_29 = arith.constant 0 : index
    %get3A_30 = arith.constant 0 : index
    %get3A_31 = vector.load %arg3[%get3A_28, %get3A_29, %get3A_30] : memref<4x1000x128xf32, #tpu.memory_space<vmem>>, vector<1x1000x128xf32>
    %get3A_32 = vector.shape_cast %get3A_31 : vector<1x1000x128xf32> to vector<1000x128xf32>
    %get3A_33 = arith.constant 0 : index
    %get3A_34 = arith.constant 0 : index
    %get3A_35 = vector.load %arg5[%get3A_33, %get3A_34] : memref<512x512xf32, #tpu.memory_space<vmem>>, vector<128x512xf32>
    %dot_general3A_36 = arith.constant dense<0.000000e+00> : vector<1000x512xf32>
    %dot_general3A_37 = tpu.matmul %get3A_32, %get3A_35, %dot_general3A_36 {dimension_numbers = #tpu.dot_dimension_numbers<[1], [0], [0], [1], [0, 0, 1, 1], [], []>, transpose_lhs_hint = false} : vector<1000x128xf32>, vector<128x512xf32>, vector<1000x512xf32> -> vector<1000x512xf32>
    %add3A_38 = arith.addf %add3A_27, %dot_general3A_37 : vector<1000x512xf32>
    %get3A_39 = arith.constant 1 : index
    %get3A_40 = arith.constant 0 : index
    %get3A_41 = arith.constant 0 : index
    %get3A_42 = vector.load %arg1[%get3A_39, %get3A_40, %get3A_41] : memref<4x1000x128xf32, #tpu.memory_space<vmem>>, vector<1x1000x128xf32>
    %get3A_43 = vector.shape_cast %get3A_42 : vector<1x1000x128xf32> to vector<1000x128xf32>
    %mul3A_44 = vector.broadcast %div3A_12 : vector<1000x1xf32> to vector<1000x128xf32>
    %mul3A_45 = arith.mulf %get3A_43, %mul3A_44 : vector<1000x128xf32>
    %get3A_46 = arith.constant 128 : index
    %get3A_47 = arith.constant 0 : index
    %get3A_48 = vector.load %arg4[%get3A_46, %get3A_47] : memref<512x512xf32, #tpu.memory_space<vmem>>, vector<128x512xf32>
    %dot_general3A_49 = arith.constant dense<0.000000e+00> : vector<1000x512xf32>
    %dot_general3A_50 = tpu.matmul %mul3A_45, %get3A_48, %dot_general3A_49 {dimension_numbers = #tpu.dot_dimension_numbers<[1], [0], [0], [1], [0, 0, 1, 1], [], []>, transpose_lhs_hint = false} : vector<1000x128xf32>, vector<128x512xf32>, vector<1000x512xf32> -> vector<1000x512xf32>
    %add3A_51 = arith.addf %add3A_38, %dot_general3A_50 : vector<1000x512xf32>
    %get3A_52 = arith.constant 1 : index
    %get3A_53 = arith.constant 0 : index
    %get3A_54 = arith.constant 0 : index
    %get3A_55 = vector.load %arg3[%get3A_52, %get3A_53, %get3A_54] : memref<4x1000x128xf32, #tpu.memory_space<vmem>>, vector<1x1000x128xf32>
    %get3A_56 = vector.shape_cast %get3A_55 : vector<1x1000x128xf32> to vector<1000x128xf32>
    %get3A_57 = arith.constant 128 : index
    %get3A_58 = arith.constant 0 : index
    %get3A_59 = vector.load %arg5[%get3A_57, %get3A_58] : memref<512x512xf32, #tpu.memory_space<vmem>>, vector<128x512xf32>
    %dot_general3A_60 = arith.constant dense<0.000000e+00> : vector<1000x512xf32>
    %dot_general3A_61 = tpu.matmul %get3A_56, %get3A_59, %dot_general3A_60 {dimension_numbers = #tpu.dot_dimension_numbers<[1], [0], [0], [1], [0, 0, 1, 1], [], []>, transpose_lhs_hint = false} : vector<1000x128xf32>, vector<128x512xf32>, vector<1000x512xf32> -> vector<1000x512xf32>
    %add3A_62 = arith.addf %add3A_51, %dot_general3A_61 : vector<1000x512xf32>
    %get3A_63 = arith.constant 2 : index
    %get3A_64 = arith.constant 0 : index
    %get3A_65 = arith.constant 0 : index
    %get3A_66 = vector.load %arg1[%get3A_63, %get3A_64, %get3A_65] : memref<4x1000x128xf32, #tpu.memory_space<vmem>>, vector<1x1000x128xf32>
    %get3A_67 = vector.shape_cast %get3A_66 : vector<1x1000x128xf32> to vector<1000x128xf32>
    %mul3A_68 = vector.broadcast %div3A_12 : vector<1000x1xf32> to vector<1000x128xf32>
    %mul3A_69 = arith.mulf %get3A_67, %mul3A_68 : vector<1000x128xf32>
    %get3A_70 = arith.constant 256 : index
    %get3A_71 = arith.constant 0 : index
    %get3A_72 = vector.load %arg4[%get3A_70, %get3A_71] : memref<512x512xf32, #tpu.memory_space<vmem>>, vector<128x512xf32>
    %dot_general3A_73 = arith.constant dense<0.000000e+00> : vector<1000x512xf32>
    %dot_general3A_74 = tpu.matmul %mul3A_69, %get3A_72, %dot_general3A_73 {dimension_numbers = #tpu.dot_dimension_numbers<[1], [0], [0], [1], [0, 0, 1, 1], [], []>, transpose_lhs_hint = false} : vector<1000x128xf32>, vector<128x512xf32>, vector<1000x512xf32> -> vector<1000x512xf32>
    %add3A_75 = arith.addf %add3A_62, %dot_general3A_74 : vector<1000x512xf32>
    %get3A_76 = arith.constant 2 : index
    %get3A_77 = arith.constant 0 : index
    %get3A_78 = arith.constant 0 : index
    %get3A_79 = vector.load %arg3[%get3A_76, %get3A_77, %get3A_78] : memref<4x1000x128xf32, #tpu.memory_space<vmem>>, vector<1x1000x128xf32>
    %get3A_80 = vector.shape_cast %get3A_79 : vector<1x1000x128xf32> to vector<1000x128xf32>
    %get3A_81 = arith.constant 256 : index
    %get3A_82 = arith.constant 0 : index
    %get3A_83 = vector.load %arg5[%get3A_81, %get3A_82] : memref<512x512xf32, #tpu.memory_space<vmem>>, vector<128x512xf32>
    %dot_general3A_84 = arith.constant dense<0.000000e+00> : vector<1000x512xf32>
    %dot_general3A_85 = tpu.matmul %get3A_80, %get3A_83, %dot_general3A_84 {dimension_numbers = #tpu.dot_dimension_numbers<[1], [0], [0], [1], [0, 0, 1, 1], [], []>, transpose_lhs_hint = false} : vector<1000x128xf32>, vector<128x512xf32>, vector<1000x512xf32> -> vector<1000x512xf32>
    %add3A_86 = arith.addf %add3A_75, %dot_general3A_85 : vector<1000x512xf32>
    %get3A_87 = arith.constant 3 : index
    %get3A_88 = arith.constant 0 : index
    %get3A_89 = arith.constant 0 : index
    %get3A_90 = vector.load %arg1[%get3A_87, %get3A_88, %get3A_89] : memref<4x1000x128xf32, #tpu.memory_space<vmem>>, vector<1x1000x128xf32>
    %get3A_91 = vector.shape_cast %get3A_90 : vector<1x1000x128xf32> to vector<1000x128xf32>
    %mul3A_92 = vector.broadcast %div3A_12 : vector<1000x1xf32> to vector<1000x128xf32>
    %mul3A_93 = arith.mulf %get3A_91, %mul3A_92 : vector<1000x128xf32>
    %get3A_94 = arith.constant 384 : index
    %get3A_95 = arith.constant 0 : index
    %get3A_96 = vector.load %arg4[%get3A_94, %get3A_95] : memref<512x512xf32, #tpu.memory_space<vmem>>, vector<128x512xf32>
    %dot_general3A_97 = arith.constant dense<0.000000e+00> : vector<1000x512xf32>
    %dot_general3A_98 = tpu.matmul %mul3A_93, %get3A_96, %dot_general3A_97 {dimension_numbers = #tpu.dot_dimension_numbers<[1], [0], [0], [1], [0, 0, 1, 1], [], []>, transpose_lhs_hint = false} : vector<1000x128xf32>, vector<128x512xf32>, vector<1000x512xf32> -> vector<1000x512xf32>
    %add3A_99 = arith.addf %add3A_86, %dot_general3A_98 : vector<1000x512xf32>
    %get3A_100 = arith.constant 3 : index
    %get3A_101 = arith.constant 0 : index
    %get3A_102 = arith.constant 0 : index
    %get3A_103 = vector.load %arg3[%get3A_100, %get3A_101, %get3A_102] : memref<4x1000x128xf32, #tpu.memory_space<vmem>>, vector<1x1000x128xf32>
    %get3A_104 = vector.shape_cast %get3A_103 : vector<1x1000x128xf32> to vector<1000x128xf32>
    %get3A_105 = arith.constant 384 : index
    %get3A_106 = arith.constant 0 : index
    %get3A_107 = vector.load %arg5[%get3A_105, %get3A_106] : memref<512x512xf32, #tpu.memory_space<vmem>>, vector<128x512xf32>
    %dot_general3A_108 = arith.constant dense<0.000000e+00> : vector<1000x512xf32>
    %dot_general3A_109 = tpu.matmul %get3A_104, %get3A_107, %dot_general3A_108 {dimension_numbers = #tpu.dot_dimension_numbers<[1], [0], [0], [1], [0, 0, 1, 1], [], []>, transpose_lhs_hint = false} : vector<1000x128xf32>, vector<128x512xf32>, vector<1000x512xf32> -> vector<1000x512xf32>
    %add3A_110 = arith.addf %add3A_99, %dot_general3A_109 : vector<1000x512xf32>
    %max3A_111 = arith.constant 0.000000e+00 : f32
    %max3A_112 = vector.broadcast %max3A_111 : f32 to vector<1000x512xf32>
    %max3A_113 = arith.maximumf %add3A_110, %max3A_112 : vector<1000x512xf32>
    %slice3A = vector.extract_strided_slice %max3A_113 {offsets = [0, 0], sizes = [1000, 128], strides = [1, 1]} : vector<1000x512xf32> to vector<1000x128xf32>
    %swap3A = arith.constant 0 : index
    %swap3A_114 = arith.constant 0 : index
    %swap3A_115 = arith.constant 0 : index
    %swap3A_116 = vector.load %arg7[%swap3A, %swap3A_114, %swap3A_115] : memref<4x1000x128xf32, #tpu.memory_space<vmem>>, vector<1x1000x128xf32>
    %swap3A_117 = vector.shape_cast %swap3A_116 : vector<1x1000x128xf32> to vector<1000x128xf32>
    %swap3A_118 = vector.shape_cast %slice3A : vector<1000x128xf32> to vector<1x1000x128xf32>
    tpu.vector_store %arg7[%swap3A, %swap3A_114, %swap3A_115], %swap3A_118 {strides = array<i32>} : memref<4x1000x128xf32, #tpu.memory_space<vmem>>, vector<1x1000x128xf32>,
    %slice3A_119 = vector.extract_strided_slice %max3A_113 {offsets = [0, 128], sizes = [1000, 128], strides = [1, 1]} : vector<1000x512xf32> to vector<1000x128xf32>
    %swap3A_120 = arith.constant 1 : index
    %swap3A_121 = arith.constant 0 : index
    %swap3A_122 = arith.constant 0 : index
    %swap3A_123 = vector.load %arg7[%swap3A_120, %swap3A_121, %swap3A_122] : memref<4x1000x128xf32, #tpu.memory_space<vmem>>, vector<1x1000x128xf32>
    %swap3A_124 = vector.shape_cast %swap3A_123 : vector<1x1000x128xf32> to vector<1000x128xf32>
    %swap3A_125 = vector.shape_cast %slice3A_119 : vector<1000x128xf32> to vector<1x1000x128xf32>
    tpu.vector_store %arg7[%swap3A_120, %swap3A_121, %swap3A_122], %swap3A_125 {strides = array<i32>} : memref<4x1000x128xf32, #tpu.memory_space<vmem>>, vector<1x1000x128xf32>,
    %slice3A_126 = vector.extract_strided_slice %max3A_113 {offsets = [0, 256], sizes = [1000, 128], strides = [1, 1]} : vector<1000x512xf32> to vector<1000x128xf32>
    %swap3A_127 = arith.constant 2 : index
    %swap3A_128 = arith.constant 0 : index
    %swap3A_129 = arith.constant 0 : index
    %swap3A_130 = vector.load %arg7[%swap3A_127, %swap3A_128, %swap3A_129] : memref<4x1000x128xf32, #tpu.memory_space<vmem>>, vector<1x1000x128xf32>
    %swap3A_131 = vector.shape_cast %swap3A_130 : vector<1x1000x128xf32> to vector<1000x128xf32>
    %swap3A_132 = vector.shape_cast %slice3A_126 : vector<1000x128xf32> to vector<1x1000x128xf32>
    tpu.vector_store %arg7[%swap3A_127, %swap3A_128, %swap3A_129], %swap3A_132 {strides = array<i32>} : memref<4x1000x128xf32, #tpu.memory_space<vmem>>, vector<1x1000x128xf32>,
    %slice3A_133 = vector.extract_strided_slice %max3A_113 {offsets = [0, 384], sizes = [1000, 128], strides = [1, 1]} : vector<1000x512xf32> to vector<1000x128xf32>
    %swap3A_134 = arith.constant 3 : index
    %swap3A_135 = arith.constant 0 : index
    %swap3A_136 = arith.constant 0 : index
    %swap3A_137 = vector.load %arg7[%swap3A_134, %swap3A_135, %swap3A_136] : memref<4x1000x128xf32, #tpu.memory_space<vmem>>, vector<1x1000x128xf32>
    %swap3A_138 = vector.shape_cast %swap3A_137 : vector<1x1000x128xf32> to vector<1000x128xf32>
    %swap3A_139 = vector.shape_cast %slice3A_133 : vector<1000x128xf32> to vector<1x1000x128xf32>
    tpu.vector_store %arg7[%swap3A_134, %swap3A_135, %swap3A_136], %swap3A_139 {strides = array<i32>} : memref<4x1000x128xf32, #tpu.memory_space<vmem>>, vector<1x1000x128xf32>,
    return
  }
  func.func @transform_0(%arg0: i32) -> (i32, i32, i32) {
    %c0_i32 = arith.constant 0 : i32
    %c0_i32_0 = arith.constant 0 : i32
    %c0_i32_1 = arith.constant 0 : i32
    return %c0_i32, %arg0, %c0_i32_0 : i32, i32, i32
  }
  func.func @transform_1(%arg0: i32) -> (i32, i32, i32) {
    %c0_i32 = arith.constant 0 : i32
    %c0_i32_0 = arith.constant 0 : i32
    %c0_i32_1 = arith.constant 0 : i32
    return %c0_i32, %arg0, %c0_i32_0 : i32, i32, i32
  }
  func.func @transform_2(%arg0: i32) -> (i32, i32, i32) {
    %c0_i32 = arith.constant 0 : i32
    %c0_i32_0 = arith.constant 0 : i32
    %c0_i32_1 = arith.constant 0 : i32
    return %c0_i32, %arg0, %c0_i32_0 : i32, i32, i32
  }
  func.func @transform_3(%arg0: i32) -> (i32, i32) {
    %c0_i32 = arith.constant 0 : i32
    %c0_i32_0 = arith.constant 0 : i32
    %c0_i32_1 = arith.constant 0 : i32
    return %c0_i32, %c0_i32_0 : i32, i32
  }
  func.func @transform_4(%arg0: i32) -> (i32, i32) {
    %c0_i32 = arith.constant 0 : i32
    %c0_i32_0 = arith.constant 0 : i32
    %c0_i32_1 = arith.constant 0 : i32
    return %c0_i32, %c0_i32_0 : i32, i32
  }
  func.func @transform_5(%arg0: i32) -> (i32, i32) {
    %c0_i32 = arith.constant 0 : i32
    %c0_i32_0 = arith.constant 0 : i32
    %c0_i32_1 = arith.constant 0 : i32
    return %c0_i32, %c0_i32_0 : i32, i32
  }
  func.func @transform_6(%arg0: i32) -> (i32, i32, i32) {
    %c0_i32 = arith.constant 0 : i32
    %c0_i32_0 = arith.constant 0 : i32
    %c0_i32_1 = arith.constant 0 : i32
    return %c0_i32, %arg0, %c0_i32_0 : i32, i32, i32
  }
}

module attributes {stable_mosaic.version = 14 : i64} {
  func.func @body(%arg0: i32, %arg1: memref<4x1000x128xf32, #tpu.memory_space<vmem>>, %arg2: memref<2x1000x128xf32, #tpu.memory_space<vmem>>, %arg3: memref<4x1000x128xf32, #tpu.memory_space<vmem>>, %arg4: memref<512x512xf32, #tpu.memory_space<vmem>>, %arg5: memref<512x512xf32, #tpu.memory_space<vmem>>, %arg6: memref<1x512xf32, #tpu.memory_space<vmem>>, %arg7: memref<4x1000x128xf32, #tpu.memory_space<vmem>>) attributes {dimension_semantics = [#tpu.dimension_semantics<arbitrary>], iteration_bounds = array<i64: 10>, scalar_prefetch = 0 : i64, scratch_operands = 0 : i64, tpu.core_type = #tpu.core_type<tc>, window_params = [{transform_indices = @transform_0, window_bounds = array<i64: 4, 1000, 128>}, {transform_indices = @transform_1, window_bounds = array<i64: 2, 1000, 128>}, {transform_indices = @transform_2, window_bounds = array<i64: 4, 1000, 128>}, {pipeline_mode = #tpu.pipeline_mode<synchronous>, transform_indices = @transform_3, window_bounds = array<i64: 512, 512>}, {pipeline_mode = #tpu.pipeline_mode<synchronous>, transform_indices = @transform_4, window_bounds = array<i64: 512, 512>}, {pipeline_mode = #tpu.pipeline_mode<synchronous>, transform_indices = @transform_5, window_bounds = array<i64: 1, 512>}, {transform_indices = @transform_6, window_bounds = array<i64: 4, 1000, 128>}]} {
    %get3A = arith.constant 0 : index
    %get3A_0 = arith.constant 0 : index
    %get3A_1 = arith.constant 0 : index
    %get3A_2 = vector.load %arg2[%get3A, %get3A_0, %get3A_1] : memref<2x1000x128xf32, #tpu.memory_space<vmem>>, vector<1x1000x1xf32>
    %get3A_3 = vector.shape_cast %get3A_2 : vector<1x1000x1xf32> to vector<1000x1xf32>
    %get3A_4 = arith.constant 1 : index
    %get3A_5 = arith.constant 0 : index
    %get3A_6 = arith.constant 0 : index
    %get3A_7 = vector.load %arg2[%get3A_4, %get3A_5, %get3A_6] : memref<2x1000x128xf32, #tpu.memory_space<vmem>>, vector<1x1000x1xf32>
    %get3A_8 = vector.shape_cast %get3A_7 : vector<1x1000x1xf32> to vector<1000x1xf32>
    %add3A = arith.addf %get3A_3, %get3A_8 : vector<1000x1xf32>
    %max3A = arith.constant 1.000000e+00 : f32
    %max3A_9 = vector.broadcast %max3A : f32 to vector<1000x1xf32>
    %max3A_10 = arith.maximumf %add3A, %max3A_9 : vector<1000x1xf32>
    %div3A = arith.constant 1.000000e+00 : f32
    %div3A_11 = vector.broadcast %div3A : f32 to vector<1000x1xf32>
    %div3A_12 = arith.divf %div3A_11, %max3A_10 : vector<1000x1xf32>
    %get3A_13 = arith.constant 0 : index
    %get3A_14 = arith.constant 0 : index
    %get3A_15 = vector.load %arg6[%get3A_13, %get3A_14] : memref<1x512xf32, #tpu.memory_space<vmem>>, vector<1x512xf32>
    %broadcast_in_dim3A = vector.shape_cast %get3A_15 : vector<1x512xf32> to vector<1x512xf32>
    %broadcast_in_dim3A_16 = vector.broadcast %broadcast_in_dim3A : vector<1x512xf32> to vector<1000x512xf32>
    %get3A_17 = arith.constant 0 : index
    %get3A_18 = arith.constant 0 : index
    %get3A_19 = arith.constant 0 : index
    %get3A_20 = vector.load %arg1[%get3A_17, %get3A_18, %get3A_19] : memref<4x1000x128xf32, #tpu.memory_space<vmem>>, vector<1x1000x128xf32>
    %get3A_21 = vector.shape_cast %get3A_20 : vector<1x1000x128xf32> to vector<1000x128xf32>
    %mul3A = vector.broadcast %div3A_12 : vector<1000x1xf32> to vector<1000x128xf32>
    %mul3A_22 = arith.mulf %get3A_21, %mul3A : vector<1000x128xf32>
    %get3A_23 = arith.constant 0 : index
    %get3A_24 = arith.constant 0 : index
    %get3A_25 = vector.load %arg4[%get3A_23, %get3A_24] : memref<512x512xf32, #tpu.memory_space<vmem>>, vector<128x512xf32>
    %dot_general3A = arith.constant dense<0.000000e+00> : vector<1000x512xf32>
    %dot_general3A_26 = tpu.matmul %mul3A_22, %get3A_25, %dot_general3A {dimension_numbers = #tpu.dot_dimension_numbers<[1], [0], [0], [1], [0, 0, 1, 1], [], []>, transpose_lhs_hint = false} : vector<1000x128xf32>, vector<128x512xf32>, vector<1000x512xf32> -> vector<1000x512xf32>
    %add3A_27 = arith.addf %broadcast_in_dim3A_16, %dot_general3A_26 : vector<1000x512xf32>
    %get3A_28 = arith.constant 0 : index
    %get3A_29 = arith.constant 0 : index
    %get3A_30 = arith.constant 0 : index
    %get3A_31 = vector.load %arg3[%get3A_28, %get3A_29, %get3A_30] : memref<4x1000x128xf32, #tpu.memory_space<vmem>>, vector<1x1000x128xf32>
    %get3A_32 = vector.shape_cast %get3A_31 : vector<1x1000x128xf32> to vector<1000x128xf32>
    %get3A_33 = arith.constant 0 : index
    %get3A_34 = arith.constant 0 : index
    %get3A_35 = vector.load %arg5[%get3A_33, %get3A_34] : memref<512x512xf32, #tpu.memory_space<vmem>>, vector<128x512xf32>
    %dot_general3A_36 = arith.constant dense<0.000000e+00> : vector<1000x512xf32>
    %dot_general3A_37 = tpu.matmul %get3A_32, %get3A_35, %dot_general3A_36 {dimension_numbers = #tpu.dot_dimension_numbers<[1], [0], [0], [1], [0, 0, 1, 1], [], []>, transpose_lhs_hint = false} : vector<1000x128xf32>, vector<128x512xf32>, vector<1000x512xf32> -> vector<1000x512xf32>
    %add3A_38 = arith.addf %add3A_27, %dot_general3A_37 : vector<1000x512xf32>
    %get3A_39 = arith.constant 1 : index
    %get3A_40 = arith.constant 0 : index
    %get3A_41 = arith.constant 0 : index
    %get3A_42 = vector.load %arg1[%get3A_39, %get3A_40, %get3A_41] : memref<4x1000x128xf32, #tpu.memory_space<vmem>>, vector<1x1000x128xf32>
    %get3A_43 = vector.shape_cast %get3A_42 : vector<1x1000x128xf32> to vector<1000x128xf32>
    %mul3A_44 = vector.broadcast %div3A_12 : vector<1000x1xf32> to vector<1000x128xf32>
    %mul3A_45 = arith.mulf %get3A_43, %mul3A_44 : vector<1000x128xf32>
    %get3A_46 = arith.constant 128 : index
    %get3A_47 = arith.constant 0 : index
    %get3A_48 = vector.load %arg4[%get3A_46, %get3A_47] : memref<512x512xf32, #tpu.memory_space<vmem>>, vector<128x512xf32>
    %dot_general3A_49 = arith.constant dense<0.000000e+00> : vector<1000x512xf32>
    %dot_general3A_50 = tpu.matmul %mul3A_45, %get3A_48, %dot_general3A_49 {dimension_numbers = #tpu.dot_dimension_numbers<[1], [0], [0], [1], [0, 0, 1, 1], [], []>, transpose_lhs_hint = false} : vector<1000x128xf32>, vector<128x512xf32>, vector<1000x512xf32> -> vector<1000x512xf32>
    %add3A_51 = arith.addf %add3A_38, %dot_general3A_50 : vector<1000x512xf32>
    %get3A_52 = arith.constant 1 : index
    %get3A_53 = arith.constant 0 : index
    %get3A_54 = arith.constant 0 : index
    %get3A_55 = vector.load %arg3[%get3A_52, %get3A_53, %get3A_54] : memref<4x1000x128xf32, #tpu.memory_space<vmem>>, vector<1x1000x128xf32>
    %get3A_56 = vector.shape_cast %get3A_55 : vector<1x1000x128xf32> to vector<1000x128xf32>
    %get3A_57 = arith.constant 128 : index
    %get3A_58 = arith.constant 0 : index
    %get3A_59 = vector.load %arg5[%get3A_57, %get3A_58] : memref<512x512xf32, #tpu.memory_space<vmem>>, vector<128x512xf32>
    %dot_general3A_60 = arith.constant dense<0.000000e+00> : vector<1000x512xf32>
    %dot_general3A_61 = tpu.matmul %get3A_56, %get3A_59, %dot_general3A_60 {dimension_numbers = #tpu.dot_dimension_numbers<[1], [0], [0], [1], [0, 0, 1, 1], [], []>, transpose_lhs_hint = false} : vector<1000x128xf32>, vector<128x512xf32>, vector<1000x512xf32> -> vector<1000x512xf32>
    %add3A_62 = arith.addf %add3A_51, %dot_general3A_61 : vector<1000x512xf32>
    %get3A_63 = arith.constant 2 : index
    %get3A_64 = arith.constant 0 : index
    %get3A_65 = arith.constant 0 : index
    %get3A_66 = vector.load %arg1[%get3A_63, %get3A_64, %get3A_65] : memref<4x1000x128xf32, #tpu.memory_space<vmem>>, vector<1x1000x128xf32>
    %get3A_67 = vector.shape_cast %get3A_66 : vector<1x1000x128xf32> to vector<1000x128xf32>
    %mul3A_68 = vector.broadcast %div3A_12 : vector<1000x1xf32> to vector<1000x128xf32>
    %mul3A_69 = arith.mulf %get3A_67, %mul3A_68 : vector<1000x128xf32>
    %get3A_70 = arith.constant 256 : index
    %get3A_71 = arith.constant 0 : index
    %get3A_72 = vector.load %arg4[%get3A_70, %get3A_71] : memref<512x512xf32, #tpu.memory_space<vmem>>, vector<128x512xf32>
    %dot_general3A_73 = arith.constant dense<0.000000e+00> : vector<1000x512xf32>
    %dot_general3A_74 = tpu.matmul %mul3A_69, %get3A_72, %dot_general3A_73 {dimension_numbers = #tpu.dot_dimension_numbers<[1], [0], [0], [1], [0, 0, 1, 1], [], []>, transpose_lhs_hint = false} : vector<1000x128xf32>, vector<128x512xf32>, vector<1000x512xf32> -> vector<1000x512xf32>
    %add3A_75 = arith.addf %add3A_62, %dot_general3A_74 : vector<1000x512xf32>
    %get3A_76 = arith.constant 2 : index
    %get3A_77 = arith.constant 0 : index
    %get3A_78 = arith.constant 0 : index
    %get3A_79 = vector.load %arg3[%get3A_76, %get3A_77, %get3A_78] : memref<4x1000x128xf32, #tpu.memory_space<vmem>>, vector<1x1000x128xf32>
    %get3A_80 = vector.shape_cast %get3A_79 : vector<1x1000x128xf32> to vector<1000x128xf32>
    %get3A_81 = arith.constant 256 : index
    %get3A_82 = arith.constant 0 : index
    %get3A_83 = vector.load %arg5[%get3A_81, %get3A_82] : memref<512x512xf32, #tpu.memory_space<vmem>>, vector<128x512xf32>
    %dot_general3A_84 = arith.constant dense<0.000000e+00> : vector<1000x512xf32>
    %dot_general3A_85 = tpu.matmul %get3A_80, %get3A_83, %dot_general3A_84 {dimension_numbers = #tpu.dot_dimension_numbers<[1], [0], [0], [1], [0, 0, 1, 1], [], []>, transpose_lhs_hint = false} : vector<1000x128xf32>, vector<128x512xf32>, vector<1000x512xf32> -> vector<1000x512xf32>
    %add3A_86 = arith.addf %add3A_75, %dot_general3A_85 : vector<1000x512xf32>
    %get3A_87 = arith.constant 3 : index
    %get3A_88 = arith.constant 0 : index
    %get3A_89 = arith.constant 0 : index
    %get3A_90 = vector.load %arg1[%get3A_87, %get3A_88, %get3A_89] : memref<4x1000x128xf32, #tpu.memory_space<vmem>>, vector<1x1000x128xf32>
    %get3A_91 = vector.shape_cast %get3A_90 : vector<1x1000x128xf32> to vector<1000x128xf32>
    %mul3A_92 = vector.broadcast %div3A_12 : vector<1000x1xf32> to vector<1000x128xf32>
    %mul3A_93 = arith.mulf %get3A_91, %mul3A_92 : vector<1000x128xf32>
    %get3A_94 = arith.constant 384 : index
    %get3A_95 = arith.constant 0 : index
    %get3A_96 = vector.load %arg4[%get3A_94, %get3A_95] : memref<512x512xf32, #tpu.memory_space<vmem>>, vector<128x512xf32>
    %dot_general3A_97 = arith.constant dense<0.000000e+00> : vector<1000x512xf32>
    %dot_general3A_98 = tpu.matmul %mul3A_93, %get3A_96, %dot_general3A_97 {dimension_numbers = #tpu.dot_dimension_numbers<[1], [0], [0], [1], [0, 0, 1, 1], [], []>, transpose_lhs_hint = false} : vector<1000x128xf32>, vector<128x512xf32>, vector<1000x512xf32> -> vector<1000x512xf32>
    %add3A_99 = arith.addf %add3A_86, %dot_general3A_98 : vector<1000x512xf32>
    %get3A_100 = arith.constant 3 : index
    %get3A_101 = arith.constant 0 : index
    %get3A_102 = arith.constant 0 : index
    %get3A_103 = vector.load %arg3[%get3A_100, %get3A_101, %get3A_102] : memref<4x1000x128xf32, #tpu.memory_space<vmem>>, vector<1x1000x128xf32>
    %get3A_104 = vector.shape_cast %get3A_103 : vector<1x1000x128xf32> to vector<1000x128xf32>
    %get3A_105 = arith.constant 384 : index
    %get3A_106 = arith.constant 0 : index
    %get3A_107 = vector.load %arg5[%get3A_105, %get3A_106] : memref<512x512xf32, #tpu.memory_space<vmem>>, vector<128x512xf32>
    %dot_general3A_108 = arith.constant dense<0.000000e+00> : vector<1000x512xf32>
    %dot_general3A_109 = tpu.matmul %get3A_104, %get3A_107, %dot_general3A_108 {dimension_numbers = #tpu.dot_dimension_numbers<[1], [0], [0], [1], [0, 0, 1, 1], [], []>, transpose_lhs_hint = false} : vector<1000x128xf32>, vector<128x512xf32>, vector<1000x512xf32> -> vector<1000x512xf32>
    %add3A_110 = arith.addf %add3A_99, %dot_general3A_109 : vector<1000x512xf32>
    %slice3A = vector.extract_strided_slice %add3A_110 {offsets = [0, 0], sizes = [1000, 128], strides = [1, 1]} : vector<1000x512xf32> to vector<1000x128xf32>
    %swap3A = arith.constant 0 : index
    %swap3A_111 = arith.constant 0 : index
    %swap3A_112 = arith.constant 0 : index
    %swap3A_113 = vector.load %arg7[%swap3A, %swap3A_111, %swap3A_112] : memref<4x1000x128xf32, #tpu.memory_space<vmem>>, vector<1x1000x128xf32>
    %swap3A_114 = vector.shape_cast %swap3A_113 : vector<1x1000x128xf32> to vector<1000x128xf32>
    %swap3A_115 = vector.shape_cast %slice3A : vector<1000x128xf32> to vector<1x1000x128xf32>
    tpu.vector_store %arg7[%swap3A, %swap3A_111, %swap3A_112], %swap3A_115 {strides = array<i32>} : memref<4x1000x128xf32, #tpu.memory_space<vmem>>, vector<1x1000x128xf32>,
    %slice3A_116 = vector.extract_strided_slice %add3A_110 {offsets = [0, 128], sizes = [1000, 128], strides = [1, 1]} : vector<1000x512xf32> to vector<1000x128xf32>
    %swap3A_117 = arith.constant 1 : index
    %swap3A_118 = arith.constant 0 : index
    %swap3A_119 = arith.constant 0 : index
    %swap3A_120 = vector.load %arg7[%swap3A_117, %swap3A_118, %swap3A_119] : memref<4x1000x128xf32, #tpu.memory_space<vmem>>, vector<1x1000x128xf32>
    %swap3A_121 = vector.shape_cast %swap3A_120 : vector<1x1000x128xf32> to vector<1000x128xf32>
    %swap3A_122 = vector.shape_cast %slice3A_116 : vector<1000x128xf32> to vector<1x1000x128xf32>
    tpu.vector_store %arg7[%swap3A_117, %swap3A_118, %swap3A_119], %swap3A_122 {strides = array<i32>} : memref<4x1000x128xf32, #tpu.memory_space<vmem>>, vector<1x1000x128xf32>,
    %slice3A_123 = vector.extract_strided_slice %add3A_110 {offsets = [0, 256], sizes = [1000, 128], strides = [1, 1]} : vector<1000x512xf32> to vector<1000x128xf32>
    %swap3A_124 = arith.constant 2 : index
    %swap3A_125 = arith.constant 0 : index
    %swap3A_126 = arith.constant 0 : index
    %swap3A_127 = vector.load %arg7[%swap3A_124, %swap3A_125, %swap3A_126] : memref<4x1000x128xf32, #tpu.memory_space<vmem>>, vector<1x1000x128xf32>
    %swap3A_128 = vector.shape_cast %swap3A_127 : vector<1x1000x128xf32> to vector<1000x128xf32>
    %swap3A_129 = vector.shape_cast %slice3A_123 : vector<1000x128xf32> to vector<1x1000x128xf32>
    tpu.vector_store %arg7[%swap3A_124, %swap3A_125, %swap3A_126], %swap3A_129 {strides = array<i32>} : memref<4x1000x128xf32, #tpu.memory_space<vmem>>, vector<1x1000x128xf32>,
    %slice3A_130 = vector.extract_strided_slice %add3A_110 {offsets = [0, 384], sizes = [1000, 128], strides = [1, 1]} : vector<1000x512xf32> to vector<1000x128xf32>
    %swap3A_131 = arith.constant 3 : index
    %swap3A_132 = arith.constant 0 : index
    %swap3A_133 = arith.constant 0 : index
    %swap3A_134 = vector.load %arg7[%swap3A_131, %swap3A_132, %swap3A_133] : memref<4x1000x128xf32, #tpu.memory_space<vmem>>, vector<1x1000x128xf32>
    %swap3A_135 = vector.shape_cast %swap3A_134 : vector<1x1000x128xf32> to vector<1000x128xf32>
    %swap3A_136 = vector.shape_cast %slice3A_130 : vector<1000x128xf32> to vector<1x1000x128xf32>
    tpu.vector_store %arg7[%swap3A_131, %swap3A_132, %swap3A_133], %swap3A_136 {strides = array<i32>} : memref<4x1000x128xf32, #tpu.memory_space<vmem>>, vector<1x1000x128xf32>,
    return
  }
  func.func @transform_0(%arg0: i32) -> (i32, i32, i32) {
    %c0_i32 = arith.constant 0 : i32
    %c0_i32_0 = arith.constant 0 : i32
    %c0_i32_1 = arith.constant 0 : i32
    return %c0_i32, %arg0, %c0_i32_0 : i32, i32, i32
  }
  func.func @transform_1(%arg0: i32) -> (i32, i32, i32) {
    %c0_i32 = arith.constant 0 : i32
    %c0_i32_0 = arith.constant 0 : i32
    %c0_i32_1 = arith.constant 0 : i32
    return %c0_i32, %arg0, %c0_i32_0 : i32, i32, i32
  }
  func.func @transform_2(%arg0: i32) -> (i32, i32, i32) {
    %c0_i32 = arith.constant 0 : i32
    %c0_i32_0 = arith.constant 0 : i32
    %c0_i32_1 = arith.constant 0 : i32
    return %c0_i32, %arg0, %c0_i32_0 : i32, i32, i32
  }
  func.func @transform_3(%arg0: i32) -> (i32, i32) {
    %c0_i32 = arith.constant 0 : i32
    %c0_i32_0 = arith.constant 0 : i32
    %c0_i32_1 = arith.constant 0 : i32
    return %c0_i32, %c0_i32_0 : i32, i32
  }
  func.func @transform_4(%arg0: i32) -> (i32, i32) {
    %c0_i32 = arith.constant 0 : i32
    %c0_i32_0 = arith.constant 0 : i32
    %c0_i32_1 = arith.constant 0 : i32
    return %c0_i32, %c0_i32_0 : i32, i32
  }
  func.func @transform_5(%arg0: i32) -> (i32, i32) {
    %c0_i32 = arith.constant 0 : i32
    %c0_i32_0 = arith.constant 0 : i32
    %c0_i32_1 = arith.constant 0 : i32
    return %c0_i32, %c0_i32_0 : i32, i32
  }
  func.func @transform_6(%arg0: i32) -> (i32, i32, i32) {
    %c0_i32 = arith.constant 0 : i32
    %c0_i32_0 = arith.constant 0 : i32
    %c0_i32_1 = arith.constant 0 : i32
    return %c0_i32, %arg0, %c0_i32_0 : i32, i32, i32
  }
}

module attributes {stable_mosaic.version = 14 : i64} {
  func.func @body(%arg0: i32, %arg1: memref<4x2000x128xf32, #tpu.memory_space<vmem>>, %arg2: memref<1x1x2000xi32, #tpu.memory_space<vmem>>, %arg3: memref<512x256xf32, #tpu.memory_space<vmem>>, %arg4: memref<1x256xf32, #tpu.memory_space<vmem>>, %arg5: memref<256x20xf32, #tpu.memory_space<vmem>>, %arg6: memref<1x20xf32, #tpu.memory_space<vmem>>, %arg7: memref<64x20xf32, #tpu.memory_space<vmem>>, %arg8: memref<64x512xf32, #tpu.memory_space<vmem>>, %arg9: memref<64x512xf32, #tpu.memory_space<vmem>>, %arg10: memref<64x512xf32, #tpu.memory_space<vmem>>) attributes {dimension_semantics = [#tpu.dimension_semantics<arbitrary>], iteration_bounds = array<i64: 5>, scalar_prefetch = 0 : i64, scratch_operands = 2 : i64, tpu.core_type = #tpu.core_type<tc>, window_params = [{transform_indices = @transform_0, window_bounds = array<i64: 4, 2000, 128>}, {transform_indices = @transform_1, window_bounds = array<i64: 1, 1, 2000>}, {pipeline_mode = #tpu.pipeline_mode<synchronous>, transform_indices = @transform_2, window_bounds = array<i64: 512, 256>}, {pipeline_mode = #tpu.pipeline_mode<synchronous>, transform_indices = @transform_3, window_bounds = array<i64: 1, 256>}, {pipeline_mode = #tpu.pipeline_mode<synchronous>, transform_indices = @transform_4, window_bounds = array<i64: 256, 20>}, {pipeline_mode = #tpu.pipeline_mode<synchronous>, transform_indices = @transform_5, window_bounds = array<i64: 1, 20>}, {pipeline_mode = #tpu.pipeline_mode<synchronous>, transform_indices = @transform_6, window_bounds = array<i64: 64, 20>}, {pipeline_mode = #tpu.pipeline_mode<synchronous>, transform_indices = @transform_7, window_bounds = array<i64: 64, 512>}]} {
    %eq3A = arith.constant 0 : i32
    %eq3A_0 = arith.cmpi eq, %arg0, %eq3A : i32
    %convert_element_type3A = arith.extui %eq3A_0 : i1 to i32
    %cond3A = arith.constant 0 : i32
    %cond3A_1 = arith.cmpi ne, %convert_element_type3A, %cond3A : i32
    scf.if %cond3A_1 {
      %broadcast_in_dim3A_78 = arith.constant 0.000000e+00 : f32
      %broadcast_in_dim3A_79 = vector.broadcast %broadcast_in_dim3A_78 : f32 to vector<64x512xf32>
      %swap3A_80 = arith.constant 0 : index
      %swap3A_81 = arith.constant 0 : index
      %swap3A_82 = vector.load %arg9[%swap3A_80, %swap3A_81] : memref<64x512xf32, #tpu.memory_space<vmem>>, vector<64x512xf32>
      tpu.vector_store %arg9[%swap3A_80, %swap3A_81], %broadcast_in_dim3A_79 {strides = array<i32>} : memref<64x512xf32, #tpu.memory_space<vmem>>, vector<64x512xf32>,
      %broadcast_in_dim3A_83 = arith.constant 0.000000e+00 : f32
      %broadcast_in_dim3A_84 = vector.broadcast %broadcast_in_dim3A_83 : f32 to vector<64x512xf32>
      %swap3A_85 = arith.constant 0 : index
      %swap3A_86 = arith.constant 0 : index
      %swap3A_87 = vector.load %arg10[%swap3A_85, %swap3A_86] : memref<64x512xf32, #tpu.memory_space<vmem>>, vector<64x512xf32>
      tpu.vector_store %arg10[%swap3A_85, %swap3A_86], %broadcast_in_dim3A_84 {strides = array<i32>} : memref<64x512xf32, #tpu.memory_space<vmem>>, vector<64x512xf32>,
    } else {
    }
    %get3A = arith.constant 0 : index
    %get3A_2 = arith.constant 0 : index
    %get3A_3 = arith.constant 0 : index
    %get3A_4 = vector.load %arg2[%get3A, %get3A_2, %get3A_3] : memref<1x1x2000xi32, #tpu.memory_space<vmem>>, vector<1x1x2000xi32>
    %get3A_5 = vector.shape_cast %get3A_4 : vector<1x1x2000xi32> to vector<1x2000xi32>
    %iota3A = tpu.iota {dimensions = array<i32: 0>} : vector<64x2000xi32>
    %eq3A_6 = vector.broadcast %get3A_5 : vector<1x2000xi32> to vector<64x2000xi32>
    %eq3A_7 = arith.cmpi eq, %iota3A, %eq3A_6 : vector<64x2000xi32>
    %convert_element_type3A_8 = arith.extui %eq3A_7 : vector<64x2000xi1> to vector<64x2000xi32>
    %convert_element_type3A_9 = arith.sitofp %convert_element_type3A_8 : vector<64x2000xi32> to vector<64x2000xf32>
    %get3A_10 = arith.constant 0 : index
    %get3A_11 = arith.constant 0 : index
    %get3A_12 = vector.load %arg9[%get3A_10, %get3A_11] : memref<64x512xf32, #tpu.memory_space<vmem>>, vector<64x128xf32>
    %get3A_13 = arith.constant 0 : index
    %get3A_14 = arith.constant 0 : index
    %get3A_15 = arith.constant 0 : index
    %get3A_16 = vector.load %arg1[%get3A_13, %get3A_14, %get3A_15] : memref<4x2000x128xf32, #tpu.memory_space<vmem>>, vector<1x2000x128xf32>
    %get3A_17 = vector.shape_cast %get3A_16 : vector<1x2000x128xf32> to vector<2000x128xf32>
    %dot_general3A = arith.constant dense<0.000000e+00> : vector<64x128xf32>
    %dot_general3A_18 = tpu.matmul %convert_element_type3A_9, %get3A_17, %dot_general3A {dimension_numbers = #tpu.dot_dimension_numbers<[1], [0], [0], [1], [0, 0, 1, 1], [], []>, transpose_lhs_hint = false} : vector<64x2000xf32>, vector<2000x128xf32>, vector<64x128xf32> -> vector<64x128xf32>
    %add3A = arith.addf %get3A_12, %dot_general3A_18 : vector<64x128xf32>
    %swap3A = arith.constant 0 : index
    %swap3A_19 = arith.constant 0 : index
    %swap3A_20 = vector.load %arg9[%swap3A, %swap3A_19] : memref<64x512xf32, #tpu.memory_space<vmem>>, vector<64x128xf32>
    tpu.vector_store %arg9[%swap3A, %swap3A_19], %add3A {strides = array<i32>} : memref<64x512xf32, #tpu.memory_space<vmem>>, vector<64x128xf32>,
    %get3A_21 = arith.constant 0 : index
    %get3A_22 = arith.constant 128 : index
    %get3A_23 = vector.load %arg9[%get3A_21, %get3A_22] : memref<64x512xf32, #tpu.memory_space<vmem>>, vector<64x128xf32>
    %get3A_24 = arith.constant 1 : index
    %get3A_25 = arith.constant 0 : index
    %get3A_26 = arith.constant 0 : index
    %get3A_27 = vector.load %arg1[%get3A_24, %get3A_25, %get3A_26] : memref<4x2000x128xf32, #tpu.memory_space<vmem>>, vector<1x2000x128xf32>
    %get3A_28 = vector.shape_cast %get3A_27 : vector<1x2000x128xf32> to vector<2000x128xf32>
    %dot_general3A_29 = arith.constant dense<0.000000e+00> : vector<64x128xf32>
    %dot_general3A_30 = tpu.matmul %convert_element_type3A_9, %get3A_28, %dot_general3A_29 {dimension_numbers = #tpu.dot_dimension_numbers<[1], [0], [0], [1], [0, 0, 1, 1], [], []>, transpose_lhs_hint = false} : vector<64x2000xf32>, vector<2000x128xf32>, vector<64x128xf32> -> vector<64x128xf32>
    %add3A_31 = arith.addf %get3A_23, %dot_general3A_30 : vector<64x128xf32>
    %swap3A_32 = arith.constant 0 : index
    %swap3A_33 = arith.constant 128 : index
    %swap3A_34 = vector.load %arg9[%swap3A_32, %swap3A_33] : memref<64x512xf32, #tpu.memory_space<vmem>>, vector<64x128xf32>
    tpu.vector_store %arg9[%swap3A_32, %swap3A_33], %add3A_31 {strides = array<i32>} : memref<64x512xf32, #tpu.memory_space<vmem>>, vector<64x128xf32>,
    %get3A_35 = arith.constant 0 : index
    %get3A_36 = arith.constant 256 : index
    %get3A_37 = vector.load %arg9[%get3A_35, %get3A_36] : memref<64x512xf32, #tpu.memory_space<vmem>>, vector<64x128xf32>
    %get3A_38 = arith.constant 2 : index
    %get3A_39 = arith.constant 0 : index
    %get3A_40 = arith.constant 0 : index
    %get3A_41 = vector.load %arg1[%get3A_38, %get3A_39, %get3A_40] : memref<4x2000x128xf32, #tpu.memory_space<vmem>>, vector<1x2000x128xf32>
    %get3A_42 = vector.shape_cast %get3A_41 : vector<1x2000x128xf32> to vector<2000x128xf32>
    %dot_general3A_43 = arith.constant dense<0.000000e+00> : vector<64x128xf32>
    %dot_general3A_44 = tpu.matmul %convert_element_type3A_9, %get3A_42, %dot_general3A_43 {dimension_numbers = #tpu.dot_dimension_numbers<[1], [0], [0], [1], [0, 0, 1, 1], [], []>, transpose_lhs_hint = false} : vector<64x2000xf32>, vector<2000x128xf32>, vector<64x128xf32> -> vector<64x128xf32>
    %add3A_45 = arith.addf %get3A_37, %dot_general3A_44 : vector<64x128xf32>
    %swap3A_46 = arith.constant 0 : index
    %swap3A_47 = arith.constant 256 : index
    %swap3A_48 = vector.load %arg9[%swap3A_46, %swap3A_47] : memref<64x512xf32, #tpu.memory_space<vmem>>, vector<64x128xf32>
    tpu.vector_store %arg9[%swap3A_46, %swap3A_47], %add3A_45 {strides = array<i32>} : memref<64x512xf32, #tpu.memory_space<vmem>>, vector<64x128xf32>,
    %get3A_49 = arith.constant 0 : index
    %get3A_50 = arith.constant 384 : index
    %get3A_51 = vector.load %arg9[%get3A_49, %get3A_50] : memref<64x512xf32, #tpu.memory_space<vmem>>, vector<64x128xf32>
    %get3A_52 = arith.constant 3 : index
    %get3A_53 = arith.constant 0 : index
    %get3A_54 = arith.constant 0 : index
    %get3A_55 = vector.load %arg1[%get3A_52, %get3A_53, %get3A_54] : memref<4x2000x128xf32, #tpu.memory_space<vmem>>, vector<1x2000x128xf32>
    %get3A_56 = vector.shape_cast %get3A_55 : vector<1x2000x128xf32> to vector<2000x128xf32>
    %dot_general3A_57 = arith.constant dense<0.000000e+00> : vector<64x128xf32>
    %dot_general3A_58 = tpu.matmul %convert_element_type3A_9, %get3A_56, %dot_general3A_57 {dimension_numbers = #tpu.dot_dimension_numbers<[1], [0], [0], [1], [0, 0, 1, 1], [], []>, transpose_lhs_hint = false} : vector<64x2000xf32>, vector<2000x128xf32>, vector<64x128xf32> -> vector<64x128xf32>
    %add3A_59 = arith.addf %get3A_51, %dot_general3A_58 : vector<64x128xf32>
    %swap3A_60 = arith.constant 0 : index
    %swap3A_61 = arith.constant 384 : index
    %swap3A_62 = vector.load %arg9[%swap3A_60, %swap3A_61] : memref<64x512xf32, #tpu.memory_space<vmem>>, vector<64x128xf32>
    tpu.vector_store %arg9[%swap3A_60, %swap3A_61], %add3A_59 {strides = array<i32>} : memref<64x512xf32, #tpu.memory_space<vmem>>, vector<64x128xf32>,
    %get3A_63 = arith.constant 0 : index
    %get3A_64 = arith.constant 0 : index
    %get3A_65 = vector.load %arg10[%get3A_63, %get3A_64] : memref<64x512xf32, #tpu.memory_space<vmem>>, vector<64x512xf32>
    %reduce_sum3A = arith.constant dense<0.000000e+00> : vector<64xf32>
    %reduce_sum3A_66 = vector.multi_reduction <add>, %convert_element_type3A_9, %reduce_sum3A [1] : vector<64x2000xf32> to vector<64xf32>
    %broadcast_in_dim3A = vector.shape_cast %reduce_sum3A_66 : vector<64xf32> to vector<64x1xf32>
    %broadcast_in_dim3A_67 = vector.shape_cast %broadcast_in_dim3A : vector<64x1xf32> to vector<64x1xf32>
    %broadcast_in_dim3A_68 = vector.broadcast %broadcast_in_dim3A_67 : vector<64x1xf32> to vector<64x512xf32>
    %add3A_69 = arith.addf %get3A_65, %broadcast_in_dim3A_68 : vector<64x512xf32>
    %swap3A_70 = arith.constant 0 : index
    %swap3A_71 = arith.constant 0 : index
    %swap3A_72 = vector.load %arg10[%swap3A_70, %swap3A_71] : memref<64x512xf32, #tpu.memory_space<vmem>>, vector<64x512xf32>
    tpu.vector_store %arg10[%swap3A_70, %swap3A_71], %add3A_69 {strides = array<i32>} : memref<64x512xf32, #tpu.memory_space<vmem>>, vector<64x512xf32>,
    %eq3A_73 = arith.constant 4 : i32
    %eq3A_74 = arith.cmpi eq, %arg0, %eq3A_73 : i32
    %convert_element_type3A_75 = arith.extui %eq3A_74 : i1 to i32
    %cond3A_76 = arith.constant 0 : i32
    %cond3A_77 = arith.cmpi ne, %convert_element_type3A_75, %cond3A_76 : i32
    scf.if %cond3A_77 {
      %get3A_78 = arith.constant 0 : index
      %get3A_79 = arith.constant 0 : index
      %get3A_80 = vector.load %arg9[%get3A_78, %get3A_79] : memref<64x512xf32, #tpu.memory_space<vmem>>, vector<64x512xf32>
      %get3A_81 = arith.constant 0 : index
      %get3A_82 = arith.constant 0 : index
      %get3A_83 = vector.load %arg10[%get3A_81, %get3A_82] : memref<64x512xf32, #tpu.memory_space<vmem>>, vector<64x512xf32>
      %max3A = arith.constant 1.000000e+00 : f32
      %max3A_84 = vector.broadcast %max3A : f32 to vector<64x512xf32>
      %max3A_85 = arith.maximumf %get3A_83, %max3A_84 : vector<64x512xf32>
      %div3A = arith.constant 1.000000e+00 : f32
      %div3A_86 = vector.broadcast %div3A : f32 to vector<64x512xf32>
      %div3A_87 = arith.divf %div3A_86, %max3A_85 : vector<64x512xf32>
      %mul3A = arith.mulf %get3A_80, %div3A_87 : vector<64x512xf32>
      %get3A_88 = arith.constant 0 : index
      %get3A_89 = arith.constant 0 : index
      %get3A_90 = vector.load %arg3[%get3A_88, %get3A_89] : memref<512x256xf32, #tpu.memory_space<vmem>>, vector<512x256xf32>
      %dot_general3A_91 = arith.constant dense<0.000000e+00> : vector<64x256xf32>
      %dot_general3A_92 = tpu.matmul %mul3A, %get3A_90, %dot_general3A_91 {dimension_numbers = #tpu.dot_dimension_numbers<[1], [0], [0], [1], [0, 0, 1, 1], [], []>, transpose_lhs_hint = false} : vector<64x512xf32>, vector<512x256xf32>, vector<64x256xf32> -> vector<64x256xf32>
      %get3A_93 = arith.constant 0 : index
      %get3A_94 = arith.constant 0 : index
      %get3A_95 = vector.load %arg4[%get3A_93, %get3A_94] : memref<1x256xf32, #tpu.memory_space<vmem>>, vector<1x256xf32>
      %add3A_96 = vector.broadcast %get3A_95 : vector<1x256xf32> to vector<64x256xf32>
      %add3A_97 = arith.addf %dot_general3A_92, %add3A_96 : vector<64x256xf32>
      %max3A_98 = arith.constant 0.000000e+00 : f32
      %max3A_99 = vector.broadcast %max3A_98 : f32 to vector<64x256xf32>
      %max3A_100 = arith.maximumf %add3A_97, %max3A_99 : vector<64x256xf32>
      %get3A_101 = arith.constant 0 : index
      %get3A_102 = arith.constant 0 : index
      %get3A_103 = vector.load %arg5[%get3A_101, %get3A_102] : memref<256x20xf32, #tpu.memory_space<vmem>>, vector<256x20xf32>
      %dot_general3A_104 = arith.constant dense<0.000000e+00> : vector<64x20xf32>
      %dot_general3A_105 = tpu.matmul %max3A_100, %get3A_103, %dot_general3A_104 {dimension_numbers = #tpu.dot_dimension_numbers<[1], [0], [0], [1], [0, 0, 1, 1], [], []>, transpose_lhs_hint = false} : vector<64x256xf32>, vector<256x20xf32>, vector<64x20xf32> -> vector<64x20xf32>
      %get3A_106 = arith.constant 0 : index
      %get3A_107 = arith.constant 0 : index
      %get3A_108 = vector.load %arg6[%get3A_106, %get3A_107] : memref<1x20xf32, #tpu.memory_space<vmem>>, vector<1x20xf32>
      %add3A_109 = vector.broadcast %get3A_108 : vector<1x20xf32> to vector<64x20xf32>
      %add3A_110 = arith.addf %dot_general3A_105, %add3A_109 : vector<64x20xf32>
      %swap3A_111 = arith.constant 0 : index
      %swap3A_112 = arith.constant 0 : index
      %swap3A_113 = vector.load %arg7[%swap3A_111, %swap3A_112] : memref<64x20xf32, #tpu.memory_space<vmem>>, vector<64x20xf32>
      tpu.vector_store %arg7[%swap3A_111, %swap3A_112], %add3A_110 {strides = array<i32>} : memref<64x20xf32, #tpu.memory_space<vmem>>, vector<64x20xf32>,
      %swap3A_114 = arith.constant 0 : index
      %swap3A_115 = arith.constant 0 : index
      %swap3A_116 = vector.load %arg8[%swap3A_114, %swap3A_115] : memref<64x512xf32, #tpu.memory_space<vmem>>, vector<64x512xf32>
      tpu.vector_store %arg8[%swap3A_114, %swap3A_115], %mul3A {strides = array<i32>} : memref<64x512xf32, #tpu.memory_space<vmem>>, vector<64x512xf32>,
    } else {
    }
    return
  }
  func.func @transform_0(%arg0: i32) -> (i32, i32, i32) {
    %c0_i32 = arith.constant 0 : i32
    %c0_i32_0 = arith.constant 0 : i32
    %c0_i32_1 = arith.constant 0 : i32
    return %c0_i32, %arg0, %c0_i32_0 : i32, i32, i32
  }
  func.func @transform_1(%arg0: i32) -> (i32, i32, i32) {
    %c0_i32 = arith.constant 0 : i32
    %c0_i32_0 = arith.constant 0 : i32
    %c0_i32_1 = arith.constant 0 : i32
    return %arg0, %c0_i32, %c0_i32_0 : i32, i32, i32
  }
  func.func @transform_2(%arg0: i32) -> (i32, i32) {
    %c0_i32 = arith.constant 0 : i32
    %c0_i32_0 = arith.constant 0 : i32
    %c0_i32_1 = arith.constant 0 : i32
    return %c0_i32, %c0_i32_0 : i32, i32
  }
  func.func @transform_3(%arg0: i32) -> (i32, i32) {
    %c0_i32 = arith.constant 0 : i32
    %c0_i32_0 = arith.constant 0 : i32
    %c0_i32_1 = arith.constant 0 : i32
    return %c0_i32, %c0_i32_0 : i32, i32
  }
  func.func @transform_4(%arg0: i32) -> (i32, i32) {
    %c0_i32 = arith.constant 0 : i32
    %c0_i32_0 = arith.constant 0 : i32
    %c0_i32_1 = arith.constant 0 : i32
    return %c0_i32, %c0_i32_0 : i32, i32
  }
  func.func @transform_5(%arg0: i32) -> (i32, i32) {
    %c0_i32 = arith.constant 0 : i32
    %c0_i32_0 = arith.constant 0 : i32
    %c0_i32_1 = arith.constant 0 : i32
    return %c0_i32, %c0_i32_0 : i32, i32
  }
  func.func @transform_6(%arg0: i32) -> (i32, i32) {
    %c0_i32 = arith.constant 0 : i32
    %c0_i32_0 = arith.constant 0 : i32
    %c0_i32_1 = arith.constant 0 : i32
    return %c0_i32, %c0_i32_0 : i32, i32
  }
  func.func @transform_7(%arg0: i32) -> (i32, i32) {
    %c0_i32 = arith.constant 0 : i32
    %c0_i32_0 = arith.constant 0 : i32
    %c0_i32_1 = arith.constant 0 : i32
    return %c0_i32, %c0_i32_0 : i32, i32
  }
}

</mosaic_0001>

<sc_bundles>
// kernel: kernel.12.cloned.1.call-start
scs
__scs_entry_jumppad:
0x0: {  	(pc) =	sbr.rel $0x88, $3  }
0x1: {  	(tag) =	ssettag $0x0;
	lr =	simm.s32 $0x1  }
0x2: {  	[smem:$0x3F91] =	sst lr;
	_ =	strace $0xD0000000  }
0x3: {  	_ = 	snop  }
0x4: {  	_ = 	snop  }
0x5: {  	_ = 	snop  }
0x6: {  	_ = 	snop  }
0x7: {  	_ = 	snop  }
__scs_overlays_trampoline_lowered:
0x8: {  	[smem:$0x3FA0] =	sst s0  }
0x9: {  	[smem:$0x3FA1] =	sst s1  }
0xa: {  	[smem:$0x3FA2] =	sst s2  }
0xb: {  	[smem:$0x3FA3] =	sst s3  }
0xc: {  	[smem:$0x3FA4] =	sst s4  }
0xd: {  	[smem:$0x3FA5] =	sst s5  }
0xe: {  	[smem:$0x3FA6] =	sst s6  }
0xf: {  	[smem:$0x3FA7] =	sst s7  }
0x10: {  	[smem:$0x3FA8] =	sst s8  }
0x11: {  	[smem:$0x3FA9] =	sst s9;
	s0 =	simm.s32 @!p0 $0x0  }
0x12: {  	s1 =	sld [smem:$0x3F8F];
	s0 =	simm.s32 @p0 $0x1  }
0x13: {  	[smem:$0x3FAA] =	sst s0;
	s0 =	simm.s32 @!p1 $0x0  }
0x14: {  	s2 =	sld [smem:$0x3F8E];
	s0 =	simm.s32 @p1 $0x1  }
0x15: {  	[smem:$0x3FAB] =	sst s0;
	s0 =	simm.s32 @!p2 $0x0  }
0x16: {  	s3 =	sld [smem:$0x3FDB];
	s0 =	simm.s32 @p2 $0x1  }
0x17: {  	s4 =	simm.s32 $0x1BF5;
	[smem:$0x3FAD] =	sst s0  }
0x18: {  	s0 =	sld [smem:$0x3F90];
	_ =	swait.ge [sflag:s4], $0x0  }
0x19: {  	s7 =	sld [smem:$0x3F91]  }
0x1a: {  	s8 =	sadd.s32 $0xFFFFE003, lr  }
0x1b: {  	s9 =	sadd.s32 $0xFFFFFEF7, lr;
	s5 =	simm.s32 $0xFFFFFFFF;
	p2 =	slt.u32 s8, $0xFFFFF086  }
0x1c: {  	p1 =	slt.u32 s9, $0xF7A;
	s5 =	simm.s32 @!p2 $0x0  }
0x1d: {  	s5 =	simm.s32 @p1 $0x1;
	p0 =	seq.s32 s7, s2  }
0x1e: {  	s7 =	smul.u32 @!p0 $0xF7A, s2;
	p2 =	seq.s32 @!p0 s5, $0x0  }
0x1f: {  	s9 =	smul.u32 $0xF7A, s1;
	s8 =	simm.s32 @!p0 $0x1BF5;
	p2 =	por !p2, p0  }
0x20: {  	[sflag:s8] =	ssyncset.s32 @!p0 $0xFFFFF086;
	s6 =	sadd.s32 @!p0 s3, s7;
	s7 =	simm.s32 @!p0 $0x108  }
0x21: {  	s3 =	sadd.s32 s3, s9;
	s6 =	sadd.s32 @!p0 $0x88, s6;
	s7 =	simm.s32 @p2 $0x1082  }
0x22: {  	[simem:s7], [sflag:s8] =	dma.local @!p0 [hbm:s6], $0xF7A  }
0x23: {  	s9 =	sor.u32 $0xD0000000, s2;
	s6 =	simm.s32 $0x108;
	_ =	swait.ge @!p0 [sflag:s8], $0x0  }
0x24: {  	s3 =	sadd.s32 $0x88, s3;
	s6 =	simm.s32 @!p1 $0x1082;
	[sflag:s4] =	ssyncset.s32 $0xFFFFF086  }
0x25: {  	[simem:s6], [sflag:s4] =	dma.local [hbm:s3], $0xF7A  }
0x26: {  	[smem:$0x3F91] =	sst s1;
	(tag) =	ssettag s2;
	_ =	strace s9  }
0x27: {  	s1 =	sld [smem:$0x3FA1]  }
0x28: {  	s2 =	sld [smem:$0x3FA2]  }
0x29: {  	s4 =	sld [smem:$0x3FA4]  }
0x2a: {  	p0 =	seq.s32 s5, $0x0;
	s5 =	sld [smem:$0x3FA5]  }
0x2b: {  	s6 =	sld [smem:$0x3FA6]  }
0x2c: {  	s7 =	sld [smem:$0x3FA7]  }
0x2d: {  	s3 =	simm.s32 $0x108;
	s8 =	sld [smem:$0x3FA8]  }
0x2e: {  	s3 =	simm.s32 @!p0 $0x1082;
	s9 =	sld [smem:$0x3FA9]  }
0x2f: {  	lr =	sadd.s32 s0, s3;
	s0 =	sld [smem:$0x3FA0]  }
0x30: {  	s3 =	sld [smem:$0x3FA3]  }
0x31: {  	[smem:$0x3FAC] =	sst s10  }
0x32: {  	s10 =	sld [smem:$0x3FAA];
	_ =	sdelay $0x3  }
0x33: {  	p0 =	seq.s32 s10, $0x1;
	s10 =	sld [smem:$0x3FAC];
	_ =	sdelay $0x3  }
0x34: {  	[smem:$0x3FAC] =	sst s10  }
0x35: {  	s10 =	sld [smem:$0x3FAB];
	_ =	sdelay $0x3  }
0x36: {  	p1 =	seq.s32 s10, $0x1;
	s10 =	sld [smem:$0x3FAC];
	_ =	sdelay $0x3  }
0x37: {  	[smem:$0x3FAC] =	sst s10  }
0x38: {  	s10 =	sld [smem:$0x3FAD]  }
0x39: {  	_ = 	snop;
	(pc) =	sbr.ind lr, $3  }
0x3a: {  	_ = 	snop  }
0x3b: {  	_ = 	snop  }
0x3c: {  	p2 =	seq.s32 s10, $0x1;
	s10 =	sld [smem:$0x3FAC]  }
0x3d: {  	_ =	shalt  }
0x3e: {  	_ =	shalt  }
0x3f: {  	_ =	shalt  }
0x40: {  	_ =	shalt  }
0x41: {  	_ =	shalt  }
0x42: {  	_ =	shalt  }
0x43: {  	_ =	shalt  }
0x44: {  	_ =	shalt  }
0x45: {  	_ =	shalt  }
0x46: {  	_ =	shalt  }
0x47: {  	_ =	shalt  }
0x48: {  	_ =	shalt  }
0x49: {  	_ =	shalt  }
0x4a: {  	_ =	shalt  }
0x4b: {  	_ =	shalt  }
0x4c: {  	_ =	shalt  }
0x4d: {  	_ =	shalt  }
0x4e: {  	_ =	shalt  }
0x4f: {  	_ =	shalt  }
0x50: {  	_ =	shalt  }
0x51: {  	_ =	shalt  }
0x52: {  	_ =	shalt  }
0x53: {  	_ =	shalt  }
0x54: {  	_ =	shalt  }
0x55: {  	_ =	shalt  }
0x56: {  	_ =	shalt  }
0x57: {  	_ =	shalt  }
0x58: {  	_ =	shalt  }
0x59: {  	_ =	shalt  }
0x5a: {  	_ =	shalt  }
0x5b: {  	_ =	shalt  }
0x5c: {  	_ =	shalt  }
0x5d: {  	_ =	shalt  }
0x5e: {  	_ =	shalt  }
0x5f: {  	_ =	shalt  }
0x60: {  	_ =	shalt  }
0x61: {  	_ =	shalt  }
0x62: {  	_ =	shalt  }
0x63: {  	_ =	shalt  }
0x64: {  	_ =	shalt  }
0x65: {  	_ =	shalt  }
0x66: {  	_ =	shalt  }
0x67: {  	_ =	shalt  }
0x68: {  	_ =	shalt  }
0x69: {  	_ =	shalt  }
0x6a: {  	_ =	shalt  }
0x6b: {  	_ =	shalt  }
0x6c: {  	_ =	shalt  }
0x6d: {  	_ =	shalt  }
0x6e: {  	_ =	shalt  }
0x6f: {  	_ =	shalt  }
0x70: {  	_ =	shalt  }
0x71: {  	_ =	shalt  }
0x72: {  	_ =	shalt  }
0x73: {  	_ =	shalt  }
0x74: {  	_ =	shalt  }
0x75: {  	_ =	shalt  }
0x76: {  	_ =	shalt  }
0x77: {  	_ =	shalt  }
0x78: {  	_ =	shalt  }
0x79: {  	_ =	shalt  }
0x7a: {  	_ =	shalt  }
0x7b: {  	_ =	shalt  }
0x7c: {  	_ =	shalt  }
0x7d: {  	_ =	shalt  }
0x7e: {  	_ =	shalt  }
0x7f: {  	_ =	shalt  }
0x80: {  	_ =	shalt  }
0x81: {  	_ =	shalt  }
0x82: {  	_ =	shalt  }
0x83: {  	_ =	shalt  }
0x84: {  	_ =	shalt  }
0x85: {  	_ =	shalt  }
0x86: {  	_ =	shalt  }
0x87: {  	_ =	shalt  }
.Lfunc_end0:
.L_simem_size_0:
called_computation.1_lowered:
.L_overlay_start_0:
0x88: {  	s2 =	sld [smem:$0x3FD9]  }
0x89: {  	s3 =	sld [smem:$0x3FFE];
	_ =	sdelay $0x1  }
0x8a: {  	s1 =	srdreg.scid  }
0x8b: {  	s0 =	sand.u32 $0x1, s1  }
0x8c: {  	s16 =	sshll.u32 s0, $0xA;
	s2 =	sadd.s32 s3, s2  }
0x8d: {  	s2 =	sadd.s32 s2, s16  }
0x8e: {  	[smem:$0x3FB8] =	sst s2  }
0x8f: {  	_ = 	snop  }
0x90: {  	(tm) =	ssettm $0x1  }
0x91: {  	s17 =	sld [smem:$0x3FFB];
	_ =	sdelay $0x3  }
0x92: {  	_ =	strace s17  }
0x93: {  	s2 =	sld [smem:$0x3FFC];
	_ =	sdelay $0x3  }
0x94: {  	_ =	strace s2  }
0x95: {  	s2 =	sld [smem:$0x3FFD];
	_ =	sdelay $0x3  }
0x96: {  	_ =	strace s2  }
0x97: {  	_ =	strace $0x8FFFFFFF  }
0x98: {  	s18 =	sld [smem:$0x3FDB];
	_ =	sdelay $0x1  }
0x99: {  	s19 =	simm.s32 $_scs_section_size  }
0x9a: {  	s4 =	simm.s32 $_size__tile_overlayer_lowered;
	s5 =	simm.s32 $_tile_overlayer_lowered  }
0x9b: {  	s22 =	simm.s32 $0x1BFF;
	s21 =	sshll.u32 s5, $0x1;
	s2 =	sadd.s32 s19, s18  }
0x9c: {  	s6 =	simm.s32 $0x0;
	s20 =	sshll.u32 s4, $0x1;
	s4 =	sadd.s32 s21, s2  }
0x9d: {  	[timem:s6], [sflag:s22] =	dma.local [hbm:s4], s20  }
0x9e: {  	_ =	swait.ge [sflag:s22], s20  }
0x9f: {  	s3 =	ssub.s32 $0x0, s20;
	[sflag:s22] =	ssyncset.done $0x0  }
0xa0: {  	[sflag:s22] =	ssyncadd.s32 s3;
	_ =	sdelay $0x1  }
0xa1: {  	s23 =	simm.s32 $0x1B8B  }
0xa2: {  	_ =	swait.ge [sflag:s23], $0x1  }
0xa3: {  	[sflag:s23] =	ssyncset.done $0x0  }
0xa4: {  	s25 =	simm.s32 $0x1B8E;
	s24 =	sld [smem:$0x3FFE];
	[sflag:s23] =	ssyncadd.s32 $0xFFFFFFFF  }
0xa5: {  	s26 =	simm.s32 $execute0_lowered;
	[smem:$0x3FD2] =	sst s25  }
0xa6: {  	s4 =	sshll.u32 s26, $0x1;
	_ =	strace $0x80000049;
	[dreg:$0x1] =	wrdreg $0xFFFFFFFF  }
0xa7: {  	s28 =	simm.s32 $_size_execute0_lowered;
	s2 =	sadd.s32 s2, s4;
	[dreg:$0x0] =	wrdreg $0x0  }
0xa8: {  	s4 =	sshll.u32 s28, $0x1;
	[dreg:$0x2] =	wrdreg s2  }
0xa9: {  	[dreg:$0x3] =	wrdreg s4  }
0xaa: {  	[dreg:$0x4] =	wrdreg $0xC0  }
0xab: {  	_ =	task [dreg:s6], $0x5FFFF  }
0xac: {  	[dreg:$0x1] =	wrdreg $0xFFFFFFFF  }
0xad: {  	[dreg:$0x0] =	wrdreg $0x60  }
0xae: {  	[dreg:$0x2] =	wrdreg s24  }
0xaf: {  	[dreg:$0x3] =	wrdreg $0x0  }
0xb0: {  	[dreg:$0x4] =	wrdreg $0x9  }
0xb1: {  	_ =	task.clear_ibuf [dreg:s6], $0x5FFFF;
	_ =	strace $0x90000049  }
0xb2: {  	s29 =	simm.s32 $0x9;
	_ =	strace $0x8000004B  }
0xb3: {  	_ =	swait.ge [sflag:s29], $0x1  }
0xb4: {  	[sflag:s29] =	ssyncadd.s32 $0xFFFFFFFF  }
0xb5: {  	_ =	strace $0x9000004B  }
0xb6: {  	_ =	sfence  }
0xb7: {  	s30 =	sld [smem:$0x0];
	_ =	sdelay $0x2  }
0xb8: {  	s31 =	sshll.u32 s1, $0xD;
	s1 =	sshrl.u32 s1, $0x2  }
0xb9: {  	s3 =	sand.u32 $0x4000, s31;
	s1 =	sadd.s32 s1, s30  }
0xba: {  	s0 =	sor.u32 s3, s0;
	s1 =	sshll.u32 s1, $0x11  }
0xbb: {  	s0 =	sor.u32 s1, s0  }
0xbc: {  	s0 =	sadd.s32 $0x8F2B, s0  }
0xbd: {  	[sflag:s0] =	ssyncadd.remote.s32 $0x1  }
0xbe: {  	_ =	sfence.sel $0xFFFF  }
0xbf: {  	[dreg:$0x0] =	wrdreg $0xFFFFFFFF;
	(pc) =	sbr.abs _section_cstart, $3  }
0xc0: {  	[dreg:$0x1] =	wrdreg $0xFFFFFFFF  }
0xc1: {  	_ =	task.clear_ibuf [dreg:s6], $0x2FFFF;
	_ =	strace $0x9FFFFFFF  }
0xc2: {  	(tm) =	ssettm $0x7FFFFFFF  }
0xc3: {  	_ =	shalt  }
tec
execute0_lowered:
.L_overlay_start_1:
0x0: {  	(tag) =	ssettag $0x1  }
0x1: {  	s0 =	rddreg [dreg:$0x0]  }
0x2: {  	s2 =	rddreg [dreg:$0x1]  }
0x3: {  	s3 =	simm.s32 $0x0;
	s13 =	stileid.u32;
	s6 =	srdreg.scid  }
0x4: {  	s28 =	simm.s32 $0x3;
	s29 =	simm.s32 $0x5;
	s30 =	simm.s32 $0x18D00  }
0x5: {  	s31 =	simm.s32 $0x4;
	s1 =	smul.u32 $0x5000, s13;
	s4 =	sadd.s32 $0x138C00, s0  }
0x6: {  	[smem:$0x7FF] =	sst s3;
	s5 =	sadd.s32 $0x110C00, s0;
	s9 =	smul.u32 $0x4F000, s13  }
0x7: {  	s6 =	sand.u32 $0x1, s6;
	s12 =	sadd.s32 $0x70400, s0;
	s15 =	smul.u32 $0x278, s13  }
0x8: {  	s26 =	sadd.s32 $0x1D5000, s0;
	_ =	strace $0x8000004A;
	s11 =	smul.u32 $0x50000, s6  }
0x9: {  	s8 =	ssub.s32 $0x2, s6;
	s17 =	smul.u32 $0x2780, s6;
	s6 =	sor.u32 $0x2, s6  }
0xa: {  	[dreg:$0x5] =	wrdreg s12;
	s12 =	simm.s32 $0x1;
	s19 =	smul.u32 $0x50000, s6  }
0xb: {  	s7 =	sshrl.u32 s1, $0x3;
	s10 =	sshrl.u32 s8, $0x1;
	s6 =	smul.u32 $0x2780, s6  }
0xc: {  	s7 =	sadd.s32 s7, s0;
	s14 =	ssub.s32 s8, s10;
	s10 =	sshrl.u32 s9, $0x2  }
0xd: {  	s8 =	sadd.s32 s1, s11;
	s9 =	simm.s32 $0x18F00;
	s11 =	simm.s32 $0x18F80  }
0xe: {  	s7 =	sadd.s32 $0x4200, s7;
	s16 =	sshrl.u32 s8, $0x3;
	s20 =	sor.u32 $0x400, s8  }
0xf: {  	s13 =	sadd.s32 s1, s19;
	s22 =	sadd.s32 s15, s6;
	s19 =	simm.s32 $0x18D80  }
0x10: {  	[dreg:$0x6] =	wrdreg s7;
	s7 =	sadd.s32 s10, s2;
	s10 =	sadd.s32 $0x110C40, s0  }
0x11: {  	s18 =	sadd.s32 s5, s16;
	s0 =	sadd.s32 s15, s17;
	[dreg:$0x3] =	wrdreg s20  }
0x12: {  	s21 =	sshrl.u32 s13, $0x3;
	s24 =	sor.u32 $0x400, s13;
	[dreg:$0x7] =	wrdreg s7  }
0x13: {  	s1 =	sshll.u32 s22, $0x4;
	s20 =	simm.s32 $0x7;
	[dreg:$0x8] =	wrdreg s18  }
0x14: {  	s22 =	simm.s32 $0x18E00;
	s7 =	sadd.s32 s16, s10;
	[dreg:$0x4] =	wrdreg s24  }
0x15: {  	s0 =	sshll.u32 s0, $0x4;
	s23 =	sadd.s32 s5, s21;
	[dreg:$0x9] =	wrdreg s7  }
0x16: {  	s25 =	sadd.s32 s26, s1;
	s24 =	simm.s32 $0x19000;
	[dreg:$0xb] =	wrdreg s23  }
0x17: {  	s1 =	simm.s32 $0x2;
	s0 =	sadd.s32 s26, s0;
	[dreg:$0xd] =	wrdreg s25  }
0x18: {  	s26 =	smax.u32 s14, $0x1;
	s23 =	simm.s32 $0x40;
	s25 =	simm.s32 $0x18C80  }
0x19: {  	s7 =	simm.s32 $0x18E80;
	s14 =	simm.s32 $0x0;
	[dreg:$0xa] =	wrdreg s0  }
0x1a: {  	s0 =	sadd.s32 s21, s10;
	[dreg:$0xe] =	wrdreg s26;
	s21 =	simm.s32 $0x18C00  }
0x1b: {  	s26 =	simm.s32 $0x1B000;
	[dreg:$0xc] =	wrdreg s0;
	s0 =	simm.s32 $0x6  }
.LBB2_1:
0x1c: {  	[dreg:$0xf] =	wrdreg s14  }
0x1d: {  	s6 =	rddreg [dreg:$0x6];
	s18 =	simm.s32 $0x13C00  }
0x1e: {  	[tilespmem:s18], [sflag:$0x7] =	stream.linear.gather [hbm4b:s6+s3], $0x5000, $0x38;
	[tilespmem:$0x1D000] =	vst v63  }
0x1f: {  	s15 =	stileid.u32;
	_ =	swait.ge [sflag:s20], $0x5000  }
0x20: {  	s6 =	sshll.u32 s15, $0x6;
	s17 =	rddreg [dreg:$0x7]  }
0x21: {  	s16 =	sor.u32 $0x1C07, s6;
	s18 =	rddreg [dreg:$0x5]  }
0x22: {  	[sflag:s20] =	ssyncset.done $0x0;
	[dreg:$0x10] =	wrdreg s16;
	s15 =	sshrl.u32 s17, $0x3  }
0x23: {  	[sflag:s20] =	ssyncadd.s32 $0xFFFFB000;
	[dreg:$0x11] =	wrdreg s15  }
0x24: {  	[spmem:s15], [sflag:s16] =	dma.local [hbm:s18], $0x2780  }
0x25: {  	_ =	swait.ge [sflag:s20], $0x2780  }
0x26: {  	[sflag:s20] =	ssyncset.done $0x0  }
0x27: {  	s15 =	rddreg [dreg:$0x8];
	[sflag:s20] =	ssyncadd.s32 $0xFFFFD880  }
0x28: {  	[tilespmem:s21], [sflag:$0x7] =	stream.linear.gather [hbm4b:s15+s3], $0x200, $0x38;
	[tilespmem:$0x1D000] =	vst v63  }
0x29: {  	_ =	swait.ge [sflag:s20], $0x200  }
0x2a: {  	[sflag:s20] =	ssyncset.done $0x0  }
0x2b: {  	s16 =	rddreg [dreg:$0x9];
	[sflag:s20] =	ssyncadd.s32 $0xFFFFFE00  }
0x2c: {  	[tilespmem:s22], [sflag:$0x2] =	stream.linear.gather [hbm4b:s16+s3], $0x200, $0x38;
	[tilespmem:$0x1D000] =	vst v63  }
0x2d: {  	[bflag:$0x0] =	sbarrier.arrive $0xFFFF  }
0x2e: {  	[tilespmem:s24], [sflag:$0x3] =	stream.indirect.gather [hbm4b:s4+s23], $0x80, s21, s23, $0xb8;
	[tilespmem:$0x1D000] =	vst v63  }
0x2f: {  	_ = 	snop  }
0x30: {  	[tilespmem:s26], [sflag:$0x4] =	stream.indirect.gather [hbm4b:s4+s23], $0x80, s25, s23, $0xb8;
	[tilespmem:$0x1D000] =	vst v63  }
0x31: {  	_ =	swait.ge [sflag:s28], $0x2000  }
0x32: {  	[sflag:s28] =	ssyncset.done $0x0  }
0x33: {  	s17 =	simm.s32 $0x13C00;
	[sflag:s28] =	ssyncadd.s32 $0xFFFFE000  }
0x34: {  	[spmem:s2] =	stream.indirect.scatter.add.f32 [tilespmem:s24], [sflag:$0x5], $0x80, s17, s23, $0xb8;
	[tilespmem:$0x1D000] =	vst v63  }
0x35: {  	_ =	swait.ge [sflag:s29], $0x2000  }
0x36: {  	[sflag:s29] =	ssyncset.done $0x0  }
0x37: {  	[sflag:s29] =	ssyncadd.s32 $0xFFFFE000  }
0x38: {  	[tilespmem:s24], [sflag:$0x3] =	stream.indirect.gather [hbm4b:s4+s23], $0x80, s30, s23, $0xb8;
	[tilespmem:$0x1D000] =	vst v63  }
0x39: {  	_ =	swait.ge [sflag:s31], $0x2000  }
0x3a: {  	[sflag:s31] =	ssyncset.done $0x0  }
0x3b: {  	s18 =	simm.s32 $0x13C80;
	[sflag:s31] =	ssyncadd.s32 $0xFFFFE000  }
0x3c: {  	[spmem:s2] =	stream.indirect.scatter.add.f32 [tilespmem:s26], [sflag:$0x6], $0x80, s18, s23, $0xb8;
	[tilespmem:$0x1D000] =	vst v63  }
0x3d: {  	_ =	swait.ge [sflag:s0], $0x2000  }
0x3e: {  	[sflag:s0] =	ssyncset.done $0x0  }
0x3f: {  	[sflag:s0] =	ssyncadd.s32 $0xFFFFE000  }
0x40: {  	[tilespmem:s26], [sflag:$0x4] =	stream.indirect.gather [hbm4b:s4+s23], $0x80, s19, s23, $0xb8;
	[tilespmem:$0x1D000] =	vst v63  }
0x41: {  	_ =	swait.ge [sflag:s28], $0x2000  }
0x42: {  	[sflag:s28] =	ssyncset.done $0x0  }
0x43: {  	s14 =	simm.s32 $0x13D00;
	[sflag:s28] =	ssyncadd.s32 $0xFFFFE000  }
0x44: {  	[spmem:s2] =	stream.indirect.scatter.add.f32 [tilespmem:s24], [sflag:$0x5], $0x80, s14, s23, $0xb8;
	[tilespmem:$0x1D000] =	vst v63  }
0x45: {  	_ =	swait.ge [sflag:s1], $0x200  }
0x46: {  	[sflag:s1] =	ssyncset.done $0x0  }
0x47: {  	s15 =	smin.u32 s3, $0x94;
	[sflag:s1] =	ssyncadd.s32 $0xFFFFFE00  }
0x48: {  	s6 =	sshll.u32 s15, $0x7;
	_ =	swait.ge [sflag:s29], $0x2000  }
0x49: {  	s17 =	sadd.s32 $0x400, s6;
	[sflag:s29] =	ssyncset.done $0x0  }
0x4a: {  	s17 =	sand.u32 $0xFC00, s17;
	[sflag:s29] =	ssyncadd.s32 $0xFFFFE000  }
0x4b: {  	[tilespmem:s24], [sflag:$0x3] =	stream.indirect.gather [hbm4b:s4+s23], $0x80, s22, s23, $0xb8;
	[tilespmem:$0x1D000] =	vst v63  }
0x4c: {  	s6 =	sand.u32 $0x200, s6;
	s17 =	sadd.s32 s8, s17;
	_ =	swait.ge [sflag:s31], $0x2000  }
0x4d: {  	s6 =	sor.u32 s6, s17;
	[sflag:s31] =	ssyncset.done $0x0  }
0x4e: {  	s16 =	simm.s32 $0x13D80;
	s6 =	sshrl.u32 s6, $0x3;
	[sflag:s31] =	ssyncadd.s32 $0xFFFFE000  }
0x4f: {  	[spmem:s2] =	stream.indirect.scatter.add.f32 [tilespmem:s26], [sflag:$0x6], $0x80, s16, s23, $0xb8;
	[tilespmem:$0x1D000] =	vst v63  }
0x50: {  	s6 =	sadd.s32 s5, s6  }
0x51: {  	[tilespmem:s21], [sflag:$0x1] =	stream.linear.gather [hbm4b:s6+s3], $0x200, $0x38;
	[tilespmem:$0x1D000] =	vst v63  }
0x52: {  	_ =	swait.ge [sflag:s0], $0x2000  }
0x53: {  	[sflag:s0] =	ssyncset.done $0x0  }
0x54: {  	[sflag:s0] =	ssyncadd.s32 $0xFFFFE000  }
0x55: {  	[tilespmem:s26], [sflag:$0x4] =	stream.indirect.gather [hbm4b:s4+s23], $0x80, s7, s23, $0xb8;
	[tilespmem:$0x1D000] =	vst v63  }
0x56: {  	_ =	swait.ge [sflag:s28], $0x2000  }
0x57: {  	[sflag:s28] =	ssyncset.done $0x0  }
0x58: {  	s17 =	simm.s32 $0x13E00;
	[sflag:s28] =	ssyncadd.s32 $0xFFFFE000  }
0x59: {  	[spmem:s2] =	stream.indirect.scatter.add.f32 [tilespmem:s24], [sflag:$0x5], $0x80, s17, s23, $0xb8;
	[tilespmem:$0x1D000] =	vst v63  }
0x5a: {  	_ =	swait.ge [sflag:s29], $0x2000  }
0x5b: {  	[sflag:s29] =	ssyncset.done $0x0  }
0x5c: {  	[sflag:s29] =	ssyncadd.s32 $0xFFFFE000  }
0x5d: {  	[tilespmem:s24], [sflag:$0x3] =	stream.indirect.gather [hbm4b:s4+s23], $0x80, s9, s23, $0xb8;
	[tilespmem:$0x1D000] =	vst v63  }
0x5e: {  	_ =	swait.ge [sflag:s31], $0x2000  }
0x5f: {  	[sflag:s31] =	ssyncset.done $0x0  }
0x60: {  	s18 =	simm.s32 $0x13E80;
	[sflag:s31] =	ssyncadd.s32 $0xFFFFE000  }
0x61: {  	[spmem:s2] =	stream.indirect.scatter.add.f32 [tilespmem:s26], [sflag:$0x6], $0x80, s18, s23, $0xb8;
	[tilespmem:$0x1D000] =	vst v63  }
0x62: {  	_ =	swait.ge [sflag:s0], $0x2000  }
0x63: {  	[sflag:s0] =	ssyncset.done $0x0  }
0x64: {  	[sflag:s0] =	ssyncadd.s32 $0xFFFFE000  }
0x65: {  	[tilespmem:s26], [sflag:$0x4] =	stream.indirect.gather [hbm4b:s4+s23], $0x80, s11, s23, $0xb8;
	[tilespmem:$0x1D000] =	vst v63  }
0x66: {  	_ =	swait.ge [sflag:s28], $0x2000  }
0x67: {  	[sflag:s28] =	ssyncset.done $0x0  }
0x68: {  	s14 =	simm.s32 $0x13F00;
	[sflag:s28] =	ssyncadd.s32 $0xFFFFE000  }
0x69: {  	[spmem:s2] =	stream.indirect.scatter.add.f32 [tilespmem:s24], [sflag:$0x5], $0x80, s14, s23, $0xb8;
	[tilespmem:$0x1D000] =	vst v63  }
0x6a: {  	_ =	swait.ge [sflag:s12], $0x200  }
0x6b: {  	[sflag:s12] =	ssyncset.done $0x0  }
0x6c: {  	[sflag:s12] =	ssyncadd.s32 $0xFFFFFE00  }
0x6d: {  	_ =	swait.ge [sflag:s29], $0x2000  }
0x6e: {  	[sflag:s29] =	ssyncset.done $0x0  }
0x6f: {  	[sflag:s29] =	ssyncadd.s32 $0xFFFFE000  }
0x70: {  	[tilespmem:s24], [sflag:$0x3] =	stream.indirect.gather [hbm4b:s4+s23], $0x80, s21, s23, $0xb8;
	[tilespmem:$0x1D000] =	vst v63  }
0x71: {  	s18 =	smin.u32 s3, $0x90;
	_ =	swait.ge [sflag:s31], $0x2000  }
0x72: {  	s17 =	sshll.u32 s18, $0x7;
	[sflag:s31] =	ssyncset.done $0x0;
	s15 =	rddreg [dreg:$0x3]  }
0x73: {  	s16 =	simm.s32 $0x13F80;
	[sflag:s31] =	ssyncadd.s32 $0xFFFFE000;
	s6 =	sadd.s32 s17, s15  }
0x74: {  	[spmem:s2] =	stream.indirect.scatter.add.f32 [tilespmem:s26], [sflag:$0x6], $0x80, s16, s23, $0xb8;
	[tilespmem:$0x1D000] =	vst v63  }
0x75: {  	s6 =	sshrl.u32 s6, $0x3  }
0x76: {  	s18 =	simm.s32 $0x0;
	s17 =	simm.s32 $0x1000;
	s6 =	sadd.s32 s6, s10  }
0x77: {  	[tilespmem:s22], [sflag:$0x2] =	stream.linear.gather [hbm4b:s6+s3], $0x200, $0x38;
	[tilespmem:$0x1D000] =	vst v63  }
.LBB2_2:
0x78: {  	_ =	swait.ge [sflag:s0], $0x2000  }
0x79: {  	[sflag:s0] =	ssyncset.done $0x0  }
0x7a: {  	[sflag:s0] =	ssyncadd.s32 $0xFFFFE000  }
0x7b: {  	[tilespmem:s26], [sflag:$0x4] =	stream.indirect.gather [hbm4b:s4+s23], $0x80, s25, s23, $0xb8;
	[tilespmem:$0x1D000] =	vst v63  }
0x7c: {  	s6 =	smov.u32 s17;
	_ =	swait.ge [sflag:s28], $0x2000  }
0x7d: {  	s6 =	sshra.s32 s6, $0x2;
	[sflag:s28] =	ssyncset.done $0x0  }
0x7e: {  	s15 =	sadd.s32 $0x13C00, s6;
	[sflag:s28] =	ssyncadd.s32 $0xFFFFE000  }
0x7f: {  	[spmem:s2] =	stream.indirect.scatter.add.f32 [tilespmem:s24], [sflag:$0x5], $0x80, s15, s23, $0xb8;
	[tilespmem:$0x1D000] =	vst v63  }
0x80: {  	_ =	swait.ge [sflag:s29], $0x2000  }
0x81: {  	[sflag:s29] =	ssyncset.done $0x0  }
0x82: {  	[sflag:s29] =	ssyncadd.s32 $0xFFFFE000  }
0x83: {  	[tilespmem:s24], [sflag:$0x3] =	stream.indirect.gather [hbm4b:s4+s23], $0x80, s30, s23, $0xb8;
	[tilespmem:$0x1D000] =	vst v63  }
0x84: {  	_ =	swait.ge [sflag:s31], $0x2000  }
0x85: {  	[sflag:s31] =	ssyncset.done $0x0  }
0x86: {  	s14 =	sadd.s32 $0x13C80, s6;
	[sflag:s31] =	ssyncadd.s32 $0xFFFFE000  }
0x87: {  	[spmem:s2] =	stream.indirect.scatter.add.f32 [tilespmem:s26], [sflag:$0x6], $0x80, s14, s23, $0xb8;
	[tilespmem:$0x1D000] =	vst v63  }
0x88: {  	_ =	swait.ge [sflag:s0], $0x2000  }
0x89: {  	[sflag:s0] =	ssyncset.done $0x0  }
0x8a: {  	[sflag:s0] =	ssyncadd.s32 $0xFFFFE000  }
0x8b: {  	[tilespmem:s26], [sflag:$0x4] =	stream.indirect.gather [hbm4b:s4+s23], $0x80, s19, s23, $0xb8;
	[tilespmem:$0x1D000] =	vst v63  }
0x8c: {  	_ =	swait.ge [sflag:s28], $0x2000  }
0x8d: {  	[sflag:s28] =	ssyncset.done $0x0  }
0x8e: {  	s16 =	sadd.s32 $0x13D00, s6;
	[sflag:s28] =	ssyncadd.s32 $0xFFFFE000  }
0x8f: {  	[spmem:s2] =	stream.indirect.scatter.add.f32 [tilespmem:s24], [sflag:$0x5], $0x80, s16, s23, $0xb8;
	[tilespmem:$0x1D000] =	vst v63  }
0x90: {  	_ =	swait.ge [sflag:s1], $0x200  }
0x91: {  	s18 =	sadd.s32 $0x8, s18;
	[sflag:s1] =	ssyncset.done $0x0  }
0x92: {  	s14 =	smin.u32 s18, $0x94;
	[sflag:s1] =	ssyncadd.s32 $0xFFFFFE00  }
0x93: {  	s15 =	sshll.u32 s14, $0x7;
	_ =	swait.ge [sflag:s29], $0x2000  }
0x94: {  	s16 =	sadd.s32 $0x400, s15;
	[sflag:s29] =	ssyncset.done $0x0  }
0x95: {  	s16 =	sand.u32 $0xFC00, s16;
	[sflag:s29] =	ssyncadd.s32 $0xFFFFE000  }
0x96: {  	[tilespmem:s24], [sflag:$0x3] =	stream.indirect.gather [hbm4b:s4+s23], $0x80, s22, s23, $0xb8;
	[tilespmem:$0x1D000] =	vst v63  }
0x97: {  	s15 =	sand.u32 $0x200, s15;
	s16 =	sadd.s32 s8, s16;
	_ =	swait.ge [sflag:s31], $0x2000  }
0x98: {  	s15 =	sor.u32 s15, s16;
	[sflag:s31] =	ssyncset.done $0x0  }
0x99: {  	s14 =	sadd.s32 $0x13D80, s6;
	s15 =	sshrl.u32 s15, $0x3;
	[sflag:s31] =	ssyncadd.s32 $0xFFFFE000  }
0x9a: {  	[spmem:s2] =	stream.indirect.scatter.add.f32 [tilespmem:s26], [sflag:$0x6], $0x80, s14, s23, $0xb8;
	[tilespmem:$0x1D000] =	vst v63  }
0x9b: {  	s14 =	sadd.s32 s5, s15  }
0x9c: {  	[tilespmem:s21], [sflag:$0x1] =	stream.linear.gather [hbm4b:s14+s3], $0x200, $0x38;
	[tilespmem:$0x1D000] =	vst v63  }
0x9d: {  	_ =	swait.ge [sflag:s0], $0x2000  }
0x9e: {  	[sflag:s0] =	ssyncset.done $0x0  }
0x9f: {  	[sflag:s0] =	ssyncadd.s32 $0xFFFFE000  }
0xa0: {  	[tilespmem:s26], [sflag:$0x4] =	stream.indirect.gather [hbm4b:s4+s23], $0x80, s7, s23, $0xb8;
	[tilespmem:$0x1D000] =	vst v63  }
0xa1: {  	_ =	swait.ge [sflag:s28], $0x2000  }
0xa2: {  	[sflag:s28] =	ssyncset.done $0x0  }
0xa3: {  	s16 =	sadd.s32 $0x13E00, s6;
	[sflag:s28] =	ssyncadd.s32 $0xFFFFE000  }
0xa4: {  	[spmem:s2] =	stream.indirect.scatter.add.f32 [tilespmem:s24], [sflag:$0x5], $0x80, s16, s23, $0xb8;
	[tilespmem:$0x1D000] =	vst v63  }
0xa5: {  	_ =	swait.ge [sflag:s29], $0x2000  }
0xa6: {  	[sflag:s29] =	ssyncset.done $0x0  }
0xa7: {  	[sflag:s29] =	ssyncadd.s32 $0xFFFFE000  }
0xa8: {  	[tilespmem:s24], [sflag:$0x3] =	stream.indirect.gather [hbm4b:s4+s23], $0x80, s9, s23, $0xb8;
	[tilespmem:$0x1D000] =	vst v63  }
0xa9: {  	_ =	swait.ge [sflag:s31], $0x2000  }
0xaa: {  	[sflag:s31] =	ssyncset.done $0x0  }
0xab: {  	s15 =	sadd.s32 $0x13E80, s6;
	[sflag:s31] =	ssyncadd.s32 $0xFFFFE000  }
0xac: {  	[spmem:s2] =	stream.indirect.scatter.add.f32 [tilespmem:s26], [sflag:$0x6], $0x80, s15, s23, $0xb8;
	[tilespmem:$0x1D000] =	vst v63  }
0xad: {  	_ =	swait.ge [sflag:s0], $0x2000  }
0xae: {  	[sflag:s0] =	ssyncset.done $0x0  }
0xaf: {  	[sflag:s0] =	ssyncadd.s32 $0xFFFFE000  }
0xb0: {  	[tilespmem:s26], [sflag:$0x4] =	stream.indirect.gather [hbm4b:s4+s23], $0x80, s11, s23, $0xb8;
	[tilespmem:$0x1D000] =	vst v63  }
0xb1: {  	_ =	swait.ge [sflag:s28], $0x2000  }
0xb2: {  	[sflag:s28] =	ssyncset.done $0x0  }
0xb3: {  	s16 =	sadd.s32 $0x13F00, s6;
	[sflag:s28] =	ssyncadd.s32 $0xFFFFE000  }
0xb4: {  	[spmem:s2] =	stream.indirect.scatter.add.f32 [tilespmem:s24], [sflag:$0x5], $0x80, s16, s23, $0xb8;
	[tilespmem:$0x1D000] =	vst v63  }
0xb5: {  	_ =	swait.ge [sflag:s12], $0x200  }
0xb6: {  	[sflag:s12] =	ssyncset.done $0x0  }
0xb7: {  	[sflag:s12] =	ssyncadd.s32 $0xFFFFFE00  }
0xb8: {  	_ =	swait.ge [sflag:s29], $0x2000  }
0xb9: {  	[sflag:s29] =	ssyncset.done $0x0  }
0xba: {  	p0 =	sne.s32 s17, $0x13000;
	[sflag:s29] =	ssyncadd.s32 $0xFFFFE000  }
0xbb: {  	[tilespmem:s24], [sflag:$0x3] =	stream.indirect.gather [hbm4b:s4+s23], $0x80, s21, s23, $0xb8;
	[tilespmem:$0x1D000] =	vst v63  }
0xbc: {  	s6 =	sadd.s32 $0x13F80, s6;
	s15 =	smin.u32 s18, $0x90;
	_ =	swait.ge [sflag:s31], $0x2000  }
0xbd: {  	s14 =	sshll.u32 s15, $0x7;
	[sflag:s31] =	ssyncset.done $0x0;
	s16 =	rddreg [dreg:$0x3]  }
.Ltmp0:
0xbe: {  	[sflag:s31] =	ssyncadd.s32 $0xFFFFE000;
	s16 =	sadd.s32 s14, s16;
	(pc) =	sbr.rel @p0 .LBB2_2-.Ltmp0, $4  }
0xbf: {  	[spmem:s2] =	stream.indirect.scatter.add.f32 [tilespmem:s26], [sflag:$0x6], $0x80, s6, s23, $0xb8;
	[tilespmem:$0x1D000] =	vst v63  }
0xc0: {  	s6 =	sshrl.u32 s16, $0x3  }
0xc1: {  	s17 =	sadd.s32 $0x1000, s17;
	s6 =	sadd.s32 s6, s10  }
0xc2: {  	[tilespmem:s22], [sflag:$0x2] =	stream.linear.gather [hbm4b:s6+s3], $0x200, $0x38;
	[tilespmem:$0x1D000] =	vst v63  }
0xc3: {  	_ =	swait.ge [sflag:s0], $0x2000  }
0xc4: {  	[sflag:s0] =	ssyncset.done $0x0  }
0xc5: {  	[sflag:s0] =	ssyncadd.s32 $0xFFFFE000  }
0xc6: {  	[tilespmem:s26], [sflag:$0x4] =	stream.indirect.gather [hbm4b:s4+s23], $0x80, s25, s23, $0xb8;
	[tilespmem:$0x1D000] =	vst v63  }
0xc7: {  	_ =	swait.ge [sflag:s28], $0x2000  }
0xc8: {  	[sflag:s28] =	ssyncset.done $0x0  }
0xc9: {  	[sflag:s28] =	ssyncadd.s32 $0xFFFFE000  }
0xca: {  	_ =	swait.ge [sflag:s31], $0x2000  }
0xcb: {  	[sflag:s31] =	ssyncset.done $0x0  }
0xcc: {  	[sflag:s31] =	ssyncadd.s32 $0xFFFFE000  }
0xcd: {  	_ =	swait.ge [sflag:s1], $0x200  }
0xce: {  	[sflag:s1] =	ssyncset.done $0x0  }
0xcf: {  	[sflag:s1] =	ssyncadd.s32 $0xFFFFFE00  }
0xd0: {  	[bflag:$0x0] =	sbarrier.arrive $0xFFFF  }
0xd1: {  	s6 =	rddreg [dreg:$0xa]  }
0xd2: {  	s14 =	rddreg [dreg:$0x10]  }
0xd3: {  	s15 =	rddreg [dreg:$0x11]  }
0xd4: {  	[hbm:s6], [sflag:s14] =	dma.local [spmem:s15], $0x2780  }
0xd5: {  	_ =	swait.ge [sflag:s20], $0x2780  }
0xd6: {  	[sflag:s20] =	ssyncset.done $0x0  }
0xd7: {  	[sflag:s20] =	ssyncadd.s32 $0xFFFFD880  }
0xd8: {  	[bflag:$0x0] =	sbarrier.arrive $0xFFFF  }
0xd9: {  	s18 =	rddreg [dreg:$0x5]  }
0xda: {  	[spmem:s15], [sflag:s14] =	dma.local [hbm:s18], $0x2780  }
0xdb: {  	_ =	swait.ge [sflag:s20], $0x2780  }
0xdc: {  	[sflag:s20] =	ssyncset.done $0x0  }
0xdd: {  	s17 =	simm.s32 $0x0;
	s15 =	rddreg [dreg:$0xb];
	[sflag:s20] =	ssyncadd.s32 $0xFFFFD880  }
0xde: {  	[tilespmem:s21], [sflag:$0x7] =	stream.linear.gather [hbm4b:s15+s17], $0x200, $0x38;
	[tilespmem:$0x1D000] =	vst v63  }
0xdf: {  	_ =	swait.ge [sflag:s20], $0x200  }
0xe0: {  	[sflag:s20] =	ssyncset.done $0x0  }
0xe1: {  	s16 =	rddreg [dreg:$0xc];
	[sflag:s20] =	ssyncadd.s32 $0xFFFFFE00  }
0xe2: {  	[tilespmem:s22], [sflag:$0x2] =	stream.linear.gather [hbm4b:s16+s17], $0x200, $0x38;
	[tilespmem:$0x1D000] =	vst v63  }
0xe3: {  	[bflag:$0x0] =	sbarrier.arrive $0xFFFF  }
0xe4: {  	[tilespmem:s24], [sflag:$0x3] =	stream.indirect.gather [hbm4b:s4+s23], $0x80, s21, s23, $0xb8;
	[tilespmem:$0x1D000] =	vst v63  }
0xe5: {  	_ = 	snop  }
0xe6: {  	[tilespmem:s26], [sflag:$0x4] =	stream.indirect.gather [hbm4b:s4+s23], $0x80, s25, s23, $0xb8;
	[tilespmem:$0x1D000] =	vst v63  }
0xe7: {  	_ =	swait.ge [sflag:s28], $0x2000  }
0xe8: {  	[sflag:s28] =	ssyncset.done $0x0  }
0xe9: {  	s18 =	simm.s32 $0x13C00;
	[sflag:s28] =	ssyncadd.s32 $0xFFFFE000  }
0xea: {  	[spmem:s2] =	stream.indirect.scatter.add.f32 [tilespmem:s24], [sflag:$0x5], $0x80, s18, s23, $0xb8;
	[tilespmem:$0x1D000] =	vst v63  }
0xeb: {  	_ =	swait.ge [sflag:s29], $0x2000  }
0xec: {  	[sflag:s29] =	ssyncset.done $0x0  }
0xed: {  	[sflag:s29] =	ssyncadd.s32 $0xFFFFE000  }
0xee: {  	[tilespmem:s24], [sflag:$0x3] =	stream.indirect.gather [hbm4b:s4+s23], $0x80, s30, s23, $0xb8;
	[tilespmem:$0x1D000] =	vst v63  }
0xef: {  	_ =	swait.ge [sflag:s31], $0x2000  }
0xf0: {  	[sflag:s31] =	ssyncset.done $0x0  }
0xf1: {  	s14 =	simm.s32 $0x13C80;
	[sflag:s31] =	ssyncadd.s32 $0xFFFFE000  }
0xf2: {  	[spmem:s2] =	stream.indirect.scatter.add.f32 [tilespmem:s26], [sflag:$0x6], $0x80, s14, s23, $0xb8;
	[tilespmem:$0x1D000] =	vst v63  }
0xf3: {  	_ =	swait.ge [sflag:s0], $0x2000  }
0xf4: {  	[sflag:s0] =	ssyncset.done $0x0  }
0xf5: {  	[sflag:s0] =	ssyncadd.s32 $0xFFFFE000  }
0xf6: {  	[tilespmem:s26], [sflag:$0x4] =	stream.indirect.gather [hbm4b:s4+s23], $0x80, s19, s23, $0xb8;
	[tilespmem:$0x1D000] =	vst v63  }
0xf7: {  	_ =	swait.ge [sflag:s28], $0x2000  }
0xf8: {  	[sflag:s28] =	ssyncset.done $0x0  }
0xf9: {  	s15 =	simm.s32 $0x13D00;
	[sflag:s28] =	ssyncadd.s32 $0xFFFFE000  }
0xfa: {  	[spmem:s2] =	stream.indirect.scatter.add.f32 [tilespmem:s24], [sflag:$0x5], $0x80, s15, s23, $0xb8;
	[tilespmem:$0x1D000] =	vst v63  }
0xfb: {  	_ =	swait.ge [sflag:s1], $0x200  }
0xfc: {  	[sflag:s1] =	ssyncset.done $0x0  }
0xfd: {  	s16 =	smin.u32 s17, $0x94;
	[sflag:s1] =	ssyncadd.s32 $0xFFFFFE00  }
0xfe: {  	s6 =	sshll.u32 s16, $0x7;
	_ =	swait.ge [sflag:s29], $0x2000  }
0xff: {  	s18 =	sadd.s32 $0x400, s6;
	[sflag:s29] =	ssyncset.done $0x0  }
0x100: {  	s14 =	sand.u32 $0xFC00, s18;
	[sflag:s29] =	ssyncadd.s32 $0xFFFFE000  }
0x101: {  	[tilespmem:s24], [sflag:$0x3] =	stream.indirect.gather [hbm4b:s4+s23], $0x80, s22, s23, $0xb8;
	[tilespmem:$0x1D000] =	vst v63  }
0x102: {  	s6 =	sand.u32 $0x200, s6;
	s14 =	sadd.s32 s13, s14;
	_ =	swait.ge [sflag:s31], $0x2000  }
0x103: {  	s6 =	sor.u32 s6, s14;
	[sflag:s31] =	ssyncset.done $0x0  }
0x104: {  	s6 =	sshrl.u32 s6, $0x3;
	s15 =	simm.s32 $0x13D80;
	[sflag:s31] =	ssyncadd.s32 $0xFFFFE000  }
0x105: {  	[spmem:s2] =	stream.indirect.scatter.add.f32 [tilespmem:s26], [sflag:$0x6], $0x80, s15, s23, $0xb8;
	[tilespmem:$0x1D000] =	vst v63  }
0x106: {  	s6 =	sadd.s32 s5, s6  }
0x107: {  	[tilespmem:s21], [sflag:$0x1] =	stream.linear.gather [hbm4b:s6+s3], $0x200, $0x38;
	[tilespmem:$0x1D000] =	vst v63  }
0x108: {  	_ =	swait.ge [sflag:s0], $0x2000  }
0x109: {  	[sflag:s0] =	ssyncset.done $0x0  }
0x10a: {  	[sflag:s0] =	ssyncadd.s32 $0xFFFFE000  }
0x10b: {  	[tilespmem:s26], [sflag:$0x4] =	stream.indirect.gather [hbm4b:s4+s23], $0x80, s7, s23, $0xb8;
	[tilespmem:$0x1D000] =	vst v63  }
0x10c: {  	_ =	swait.ge [sflag:s28], $0x2000  }
0x10d: {  	[sflag:s28] =	ssyncset.done $0x0  }
0x10e: {  	s16 =	simm.s32 $0x13E00;
	[sflag:s28] =	ssyncadd.s32 $0xFFFFE000  }
0x10f: {  	[spmem:s2] =	stream.indirect.scatter.add.f32 [tilespmem:s24], [sflag:$0x5], $0x80, s16, s23, $0xb8;
	[tilespmem:$0x1D000] =	vst v63  }
0x110: {  	_ =	swait.ge [sflag:s29], $0x2000  }
0x111: {  	[sflag:s29] =	ssyncset.done $0x0  }
0x112: {  	[sflag:s29] =	ssyncadd.s32 $0xFFFFE000  }
0x113: {  	[tilespmem:s24], [sflag:$0x3] =	stream.indirect.gather [hbm4b:s4+s23], $0x80, s9, s23, $0xb8;
	[tilespmem:$0x1D000] =	vst v63  }
0x114: {  	_ =	swait.ge [sflag:s31], $0x2000  }
0x115: {  	[sflag:s31] =	ssyncset.done $0x0  }
0x116: {  	s18 =	simm.s32 $0x13E80;
	[sflag:s31] =	ssyncadd.s32 $0xFFFFE000  }
0x117: {  	[spmem:s2] =	stream.indirect.scatter.add.f32 [tilespmem:s26], [sflag:$0x6], $0x80, s18, s23, $0xb8;
	[tilespmem:$0x1D000] =	vst v63  }
0x118: {  	_ =	swait.ge [sflag:s0], $0x2000  }
0x119: {  	[sflag:s0] =	ssyncset.done $0x0  }
0x11a: {  	[sflag:s0] =	ssyncadd.s32 $0xFFFFE000  }
0x11b: {  	[tilespmem:s26], [sflag:$0x4] =	stream.indirect.gather [hbm4b:s4+s23], $0x80, s11, s23, $0xb8;
	[tilespmem:$0x1D000] =	vst v63  }
0x11c: {  	_ =	swait.ge [sflag:s28], $0x2000  }
0x11d: {  	[sflag:s28] =	ssyncset.done $0x0  }
0x11e: {  	s14 =	simm.s32 $0x13F00;
	[sflag:s28] =	ssyncadd.s32 $0xFFFFE000  }
0x11f: {  	[spmem:s2] =	stream.indirect.scatter.add.f32 [tilespmem:s24], [sflag:$0x5], $0x80, s14, s23, $0xb8;
	[tilespmem:$0x1D000] =	vst v63  }
0x120: {  	_ =	swait.ge [sflag:s12], $0x200  }
0x121: {  	[sflag:s12] =	ssyncset.done $0x0  }
0x122: {  	[sflag:s12] =	ssyncadd.s32 $0xFFFFFE00  }
0x123: {  	_ =	swait.ge [sflag:s29], $0x2000  }
0x124: {  	[sflag:s29] =	ssyncset.done $0x0  }
0x125: {  	[sflag:s29] =	ssyncadd.s32 $0xFFFFE000  }
0x126: {  	[tilespmem:s24], [sflag:$0x3] =	stream.indirect.gather [hbm4b:s4+s23], $0x80, s21, s23, $0xb8;
	[tilespmem:$0x1D000] =	vst v63  }
0x127: {  	s18 =	smin.u32 s17, $0x90;
	_ =	swait.ge [sflag:s31], $0x2000  }
0x128: {  	s14 =	sshll.u32 s18, $0x7;
	[sflag:s31] =	ssyncset.done $0x0;
	s15 =	rddreg [dreg:$0x4]  }
0x129: {  	s16 =	simm.s32 $0x13F80;
	[sflag:s31] =	ssyncadd.s32 $0xFFFFE000;
	s6 =	sadd.s32 s14, s15  }
0x12a: {  	[spmem:s2] =	stream.indirect.scatter.add.f32 [tilespmem:s26], [sflag:$0x6], $0x80, s16, s23, $0xb8;
	[tilespmem:$0x1D000] =	vst v63  }
0x12b: {  	s6 =	sshrl.u32 s6, $0x3  }
0x12c: {  	s18 =	simm.s32 $0x1000;
	s6 =	sadd.s32 s6, s10  }
0x12d: {  	[tilespmem:s22], [sflag:$0x2] =	stream.linear.gather [hbm4b:s6+s3], $0x200, $0x38;
	[tilespmem:$0x1D000] =	vst v63  }
.LBB2_4:
0x12e: {  	_ =	swait.ge [sflag:s0], $0x2000  }
0x12f: {  	[sflag:s0] =	ssyncset.done $0x0  }
0x130: {  	[sflag:s0] =	ssyncadd.s32 $0xFFFFE000  }
0x131: {  	[tilespmem:s26], [sflag:$0x4] =	stream.indirect.gather [hbm4b:s4+s23], $0x80, s25, s23, $0xb8;
	[tilespmem:$0x1D000] =	vst v63  }
0x132: {  	s6 =	smov.u32 s18;
	_ =	swait.ge [sflag:s28], $0x2000  }
0x133: {  	s6 =	sshra.s32 s6, $0x2;
	[sflag:s28] =	ssyncset.done $0x0  }
0x134: {  	s14 =	sadd.s32 $0x13C00, s6;
	[sflag:s28] =	ssyncadd.s32 $0xFFFFE000  }
0x135: {  	[spmem:s2] =	stream.indirect.scatter.add.f32 [tilespmem:s24], [sflag:$0x5], $0x80, s14, s23, $0xb8;
	[tilespmem:$0x1D000] =	vst v63  }
0x136: {  	_ =	swait.ge [sflag:s29], $0x2000  }
0x137: {  	[sflag:s29] =	ssyncset.done $0x0  }
0x138: {  	[sflag:s29] =	ssyncadd.s32 $0xFFFFE000  }
0x139: {  	[tilespmem:s24], [sflag:$0x3] =	stream.indirect.gather [hbm4b:s4+s23], $0x80, s30, s23, $0xb8;
	[tilespmem:$0x1D000] =	vst v63  }
0x13a: {  	_ =	swait.ge [sflag:s31], $0x2000  }
0x13b: {  	[sflag:s31] =	ssyncset.done $0x0  }
0x13c: {  	s15 =	sadd.s32 $0x13C80, s6;
	[sflag:s31] =	ssyncadd.s32 $0xFFFFE000  }
0x13d: {  	[spmem:s2] =	stream.indirect.scatter.add.f32 [tilespmem:s26], [sflag:$0x6], $0x80, s15, s23, $0xb8;
	[tilespmem:$0x1D000] =	vst v63  }
0x13e: {  	_ =	swait.ge [sflag:s0], $0x2000  }
0x13f: {  	[sflag:s0] =	ssyncset.done $0x0  }
0x140: {  	[sflag:s0] =	ssyncadd.s32 $0xFFFFE000  }
0x141: {  	[tilespmem:s26], [sflag:$0x4] =	stream.indirect.gather [hbm4b:s4+s23], $0x80, s19, s23, $0xb8;
	[tilespmem:$0x1D000] =	vst v63  }
0x142: {  	_ =	swait.ge [sflag:s28], $0x2000  }
0x143: {  	[sflag:s28] =	ssyncset.done $0x0  }
0x144: {  	s16 =	sadd.s32 $0x13D00, s6;
	[sflag:s28] =	ssyncadd.s32 $0xFFFFE000  }
0x145: {  	[spmem:s2] =	stream.indirect.scatter.add.f32 [tilespmem:s24], [sflag:$0x5], $0x80, s16, s23, $0xb8;
	[tilespmem:$0x1D000] =	vst v63  }
0x146: {  	_ =	swait.ge [sflag:s1], $0x200  }
0x147: {  	s17 =	sadd.s32 $0x8, s17;
	[sflag:s1] =	ssyncset.done $0x0  }
0x148: {  	s15 =	smin.u32 s17, $0x94;
	[sflag:s1] =	ssyncadd.s32 $0xFFFFFE00  }
0x149: {  	s14 =	sshll.u32 s15, $0x7;
	_ =	swait.ge [sflag:s29], $0x2000  }
0x14a: {  	s15 =	sadd.s32 $0x400, s14;
	[sflag:s29] =	ssyncset.done $0x0  }
0x14b: {  	s15 =	sand.u32 $0xFC00, s15;
	[sflag:s29] =	ssyncadd.s32 $0xFFFFE000  }
0x14c: {  	[tilespmem:s24], [sflag:$0x3] =	stream.indirect.gather [hbm4b:s4+s23], $0x80, s22, s23, $0xb8;
	[tilespmem:$0x1D000] =	vst v63  }
0x14d: {  	s14 =	sand.u32 $0x200, s14;
	s15 =	sadd.s32 s13, s15;
	_ =	swait.ge [sflag:s31], $0x2000  }
0x14e: {  	s14 =	sor.u32 s14, s15;
	[sflag:s31] =	ssyncset.done $0x0  }
0x14f: {  	s14 =	sshrl.u32 s14, $0x3;
	s16 =	sadd.s32 $0x13D80, s6;
	[sflag:s31] =	ssyncadd.s32 $0xFFFFE000  }
0x150: {  	[spmem:s2] =	stream.indirect.scatter.add.f32 [tilespmem:s26], [sflag:$0x6], $0x80, s16, s23, $0xb8;
	[tilespmem:$0x1D000] =	vst v63  }
0x151: {  	s14 =	sadd.s32 s5, s14  }
0x152: {  	[tilespmem:s21], [sflag:$0x1] =	stream.linear.gather [hbm4b:s14+s3], $0x200, $0x38;
	[tilespmem:$0x1D000] =	vst v63  }
0x153: {  	_ =	swait.ge [sflag:s0], $0x2000  }
0x154: {  	[sflag:s0] =	ssyncset.done $0x0  }
0x155: {  	[sflag:s0] =	ssyncadd.s32 $0xFFFFE000  }
0x156: {  	[tilespmem:s26], [sflag:$0x4] =	stream.indirect.gather [hbm4b:s4+s23], $0x80, s7, s23, $0xb8;
	[tilespmem:$0x1D000] =	vst v63  }
0x157: {  	_ =	swait.ge [sflag:s28], $0x2000  }
0x158: {  	[sflag:s28] =	ssyncset.done $0x0  }
0x159: {  	s16 =	sadd.s32 $0x13E00, s6;
	[sflag:s28] =	ssyncadd.s32 $0xFFFFE000  }
0x15a: {  	[spmem:s2] =	stream.indirect.scatter.add.f32 [tilespmem:s24], [sflag:$0x5], $0x80, s16, s23, $0xb8;
	[tilespmem:$0x1D000] =	vst v63  }
0x15b: {  	_ =	swait.ge [sflag:s29], $0x2000  }
0x15c: {  	[sflag:s29] =	ssyncset.done $0x0  }
0x15d: {  	[sflag:s29] =	ssyncadd.s32 $0xFFFFE000  }
0x15e: {  	[tilespmem:s24], [sflag:$0x3] =	stream.indirect.gather [hbm4b:s4+s23], $0x80, s9, s23, $0xb8;
	[tilespmem:$0x1D000] =	vst v63  }
0x15f: {  	_ =	swait.ge [sflag:s31], $0x2000  }
0x160: {  	[sflag:s31] =	ssyncset.done $0x0  }
0x161: {  	s15 =	sadd.s32 $0x13E80, s6;
	[sflag:s31] =	ssyncadd.s32 $0xFFFFE000  }
0x162: {  	[spmem:s2] =	stream.indirect.scatter.add.f32 [tilespmem:s26], [sflag:$0x6], $0x80, s15, s23, $0xb8;
	[tilespmem:$0x1D000] =	vst v63  }
0x163: {  	_ =	swait.ge [sflag:s0], $0x2000  }
0x164: {  	[sflag:s0] =	ssyncset.done $0x0  }
0x165: {  	[sflag:s0] =	ssyncadd.s32 $0xFFFFE000  }
0x166: {  	[tilespmem:s26], [sflag:$0x4] =	stream.indirect.gather [hbm4b:s4+s23], $0x80, s11, s23, $0xb8;
	[tilespmem:$0x1D000] =	vst v63  }
0x167: {  	_ =	swait.ge [sflag:s28], $0x2000  }
0x168: {  	[sflag:s28] =	ssyncset.done $0x0  }
0x169: {  	s16 =	sadd.s32 $0x13F00, s6;
	[sflag:s28] =	ssyncadd.s32 $0xFFFFE000  }
0x16a: {  	[spmem:s2] =	stream.indirect.scatter.add.f32 [tilespmem:s24], [sflag:$0x5], $0x80, s16, s23, $0xb8;
	[tilespmem:$0x1D000] =	vst v63  }
0x16b: {  	_ =	swait.ge [sflag:s12], $0x200  }
0x16c: {  	[sflag:s12] =	ssyncset.done $0x0  }
0x16d: {  	[sflag:s12] =	ssyncadd.s32 $0xFFFFFE00  }
0x16e: {  	_ =	swait.ge [sflag:s29], $0x2000  }
0x16f: {  	[sflag:s29] =	ssyncset.done $0x0  }
0x170: {  	p0 =	sne.s32 s18, $0x13000;
	[sflag:s29] =	ssyncadd.s32 $0xFFFFE000  }
0x171: {  	[tilespmem:s24], [sflag:$0x3] =	stream.indirect.gather [hbm4b:s4+s23], $0x80, s21, s23, $0xb8;
	[tilespmem:$0x1D000] =	vst v63  }
0x172: {  	s6 =	sadd.s32 $0x13F80, s6;
	s15 =	smin.u32 s17, $0x90;
	_ =	swait.ge [sflag:s31], $0x2000  }
0x173: {  	s14 =	sshll.u32 s15, $0x7;
	[sflag:s31] =	ssyncset.done $0x0;
	s16 =	rddreg [dreg:$0x4]  }
.Ltmp1:
0x174: {  	[sflag:s31] =	ssyncadd.s32 $0xFFFFE000;
	s16 =	sadd.s32 s14, s16;
	(pc) =	sbr.rel @p0 .LBB2_4-.Ltmp1, $4  }
0x175: {  	[spmem:s2] =	stream.indirect.scatter.add.f32 [tilespmem:s26], [sflag:$0x6], $0x80, s6, s23, $0xb8;
	[tilespmem:$0x1D000] =	vst v63  }
0x176: {  	s6 =	sshrl.u32 s16, $0x3  }
0x177: {  	s18 =	sadd.s32 $0x1000, s18;
	s6 =	sadd.s32 s6, s10  }
0x178: {  	[tilespmem:s22], [sflag:$0x2] =	stream.linear.gather [hbm4b:s6+s3], $0x200, $0x38;
	[tilespmem:$0x1D000] =	vst v63  }
0x179: {  	_ =	swait.ge [sflag:s0], $0x2000  }
0x17a: {  	[sflag:s0] =	ssyncset.done $0x0  }
0x17b: {  	[sflag:s0] =	ssyncadd.s32 $0xFFFFE000  }
0x17c: {  	[tilespmem:s26], [sflag:$0x4] =	stream.indirect.gather [hbm4b:s4+s23], $0x80, s25, s23, $0xb8;
	[tilespmem:$0x1D000] =	vst v63  }
0x17d: {  	_ =	swait.ge [sflag:s28], $0x2000  }
0x17e: {  	[sflag:s28] =	ssyncset.done $0x0  }
0x17f: {  	[sflag:s28] =	ssyncadd.s32 $0xFFFFE000  }
0x180: {  	_ =	swait.ge [sflag:s31], $0x2000  }
0x181: {  	[sflag:s31] =	ssyncset.done $0x0  }
0x182: {  	[sflag:s31] =	ssyncadd.s32 $0xFFFFE000  }
0x183: {  	_ =	swait.ge [sflag:s1], $0x200  }
0x184: {  	[sflag:s1] =	ssyncset.done $0x0  }
0x185: {  	[sflag:s1] =	ssyncadd.s32 $0xFFFFFE00  }
0x186: {  	[bflag:$0x0] =	sbarrier.arrive $0xFFFF  }
0x187: {  	s6 =	rddreg [dreg:$0xd]  }
0x188: {  	s14 =	rddreg [dreg:$0x10]  }
0x189: {  	s15 =	rddreg [dreg:$0x11]  }
0x18a: {  	[hbm:s6], [sflag:s14] =	dma.local [spmem:s15], $0x2780  }
0x18b: {  	_ =	swait.ge [sflag:s20], $0x2780  }
0x18c: {  	s17 =	rddreg [dreg:$0xf]  }
0x18d: {  	s18 =	rddreg [dreg:$0xe];
	s14 =	sadd.s32 $0x1, s17  }
0x18e: {  	p0 =	sne.s32 s14, s18  }
.Ltmp2:
0x18f: {  	_ = 	snop;
	(pc) =	sbr.rel @p0 .LBB2_1-.Ltmp2, $3  }
0x190: {  	[sflag:s20] =	ssyncset.done $0x0  }
0x191: {  	[sflag:s20] =	ssyncadd.s32 $0xFFFFD880  }
0x192: {  	[bflag:$0x0] =	sbarrier.arrive $0xFFFF;
	_ =	sdelay $0x1  }
0x193: {  	_ =	sfence.sel $0x180000  }
0x194: {  	[bflag:$0x0] =	sbarrier.arrive $0xFFFF  }
0x195: {  	_ =	strace $0x9000004A  }
0x196: {  	s0 =	stileid.u32;
	[bflag:$0x2] =	sbarrier.arrive $0xFFFF  }
0x197: {  	p0 =	sne.s32 s0, $0x0;
	s0 =	rddreg [dreg:$0x2]  }
0x198: {  	s0 =	sadd.s32 @!p0 $0x100000, s0  }
0x199: {  	[sflag:s0] =	ssyncadd.tile.s32 @!p0 $0x1;
	_ =	shalt  }
.Lfunc_end2:
_tile_overlayer_lowered:
.L_overlay_start_2:
0x19a: {  	(tag) =	ssettag $0x2  }
0x19b: {  	s0 =	rddreg [dreg:$0x0];
	s2 =	stileid.u32  }
0x19c: {  	s1 =	rddreg [dreg:$0x1];
	p0 =	sne.s32 s2, $0x0  }
0x19d: {  	s3 =	rddreg [dreg:$0x2];
	[bflag:$0x3] =	sbarrier.arrive $0xFFFF;
	s2 =	simm.s32 @!p0 $0x1C07  }
0x19e: {  	[timem:s3], [sflag:s2] =	dma.local @!p0 [hbm:s0], s1  }
0x19f: {  	s0 =	simm.s32 @!p0 $0x7  }
0x1a0: {  	_ =	swait.ge @!p0 [sflag:s0], s1  }
0x1a1: {  	s1 =	ssub.s32 @!p0 $0x0, s1;
	[sflag:s0] =	ssyncset.done @!p0 $0x0  }
0x1a2: {  	[sflag:s0] =	ssyncadd.s32 @!p0 s1  }
0x1a3: {  	[bflag:$0x3] =	sbarrier.arrive $0xFFFF  }
0x1a4: {  	_ =	shalt  }

// kernel: kernel.15.cloned.1.call-start
scs
__scs_entry_jumppad:
0x0: {  	(pc) =	sbr.rel $0x88, $3  }
0x1: {  	(tag) =	ssettag $0x0;
	lr =	simm.s32 $0x1  }
0x2: {  	[smem:$0x3F91] =	sst lr;
	_ =	strace $0xD0000000  }
0x3: {  	_ = 	snop  }
0x4: {  	_ = 	snop  }
0x5: {  	_ = 	snop  }
0x6: {  	_ = 	snop  }
0x7: {  	_ = 	snop  }
__scs_overlays_trampoline_lowered:
0x8: {  	[smem:$0x3FA0] =	sst s0  }
0x9: {  	[smem:$0x3FA1] =	sst s1  }
0xa: {  	[smem:$0x3FA2] =	sst s2  }
0xb: {  	[smem:$0x3FA3] =	sst s3  }
0xc: {  	[smem:$0x3FA4] =	sst s4  }
0xd: {  	[smem:$0x3FA5] =	sst s5  }
0xe: {  	[smem:$0x3FA6] =	sst s6  }
0xf: {  	[smem:$0x3FA7] =	sst s7  }
0x10: {  	[smem:$0x3FA8] =	sst s8  }
0x11: {  	[smem:$0x3FA9] =	sst s9;
	s0 =	simm.s32 @!p0 $0x0  }
0x12: {  	s1 =	sld [smem:$0x3F8F];
	s0 =	simm.s32 @p0 $0x1  }
0x13: {  	[smem:$0x3FAA] =	sst s0;
	s0 =	simm.s32 @!p1 $0x0  }
0x14: {  	s2 =	sld [smem:$0x3F8E];
	s0 =	simm.s32 @p1 $0x1  }
0x15: {  	[smem:$0x3FAB] =	sst s0;
	s0 =	simm.s32 @!p2 $0x0  }
0x16: {  	s3 =	sld [smem:$0x3FDB];
	s0 =	simm.s32 @p2 $0x1  }
0x17: {  	s4 =	simm.s32 $0x1BF5;
	[smem:$0x3FAD] =	sst s0  }
0x18: {  	s0 =	sld [smem:$0x3F90];
	_ =	swait.ge [sflag:s4], $0x0  }
0x19: {  	s7 =	sld [smem:$0x3F91]  }
0x1a: {  	s8 =	sadd.s32 $0xFFFFE003, lr  }
0x1b: {  	s9 =	sadd.s32 $0xFFFFFEF7, lr;
	s5 =	simm.s32 $0xFFFFFFFF;
	p2 =	slt.u32 s8, $0xFFFFF086  }
0x1c: {  	p1 =	slt.u32 s9, $0xF7A;
	s5 =	simm.s32 @!p2 $0x0  }
0x1d: {  	s5 =	simm.s32 @p1 $0x1;
	p0 =	seq.s32 s7, s2  }
0x1e: {  	s7 =	smul.u32 @!p0 $0xF7A, s2;
	p2 =	seq.s32 @!p0 s5, $0x0  }
0x1f: {  	s9 =	smul.u32 $0xF7A, s1;
	s8 =	simm.s32 @!p0 $0x1BF5;
	p2 =	por !p2, p0  }
0x20: {  	[sflag:s8] =	ssyncset.s32 @!p0 $0xFFFFF086;
	s6 =	sadd.s32 @!p0 s3, s7;
	s7 =	simm.s32 @!p0 $0x108  }
0x21: {  	s3 =	sadd.s32 s3, s9;
	s6 =	sadd.s32 @!p0 $0x88, s6;
	s7 =	simm.s32 @p2 $0x1082  }
0x22: {  	[simem:s7], [sflag:s8] =	dma.local @!p0 [hbm:s6], $0xF7A  }
0x23: {  	s9 =	sor.u32 $0xD0000000, s2;
	s6 =	simm.s32 $0x108;
	_ =	swait.ge @!p0 [sflag:s8], $0x0  }
0x24: {  	s3 =	sadd.s32 $0x88, s3;
	s6 =	simm.s32 @!p1 $0x1082;
	[sflag:s4] =	ssyncset.s32 $0xFFFFF086  }
0x25: {  	[simem:s6], [sflag:s4] =	dma.local [hbm:s3], $0xF7A  }
0x26: {  	[smem:$0x3F91] =	sst s1;
	(tag) =	ssettag s2;
	_ =	strace s9  }
0x27: {  	s1 =	sld [smem:$0x3FA1]  }
0x28: {  	s2 =	sld [smem:$0x3FA2]  }
0x29: {  	s4 =	sld [smem:$0x3FA4]  }
0x2a: {  	p0 =	seq.s32 s5, $0x0;
	s5 =	sld [smem:$0x3FA5]  }
0x2b: {  	s6 =	sld [smem:$0x3FA6]  }
0x2c: {  	s7 =	sld [smem:$0x3FA7]  }
0x2d: {  	s3 =	simm.s32 $0x108;
	s8 =	sld [smem:$0x3FA8]  }
0x2e: {  	s3 =	simm.s32 @!p0 $0x1082;
	s9 =	sld [smem:$0x3FA9]  }
0x2f: {  	lr =	sadd.s32 s0, s3;
	s0 =	sld [smem:$0x3FA0]  }
0x30: {  	s3 =	sld [smem:$0x3FA3]  }
0x31: {  	[smem:$0x3FAC] =	sst s10  }
0x32: {  	s10 =	sld [smem:$0x3FAA];
	_ =	sdelay $0x3  }
0x33: {  	p0 =	seq.s32 s10, $0x1;
	s10 =	sld [smem:$0x3FAC];
	_ =	sdelay $0x3  }
0x34: {  	[smem:$0x3FAC] =	sst s10  }
0x35: {  	s10 =	sld [smem:$0x3FAB];
	_ =	sdelay $0x3  }
0x36: {  	p1 =	seq.s32 s10, $0x1;
	s10 =	sld [smem:$0x3FAC];
	_ =	sdelay $0x3  }
0x37: {  	[smem:$0x3FAC] =	sst s10  }
0x38: {  	s10 =	sld [smem:$0x3FAD]  }
0x39: {  	_ = 	snop;
	(pc) =	sbr.ind lr, $3  }
0x3a: {  	_ = 	snop  }
0x3b: {  	_ = 	snop  }
0x3c: {  	p2 =	seq.s32 s10, $0x1;
	s10 =	sld [smem:$0x3FAC]  }
0x3d: {  	_ =	shalt  }
0x3e: {  	_ =	shalt  }
0x3f: {  	_ =	shalt  }
0x40: {  	_ =	shalt  }
0x41: {  	_ =	shalt  }
0x42: {  	_ =	shalt  }
0x43: {  	_ =	shalt  }
0x44: {  	_ =	shalt  }
0x45: {  	_ =	shalt  }
0x46: {  	_ =	shalt  }
0x47: {  	_ =	shalt  }
0x48: {  	_ =	shalt  }
0x49: {  	_ =	shalt  }
0x4a: {  	_ =	shalt  }
0x4b: {  	_ =	shalt  }
0x4c: {  	_ =	shalt  }
0x4d: {  	_ =	shalt  }
0x4e: {  	_ =	shalt  }
0x4f: {  	_ =	shalt  }
0x50: {  	_ =	shalt  }
0x51: {  	_ =	shalt  }
0x52: {  	_ =	shalt  }
0x53: {  	_ =	shalt  }
0x54: {  	_ =	shalt  }
0x55: {  	_ =	shalt  }
0x56: {  	_ =	shalt  }
0x57: {  	_ =	shalt  }
0x58: {  	_ =	shalt  }
0x59: {  	_ =	shalt  }
0x5a: {  	_ =	shalt  }
0x5b: {  	_ =	shalt  }
0x5c: {  	_ =	shalt  }
0x5d: {  	_ =	shalt  }
0x5e: {  	_ =	shalt  }
0x5f: {  	_ =	shalt  }
0x60: {  	_ =	shalt  }
0x61: {  	_ =	shalt  }
0x62: {  	_ =	shalt  }
0x63: {  	_ =	shalt  }
0x64: {  	_ =	shalt  }
0x65: {  	_ =	shalt  }
0x66: {  	_ =	shalt  }
0x67: {  	_ =	shalt  }
0x68: {  	_ =	shalt  }
0x69: {  	_ =	shalt  }
0x6a: {  	_ =	shalt  }
0x6b: {  	_ =	shalt  }
0x6c: {  	_ =	shalt  }
0x6d: {  	_ =	shalt  }
0x6e: {  	_ =	shalt  }
0x6f: {  	_ =	shalt  }
0x70: {  	_ =	shalt  }
0x71: {  	_ =	shalt  }
0x72: {  	_ =	shalt  }
0x73: {  	_ =	shalt  }
0x74: {  	_ =	shalt  }
0x75: {  	_ =	shalt  }
0x76: {  	_ =	shalt  }
0x77: {  	_ =	shalt  }
0x78: {  	_ =	shalt  }
0x79: {  	_ =	shalt  }
0x7a: {  	_ =	shalt  }
0x7b: {  	_ =	shalt  }
0x7c: {  	_ =	shalt  }
0x7d: {  	_ =	shalt  }
0x7e: {  	_ =	shalt  }
0x7f: {  	_ =	shalt  }
0x80: {  	_ =	shalt  }
0x81: {  	_ =	shalt  }
0x82: {  	_ =	shalt  }
0x83: {  	_ =	shalt  }
0x84: {  	_ =	shalt  }
0x85: {  	_ =	shalt  }
0x86: {  	_ =	shalt  }
0x87: {  	_ =	shalt  }
.Lfunc_end0:
.L_simem_size_0:
called_computation.2_lowered:
.L_overlay_start_0:
0x88: {  	s2 =	sld [smem:$0x3FD9]  }
0x89: {  	s3 =	sld [smem:$0x3FFE];
	_ =	sdelay $0x1  }
0x8a: {  	s1 =	srdreg.scid  }
0x8b: {  	s0 =	sand.u32 $0x1, s1  }
0x8c: {  	s16 =	sshll.u32 s0, $0xA;
	s2 =	sadd.s32 s3, s2  }
0x8d: {  	s2 =	sadd.s32 s2, s16  }
0x8e: {  	[smem:$0x3FB8] =	sst s2  }
0x8f: {  	_ = 	snop  }
0x90: {  	(tm) =	ssettm $0x1  }
0x91: {  	s17 =	sld [smem:$0x3FFB];
	_ =	sdelay $0x3  }
0x92: {  	_ =	strace s17  }
0x93: {  	s2 =	sld [smem:$0x3FFC];
	_ =	sdelay $0x3  }
0x94: {  	_ =	strace s2  }
0x95: {  	s2 =	sld [smem:$0x3FFD];
	_ =	sdelay $0x3  }
0x96: {  	_ =	strace s2  }
0x97: {  	_ =	strace $0x8FFFFFFF  }
0x98: {  	s18 =	sld [smem:$0x3FDB];
	_ =	sdelay $0x1  }
0x99: {  	s19 =	simm.s32 $_scs_section_size  }
0x9a: {  	s4 =	simm.s32 $_size__tile_overlayer_lowered;
	s5 =	simm.s32 $_tile_overlayer_lowered  }
0x9b: {  	s22 =	simm.s32 $0x1BFF;
	s21 =	sshll.u32 s5, $0x1;
	s2 =	sadd.s32 s19, s18  }
0x9c: {  	s6 =	simm.s32 $0x0;
	s20 =	sshll.u32 s4, $0x1;
	s4 =	sadd.s32 s21, s2  }
0x9d: {  	[timem:s6], [sflag:s22] =	dma.local [hbm:s4], s20  }
0x9e: {  	_ =	swait.ge [sflag:s22], s20  }
0x9f: {  	s3 =	ssub.s32 $0x0, s20;
	[sflag:s22] =	ssyncset.done $0x0  }
0xa0: {  	[sflag:s22] =	ssyncadd.s32 s3;
	_ =	sdelay $0x1  }
0xa1: {  	s23 =	simm.s32 $0x1B8B  }
0xa2: {  	_ =	swait.ge [sflag:s23], $0x1  }
0xa3: {  	[sflag:s23] =	ssyncset.done $0x0  }
0xa4: {  	s25 =	simm.s32 $0x1B8E;
	s24 =	sld [smem:$0x3FFE];
	[sflag:s23] =	ssyncadd.s32 $0xFFFFFFFF  }
0xa5: {  	s26 =	simm.s32 $execute0_lowered;
	[smem:$0x3FD2] =	sst s25  }
0xa6: {  	s4 =	sshll.u32 s26, $0x1;
	_ =	strace $0x8000004C;
	[dreg:$0x1] =	wrdreg $0xFFFFFFFF  }
0xa7: {  	s28 =	simm.s32 $_size_execute0_lowered;
	s2 =	sadd.s32 s2, s4;
	[dreg:$0x0] =	wrdreg $0x0  }
0xa8: {  	s4 =	sshll.u32 s28, $0x1;
	[dreg:$0x2] =	wrdreg s2  }
0xa9: {  	[dreg:$0x3] =	wrdreg s4  }
0xaa: {  	[dreg:$0x4] =	wrdreg $0xC0  }
0xab: {  	_ =	task [dreg:s6], $0x5FFFF  }
0xac: {  	[dreg:$0x1] =	wrdreg $0xFFFFFFFF  }
0xad: {  	[dreg:$0x0] =	wrdreg $0x60  }
0xae: {  	[dreg:$0x2] =	wrdreg s24  }
0xaf: {  	[dreg:$0x3] =	wrdreg $0x0  }
0xb0: {  	[dreg:$0x4] =	wrdreg $0x9  }
0xb1: {  	_ =	task.clear_ibuf [dreg:s6], $0x5FFFF;
	_ =	strace $0x9000004C  }
0xb2: {  	s29 =	simm.s32 $0x9;
	_ =	strace $0x8000004E  }
0xb3: {  	_ =	swait.ge [sflag:s29], $0x1  }
0xb4: {  	[sflag:s29] =	ssyncadd.s32 $0xFFFFFFFF  }
0xb5: {  	_ =	strace $0x9000004E  }
0xb6: {  	_ =	sfence  }
0xb7: {  	s30 =	sld [smem:$0x0];
	_ =	sdelay $0x2  }
0xb8: {  	s31 =	sshll.u32 s1, $0xD;
	s1 =	sshrl.u32 s1, $0x2  }
0xb9: {  	s3 =	sand.u32 $0x4000, s31;
	s1 =	sadd.s32 s1, s30  }
0xba: {  	s0 =	sor.u32 s3, s0;
	s1 =	sshll.u32 s1, $0x11  }
0xbb: {  	s0 =	sor.u32 s1, s0  }
0xbc: {  	s0 =	sadd.s32 $0x8F2B, s0  }
0xbd: {  	[sflag:s0] =	ssyncadd.remote.s32 $0x1  }
0xbe: {  	_ =	sfence.sel $0xFFFF  }
0xbf: {  	[dreg:$0x0] =	wrdreg $0xFFFFFFFF;
	(pc) =	sbr.abs _section_cstart, $3  }
0xc0: {  	[dreg:$0x1] =	wrdreg $0xFFFFFFFF  }
0xc1: {  	_ =	task.clear_ibuf [dreg:s6], $0x2FFFF;
	_ =	strace $0x9FFFFFFF  }
0xc2: {  	(tm) =	ssettm $0x7FFFFFFF  }
0xc3: {  	_ =	shalt  }
tec
execute0_lowered:
.L_overlay_start_1:
0x0: {  	(tag) =	ssettag $0x1  }
0x1: {  	s0 =	rddreg [dreg:$0x0]  }
0x2: {  	s2 =	rddreg [dreg:$0x1]  }
0x3: {  	s3 =	simm.s32 $0x0;
	s13 =	stileid.u32;
	s6 =	srdreg.scid  }
0x4: {  	s28 =	simm.s32 $0x3;
	s29 =	simm.s32 $0x5;
	s30 =	simm.s32 $0x18D00  }
0x5: {  	s31 =	simm.s32 $0x4;
	[smem:$0x7FF] =	sst s3;
	s1 =	smul.u32 $0x5000, s13  }
0x6: {  	s4 =	sadd.s32 $0x72C00, s0;
	s5 =	sadd.s32 $0x110C00, s0;
	s9 =	smul.u32 $0x4F000, s13  }
0x7: {  	s6 =	sand.u32 $0x1, s6;
	s26 =	sadd.s32 $0x138C00, s0;
	s15 =	smul.u32 $0x278, s13  }
0x8: {  	s12 =	sadd.s32 $0x70400, s0;
	_ =	strace $0x8000004D;
	s11 =	smul.u32 $0x50000, s6  }
0x9: {  	s8 =	ssub.s32 $0x2, s6;
	s17 =	smul.u32 $0x2780, s6;
	s6 =	sor.u32 $0x2, s6  }
0xa: {  	[dreg:$0x5] =	wrdreg s12;
	s12 =	simm.s32 $0x1;
	s19 =	smul.u32 $0x50000, s6  }
0xb: {  	s7 =	sshrl.u32 s1, $0x3;
	s10 =	sshrl.u32 s8, $0x1;
	s6 =	smul.u32 $0x2780, s6  }
0xc: {  	s7 =	sadd.s32 s7, s0;
	s14 =	ssub.s32 s8, s10;
	s10 =	sshrl.u32 s9, $0x2  }
0xd: {  	s8 =	sadd.s32 s1, s11;
	s9 =	simm.s32 $0x18F00;
	s11 =	simm.s32 $0x18F80  }
0xe: {  	s7 =	sadd.s32 $0x4200, s7;
	s16 =	sshrl.u32 s8, $0x3;
	s20 =	sor.u32 $0x400, s8  }
0xf: {  	s13 =	sadd.s32 s1, s19;
	s22 =	sadd.s32 s15, s6;
	s19 =	simm.s32 $0x18D80  }
0x10: {  	[dreg:$0x6] =	wrdreg s7;
	s7 =	sadd.s32 s10, s2;
	s10 =	sadd.s32 $0x110C40, s0  }
0x11: {  	s18 =	sadd.s32 s5, s16;
	s0 =	sadd.s32 s15, s17;
	[dreg:$0x3] =	wrdreg s20  }
0x12: {  	s21 =	sshrl.u32 s13, $0x3;
	s24 =	sor.u32 $0x400, s13;
	[dreg:$0x7] =	wrdreg s7  }
0x13: {  	s1 =	sshll.u32 s22, $0x4;
	s20 =	simm.s32 $0x7;
	[dreg:$0x8] =	wrdreg s18  }
0x14: {  	s22 =	simm.s32 $0x18E00;
	s7 =	sadd.s32 s16, s10;
	[dreg:$0x4] =	wrdreg s24  }
0x15: {  	s0 =	sshll.u32 s0, $0x4;
	s23 =	sadd.s32 s5, s21;
	[dreg:$0x9] =	wrdreg s7  }
0x16: {  	s25 =	sadd.s32 s26, s1;
	s24 =	simm.s32 $0x19000;
	[dreg:$0xb] =	wrdreg s23  }
0x17: {  	s1 =	simm.s32 $0x2;
	s0 =	sadd.s32 s26, s0;
	[dreg:$0xd] =	wrdreg s25  }
0x18: {  	s26 =	smax.u32 s14, $0x1;
	s23 =	simm.s32 $0x40;
	s25 =	simm.s32 $0x18C80  }
0x19: {  	s7 =	simm.s32 $0x18E80;
	s14 =	simm.s32 $0x0;
	[dreg:$0xa] =	wrdreg s0  }
0x1a: {  	s0 =	sadd.s32 s21, s10;
	[dreg:$0xe] =	wrdreg s26;
	s21 =	simm.s32 $0x18C00  }
0x1b: {  	s26 =	simm.s32 $0x1B000;
	[dreg:$0xc] =	wrdreg s0;
	s0 =	simm.s32 $0x6  }
.LBB2_1:
0x1c: {  	[dreg:$0xf] =	wrdreg s14  }
0x1d: {  	s6 =	rddreg [dreg:$0x6];
	s18 =	simm.s32 $0x13C00  }
0x1e: {  	[tilespmem:s18], [sflag:$0x7] =	stream.linear.gather [hbm4b:s6+s3], $0x5000, $0x38;
	[tilespmem:$0x1D000] =	vst v63  }
0x1f: {  	s15 =	stileid.u32;
	_ =	swait.ge [sflag:s20], $0x5000  }
0x20: {  	s6 =	sshll.u32 s15, $0x6;
	s17 =	rddreg [dreg:$0x7]  }
0x21: {  	s16 =	sor.u32 $0x1C07, s6;
	s18 =	rddreg [dreg:$0x5]  }
0x22: {  	[sflag:s20] =	ssyncset.done $0x0;
	[dreg:$0x10] =	wrdreg s16;
	s15 =	sshrl.u32 s17, $0x3  }
0x23: {  	[sflag:s20] =	ssyncadd.s32 $0xFFFFB000;
	[dreg:$0x11] =	wrdreg s15  }
0x24: {  	[spmem:s15], [sflag:s16] =	dma.local [hbm:s18], $0x2780  }
0x25: {  	_ =	swait.ge [sflag:s20], $0x2780  }
0x26: {  	[sflag:s20] =	ssyncset.done $0x0  }
0x27: {  	s15 =	rddreg [dreg:$0x8];
	[sflag:s20] =	ssyncadd.s32 $0xFFFFD880  }
0x28: {  	[tilespmem:s21], [sflag:$0x7] =	stream.linear.gather [hbm4b:s15+s3], $0x200, $0x38;
	[tilespmem:$0x1D000] =	vst v63  }
0x29: {  	_ =	swait.ge [sflag:s20], $0x200  }
0x2a: {  	[sflag:s20] =	ssyncset.done $0x0  }
0x2b: {  	s16 =	rddreg [dreg:$0x9];
	[sflag:s20] =	ssyncadd.s32 $0xFFFFFE00  }
0x2c: {  	[tilespmem:s22], [sflag:$0x2] =	stream.linear.gather [hbm4b:s16+s3], $0x200, $0x38;
	[tilespmem:$0x1D000] =	vst v63  }
0x2d: {  	[bflag:$0x0] =	sbarrier.arrive $0xFFFF  }
0x2e: {  	[tilespmem:s24], [sflag:$0x3] =	stream.indirect.gather [hbm4b:s4+s23], $0x80, s21, s23, $0xb8;
	[tilespmem:$0x1D000] =	vst v63  }
0x2f: {  	_ = 	snop  }
0x30: {  	[tilespmem:s26], [sflag:$0x4] =	stream.indirect.gather [hbm4b:s4+s23], $0x80, s25, s23, $0xb8;
	[tilespmem:$0x1D000] =	vst v63  }
0x31: {  	_ =	swait.ge [sflag:s28], $0x2000  }
0x32: {  	[sflag:s28] =	ssyncset.done $0x0  }
0x33: {  	s17 =	simm.s32 $0x13C00;
	[sflag:s28] =	ssyncadd.s32 $0xFFFFE000  }
0x34: {  	[spmem:s2] =	stream.indirect.scatter.add.f32 [tilespmem:s24], [sflag:$0x5], $0x80, s17, s23, $0xb8;
	[tilespmem:$0x1D000] =	vst v63  }
0x35: {  	_ =	swait.ge [sflag:s29], $0x2000  }
0x36: {  	[sflag:s29] =	ssyncset.done $0x0  }
0x37: {  	[sflag:s29] =	ssyncadd.s32 $0xFFFFE000  }
0x38: {  	[tilespmem:s24], [sflag:$0x3] =	stream.indirect.gather [hbm4b:s4+s23], $0x80, s30, s23, $0xb8;
	[tilespmem:$0x1D000] =	vst v63  }
0x39: {  	_ =	swait.ge [sflag:s31], $0x2000  }
0x3a: {  	[sflag:s31] =	ssyncset.done $0x0  }
0x3b: {  	s18 =	simm.s32 $0x13C80;
	[sflag:s31] =	ssyncadd.s32 $0xFFFFE000  }
0x3c: {  	[spmem:s2] =	stream.indirect.scatter.add.f32 [tilespmem:s26], [sflag:$0x6], $0x80, s18, s23, $0xb8;
	[tilespmem:$0x1D000] =	vst v63  }
0x3d: {  	_ =	swait.ge [sflag:s0], $0x2000  }
0x3e: {  	[sflag:s0] =	ssyncset.done $0x0  }
0x3f: {  	[sflag:s0] =	ssyncadd.s32 $0xFFFFE000  }
0x40: {  	[tilespmem:s26], [sflag:$0x4] =	stream.indirect.gather [hbm4b:s4+s23], $0x80, s19, s23, $0xb8;
	[tilespmem:$0x1D000] =	vst v63  }
0x41: {  	_ =	swait.ge [sflag:s28], $0x2000  }
0x42: {  	[sflag:s28] =	ssyncset.done $0x0  }
0x43: {  	s14 =	simm.s32 $0x13D00;
	[sflag:s28] =	ssyncadd.s32 $0xFFFFE000  }
0x44: {  	[spmem:s2] =	stream.indirect.scatter.add.f32 [tilespmem:s24], [sflag:$0x5], $0x80, s14, s23, $0xb8;
	[tilespmem:$0x1D000] =	vst v63  }
0x45: {  	_ =	swait.ge [sflag:s1], $0x200  }
0x46: {  	[sflag:s1] =	ssyncset.done $0x0  }
0x47: {  	s15 =	smin.u32 s3, $0x94;
	[sflag:s1] =	ssyncadd.s32 $0xFFFFFE00  }
0x48: {  	s6 =	sshll.u32 s15, $0x7;
	_ =	swait.ge [sflag:s29], $0x2000  }
0x49: {  	s17 =	sadd.s32 $0x400, s6;
	[sflag:s29] =	ssyncset.done $0x0  }
0x4a: {  	s17 =	sand.u32 $0xFC00, s17;
	[sflag:s29] =	ssyncadd.s32 $0xFFFFE000  }
0x4b: {  	[tilespmem:s24], [sflag:$0x3] =	stream.indirect.gather [hbm4b:s4+s23], $0x80, s22, s23, $0xb8;
	[tilespmem:$0x1D000] =	vst v63  }
0x4c: {  	s6 =	sand.u32 $0x200, s6;
	s17 =	sadd.s32 s8, s17;
	_ =	swait.ge [sflag:s31], $0x2000  }
0x4d: {  	s6 =	sor.u32 s6, s17;
	[sflag:s31] =	ssyncset.done $0x0  }
0x4e: {  	s16 =	simm.s32 $0x13D80;
	s6 =	sshrl.u32 s6, $0x3;
	[sflag:s31] =	ssyncadd.s32 $0xFFFFE000  }
0x4f: {  	[spmem:s2] =	stream.indirect.scatter.add.f32 [tilespmem:s26], [sflag:$0x6], $0x80, s16, s23, $0xb8;
	[tilespmem:$0x1D000] =	vst v63  }
0x50: {  	s6 =	sadd.s32 s5, s6  }
0x51: {  	[tilespmem:s21], [sflag:$0x1] =	stream.linear.gather [hbm4b:s6+s3], $0x200, $0x38;
	[tilespmem:$0x1D000] =	vst v63  }
0x52: {  	_ =	swait.ge [sflag:s0], $0x2000  }
0x53: {  	[sflag:s0] =	ssyncset.done $0x0  }
0x54: {  	[sflag:s0] =	ssyncadd.s32 $0xFFFFE000  }
0x55: {  	[tilespmem:s26], [sflag:$0x4] =	stream.indirect.gather [hbm4b:s4+s23], $0x80, s7, s23, $0xb8;
	[tilespmem:$0x1D000] =	vst v63  }
0x56: {  	_ =	swait.ge [sflag:s28], $0x2000  }
0x57: {  	[sflag:s28] =	ssyncset.done $0x0  }
0x58: {  	s17 =	simm.s32 $0x13E00;
	[sflag:s28] =	ssyncadd.s32 $0xFFFFE000  }
0x59: {  	[spmem:s2] =	stream.indirect.scatter.add.f32 [tilespmem:s24], [sflag:$0x5], $0x80, s17, s23, $0xb8;
	[tilespmem:$0x1D000] =	vst v63  }
0x5a: {  	_ =	swait.ge [sflag:s29], $0x2000  }
0x5b: {  	[sflag:s29] =	ssyncset.done $0x0  }
0x5c: {  	[sflag:s29] =	ssyncadd.s32 $0xFFFFE000  }
0x5d: {  	[tilespmem:s24], [sflag:$0x3] =	stream.indirect.gather [hbm4b:s4+s23], $0x80, s9, s23, $0xb8;
	[tilespmem:$0x1D000] =	vst v63  }
0x5e: {  	_ =	swait.ge [sflag:s31], $0x2000  }
0x5f: {  	[sflag:s31] =	ssyncset.done $0x0  }
0x60: {  	s18 =	simm.s32 $0x13E80;
	[sflag:s31] =	ssyncadd.s32 $0xFFFFE000  }
0x61: {  	[spmem:s2] =	stream.indirect.scatter.add.f32 [tilespmem:s26], [sflag:$0x6], $0x80, s18, s23, $0xb8;
	[tilespmem:$0x1D000] =	vst v63  }
0x62: {  	_ =	swait.ge [sflag:s0], $0x2000  }
0x63: {  	[sflag:s0] =	ssyncset.done $0x0  }
0x64: {  	[sflag:s0] =	ssyncadd.s32 $0xFFFFE000  }
0x65: {  	[tilespmem:s26], [sflag:$0x4] =	stream.indirect.gather [hbm4b:s4+s23], $0x80, s11, s23, $0xb8;
	[tilespmem:$0x1D000] =	vst v63  }
0x66: {  	_ =	swait.ge [sflag:s28], $0x2000  }
0x67: {  	[sflag:s28] =	ssyncset.done $0x0  }
0x68: {  	s14 =	simm.s32 $0x13F00;
	[sflag:s28] =	ssyncadd.s32 $0xFFFFE000  }
0x69: {  	[spmem:s2] =	stream.indirect.scatter.add.f32 [tilespmem:s24], [sflag:$0x5], $0x80, s14, s23, $0xb8;
	[tilespmem:$0x1D000] =	vst v63  }
0x6a: {  	_ =	swait.ge [sflag:s12], $0x200  }
0x6b: {  	[sflag:s12] =	ssyncset.done $0x0  }
0x6c: {  	[sflag:s12] =	ssyncadd.s32 $0xFFFFFE00  }
0x6d: {  	_ =	swait.ge [sflag:s29], $0x2000  }
0x6e: {  	[sflag:s29] =	ssyncset.done $0x0  }
0x6f: {  	[sflag:s29] =	ssyncadd.s32 $0xFFFFE000  }
0x70: {  	[tilespmem:s24], [sflag:$0x3] =	stream.indirect.gather [hbm4b:s4+s23], $0x80, s21, s23, $0xb8;
	[tilespmem:$0x1D000] =	vst v63  }
0x71: {  	s18 =	smin.u32 s3, $0x90;
	_ =	swait.ge [sflag:s31], $0x2000  }
0x72: {  	s17 =	sshll.u32 s18, $0x7;
	[sflag:s31] =	ssyncset.done $0x0;
	s15 =	rddreg [dreg:$0x3]  }
0x73: {  	s16 =	simm.s32 $0x13F80;
	[sflag:s31] =	ssyncadd.s32 $0xFFFFE000;
	s6 =	sadd.s32 s17, s15  }
0x74: {  	[spmem:s2] =	stream.indirect.scatter.add.f32 [tilespmem:s26], [sflag:$0x6], $0x80, s16, s23, $0xb8;
	[tilespmem:$0x1D000] =	vst v63  }
0x75: {  	s6 =	sshrl.u32 s6, $0x3  }
0x76: {  	s18 =	simm.s32 $0x0;
	s17 =	simm.s32 $0x1000;
	s6 =	sadd.s32 s6, s10  }
0x77: {  	[tilespmem:s22], [sflag:$0x2] =	stream.linear.gather [hbm4b:s6+s3], $0x200, $0x38;
	[tilespmem:$0x1D000] =	vst v63  }
.LBB2_2:
0x78: {  	_ =	swait.ge [sflag:s0], $0x2000  }
0x79: {  	[sflag:s0] =	ssyncset.done $0x0  }
0x7a: {  	[sflag:s0] =	ssyncadd.s32 $0xFFFFE000  }
0x7b: {  	[tilespmem:s26], [sflag:$0x4] =	stream.indirect.gather [hbm4b:s4+s23], $0x80, s25, s23, $0xb8;
	[tilespmem:$0x1D000] =	vst v63  }
0x7c: {  	s6 =	smov.u32 s17;
	_ =	swait.ge [sflag:s28], $0x2000  }
0x7d: {  	s6 =	sshra.s32 s6, $0x2;
	[sflag:s28] =	ssyncset.done $0x0  }
0x7e: {  	s15 =	sadd.s32 $0x13C00, s6;
	[sflag:s28] =	ssyncadd.s32 $0xFFFFE000  }
0x7f: {  	[spmem:s2] =	stream.indirect.scatter.add.f32 [tilespmem:s24], [sflag:$0x5], $0x80, s15, s23, $0xb8;
	[tilespmem:$0x1D000] =	vst v63  }
0x80: {  	_ =	swait.ge [sflag:s29], $0x2000  }
0x81: {  	[sflag:s29] =	ssyncset.done $0x0  }
0x82: {  	[sflag:s29] =	ssyncadd.s32 $0xFFFFE000  }
0x83: {  	[tilespmem:s24], [sflag:$0x3] =	stream.indirect.gather [hbm4b:s4+s23], $0x80, s30, s23, $0xb8;
	[tilespmem:$0x1D000] =	vst v63  }
0x84: {  	_ =	swait.ge [sflag:s31], $0x2000  }
0x85: {  	[sflag:s31] =	ssyncset.done $0x0  }
0x86: {  	s14 =	sadd.s32 $0x13C80, s6;
	[sflag:s31] =	ssyncadd.s32 $0xFFFFE000  }
0x87: {  	[spmem:s2] =	stream.indirect.scatter.add.f32 [tilespmem:s26], [sflag:$0x6], $0x80, s14, s23, $0xb8;
	[tilespmem:$0x1D000] =	vst v63  }
0x88: {  	_ =	swait.ge [sflag:s0], $0x2000  }
0x89: {  	[sflag:s0] =	ssyncset.done $0x0  }
0x8a: {  	[sflag:s0] =	ssyncadd.s32 $0xFFFFE000  }
0x8b: {  	[tilespmem:s26], [sflag:$0x4] =	stream.indirect.gather [hbm4b:s4+s23], $0x80, s19, s23, $0xb8;
	[tilespmem:$0x1D000] =	vst v63  }
0x8c: {  	_ =	swait.ge [sflag:s28], $0x2000  }
0x8d: {  	[sflag:s28] =	ssyncset.done $0x0  }
0x8e: {  	s16 =	sadd.s32 $0x13D00, s6;
	[sflag:s28] =	ssyncadd.s32 $0xFFFFE000  }
0x8f: {  	[spmem:s2] =	stream.indirect.scatter.add.f32 [tilespmem:s24], [sflag:$0x5], $0x80, s16, s23, $0xb8;
	[tilespmem:$0x1D000] =	vst v63  }
0x90: {  	_ =	swait.ge [sflag:s1], $0x200  }
0x91: {  	s18 =	sadd.s32 $0x8, s18;
	[sflag:s1] =	ssyncset.done $0x0  }
0x92: {  	s14 =	smin.u32 s18, $0x94;
	[sflag:s1] =	ssyncadd.s32 $0xFFFFFE00  }
0x93: {  	s15 =	sshll.u32 s14, $0x7;
	_ =	swait.ge [sflag:s29], $0x2000  }
0x94: {  	s16 =	sadd.s32 $0x400, s15;
	[sflag:s29] =	ssyncset.done $0x0  }
0x95: {  	s16 =	sand.u32 $0xFC00, s16;
	[sflag:s29] =	ssyncadd.s32 $0xFFFFE000  }
0x96: {  	[tilespmem:s24], [sflag:$0x3] =	stream.indirect.gather [hbm4b:s4+s23], $0x80, s22, s23, $0xb8;
	[tilespmem:$0x1D000] =	vst v63  }
0x97: {  	s15 =	sand.u32 $0x200, s15;
	s16 =	sadd.s32 s8, s16;
	_ =	swait.ge [sflag:s31], $0x2000  }
0x98: {  	s15 =	sor.u32 s15, s16;
	[sflag:s31] =	ssyncset.done $0x0  }
0x99: {  	s14 =	sadd.s32 $0x13D80, s6;
	s15 =	sshrl.u32 s15, $0x3;
	[sflag:s31] =	ssyncadd.s32 $0xFFFFE000  }
0x9a: {  	[spmem:s2] =	stream.indirect.scatter.add.f32 [tilespmem:s26], [sflag:$0x6], $0x80, s14, s23, $0xb8;
	[tilespmem:$0x1D000] =	vst v63  }
0x9b: {  	s14 =	sadd.s32 s5, s15  }
0x9c: {  	[tilespmem:s21], [sflag:$0x1] =	stream.linear.gather [hbm4b:s14+s3], $0x200, $0x38;
	[tilespmem:$0x1D000] =	vst v63  }
0x9d: {  	_ =	swait.ge [sflag:s0], $0x2000  }
0x9e: {  	[sflag:s0] =	ssyncset.done $0x0  }
0x9f: {  	[sflag:s0] =	ssyncadd.s32 $0xFFFFE000  }
0xa0: {  	[tilespmem:s26], [sflag:$0x4] =	stream.indirect.gather [hbm4b:s4+s23], $0x80, s7, s23, $0xb8;
	[tilespmem:$0x1D000] =	vst v63  }
0xa1: {  	_ =	swait.ge [sflag:s28], $0x2000  }
0xa2: {  	[sflag:s28] =	ssyncset.done $0x0  }
0xa3: {  	s16 =	sadd.s32 $0x13E00, s6;
	[sflag:s28] =	ssyncadd.s32 $0xFFFFE000  }
0xa4: {  	[spmem:s2] =	stream.indirect.scatter.add.f32 [tilespmem:s24], [sflag:$0x5], $0x80, s16, s23, $0xb8;
	[tilespmem:$0x1D000] =	vst v63  }
0xa5: {  	_ =	swait.ge [sflag:s29], $0x2000  }
0xa6: {  	[sflag:s29] =	ssyncset.done $0x0  }
0xa7: {  	[sflag:s29] =	ssyncadd.s32 $0xFFFFE000  }
0xa8: {  	[tilespmem:s24], [sflag:$0x3] =	stream.indirect.gather [hbm4b:s4+s23], $0x80, s9, s23, $0xb8;
	[tilespmem:$0x1D000] =	vst v63  }
0xa9: {  	_ =	swait.ge [sflag:s31], $0x2000  }
0xaa: {  	[sflag:s31] =	ssyncset.done $0x0  }
0xab: {  	s15 =	sadd.s32 $0x13E80, s6;
	[sflag:s31] =	ssyncadd.s32 $0xFFFFE000  }
0xac: {  	[spmem:s2] =	stream.indirect.scatter.add.f32 [tilespmem:s26], [sflag:$0x6], $0x80, s15, s23, $0xb8;
	[tilespmem:$0x1D000] =	vst v63  }
0xad: {  	_ =	swait.ge [sflag:s0], $0x2000  }
0xae: {  	[sflag:s0] =	ssyncset.done $0x0  }
0xaf: {  	[sflag:s0] =	ssyncadd.s32 $0xFFFFE000  }
0xb0: {  	[tilespmem:s26], [sflag:$0x4] =	stream.indirect.gather [hbm4b:s4+s23], $0x80, s11, s23, $0xb8;
	[tilespmem:$0x1D000] =	vst v63  }
0xb1: {  	_ =	swait.ge [sflag:s28], $0x2000  }
0xb2: {  	[sflag:s28] =	ssyncset.done $0x0  }
0xb3: {  	s16 =	sadd.s32 $0x13F00, s6;
	[sflag:s28] =	ssyncadd.s32 $0xFFFFE000  }
0xb4: {  	[spmem:s2] =	stream.indirect.scatter.add.f32 [tilespmem:s24], [sflag:$0x5], $0x80, s16, s23, $0xb8;
	[tilespmem:$0x1D000] =	vst v63  }
0xb5: {  	_ =	swait.ge [sflag:s12], $0x200  }
0xb6: {  	[sflag:s12] =	ssyncset.done $0x0  }
0xb7: {  	[sflag:s12] =	ssyncadd.s32 $0xFFFFFE00  }
0xb8: {  	_ =	swait.ge [sflag:s29], $0x2000  }
0xb9: {  	[sflag:s29] =	ssyncset.done $0x0  }
0xba: {  	p0 =	sne.s32 s17, $0x13000;
	[sflag:s29] =	ssyncadd.s32 $0xFFFFE000  }
0xbb: {  	[tilespmem:s24], [sflag:$0x3] =	stream.indirect.gather [hbm4b:s4+s23], $0x80, s21, s23, $0xb8;
	[tilespmem:$0x1D000] =	vst v63  }
0xbc: {  	s6 =	sadd.s32 $0x13F80, s6;
	s15 =	smin.u32 s18, $0x90;
	_ =	swait.ge [sflag:s31], $0x2000  }
0xbd: {  	s14 =	sshll.u32 s15, $0x7;
	[sflag:s31] =	ssyncset.done $0x0;
	s16 =	rddreg [dreg:$0x3]  }
.Ltmp0:
0xbe: {  	[sflag:s31] =	ssyncadd.s32 $0xFFFFE000;
	s16 =	sadd.s32 s14, s16;
	(pc) =	sbr.rel @p0 .LBB2_2-.Ltmp0, $4  }
0xbf: {  	[spmem:s2] =	stream.indirect.scatter.add.f32 [tilespmem:s26], [sflag:$0x6], $0x80, s6, s23, $0xb8;
	[tilespmem:$0x1D000] =	vst v63  }
0xc0: {  	s6 =	sshrl.u32 s16, $0x3  }
0xc1: {  	s17 =	sadd.s32 $0x1000, s17;
	s6 =	sadd.s32 s6, s10  }
0xc2: {  	[tilespmem:s22], [sflag:$0x2] =	stream.linear.gather [hbm4b:s6+s3], $0x200, $0x38;
	[tilespmem:$0x1D000] =	vst v63  }
0xc3: {  	_ =	swait.ge [sflag:s0], $0x2000  }
0xc4: {  	[sflag:s0] =	ssyncset.done $0x0  }
0xc5: {  	[sflag:s0] =	ssyncadd.s32 $0xFFFFE000  }
0xc6: {  	[tilespmem:s26], [sflag:$0x4] =	stream.indirect.gather [hbm4b:s4+s23], $0x80, s25, s23, $0xb8;
	[tilespmem:$0x1D000] =	vst v63  }
0xc7: {  	_ =	swait.ge [sflag:s28], $0x2000  }
0xc8: {  	[sflag:s28] =	ssyncset.done $0x0  }
0xc9: {  	[sflag:s28] =	ssyncadd.s32 $0xFFFFE000  }
0xca: {  	_ =	swait.ge [sflag:s31], $0x2000  }
0xcb: {  	[sflag:s31] =	ssyncset.done $0x0  }
0xcc: {  	[sflag:s31] =	ssyncadd.s32 $0xFFFFE000  }
0xcd: {  	_ =	swait.ge [sflag:s1], $0x200  }
0xce: {  	[sflag:s1] =	ssyncset.done $0x0  }
0xcf: {  	[sflag:s1] =	ssyncadd.s32 $0xFFFFFE00  }
0xd0: {  	[bflag:$0x0] =	sbarrier.arrive $0xFFFF  }
0xd1: {  	s6 =	rddreg [dreg:$0xa]  }
0xd2: {  	s14 =	rddreg [dreg:$0x10]  }
0xd3: {  	s15 =	rddreg [dreg:$0x11]  }
0xd4: {  	[hbm:s6], [sflag:s14] =	dma.local [spmem:s15], $0x2780  }
0xd5: {  	_ =	swait.ge [sflag:s20], $0x2780  }
0xd6: {  	[sflag:s20] =	ssyncset.done $0x0  }
0xd7: {  	[sflag:s20] =	ssyncadd.s32 $0xFFFFD880  }
0xd8: {  	[bflag:$0x0] =	sbarrier.arrive $0xFFFF  }
0xd9: {  	s18 =	rddreg [dreg:$0x5]  }
0xda: {  	[spmem:s15], [sflag:s14] =	dma.local [hbm:s18], $0x2780  }
0xdb: {  	_ =	swait.ge [sflag:s20], $0x2780  }
0xdc: {  	[sflag:s20] =	ssyncset.done $0x0  }
0xdd: {  	s17 =	simm.s32 $0x0;
	s15 =	rddreg [dreg:$0xb];
	[sflag:s20] =	ssyncadd.s32 $0xFFFFD880  }
0xde: {  	[tilespmem:s21], [sflag:$0x7] =	stream.linear.gather [hbm4b:s15+s17], $0x200, $0x38;
	[tilespmem:$0x1D000] =	vst v63  }
0xdf: {  	_ =	swait.ge [sflag:s20], $0x200  }
0xe0: {  	[sflag:s20] =	ssyncset.done $0x0  }
0xe1: {  	s16 =	rddreg [dreg:$0xc];
	[sflag:s20] =	ssyncadd.s32 $0xFFFFFE00  }
0xe2: {  	[tilespmem:s22], [sflag:$0x2] =	stream.linear.gather [hbm4b:s16+s17], $0x200, $0x38;
	[tilespmem:$0x1D000] =	vst v63  }
0xe3: {  	[bflag:$0x0] =	sbarrier.arrive $0xFFFF  }
0xe4: {  	[tilespmem:s24], [sflag:$0x3] =	stream.indirect.gather [hbm4b:s4+s23], $0x80, s21, s23, $0xb8;
	[tilespmem:$0x1D000] =	vst v63  }
0xe5: {  	_ = 	snop  }
0xe6: {  	[tilespmem:s26], [sflag:$0x4] =	stream.indirect.gather [hbm4b:s4+s23], $0x80, s25, s23, $0xb8;
	[tilespmem:$0x1D000] =	vst v63  }
0xe7: {  	_ =	swait.ge [sflag:s28], $0x2000  }
0xe8: {  	[sflag:s28] =	ssyncset.done $0x0  }
0xe9: {  	s18 =	simm.s32 $0x13C00;
	[sflag:s28] =	ssyncadd.s32 $0xFFFFE000  }
0xea: {  	[spmem:s2] =	stream.indirect.scatter.add.f32 [tilespmem:s24], [sflag:$0x5], $0x80, s18, s23, $0xb8;
	[tilespmem:$0x1D000] =	vst v63  }
0xeb: {  	_ =	swait.ge [sflag:s29], $0x2000  }
0xec: {  	[sflag:s29] =	ssyncset.done $0x0  }
0xed: {  	[sflag:s29] =	ssyncadd.s32 $0xFFFFE000  }
0xee: {  	[tilespmem:s24], [sflag:$0x3] =	stream.indirect.gather [hbm4b:s4+s23], $0x80, s30, s23, $0xb8;
	[tilespmem:$0x1D000] =	vst v63  }
0xef: {  	_ =	swait.ge [sflag:s31], $0x2000  }
0xf0: {  	[sflag:s31] =	ssyncset.done $0x0  }
0xf1: {  	s14 =	simm.s32 $0x13C80;
	[sflag:s31] =	ssyncadd.s32 $0xFFFFE000  }
0xf2: {  	[spmem:s2] =	stream.indirect.scatter.add.f32 [tilespmem:s26], [sflag:$0x6], $0x80, s14, s23, $0xb8;
	[tilespmem:$0x1D000] =	vst v63  }
0xf3: {  	_ =	swait.ge [sflag:s0], $0x2000  }
0xf4: {  	[sflag:s0] =	ssyncset.done $0x0  }
0xf5: {  	[sflag:s0] =	ssyncadd.s32 $0xFFFFE000  }
0xf6: {  	[tilespmem:s26], [sflag:$0x4] =	stream.indirect.gather [hbm4b:s4+s23], $0x80, s19, s23, $0xb8;
	[tilespmem:$0x1D000] =	vst v63  }
0xf7: {  	_ =	swait.ge [sflag:s28], $0x2000  }
0xf8: {  	[sflag:s28] =	ssyncset.done $0x0  }
0xf9: {  	s15 =	simm.s32 $0x13D00;
	[sflag:s28] =	ssyncadd.s32 $0xFFFFE000  }
0xfa: {  	[spmem:s2] =	stream.indirect.scatter.add.f32 [tilespmem:s24], [sflag:$0x5], $0x80, s15, s23, $0xb8;
	[tilespmem:$0x1D000] =	vst v63  }
0xfb: {  	_ =	swait.ge [sflag:s1], $0x200  }
0xfc: {  	[sflag:s1] =	ssyncset.done $0x0  }
0xfd: {  	s16 =	smin.u32 s17, $0x94;
	[sflag:s1] =	ssyncadd.s32 $0xFFFFFE00  }
0xfe: {  	s6 =	sshll.u32 s16, $0x7;
	_ =	swait.ge [sflag:s29], $0x2000  }
0xff: {  	s18 =	sadd.s32 $0x400, s6;
	[sflag:s29] =	ssyncset.done $0x0  }
0x100: {  	s14 =	sand.u32 $0xFC00, s18;
	[sflag:s29] =	ssyncadd.s32 $0xFFFFE000  }
0x101: {  	[tilespmem:s24], [sflag:$0x3] =	stream.indirect.gather [hbm4b:s4+s23], $0x80, s22, s23, $0xb8;
	[tilespmem:$0x1D000] =	vst v63  }
0x102: {  	s6 =	sand.u32 $0x200, s6;
	s14 =	sadd.s32 s13, s14;
	_ =	swait.ge [sflag:s31], $0x2000  }
0x103: {  	s6 =	sor.u32 s6, s14;
	[sflag:s31] =	ssyncset.done $0x0  }
0x104: {  	s6 =	sshrl.u32 s6, $0x3;
	s15 =	simm.s32 $0x13D80;
	[sflag:s31] =	ssyncadd.s32 $0xFFFFE000  }
0x105: {  	[spmem:s2] =	stream.indirect.scatter.add.f32 [tilespmem:s26], [sflag:$0x6], $0x80, s15, s23, $0xb8;
	[tilespmem:$0x1D000] =	vst v63  }
0x106: {  	s6 =	sadd.s32 s5, s6  }
0x107: {  	[tilespmem:s21], [sflag:$0x1] =	stream.linear.gather [hbm4b:s6+s3], $0x200, $0x38;
	[tilespmem:$0x1D000] =	vst v63  }
0x108: {  	_ =	swait.ge [sflag:s0], $0x2000  }
0x109: {  	[sflag:s0] =	ssyncset.done $0x0  }
0x10a: {  	[sflag:s0] =	ssyncadd.s32 $0xFFFFE000  }
0x10b: {  	[tilespmem:s26], [sflag:$0x4] =	stream.indirect.gather [hbm4b:s4+s23], $0x80, s7, s23, $0xb8;
	[tilespmem:$0x1D000] =	vst v63  }
0x10c: {  	_ =	swait.ge [sflag:s28], $0x2000  }
0x10d: {  	[sflag:s28] =	ssyncset.done $0x0  }
0x10e: {  	s16 =	simm.s32 $0x13E00;
	[sflag:s28] =	ssyncadd.s32 $0xFFFFE000  }
0x10f: {  	[spmem:s2] =	stream.indirect.scatter.add.f32 [tilespmem:s24], [sflag:$0x5], $0x80, s16, s23, $0xb8;
	[tilespmem:$0x1D000] =	vst v63  }
0x110: {  	_ =	swait.ge [sflag:s29], $0x2000  }
0x111: {  	[sflag:s29] =	ssyncset.done $0x0  }
0x112: {  	[sflag:s29] =	ssyncadd.s32 $0xFFFFE000  }
0x113: {  	[tilespmem:s24], [sflag:$0x3] =	stream.indirect.gather [hbm4b:s4+s23], $0x80, s9, s23, $0xb8;
	[tilespmem:$0x1D000] =	vst v63  }
0x114: {  	_ =	swait.ge [sflag:s31], $0x2000  }
0x115: {  	[sflag:s31] =	ssyncset.done $0x0  }
0x116: {  	s18 =	simm.s32 $0x13E80;
	[sflag:s31] =	ssyncadd.s32 $0xFFFFE000  }
0x117: {  	[spmem:s2] =	stream.indirect.scatter.add.f32 [tilespmem:s26], [sflag:$0x6], $0x80, s18, s23, $0xb8;
	[tilespmem:$0x1D000] =	vst v63  }
0x118: {  	_ =	swait.ge [sflag:s0], $0x2000  }
0x119: {  	[sflag:s0] =	ssyncset.done $0x0  }
0x11a: {  	[sflag:s0] =	ssyncadd.s32 $0xFFFFE000  }
0x11b: {  	[tilespmem:s26], [sflag:$0x4] =	stream.indirect.gather [hbm4b:s4+s23], $0x80, s11, s23, $0xb8;
	[tilespmem:$0x1D000] =	vst v63  }
0x11c: {  	_ =	swait.ge [sflag:s28], $0x2000  }
0x11d: {  	[sflag:s28] =	ssyncset.done $0x0  }
0x11e: {  	s14 =	simm.s32 $0x13F00;
	[sflag:s28] =	ssyncadd.s32 $0xFFFFE000  }
0x11f: {  	[spmem:s2] =	stream.indirect.scatter.add.f32 [tilespmem:s24], [sflag:$0x5], $0x80, s14, s23, $0xb8;
	[tilespmem:$0x1D000] =	vst v63  }
0x120: {  	_ =	swait.ge [sflag:s12], $0x200  }
0x121: {  	[sflag:s12] =	ssyncset.done $0x0  }
0x122: {  	[sflag:s12] =	ssyncadd.s32 $0xFFFFFE00  }
0x123: {  	_ =	swait.ge [sflag:s29], $0x2000  }
0x124: {  	[sflag:s29] =	ssyncset.done $0x0  }
0x125: {  	[sflag:s29] =	ssyncadd.s32 $0xFFFFE000  }
0x126: {  	[tilespmem:s24], [sflag:$0x3] =	stream.indirect.gather [hbm4b:s4+s23], $0x80, s21, s23, $0xb8;
	[tilespmem:$0x1D000] =	vst v63  }
0x127: {  	s18 =	smin.u32 s17, $0x90;
	_ =	swait.ge [sflag:s31], $0x2000  }
0x128: {  	s14 =	sshll.u32 s18, $0x7;
	[sflag:s31] =	ssyncset.done $0x0;
	s15 =	rddreg [dreg:$0x4]  }
0x129: {  	s16 =	simm.s32 $0x13F80;
	[sflag:s31] =	ssyncadd.s32 $0xFFFFE000;
	s6 =	sadd.s32 s14, s15  }
0x12a: {  	[spmem:s2] =	stream.indirect.scatter.add.f32 [tilespmem:s26], [sflag:$0x6], $0x80, s16, s23, $0xb8;
	[tilespmem:$0x1D000] =	vst v63  }
0x12b: {  	s6 =	sshrl.u32 s6, $0x3  }
0x12c: {  	s18 =	simm.s32 $0x1000;
	s6 =	sadd.s32 s6, s10  }
0x12d: {  	[tilespmem:s22], [sflag:$0x2] =	stream.linear.gather [hbm4b:s6+s3], $0x200, $0x38;
	[tilespmem:$0x1D000] =	vst v63  }
.LBB2_4:
0x12e: {  	_ =	swait.ge [sflag:s0], $0x2000  }
0x12f: {  	[sflag:s0] =	ssyncset.done $0x0  }
0x130: {  	[sflag:s0] =	ssyncadd.s32 $0xFFFFE000  }
0x131: {  	[tilespmem:s26], [sflag:$0x4] =	stream.indirect.gather [hbm4b:s4+s23], $0x80, s25, s23, $0xb8;
	[tilespmem:$0x1D000] =	vst v63  }
0x132: {  	s6 =	smov.u32 s18;
	_ =	swait.ge [sflag:s28], $0x2000  }
0x133: {  	s6 =	sshra.s32 s6, $0x2;
	[sflag:s28] =	ssyncset.done $0x0  }
0x134: {  	s14 =	sadd.s32 $0x13C00, s6;
	[sflag:s28] =	ssyncadd.s32 $0xFFFFE000  }
0x135: {  	[spmem:s2] =	stream.indirect.scatter.add.f32 [tilespmem:s24], [sflag:$0x5], $0x80, s14, s23, $0xb8;
	[tilespmem:$0x1D000] =	vst v63  }
0x136: {  	_ =	swait.ge [sflag:s29], $0x2000  }
0x137: {  	[sflag:s29] =	ssyncset.done $0x0  }
0x138: {  	[sflag:s29] =	ssyncadd.s32 $0xFFFFE000  }
0x139: {  	[tilespmem:s24], [sflag:$0x3] =	stream.indirect.gather [hbm4b:s4+s23], $0x80, s30, s23, $0xb8;
	[tilespmem:$0x1D000] =	vst v63  }
0x13a: {  	_ =	swait.ge [sflag:s31], $0x2000  }
0x13b: {  	[sflag:s31] =	ssyncset.done $0x0  }
0x13c: {  	s15 =	sadd.s32 $0x13C80, s6;
	[sflag:s31] =	ssyncadd.s32 $0xFFFFE000  }
0x13d: {  	[spmem:s2] =	stream.indirect.scatter.add.f32 [tilespmem:s26], [sflag:$0x6], $0x80, s15, s23, $0xb8;
	[tilespmem:$0x1D000] =	vst v63  }
0x13e: {  	_ =	swait.ge [sflag:s0], $0x2000  }
0x13f: {  	[sflag:s0] =	ssyncset.done $0x0  }
0x140: {  	[sflag:s0] =	ssyncadd.s32 $0xFFFFE000  }
0x141: {  	[tilespmem:s26], [sflag:$0x4] =	stream.indirect.gather [hbm4b:s4+s23], $0x80, s19, s23, $0xb8;
	[tilespmem:$0x1D000] =	vst v63  }
0x142: {  	_ =	swait.ge [sflag:s28], $0x2000  }
0x143: {  	[sflag:s28] =	ssyncset.done $0x0  }
0x144: {  	s16 =	sadd.s32 $0x13D00, s6;
	[sflag:s28] =	ssyncadd.s32 $0xFFFFE000  }
0x145: {  	[spmem:s2] =	stream.indirect.scatter.add.f32 [tilespmem:s24], [sflag:$0x5], $0x80, s16, s23, $0xb8;
	[tilespmem:$0x1D000] =	vst v63  }
0x146: {  	_ =	swait.ge [sflag:s1], $0x200  }
0x147: {  	s17 =	sadd.s32 $0x8, s17;
	[sflag:s1] =	ssyncset.done $0x0  }
0x148: {  	s15 =	smin.u32 s17, $0x94;
	[sflag:s1] =	ssyncadd.s32 $0xFFFFFE00  }
0x149: {  	s14 =	sshll.u32 s15, $0x7;
	_ =	swait.ge [sflag:s29], $0x2000  }
0x14a: {  	s15 =	sadd.s32 $0x400, s14;
	[sflag:s29] =	ssyncset.done $0x0  }
0x14b: {  	s15 =	sand.u32 $0xFC00, s15;
	[sflag:s29] =	ssyncadd.s32 $0xFFFFE000  }
0x14c: {  	[tilespmem:s24], [sflag:$0x3] =	stream.indirect.gather [hbm4b:s4+s23], $0x80, s22, s23, $0xb8;
	[tilespmem:$0x1D000] =	vst v63  }
0x14d: {  	s14 =	sand.u32 $0x200, s14;
	s15 =	sadd.s32 s13, s15;
	_ =	swait.ge [sflag:s31], $0x2000  }
0x14e: {  	s14 =	sor.u32 s14, s15;
	[sflag:s31] =	ssyncset.done $0x0  }
0x14f: {  	s14 =	sshrl.u32 s14, $0x3;
	s16 =	sadd.s32 $0x13D80, s6;
	[sflag:s31] =	ssyncadd.s32 $0xFFFFE000  }
0x150: {  	[spmem:s2] =	stream.indirect.scatter.add.f32 [tilespmem:s26], [sflag:$0x6], $0x80, s16, s23, $0xb8;
	[tilespmem:$0x1D000] =	vst v63  }
0x151: {  	s14 =	sadd.s32 s5, s14  }
0x152: {  	[tilespmem:s21], [sflag:$0x1] =	stream.linear.gather [hbm4b:s14+s3], $0x200, $0x38;
	[tilespmem:$0x1D000] =	vst v63  }
0x153: {  	_ =	swait.ge [sflag:s0], $0x2000  }
0x154: {  	[sflag:s0] =	ssyncset.done $0x0  }
0x155: {  	[sflag:s0] =	ssyncadd.s32 $0xFFFFE000  }
0x156: {  	[tilespmem:s26], [sflag:$0x4] =	stream.indirect.gather [hbm4b:s4+s23], $0x80, s7, s23, $0xb8;
	[tilespmem:$0x1D000] =	vst v63  }
0x157: {  	_ =	swait.ge [sflag:s28], $0x2000  }
0x158: {  	[sflag:s28] =	ssyncset.done $0x0  }
0x159: {  	s16 =	sadd.s32 $0x13E00, s6;
	[sflag:s28] =	ssyncadd.s32 $0xFFFFE000  }
0x15a: {  	[spmem:s2] =	stream.indirect.scatter.add.f32 [tilespmem:s24], [sflag:$0x5], $0x80, s16, s23, $0xb8;
	[tilespmem:$0x1D000] =	vst v63  }
0x15b: {  	_ =	swait.ge [sflag:s29], $0x2000  }
0x15c: {  	[sflag:s29] =	ssyncset.done $0x0  }
0x15d: {  	[sflag:s29] =	ssyncadd.s32 $0xFFFFE000  }
0x15e: {  	[tilespmem:s24], [sflag:$0x3] =	stream.indirect.gather [hbm4b:s4+s23], $0x80, s9, s23, $0xb8;
	[tilespmem:$0x1D000] =	vst v63  }
0x15f: {  	_ =	swait.ge [sflag:s31], $0x2000  }
0x160: {  	[sflag:s31] =	ssyncset.done $0x0  }
0x161: {  	s15 =	sadd.s32 $0x13E80, s6;
	[sflag:s31] =	ssyncadd.s32 $0xFFFFE000  }
0x162: {  	[spmem:s2] =	stream.indirect.scatter.add.f32 [tilespmem:s26], [sflag:$0x6], $0x80, s15, s23, $0xb8;
	[tilespmem:$0x1D000] =	vst v63  }
0x163: {  	_ =	swait.ge [sflag:s0], $0x2000  }
0x164: {  	[sflag:s0] =	ssyncset.done $0x0  }
0x165: {  	[sflag:s0] =	ssyncadd.s32 $0xFFFFE000  }
0x166: {  	[tilespmem:s26], [sflag:$0x4] =	stream.indirect.gather [hbm4b:s4+s23], $0x80, s11, s23, $0xb8;
	[tilespmem:$0x1D000] =	vst v63  }
0x167: {  	_ =	swait.ge [sflag:s28], $0x2000  }
0x168: {  	[sflag:s28] =	ssyncset.done $0x0  }
0x169: {  	s16 =	sadd.s32 $0x13F00, s6;
	[sflag:s28] =	ssyncadd.s32 $0xFFFFE000  }
0x16a: {  	[spmem:s2] =	stream.indirect.scatter.add.f32 [tilespmem:s24], [sflag:$0x5], $0x80, s16, s23, $0xb8;
	[tilespmem:$0x1D000] =	vst v63  }
0x16b: {  	_ =	swait.ge [sflag:s12], $0x200  }
0x16c: {  	[sflag:s12] =	ssyncset.done $0x0  }
0x16d: {  	[sflag:s12] =	ssyncadd.s32 $0xFFFFFE00  }
0x16e: {  	_ =	swait.ge [sflag:s29], $0x2000  }
0x16f: {  	[sflag:s29] =	ssyncset.done $0x0  }
0x170: {  	p0 =	sne.s32 s18, $0x13000;
	[sflag:s29] =	ssyncadd.s32 $0xFFFFE000  }
0x171: {  	[tilespmem:s24], [sflag:$0x3] =	stream.indirect.gather [hbm4b:s4+s23], $0x80, s21, s23, $0xb8;
	[tilespmem:$0x1D000] =	vst v63  }
0x172: {  	s6 =	sadd.s32 $0x13F80, s6;
	s15 =	smin.u32 s17, $0x90;
	_ =	swait.ge [sflag:s31], $0x2000  }
0x173: {  	s14 =	sshll.u32 s15, $0x7;
	[sflag:s31] =	ssyncset.done $0x0;
	s16 =	rddreg [dreg:$0x4]  }
.Ltmp1:
0x174: {  	[sflag:s31] =	ssyncadd.s32 $0xFFFFE000;
	s16 =	sadd.s32 s14, s16;
	(pc) =	sbr.rel @p0 .LBB2_4-.Ltmp1, $4  }
0x175: {  	[spmem:s2] =	stream.indirect.scatter.add.f32 [tilespmem:s26], [sflag:$0x6], $0x80, s6, s23, $0xb8;
	[tilespmem:$0x1D000] =	vst v63  }
0x176: {  	s6 =	sshrl.u32 s16, $0x3  }
0x177: {  	s18 =	sadd.s32 $0x1000, s18;
	s6 =	sadd.s32 s6, s10  }
0x178: {  	[tilespmem:s22], [sflag:$0x2] =	stream.linear.gather [hbm4b:s6+s3], $0x200, $0x38;
	[tilespmem:$0x1D000] =	vst v63  }
0x179: {  	_ =	swait.ge [sflag:s0], $0x2000  }
0x17a: {  	[sflag:s0] =	ssyncset.done $0x0  }
0x17b: {  	[sflag:s0] =	ssyncadd.s32 $0xFFFFE000  }
0x17c: {  	[tilespmem:s26], [sflag:$0x4] =	stream.indirect.gather [hbm4b:s4+s23], $0x80, s25, s23, $0xb8;
	[tilespmem:$0x1D000] =	vst v63  }
0x17d: {  	_ =	swait.ge [sflag:s28], $0x2000  }
0x17e: {  	[sflag:s28] =	ssyncset.done $0x0  }
0x17f: {  	[sflag:s28] =	ssyncadd.s32 $0xFFFFE000  }
0x180: {  	_ =	swait.ge [sflag:s31], $0x2000  }
0x181: {  	[sflag:s31] =	ssyncset.done $0x0  }
0x182: {  	[sflag:s31] =	ssyncadd.s32 $0xFFFFE000  }
0x183: {  	_ =	swait.ge [sflag:s1], $0x200  }
0x184: {  	[sflag:s1] =	ssyncset.done $0x0  }
0x185: {  	[sflag:s1] =	ssyncadd.s32 $0xFFFFFE00  }
0x186: {  	[bflag:$0x0] =	sbarrier.arrive $0xFFFF  }
0x187: {  	s6 =	rddreg [dreg:$0xd]  }
0x188: {  	s14 =	rddreg [dreg:$0x10]  }
0x189: {  	s15 =	rddreg [dreg:$0x11]  }
0x18a: {  	[hbm:s6], [sflag:s14] =	dma.local [spmem:s15], $0x2780  }
0x18b: {  	_ =	swait.ge [sflag:s20], $0x2780  }
0x18c: {  	s17 =	rddreg [dreg:$0xf]  }
0x18d: {  	s18 =	rddreg [dreg:$0xe];
	s14 =	sadd.s32 $0x1, s17  }
0x18e: {  	p0 =	sne.s32 s14, s18  }
.Ltmp2:
0x18f: {  	_ = 	snop;
	(pc) =	sbr.rel @p0 .LBB2_1-.Ltmp2, $3  }
0x190: {  	[sflag:s20] =	ssyncset.done $0x0  }
0x191: {  	[sflag:s20] =	ssyncadd.s32 $0xFFFFD880  }
0x192: {  	[bflag:$0x0] =	sbarrier.arrive $0xFFFF;
	_ =	sdelay $0x1  }
0x193: {  	_ =	sfence.sel $0x180000  }
0x194: {  	[bflag:$0x0] =	sbarrier.arrive $0xFFFF  }
0x195: {  	_ =	strace $0x9000004D  }
0x196: {  	s0 =	stileid.u32;
	[bflag:$0x2] =	sbarrier.arrive $0xFFFF  }
0x197: {  	p0 =	sne.s32 s0, $0x0;
	s0 =	rddreg [dreg:$0x2]  }
0x198: {  	s0 =	sadd.s32 @!p0 $0x100000, s0  }
0x199: {  	[sflag:s0] =	ssyncadd.tile.s32 @!p0 $0x1;
	_ =	shalt  }
.Lfunc_end2:
_tile_overlayer_lowered:
.L_overlay_start_2:
0x19a: {  	(tag) =	ssettag $0x2  }
0x19b: {  	s0 =	rddreg [dreg:$0x0];
	s2 =	stileid.u32  }
0x19c: {  	s1 =	rddreg [dreg:$0x1];
	p0 =	sne.s32 s2, $0x0  }
0x19d: {  	s3 =	rddreg [dreg:$0x2];
	[bflag:$0x3] =	sbarrier.arrive $0xFFFF;
	s2 =	simm.s32 @!p0 $0x1C07  }
0x19e: {  	[timem:s3], [sflag:s2] =	dma.local @!p0 [hbm:s0], s1  }
0x19f: {  	s0 =	simm.s32 @!p0 $0x7  }
0x1a0: {  	_ =	swait.ge @!p0 [sflag:s0], s1  }
0x1a1: {  	s1 =	ssub.s32 @!p0 $0x0, s1;
	[sflag:s0] =	ssyncset.done @!p0 $0x0  }
0x1a2: {  	[sflag:s0] =	ssyncadd.s32 @!p0 s1  }
0x1a3: {  	[bflag:$0x3] =	sbarrier.arrive $0xFFFF  }
0x1a4: {  	_ =	shalt  }

// kernel: kernel.9.cloned.1.call-start
scs
__scs_entry_jumppad:
0x0: {  	(pc) =	sbr.rel $0x88, $3  }
0x1: {  	(tag) =	ssettag $0x0;
	lr =	simm.s32 $0x1  }
0x2: {  	[smem:$0x3F91] =	sst lr;
	_ =	strace $0xD0000000  }
0x3: {  	_ = 	snop  }
0x4: {  	_ = 	snop  }
0x5: {  	_ = 	snop  }
0x6: {  	_ = 	snop  }
0x7: {  	_ = 	snop  }
__scs_overlays_trampoline_lowered:
0x8: {  	[smem:$0x3FA0] =	sst s0  }
0x9: {  	[smem:$0x3FA1] =	sst s1  }
0xa: {  	[smem:$0x3FA2] =	sst s2  }
0xb: {  	[smem:$0x3FA3] =	sst s3  }
0xc: {  	[smem:$0x3FA4] =	sst s4  }
0xd: {  	[smem:$0x3FA5] =	sst s5  }
0xe: {  	[smem:$0x3FA6] =	sst s6  }
0xf: {  	[smem:$0x3FA7] =	sst s7  }
0x10: {  	[smem:$0x3FA8] =	sst s8  }
0x11: {  	[smem:$0x3FA9] =	sst s9;
	s0 =	simm.s32 @!p0 $0x0  }
0x12: {  	s1 =	sld [smem:$0x3F8F];
	s0 =	simm.s32 @p0 $0x1  }
0x13: {  	[smem:$0x3FAA] =	sst s0;
	s0 =	simm.s32 @!p1 $0x0  }
0x14: {  	s2 =	sld [smem:$0x3F8E];
	s0 =	simm.s32 @p1 $0x1  }
0x15: {  	[smem:$0x3FAB] =	sst s0;
	s0 =	simm.s32 @!p2 $0x0  }
0x16: {  	s3 =	sld [smem:$0x3FDB];
	s0 =	simm.s32 @p2 $0x1  }
0x17: {  	s4 =	simm.s32 $0x1BF5;
	[smem:$0x3FAD] =	sst s0  }
0x18: {  	s0 =	sld [smem:$0x3F90];
	_ =	swait.ge [sflag:s4], $0x0  }
0x19: {  	s7 =	sld [smem:$0x3F91]  }
0x1a: {  	s8 =	sadd.s32 $0xFFFFE003, lr  }
0x1b: {  	s9 =	sadd.s32 $0xFFFFFEF7, lr;
	s5 =	simm.s32 $0xFFFFFFFF;
	p2 =	slt.u32 s8, $0xFFFFF086  }
0x1c: {  	p1 =	slt.u32 s9, $0xF7A;
	s5 =	simm.s32 @!p2 $0x0  }
0x1d: {  	s5 =	simm.s32 @p1 $0x1;
	p0 =	seq.s32 s7, s2  }
0x1e: {  	s7 =	smul.u32 @!p0 $0xF7A, s2;
	p2 =	seq.s32 @!p0 s5, $0x0  }
0x1f: {  	s9 =	smul.u32 $0xF7A, s1;
	s8 =	simm.s32 @!p0 $0x1BF5;
	p2 =	por !p2, p0  }
0x20: {  	[sflag:s8] =	ssyncset.s32 @!p0 $0xFFFFF086;
	s6 =	sadd.s32 @!p0 s3, s7;
	s7 =	simm.s32 @!p0 $0x108  }
0x21: {  	s3 =	sadd.s32 s3, s9;
	s6 =	sadd.s32 @!p0 $0x88, s6;
	s7 =	simm.s32 @p2 $0x1082  }
0x22: {  	[simem:s7], [sflag:s8] =	dma.local @!p0 [hbm:s6], $0xF7A  }
0x23: {  	s9 =	sor.u32 $0xD0000000, s2;
	s6 =	simm.s32 $0x108;
	_ =	swait.ge @!p0 [sflag:s8], $0x0  }
0x24: {  	s3 =	sadd.s32 $0x88, s3;
	s6 =	simm.s32 @!p1 $0x1082;
	[sflag:s4] =	ssyncset.s32 $0xFFFFF086  }
0x25: {  	[simem:s6], [sflag:s4] =	dma.local [hbm:s3], $0xF7A  }
0x26: {  	[smem:$0x3F91] =	sst s1;
	(tag) =	ssettag s2;
	_ =	strace s9  }
0x27: {  	s1 =	sld [smem:$0x3FA1]  }
0x28: {  	s2 =	sld [smem:$0x3FA2]  }
0x29: {  	s4 =	sld [smem:$0x3FA4]  }
0x2a: {  	p0 =	seq.s32 s5, $0x0;
	s5 =	sld [smem:$0x3FA5]  }
0x2b: {  	s6 =	sld [smem:$0x3FA6]  }
0x2c: {  	s7 =	sld [smem:$0x3FA7]  }
0x2d: {  	s3 =	simm.s32 $0x108;
	s8 =	sld [smem:$0x3FA8]  }
0x2e: {  	s3 =	simm.s32 @!p0 $0x1082;
	s9 =	sld [smem:$0x3FA9]  }
0x2f: {  	lr =	sadd.s32 s0, s3;
	s0 =	sld [smem:$0x3FA0]  }
0x30: {  	s3 =	sld [smem:$0x3FA3]  }
0x31: {  	[smem:$0x3FAC] =	sst s10  }
0x32: {  	s10 =	sld [smem:$0x3FAA];
	_ =	sdelay $0x3  }
0x33: {  	p0 =	seq.s32 s10, $0x1;
	s10 =	sld [smem:$0x3FAC];
	_ =	sdelay $0x3  }
0x34: {  	[smem:$0x3FAC] =	sst s10  }
0x35: {  	s10 =	sld [smem:$0x3FAB];
	_ =	sdelay $0x3  }
0x36: {  	p1 =	seq.s32 s10, $0x1;
	s10 =	sld [smem:$0x3FAC];
	_ =	sdelay $0x3  }
0x37: {  	[smem:$0x3FAC] =	sst s10  }
0x38: {  	s10 =	sld [smem:$0x3FAD]  }
0x39: {  	_ = 	snop;
	(pc) =	sbr.ind lr, $3  }
0x3a: {  	_ = 	snop  }
0x3b: {  	_ = 	snop  }
0x3c: {  	p2 =	seq.s32 s10, $0x1;
	s10 =	sld [smem:$0x3FAC]  }
0x3d: {  	_ =	shalt  }
0x3e: {  	_ =	shalt  }
0x3f: {  	_ =	shalt  }
0x40: {  	_ =	shalt  }
0x41: {  	_ =	shalt  }
0x42: {  	_ =	shalt  }
0x43: {  	_ =	shalt  }
0x44: {  	_ =	shalt  }
0x45: {  	_ =	shalt  }
0x46: {  	_ =	shalt  }
0x47: {  	_ =	shalt  }
0x48: {  	_ =	shalt  }
0x49: {  	_ =	shalt  }
0x4a: {  	_ =	shalt  }
0x4b: {  	_ =	shalt  }
0x4c: {  	_ =	shalt  }
0x4d: {  	_ =	shalt  }
0x4e: {  	_ =	shalt  }
0x4f: {  	_ =	shalt  }
0x50: {  	_ =	shalt  }
0x51: {  	_ =	shalt  }
0x52: {  	_ =	shalt  }
0x53: {  	_ =	shalt  }
0x54: {  	_ =	shalt  }
0x55: {  	_ =	shalt  }
0x56: {  	_ =	shalt  }
0x57: {  	_ =	shalt  }
0x58: {  	_ =	shalt  }
0x59: {  	_ =	shalt  }
0x5a: {  	_ =	shalt  }
0x5b: {  	_ =	shalt  }
0x5c: {  	_ =	shalt  }
0x5d: {  	_ =	shalt  }
0x5e: {  	_ =	shalt  }
0x5f: {  	_ =	shalt  }
0x60: {  	_ =	shalt  }
0x61: {  	_ =	shalt  }
0x62: {  	_ =	shalt  }
0x63: {  	_ =	shalt  }
0x64: {  	_ =	shalt  }
0x65: {  	_ =	shalt  }
0x66: {  	_ =	shalt  }
0x67: {  	_ =	shalt  }
0x68: {  	_ =	shalt  }
0x69: {  	_ =	shalt  }
0x6a: {  	_ =	shalt  }
0x6b: {  	_ =	shalt  }
0x6c: {  	_ =	shalt  }
0x6d: {  	_ =	shalt  }
0x6e: {  	_ =	shalt  }
0x6f: {  	_ =	shalt  }
0x70: {  	_ =	shalt  }
0x71: {  	_ =	shalt  }
0x72: {  	_ =	shalt  }
0x73: {  	_ =	shalt  }
0x74: {  	_ =	shalt  }
0x75: {  	_ =	shalt  }
0x76: {  	_ =	shalt  }
0x77: {  	_ =	shalt  }
0x78: {  	_ =	shalt  }
0x79: {  	_ =	shalt  }
0x7a: {  	_ =	shalt  }
0x7b: {  	_ =	shalt  }
0x7c: {  	_ =	shalt  }
0x7d: {  	_ =	shalt  }
0x7e: {  	_ =	shalt  }
0x7f: {  	_ =	shalt  }
0x80: {  	_ =	shalt  }
0x81: {  	_ =	shalt  }
0x82: {  	_ =	shalt  }
0x83: {  	_ =	shalt  }
0x84: {  	_ =	shalt  }
0x85: {  	_ =	shalt  }
0x86: {  	_ =	shalt  }
0x87: {  	_ =	shalt  }
.Lfunc_end0:
.L_simem_size_0:
called_computation_lowered:
.L_overlay_start_0:
0x88: {  	s2 =	sld [smem:$0x3FD9]  }
0x89: {  	s3 =	sld [smem:$0x3FFE];
	_ =	sdelay $0x1  }
0x8a: {  	s1 =	srdreg.scid  }
0x8b: {  	s0 =	sand.u32 $0x1, s1  }
0x8c: {  	s14 =	sshll.u32 s0, $0xA;
	s2 =	sadd.s32 s3, s2  }
0x8d: {  	s2 =	sadd.s32 s2, s14  }
0x8e: {  	[smem:$0x3FB8] =	sst s2  }
0x8f: {  	_ = 	snop  }
0x90: {  	s2 =	sld [smem:$0x3FD0];
	_ =	sdelay $0x2  }
0x91: {  	s15 =	simm.s32 $0xA;
	s4 =	simm.s32 $0x10  }
0x92: {  	[smem:s4], [sflag:s15] =	dma.local [hbm:s2], $0x1  }
0x93: {  	_ =	swait.eq [sflag:s15], $0x1  }
0x94: {  	[sflag:s15] =	ssyncset.done $0x0  }
0x95: {  	[sflag:s15] =	ssyncadd.s32 $0xFFFFFFFF  }
0x96: {  	s16 =	sld [smem:$0x11];
	(tm) =	ssettm $0x1  }
0x97: {  	s17 =	sld [smem:$0x3FFB];
	_ =	sdelay $0x3  }
0x98: {  	_ =	strace s17  }
0x99: {  	s3 =	sld [smem:$0x3FFC];
	_ =	sdelay $0x3  }
0x9a: {  	_ =	strace s3  }
0x9b: {  	s3 =	sld [smem:$0x3FFD];
	_ =	sdelay $0x3  }
0x9c: {  	_ =	strace s3  }
0x9d: {  	_ =	strace $0x8FFFFFFF  }
0x9e: {  	s18 =	sld [smem:$0x3FDB];
	_ =	sdelay $0x1  }
0x9f: {  	s19 =	simm.s32 $_scs_section_size  }
0xa0: {  	s5 =	simm.s32 $_size__tile_overlayer_lowered;
	s6 =	simm.s32 $_tile_overlayer_lowered  }
0xa1: {  	s22 =	simm.s32 $0x1BFF;
	s21 =	sshll.u32 s6, $0x1;
	s3 =	sadd.s32 s19, s18  }
0xa2: {  	s7 =	simm.s32 $0x0;
	s20 =	sshll.u32 s5, $0x1;
	s5 =	sadd.s32 s21, s3  }
0xa3: {  	[timem:s7], [sflag:s22] =	dma.local [hbm:s5], s20  }
0xa4: {  	_ =	swait.ge [sflag:s22], s20  }
0xa5: {  	s4 =	ssub.s32 $0x0, s20;
	[sflag:s22] =	ssyncset.done $0x0  }
0xa6: {  	[sflag:s22] =	ssyncadd.s32 s4;
	_ =	sdelay $0x1  }
0xa7: {  	s23 =	simm.s32 $0x1B8B  }
0xa8: {  	_ =	swait.ge [sflag:s23], $0x1  }
0xa9: {  	[sflag:s23] =	ssyncset.done $0x0  }
0xaa: {  	s25 =	simm.s32 $0x1B8E;
	s24 =	sld [smem:$0x3FFE];
	[sflag:s23] =	ssyncadd.s32 $0xFFFFFFFF  }
0xab: {  	s26 =	simm.s32 $execute0_lowered;
	[smem:$0x3FD2] =	sst s25  }
0xac: {  	s5 =	sshll.u32 s26, $0x1;
	_ =	strace $0x80000046;
	[dreg:$0x1] =	wrdreg $0xFFFFFFFF  }
0xad: {  	s28 =	simm.s32 $_size_execute0_lowered;
	s3 =	sadd.s32 s3, s5;
	[dreg:$0x0] =	wrdreg $0x0  }
0xae: {  	s5 =	sshll.u32 s28, $0x1;
	[dreg:$0x2] =	wrdreg s3  }
0xaf: {  	[dreg:$0x3] =	wrdreg s5  }
0xb0: {  	[dreg:$0x4] =	wrdreg $0xC0  }
0xb1: {  	_ =	task [dreg:s7], $0x5FFFF  }
0xb2: {  	[dreg:$0x1] =	wrdreg $0xFFFFFFFF  }
0xb3: {  	[dreg:$0x0] =	wrdreg $0x60  }
0xb4: {  	[dreg:$0x2] =	wrdreg s24  }
0xb5: {  	[dreg:$0x3] =	wrdreg s16  }
0xb6: {  	[dreg:$0x4] =	wrdreg $0x0  }
0xb7: {  	[dreg:$0x5] =	wrdreg $0x9  }
0xb8: {  	_ =	task.clear_ibuf [dreg:s7], $0x6FFFF;
	_ =	strace $0x90000046  }
0xb9: {  	s29 =	simm.s32 $0x9;
	_ =	strace $0x80000048  }
0xba: {  	_ =	swait.ge [sflag:s29], $0x1  }
0xbb: {  	[sflag:s29] =	ssyncadd.s32 $0xFFFFFFFF  }
0xbc: {  	_ =	strace $0x90000048  }
0xbd: {  	_ =	sfence  }
0xbe: {  	s30 =	sld [smem:$0x0];
	_ =	sdelay $0x2  }
0xbf: {  	s31 =	sshll.u32 s1, $0xD;
	s1 =	sshrl.u32 s1, $0x2  }
0xc0: {  	s3 =	sand.u32 $0x4000, s31;
	s1 =	sadd.s32 s1, s30  }
0xc1: {  	s0 =	sor.u32 s3, s0;
	s1 =	sshll.u32 s1, $0x11  }
0xc2: {  	s0 =	sor.u32 s1, s0  }
0xc3: {  	s0 =	sadd.s32 $0x8F2B, s0  }
0xc4: {  	[sflag:s0] =	ssyncadd.remote.s32 $0x1  }
0xc5: {  	_ =	sfence.sel $0xFFFF  }
0xc6: {  	[dreg:$0x0] =	wrdreg $0xFFFFFFFF;
	(pc) =	sbr.abs _section_cstart, $3  }
0xc7: {  	[dreg:$0x1] =	wrdreg $0xFFFFFFFF  }
0xc8: {  	_ =	task.clear_ibuf [dreg:s7], $0x2FFFF;
	_ =	strace $0x9FFFFFFF  }
0xc9: {  	(tm) =	ssettm $0x7FFFFFFF  }
tec
execute0_lowered:
.L_overlay_start_1:
0x0: {  	(tag) =	ssettag $0x1  }
0x1: {  	s0 =	rddreg [dreg:$0x0]  }
0x2: {  	s3 =	rddreg [dreg:$0x2]  }
0x3: {  	s15 =	stileid.u32;
	s4 =	simm.s32 $0x0;
	s2 =	srdreg.scid  }
0x4: {  	s22 =	simm.s32 $0x18D00;
	s23 =	simm.s32 $0x18D80;
	s28 =	simm.s32 $0x1B000  }
0x5: {  	s29 =	simm.s32 $0x3;
	s30 =	simm.s32 $0x5;
	s1 =	smul.u32 $0x5000, s15  }
0x6: {  	s31 =	simm.s32 $0x4;
	[smem:$0x7FF] =	sst s4;
	s7 =	smul.u32 $0x278, s15  }
0x7: {  	s2 =	sand.u32 $0x1, s2;
	s5 =	sadd.s32 $0xE200, s0;
	s10 =	smul.u32 $0x4F000, s15  }
0x8: {  	s6 =	sadd.s32 $0x5C400, s0;
	s21 =	sshll.u32 s15, $0x6;
	s9 =	smul.u32 $0x2780, s2  }
0x9: {  	_ =	strace $0x80000047;
	s13 =	smul.u32 $0x50000, s2;
	[dreg:$0x5] =	wrdreg s22  }
0xa: {  	s24 =	ssub.s32 $0x2, s2;
	s2 =	smul.u32 $0xA000, s2;
	[dreg:$0x6] =	wrdreg s23  }
0xb: {  	s22 =	simm.s32 $0x18C00;
	s23 =	simm.s32 $0x18E00;
	s8 =	sshrl.u32 s1, $0x3  }
0xc: {  	s12 =	sshrl.u32 s24, $0x1;
	s25 =	sshrl.u32 s10, $0x2;
	s8 =	sadd.s32 s8, s0  }
0xd: {  	s7 =	sadd.s32 s7, s9;
	s12 =	ssub.s32 s24, s12;
	s9 =	sadd.s32 s1, s13  }
0xe: {  	s26 =	sadd.s32 s25, s3;
	s18 =	sshrl.u32 s2, $0x2;
	s24 =	simm.s32 $0x18E80  }
0xf: {  	s25 =	simm.s32 $0x18F00;
	s1 =	simm.s32 $0x2;
	s2 =	simm.s32 $0x1  }
0x10: {  	s11 =	sshll.u32 s7, $0x4;
	s7 =	sadd.s32 $0x70400, s0;
	[dreg:$0x7] =	wrdreg s24  }
0x11: {  	s8 =	sadd.s32 $0x4200, s8;
	s13 =	sshrl.u32 s9, $0x3;
	[dreg:$0x8] =	wrdreg s25  }
0x12: {  	s17 =	sor.u32 $0x400, s9;
	s24 =	simm.s32 $0x40;
	[dreg:$0xa] =	wrdreg s8  }
0x13: {  	s16 =	sadd.s32 s11, s0;
	s14 =	sadd.s32 s6, s13;
	[dreg:$0x4] =	wrdreg s17  }
0x14: {  	s11 =	sadd.s32 $0x5C440, s0;
	s0 =	sadd.s32 $0x13C80, s18;
	[dreg:$0xb] =	wrdreg s14  }
0x15: {  	s25 =	simm.s32 $0x19000;
	s8 =	sadd.s32 s13, s11;
	[dreg:$0xe] =	wrdreg s0  }
0x16: {  	s17 =	smax.u32 s12, $0x1;
	s19 =	sadd.s32 $0x72C00, s16;
	[dreg:$0xc] =	wrdreg s8  }
0x17: {  	s14 =	sadd.s32 $0x13C00, s18;
	s20 =	sadd.s32 $0xC1C00, s16;
	[dreg:$0xd] =	wrdreg s19  }
0x18: {  	s0 =	simm.s32 $0x6;
	s18 =	simm.s32 $0x0;
	[dreg:$0xf] =	wrdreg s20  }
0x19: {  	s20 =	sor.u32 $0x1C07, s21;
	s21 =	sshrl.u32 s26, $0x3;
	s26 =	simm.s32 $0x18F80  }
0x1a: {  	s19 =	simm.s32 $0x7;
	[dreg:$0x9] =	wrdreg s26;
	s26 =	simm.s32 $0x18C80  }
.LBB2_1:
0x1b: {  	s8 =	rddreg [dreg:$0xa];
	s10 =	simm.s32 $0x13C00  }
0x1c: {  	[tilespmem:s10], [sflag:$0x7] =	stream.linear.gather [hbm4b:s8+s4], $0x5000, $0x38;
	[tilespmem:$0x1D000] =	vst v63  }
0x1d: {  	_ =	swait.ge [sflag:s19], $0x5000  }
0x1e: {  	[sflag:s19] =	ssyncset.done $0x0  }
0x1f: {  	[sflag:s19] =	ssyncadd.s32 $0xFFFFB000  }
0x20: {  	[spmem:s21], [sflag:s20] =	dma.local [hbm:s7], $0x2780  }
0x21: {  	_ =	swait.ge [sflag:s19], $0x2780  }
0x22: {  	[sflag:s19] =	ssyncset.done $0x0  }
0x23: {  	s12 =	rddreg [dreg:$0xb];
	[sflag:s19] =	ssyncadd.s32 $0xFFFFD880  }
0x24: {  	[tilespmem:s22], [sflag:$0x7] =	stream.linear.gather [hbm4b:s12+s4], $0x200, $0x38;
	[tilespmem:$0x1D000] =	vst v63  }
0x25: {  	_ =	swait.ge [sflag:s19], $0x200  }
0x26: {  	[sflag:s19] =	ssyncset.done $0x0  }
0x27: {  	s13 =	rddreg [dreg:$0xc];
	[sflag:s19] =	ssyncadd.s32 $0xFFFFFE00  }
0x28: {  	[tilespmem:s23], [sflag:$0x2] =	stream.linear.gather [hbm4b:s13+s4], $0x200, $0x38;
	[tilespmem:$0x1D000] =	vst v63  }
0x29: {  	[bflag:$0x0] =	sbarrier.arrive $0xFFFF  }
0x2a: {  	[tilespmem:s25], [sflag:$0x3] =	stream.indirect.gather [hbm4b:s5+s24], $0x80, s22, s24, $0xb8;
	[tilespmem:$0x1D000] =	vst v63  }
0x2b: {  	_ = 	snop  }
0x2c: {  	[tilespmem:s28], [sflag:$0x4] =	stream.indirect.gather [hbm4b:s5+s24], $0x80, s26, s24, $0xb8;
	[tilespmem:$0x1D000] =	vst v63  }
0x2d: {  	_ =	swait.ge [sflag:s29], $0x2000  }
0x2e: {  	[sflag:s29] =	ssyncset.done $0x0  }
0x2f: {  	s15 =	simm.s32 $0x13C00;
	[sflag:s29] =	ssyncadd.s32 $0xFFFFE000  }
0x30: {  	[spmem:s3] =	stream.indirect.scatter.add.f32 [tilespmem:s25], [sflag:$0x5], $0x80, s15, s24, $0xb8;
	[tilespmem:$0x1D000] =	vst v63  }
0x31: {  	_ =	swait.ge [sflag:s30], $0x2000  }
0x32: {  	[sflag:s30] =	ssyncset.done $0x0  }
0x33: {  	s16 =	rddreg [dreg:$0x5];
	[sflag:s30] =	ssyncadd.s32 $0xFFFFE000  }
0x34: {  	[tilespmem:s25], [sflag:$0x3] =	stream.indirect.gather [hbm4b:s5+s24], $0x80, s16, s24, $0xb8;
	[tilespmem:$0x1D000] =	vst v63  }
0x35: {  	_ =	swait.ge [sflag:s31], $0x2000  }
0x36: {  	[sflag:s31] =	ssyncset.done $0x0  }
0x37: {  	s10 =	simm.s32 $0x13C80;
	[sflag:s31] =	ssyncadd.s32 $0xFFFFE000  }
0x38: {  	[spmem:s3] =	stream.indirect.scatter.add.f32 [tilespmem:s28], [sflag:$0x6], $0x80, s10, s24, $0xb8;
	[tilespmem:$0x1D000] =	vst v63  }
0x39: {  	_ =	swait.ge [sflag:s0], $0x2000  }
0x3a: {  	[sflag:s0] =	ssyncset.done $0x0  }
0x3b: {  	s12 =	rddreg [dreg:$0x6];
	[sflag:s0] =	ssyncadd.s32 $0xFFFFE000  }
0x3c: {  	[tilespmem:s28], [sflag:$0x4] =	stream.indirect.gather [hbm4b:s5+s24], $0x80, s12, s24, $0xb8;
	[tilespmem:$0x1D000] =	vst v63  }
0x3d: {  	_ =	swait.ge [sflag:s29], $0x2000  }
0x3e: {  	[sflag:s29] =	ssyncset.done $0x0  }
0x3f: {  	s13 =	simm.s32 $0x13D00;
	[sflag:s29] =	ssyncadd.s32 $0xFFFFE000  }
0x40: {  	[spmem:s3] =	stream.indirect.scatter.add.f32 [tilespmem:s25], [sflag:$0x5], $0x80, s13, s24, $0xb8;
	[tilespmem:$0x1D000] =	vst v63  }
0x41: {  	_ =	swait.ge [sflag:s1], $0x200  }
0x42: {  	[sflag:s1] =	ssyncset.done $0x0  }
0x43: {  	s15 =	smin.u32 s4, $0x94;
	[sflag:s1] =	ssyncadd.s32 $0xFFFFFE00  }
0x44: {  	s8 =	sshll.u32 s15, $0x7;
	_ =	swait.ge [sflag:s30], $0x2000  }
0x45: {  	s16 =	sadd.s32 $0x400, s8;
	[sflag:s30] =	ssyncset.done $0x0  }
0x46: {  	s10 =	sand.u32 $0xFC00, s16;
	[sflag:s30] =	ssyncadd.s32 $0xFFFFE000  }
0x47: {  	[tilespmem:s25], [sflag:$0x3] =	stream.indirect.gather [hbm4b:s5+s24], $0x80, s23, s24, $0xb8;
	[tilespmem:$0x1D000] =	vst v63  }
0x48: {  	s8 =	sand.u32 $0x200, s8;
	s10 =	sadd.s32 s9, s10;
	_ =	swait.ge [sflag:s31], $0x2000  }
0x49: {  	s8 =	sor.u32 s8, s10;
	[sflag:s31] =	ssyncset.done $0x0  }
0x4a: {  	s8 =	sshrl.u32 s8, $0x3;
	s12 =	simm.s32 $0x13D80;
	[sflag:s31] =	ssyncadd.s32 $0xFFFFE000  }
0x4b: {  	[spmem:s3] =	stream.indirect.scatter.add.f32 [tilespmem:s28], [sflag:$0x6], $0x80, s12, s24, $0xb8;
	[tilespmem:$0x1D000] =	vst v63  }
0x4c: {  	s8 =	sadd.s32 s6, s8  }
0x4d: {  	[tilespmem:s22], [sflag:$0x1] =	stream.linear.gather [hbm4b:s8+s4], $0x200, $0x38;
	[tilespmem:$0x1D000] =	vst v63  }
0x4e: {  	_ =	swait.ge [sflag:s0], $0x2000  }
0x4f: {  	[sflag:s0] =	ssyncset.done $0x0  }
0x50: {  	s13 =	rddreg [dreg:$0x7];
	[sflag:s0] =	ssyncadd.s32 $0xFFFFE000  }
0x51: {  	[tilespmem:s28], [sflag:$0x4] =	stream.indirect.gather [hbm4b:s5+s24], $0x80, s13, s24, $0xb8;
	[tilespmem:$0x1D000] =	vst v63  }
0x52: {  	_ =	swait.ge [sflag:s29], $0x2000  }
0x53: {  	[sflag:s29] =	ssyncset.done $0x0  }
0x54: {  	s15 =	simm.s32 $0x13E00;
	[sflag:s29] =	ssyncadd.s32 $0xFFFFE000  }
0x55: {  	[spmem:s3] =	stream.indirect.scatter.add.f32 [tilespmem:s25], [sflag:$0x5], $0x80, s15, s24, $0xb8;
	[tilespmem:$0x1D000] =	vst v63  }
0x56: {  	_ =	swait.ge [sflag:s30], $0x2000  }
0x57: {  	[sflag:s30] =	ssyncset.done $0x0  }
0x58: {  	s16 =	rddreg [dreg:$0x8];
	[sflag:s30] =	ssyncadd.s32 $0xFFFFE000  }
0x59: {  	[tilespmem:s25], [sflag:$0x3] =	stream.indirect.gather [hbm4b:s5+s24], $0x80, s16, s24, $0xb8;
	[tilespmem:$0x1D000] =	vst v63  }
0x5a: {  	_ =	swait.ge [sflag:s31], $0x2000  }
0x5b: {  	[sflag:s31] =	ssyncset.done $0x0  }
0x5c: {  	s10 =	simm.s32 $0x13E80;
	[sflag:s31] =	ssyncadd.s32 $0xFFFFE000  }
0x5d: {  	[spmem:s3] =	stream.indirect.scatter.add.f32 [tilespmem:s28], [sflag:$0x6], $0x80, s10, s24, $0xb8;
	[tilespmem:$0x1D000] =	vst v63  }
0x5e: {  	_ =	swait.ge [sflag:s0], $0x2000  }
0x5f: {  	[sflag:s0] =	ssyncset.done $0x0  }
0x60: {  	s12 =	rddreg [dreg:$0x9];
	[sflag:s0] =	ssyncadd.s32 $0xFFFFE000  }
0x61: {  	[tilespmem:s28], [sflag:$0x4] =	stream.indirect.gather [hbm4b:s5+s24], $0x80, s12, s24, $0xb8;
	[tilespmem:$0x1D000] =	vst v63  }
0x62: {  	_ =	swait.ge [sflag:s29], $0x2000  }
0x63: {  	[sflag:s29] =	ssyncset.done $0x0  }
0x64: {  	s13 =	simm.s32 $0x13F00;
	[sflag:s29] =	ssyncadd.s32 $0xFFFFE000  }
0x65: {  	[spmem:s3] =	stream.indirect.scatter.add.f32 [tilespmem:s25], [sflag:$0x5], $0x80, s13, s24, $0xb8;
	[tilespmem:$0x1D000] =	vst v63  }
0x66: {  	_ =	swait.ge [sflag:s2], $0x200  }
0x67: {  	[sflag:s2] =	ssyncset.done $0x0  }
0x68: {  	[sflag:s2] =	ssyncadd.s32 $0xFFFFFE00  }
0x69: {  	_ =	swait.ge [sflag:s30], $0x2000  }
0x6a: {  	[sflag:s30] =	ssyncset.done $0x0  }
0x6b: {  	[sflag:s30] =	ssyncadd.s32 $0xFFFFE000  }
0x6c: {  	[tilespmem:s25], [sflag:$0x3] =	stream.indirect.gather [hbm4b:s5+s24], $0x80, s22, s24, $0xb8;
	[tilespmem:$0x1D000] =	vst v63  }
0x6d: {  	s15 =	smin.u32 s4, $0x90;
	_ =	swait.ge [sflag:s31], $0x2000  }
0x6e: {  	s8 =	sshll.u32 s15, $0x7;
	[sflag:s31] =	ssyncset.done $0x0;
	s16 =	rddreg [dreg:$0x4]  }
0x6f: {  	s12 =	simm.s32 $0x13F80;
	[sflag:s31] =	ssyncadd.s32 $0xFFFFE000;
	s10 =	sadd.s32 s8, s16  }
0x70: {  	[spmem:s3] =	stream.indirect.scatter.add.f32 [tilespmem:s28], [sflag:$0x6], $0x80, s12, s24, $0xb8;
	[tilespmem:$0x1D000] =	vst v63  }
0x71: {  	s8 =	simm.s32 $0x1000;
	s12 =	sshrl.u32 s10, $0x3;
	s10 =	simm.s32 $0x0  }
.LBB2_2:
0x72: {  	s12 =	sadd.s32 s12, s11  }
0x73: {  	[tilespmem:s23], [sflag:$0x2] =	stream.linear.gather [hbm4b:s12+s4], $0x200, $0x38;
	[tilespmem:$0x1D000] =	vst v63  }
0x74: {  	_ =	swait.ge [sflag:s0], $0x2000  }
0x75: {  	[sflag:s0] =	ssyncset.done $0x0  }
0x76: {  	[sflag:s0] =	ssyncadd.s32 $0xFFFFE000  }
0x77: {  	[tilespmem:s28], [sflag:$0x4] =	stream.indirect.gather [hbm4b:s5+s24], $0x80, s26, s24, $0xb8;
	[tilespmem:$0x1D000] =	vst v63  }
0x78: {  	s15 =	smov.u32 s8;
	_ =	swait.ge [sflag:s29], $0x2000  }
0x79: {  	s12 =	sshra.s32 s15, $0x2;
	[sflag:s29] =	ssyncset.done $0x0  }
0x7a: {  	s13 =	sadd.s32 $0x13C00, s12;
	[sflag:s29] =	ssyncadd.s32 $0xFFFFE000  }
0x7b: {  	[spmem:s3] =	stream.indirect.scatter.add.f32 [tilespmem:s25], [sflag:$0x5], $0x80, s13, s24, $0xb8;
	[tilespmem:$0x1D000] =	vst v63  }
0x7c: {  	_ =	swait.ge [sflag:s30], $0x2000  }
0x7d: {  	[sflag:s30] =	ssyncset.done $0x0  }
0x7e: {  	s16 =	rddreg [dreg:$0x5];
	[sflag:s30] =	ssyncadd.s32 $0xFFFFE000  }
0x7f: {  	[tilespmem:s25], [sflag:$0x3] =	stream.indirect.gather [hbm4b:s5+s24], $0x80, s16, s24, $0xb8;
	[tilespmem:$0x1D000] =	vst v63  }
0x80: {  	_ =	swait.ge [sflag:s31], $0x2000  }
0x81: {  	[sflag:s31] =	ssyncset.done $0x0  }
0x82: {  	s15 =	sadd.s32 $0x13C80, s12;
	[sflag:s31] =	ssyncadd.s32 $0xFFFFE000  }
0x83: {  	[spmem:s3] =	stream.indirect.scatter.add.f32 [tilespmem:s28], [sflag:$0x6], $0x80, s15, s24, $0xb8;
	[tilespmem:$0x1D000] =	vst v63  }
0x84: {  	_ =	swait.ge [sflag:s0], $0x2000  }
0x85: {  	[sflag:s0] =	ssyncset.done $0x0  }
0x86: {  	s16 =	rddreg [dreg:$0x6];
	[sflag:s0] =	ssyncadd.s32 $0xFFFFE000  }
0x87: {  	[tilespmem:s28], [sflag:$0x4] =	stream.indirect.gather [hbm4b:s5+s24], $0x80, s16, s24, $0xb8;
	[tilespmem:$0x1D000] =	vst v63  }
0x88: {  	_ =	swait.ge [sflag:s29], $0x2000  }
0x89: {  	[sflag:s29] =	ssyncset.done $0x0  }
0x8a: {  	s15 =	sadd.s32 $0x13D00, s12;
	[sflag:s29] =	ssyncadd.s32 $0xFFFFE000  }
0x8b: {  	[spmem:s3] =	stream.indirect.scatter.add.f32 [tilespmem:s25], [sflag:$0x5], $0x80, s15, s24, $0xb8;
	[tilespmem:$0x1D000] =	vst v63  }
0x8c: {  	_ =	swait.ge [sflag:s1], $0x200  }
0x8d: {  	s10 =	sadd.s32 $0x8, s10;
	[sflag:s1] =	ssyncset.done $0x0  }
0x8e: {  	s16 =	smin.u32 s10, $0x94;
	[sflag:s1] =	ssyncadd.s32 $0xFFFFFE00  }
0x8f: {  	s13 =	sshll.u32 s16, $0x7;
	_ =	swait.ge [sflag:s30], $0x2000  }
0x90: {  	s15 =	sadd.s32 $0x400, s13;
	[sflag:s30] =	ssyncset.done $0x0  }
0x91: {  	s15 =	sand.u32 $0xFC00, s15;
	[sflag:s30] =	ssyncadd.s32 $0xFFFFE000  }
0x92: {  	[tilespmem:s25], [sflag:$0x3] =	stream.indirect.gather [hbm4b:s5+s24], $0x80, s23, s24, $0xb8;
	[tilespmem:$0x1D000] =	vst v63  }
0x93: {  	s13 =	sand.u32 $0x200, s13;
	s15 =	sadd.s32 s9, s15;
	_ =	swait.ge [sflag:s31], $0x2000  }
0x94: {  	s13 =	sor.u32 s13, s15;
	[sflag:s31] =	ssyncset.done $0x0  }
0x95: {  	s16 =	sadd.s32 $0x13D80, s12;
	s13 =	sshrl.u32 s13, $0x3;
	[sflag:s31] =	ssyncadd.s32 $0xFFFFE000  }
0x96: {  	[spmem:s3] =	stream.indirect.scatter.add.f32 [tilespmem:s28], [sflag:$0x6], $0x80, s16, s24, $0xb8;
	[tilespmem:$0x1D000] =	vst v63  }
0x97: {  	s13 =	sadd.s32 s6, s13  }
0x98: {  	[tilespmem:s22], [sflag:$0x1] =	stream.linear.gather [hbm4b:s13+s4], $0x200, $0x38;
	[tilespmem:$0x1D000] =	vst v63  }
0x99: {  	_ =	swait.ge [sflag:s0], $0x2000  }
0x9a: {  	[sflag:s0] =	ssyncset.done $0x0  }
0x9b: {  	s15 =	rddreg [dreg:$0x7];
	[sflag:s0] =	ssyncadd.s32 $0xFFFFE000  }
0x9c: {  	[tilespmem:s28], [sflag:$0x4] =	stream.indirect.gather [hbm4b:s5+s24], $0x80, s15, s24, $0xb8;
	[tilespmem:$0x1D000] =	vst v63  }
0x9d: {  	_ =	swait.ge [sflag:s29], $0x2000  }
0x9e: {  	[sflag:s29] =	ssyncset.done $0x0  }
0x9f: {  	s16 =	sadd.s32 $0x13E00, s12;
	[sflag:s29] =	ssyncadd.s32 $0xFFFFE000  }
0xa0: {  	[spmem:s3] =	stream.indirect.scatter.add.f32 [tilespmem:s25], [sflag:$0x5], $0x80, s16, s24, $0xb8;
	[tilespmem:$0x1D000] =	vst v63  }
0xa1: {  	_ =	swait.ge [sflag:s30], $0x2000  }
0xa2: {  	[sflag:s30] =	ssyncset.done $0x0  }
0xa3: {  	s15 =	rddreg [dreg:$0x8];
	[sflag:s30] =	ssyncadd.s32 $0xFFFFE000  }
0xa4: {  	[tilespmem:s25], [sflag:$0x3] =	stream.indirect.gather [hbm4b:s5+s24], $0x80, s15, s24, $0xb8;
	[tilespmem:$0x1D000] =	vst v63  }
0xa5: {  	_ =	swait.ge [sflag:s31], $0x2000  }
0xa6: {  	[sflag:s31] =	ssyncset.done $0x0  }
0xa7: {  	s16 =	sadd.s32 $0x13E80, s12;
	[sflag:s31] =	ssyncadd.s32 $0xFFFFE000  }
0xa8: {  	[spmem:s3] =	stream.indirect.scatter.add.f32 [tilespmem:s28], [sflag:$0x6], $0x80, s16, s24, $0xb8;
	[tilespmem:$0x1D000] =	vst v63  }
0xa9: {  	_ =	swait.ge [sflag:s0], $0x2000  }
0xaa: {  	[sflag:s0] =	ssyncset.done $0x0  }
0xab: {  	s15 =	rddreg [dreg:$0x9];
	[sflag:s0] =	ssyncadd.s32 $0xFFFFE000  }
0xac: {  	[tilespmem:s28], [sflag:$0x4] =	stream.indirect.gather [hbm4b:s5+s24], $0x80, s15, s24, $0xb8;
	[tilespmem:$0x1D000] =	vst v63  }
0xad: {  	_ =	swait.ge [sflag:s29], $0x2000  }
0xae: {  	[sflag:s29] =	ssyncset.done $0x0  }
0xaf: {  	s16 =	sadd.s32 $0x13F00, s12;
	[sflag:s29] =	ssyncadd.s32 $0xFFFFE000  }
0xb0: {  	[spmem:s3] =	stream.indirect.scatter.add.f32 [tilespmem:s25], [sflag:$0x5], $0x80, s16, s24, $0xb8;
	[tilespmem:$0x1D000] =	vst v63  }
0xb1: {  	_ =	swait.ge [sflag:s2], $0x200  }
0xb2: {  	[sflag:s2] =	ssyncset.done $0x0  }
0xb3: {  	[sflag:s2] =	ssyncadd.s32 $0xFFFFFE00  }
0xb4: {  	_ =	swait.ge [sflag:s30], $0x2000  }
0xb5: {  	[sflag:s30] =	ssyncset.done $0x0  }
0xb6: {  	p0 =	sne.s32 s8, $0x13000;
	[sflag:s30] =	ssyncadd.s32 $0xFFFFE000  }
0xb7: {  	[tilespmem:s25], [sflag:$0x3] =	stream.indirect.gather [hbm4b:s5+s24], $0x80, s22, s24, $0xb8;
	[tilespmem:$0x1D000] =	vst v63  }
.Ltmp0:
0xb8: {  	s15 =	smin.u32 s10, $0x90;
	_ =	swait.ge [sflag:s31], $0x2000;
	(pc) =	sbr.rel @p0 .LBB2_2-.Ltmp0, $4  }
0xb9: {  	s13 =	sshll.u32 s15, $0x7;
	[sflag:s31] =	ssyncset.done $0x0;
	s16 =	rddreg [dreg:$0x4]  }
0xba: {  	s12 =	sadd.s32 $0x13F80, s12;
	[sflag:s31] =	ssyncadd.s32 $0xFFFFE000;
	s16 =	sadd.s32 s13, s16  }
0xbb: {  	[spmem:s3] =	stream.indirect.scatter.add.f32 [tilespmem:s28], [sflag:$0x6], $0x80, s12, s24, $0xb8;
	[tilespmem:$0x1D000] =	vst v63  }
0xbc: {  	s8 =	sadd.s32 $0x1000, s8;
	s12 =	sshrl.u32 s16, $0x3  }
0xbd: {  	s8 =	sadd.s32 s12, s11  }
0xbe: {  	[tilespmem:s23], [sflag:$0x2] =	stream.linear.gather [hbm4b:s8+s4], $0x200, $0x38;
	[tilespmem:$0x1D000] =	vst v63  }
0xbf: {  	_ =	swait.ge [sflag:s0], $0x2000  }
0xc0: {  	[sflag:s0] =	ssyncset.done $0x0  }
0xc1: {  	[sflag:s0] =	ssyncadd.s32 $0xFFFFE000  }
0xc2: {  	[tilespmem:s28], [sflag:$0x4] =	stream.indirect.gather [hbm4b:s5+s24], $0x80, s26, s24, $0xb8;
	[tilespmem:$0x1D000] =	vst v63  }
0xc3: {  	_ =	swait.ge [sflag:s29], $0x2000  }
0xc4: {  	[sflag:s29] =	ssyncset.done $0x0  }
0xc5: {  	[sflag:s29] =	ssyncadd.s32 $0xFFFFE000  }
0xc6: {  	_ =	swait.ge [sflag:s31], $0x2000  }
0xc7: {  	[sflag:s31] =	ssyncset.done $0x0  }
0xc8: {  	[sflag:s31] =	ssyncadd.s32 $0xFFFFE000  }
0xc9: {  	_ =	swait.ge [sflag:s1], $0x200  }
0xca: {  	[sflag:s1] =	ssyncset.done $0x0  }
0xcb: {  	[sflag:s1] =	ssyncadd.s32 $0xFFFFFE00  }
0xcc: {  	[bflag:$0x0] =	sbarrier.arrive $0xFFFF  }
0xcd: {  	s12 =	rddreg [dreg:$0xd]  }
0xce: {  	[hbm:s12], [sflag:s20] =	dma.local [spmem:s21], $0x2780  }
0xcf: {  	_ =	swait.ge [sflag:s19], $0x2780  }
0xd0: {  	[sflag:s19] =	ssyncset.done $0x0  }
0xd1: {  	[sflag:s19] =	ssyncadd.s32 $0xFFFFD880  }
0xd2: {  	[bflag:$0x0] =	sbarrier.arrive $0xFFFF  }
0xd3: {  	[spmem:s21], [sflag:s20] =	dma.local [hbm:s7], $0x2780  }
0xd4: {  	_ =	swait.ge [sflag:s19], $0x2780  }
0xd5: {  	[sflag:s19] =	ssyncset.done $0x0  }
0xd6: {  	[sflag:s19] =	ssyncadd.s32 $0xFFFFD880  }
0xd7: {  	s13 =	rddreg [dreg:$0x1]  }
0xd8: {  	[tilespmem:s25], [sflag:$0x7] =	stream.linear.gather [hbm4b:s13+s4], $0x2000, $0x38;
	[tilespmem:$0x1D000] =	vst v63  }
0xd9: {  	_ =	swait.ge [sflag:s19], $0x2000  }
0xda: {  	[sflag:s19] =	ssyncset.done $0x0  }
0xdb: {  	[sflag:s19] =	ssyncadd.s32 $0xFFFFE000  }
0xdc: {  	[bflag:$0x0] =	sbarrier.arrive $0xFFFF  }
0xdd: {  	[spmem:s3] =	stream.indirect.scatter.add.f32 [tilespmem:s25], [sflag:$0x5], $0x80, s14, s24, $0xb8;
	[tilespmem:$0x1D000] =	vst v63  }
0xde: {  	s15 =	rddreg [dreg:$0xe]  }
0xdf: {  	[spmem:s3] =	stream.indirect.scatter.add.f32 [tilespmem:s25], [sflag:$0x6], $0x80, s15, s24, $0xb8;
	[tilespmem:$0x1D000] =	vst v63  }
0xe0: {  	_ =	swait.ge [sflag:s30], $0x2000  }
0xe1: {  	s10 =	sadd.s32 $0xFFFFD900, s14;
	[sflag:s30] =	ssyncset.done $0x0  }
0xe2: {  	s16 =	sadd.s32 $0x2800, s10;
	[sflag:s30] =	ssyncadd.s32 $0xFFFFE000  }
0xe3: {  	[spmem:s3] =	stream.indirect.scatter.add.f32 [tilespmem:s25], [sflag:$0x5], $0x80, s16, s24, $0xb8;
	[tilespmem:$0x1D000] =	vst v63  }
0xe4: {  	_ =	swait.ge [sflag:s0], $0x2000  }
0xe5: {  	[sflag:s0] =	ssyncset.done $0x0  }
0xe6: {  	s8 =	simm.s32 $0xFFFF6800;
	s10 =	sadd.s32 $0x2880, s10;
	[sflag:s0] =	ssyncadd.s32 $0xFFFFE000  }
.LBB2_4:
0xe7: {  	[spmem:s3] =	stream.indirect.scatter.add.f32 [tilespmem:s25], [sflag:$0x6], $0x80, s10, s24, $0xb8;
	[tilespmem:$0x1D000] =	vst v63  }
0xe8: {  	s10 =	sshra.s32 s8, $0x2;
	p0 =	sne.s32 s8, $0xFFFFFC00;
	_ =	swait.ge [sflag:s30], $0x2000  }
0xe9: {  	s8 =	sadd.s32 $0x400, s8;
	s10 =	sadd.s32 s10, s14;
	[sflag:s30] =	ssyncset.done $0x0  }
.Ltmp1:
0xea: {  	s12 =	sadd.s32 $0x2800, s10;
	[sflag:s30] =	ssyncadd.s32 $0xFFFFE000;
	(pc) =	sbr.rel @p0 .LBB2_4-.Ltmp1, $4  }
0xeb: {  	[spmem:s3] =	stream.indirect.scatter.add.f32 [tilespmem:s25], [sflag:$0x5], $0x80, s12, s24, $0xb8;
	[tilespmem:$0x1D000] =	vst v63  }
0xec: {  	_ =	swait.ge [sflag:s0], $0x2000  }
0xed: {  	[sflag:s0] =	ssyncset.done $0x0  }
0xee: {  	s10 =	sadd.s32 $0x2880, s10;
	[sflag:s0] =	ssyncadd.s32 $0xFFFFE000  }
0xef: {  	[spmem:s3] =	stream.indirect.scatter.add.f32 [tilespmem:s25], [sflag:$0x6], $0x80, s10, s24, $0xb8;
	[tilespmem:$0x1D000] =	vst v63  }
0xf0: {  	_ =	swait.ge [sflag:s30], $0x2000  }
0xf1: {  	[sflag:s30] =	ssyncset.done $0x0  }
0xf2: {  	[sflag:s30] =	ssyncadd.s32 $0xFFFFE000  }
0xf3: {  	_ =	swait.ge [sflag:s0], $0x2000  }
0xf4: {  	[sflag:s0] =	ssyncset.done $0x0  }
0xf5: {  	s18 =	sadd.s32 $0x1, s18;
	[sflag:s0] =	ssyncadd.s32 $0xFFFFE000  }
0xf6: {  	p0 =	sne.s32 s18, s17;
	[bflag:$0x0] =	sbarrier.arrive $0xFFFF  }
.Ltmp2:
0xf7: {  	s8 =	rddreg [dreg:$0xf];
	(pc) =	sbr.rel @p0 .LBB2_1-.Ltmp2, $4  }
0xf8: {  	[hbm:s8], [sflag:s20] =	dma.local [spmem:s21], $0x2780  }
0xf9: {  	_ =	swait.ge [sflag:s19], $0x2780  }
0xfa: {  	[sflag:s19] =	ssyncset.done $0x0  }
0xfb: {  	[sflag:s19] =	ssyncadd.s32 $0xFFFFD880  }
0xfc: {  	_ =	sfence.sel $0x180000  }
0xfd: {  	[bflag:$0x0] =	sbarrier.arrive $0xFFFF  }
0xfe: {  	_ =	strace $0x90000047  }
0xff: {  	s0 =	stileid.u32;
	[bflag:$0x2] =	sbarrier.arrive $0xFFFF  }
0x100: {  	p0 =	sne.s32 s0, $0x0;
	s0 =	rddreg [dreg:$0x3]  }
0x101: {  	s0 =	sadd.s32 @!p0 $0x100000, s0  }
0x102: {  	[sflag:s0] =	ssyncadd.tile.s32 @!p0 $0x1;
	_ =	shalt  }
.Lfunc_end2:
_tile_overlayer_lowered:
.L_overlay_start_2:
0x103: {  	(tag) =	ssettag $0x2  }
0x104: {  	s0 =	rddreg [dreg:$0x0];
	s2 =	stileid.u32  }
0x105: {  	s1 =	rddreg [dreg:$0x1];
	p0 =	sne.s32 s2, $0x0  }
0x106: {  	s3 =	rddreg [dreg:$0x2];
	[bflag:$0x3] =	sbarrier.arrive $0xFFFF;
	s2 =	simm.s32 @!p0 $0x1C07  }
0x107: {  	[timem:s3], [sflag:s2] =	dma.local @!p0 [hbm:s0], s1  }
0x108: {  	s0 =	simm.s32 @!p0 $0x7  }
0x109: {  	_ =	swait.ge @!p0 [sflag:s0], s1  }
0x10a: {  	s1 =	ssub.s32 @!p0 $0x0, s1;
	[sflag:s0] =	ssyncset.done @!p0 $0x0  }
0x10b: {  	[sflag:s0] =	ssyncadd.s32 @!p0 s1  }
0x10c: {  	[bflag:$0x3] =	sbarrier.arrive $0xFFFF  }
0x10d: {  	_ =	shalt  }

</sc_bundles>
